<compile_context>
chip_gen: v7x
topology: tpu7x:2x2x1
jax: 0.10.2.dev20260603
libtpu: 0.0.44.dev20260713+nightly
codegen_flags: <defaults>
</compile_context>

<pallas_src>
import functools
import jax
import jax.numpy as jnp
from jax import lax
from jax.experimental import pallas as pl
from jax.experimental.pallas import tpu as pltpu
from jax.experimental.pallas import tpu_sc as plsc

_L = 16
_NW_PER_BATCH = 8
_CHUNKS = 4


def _round_bf16_rne(x):
    u = lax.bitcast_convert_type(x, jnp.uint32)
    lsb = (u >> 16) & jnp.uint32(1)
    u2 = (u + jnp.uint32(0x7FFF) + lsb) & jnp.uint32(0xFFFF0000)
    return lax.bitcast_convert_type(u2, jnp.float32)


def _make_sc_body(B, N, M):
    rows = N // _NW_PER_BATCH
    grp = _CHUNKS * _L

    def splat(v, l):
        return jnp.full((_L,), v[l], dtype=jnp.float32)

    def minpass(out_ref, ox, oy, oz, oq, sx, sy, sz, sq, n_out, n_scal,
                clamp):
        def ogroup(og, carry):
            o0 = og * grp
            oxv = [ox[pl.ds(o0 + c * _L, _L)] for c in range(_CHUNKS)]
            oyv = [oy[pl.ds(o0 + c * _L, _L)] for c in range(_CHUNKS)]
            ozv = [oz[pl.ds(o0 + c * _L, _L)] for c in range(_CHUNKS)]
            oqv = [oq[pl.ds(o0 + c * _L, _L)] for c in range(_CHUNKS)]

            def sloop(sv, accs):
                bxv = sx[pl.ds(sv * _L, _L)]
                byv = sy[pl.ds(sv * _L, _L)]
                bzv = sz[pl.ds(sv * _L, _L)]
                bqv = sq[pl.ds(sv * _L, _L)]
                accs = list(accs)
                for l in range(_L):
                    bxs = splat(bxv, l)
                    bys = splat(byv, l)
                    bzs = splat(bzv, l)
                    bqs = splat(bqv, l)
                    for c in range(_CHUNKS):
                        t = oxv[c] * bxs + oqv[c]
                        t = oyv[c] * bys + t
                        t = ozv[c] * bzs + t
                        d = t + bqs
                        accs[c] = jnp.minimum(accs[c], d)
                return tuple(accs)

            inf16 = jnp.full((_L,), jnp.inf, dtype=jnp.float32)
            accs = lax.fori_loop(0, n_scal // _L, sloop,
                                 (inf16,) * _CHUNKS)
            for c in range(_CHUNKS):
                r = accs[c]
                if clamp:
                    r = jnp.maximum(r, 0.0)
                out_ref[pl.ds(o0 + c * _L, _L)] = r
            return carry

        lax.fori_loop(0, n_out // grp, ogroup, 0)

    def body(m2a_hbm, asq_hbm, br_hbm, bsq_hbm, d1_hbm, d2_hbm,
             bx_v, by_v, bz_v, bs_v, ax_v, ay_v, az_v, aq_v,
             col_v, out_v, part_v, out2_v, shared):
        c = lax.axis_index("c")
        s = lax.axis_index("s")
        batch = c * 2 + s // _NW_PER_BATCH
        chunk = s % _NW_PER_BATCH
        base = chunk * rows

        pltpu.sync_copy(br_hbm.at[pl.ds((batch * 3 + 0) * M, M)], bx_v)
        pltpu.sync_copy(br_hbm.at[pl.ds((batch * 3 + 1) * M, M)], by_v)
        pltpu.sync_copy(br_hbm.at[pl.ds((batch * 3 + 2) * M, M)], bz_v)
        pltpu.sync_copy(bsq_hbm.at[pl.ds(batch * M, M)], bs_v)
        pltpu.sync_copy(m2a_hbm.at[pl.ds((batch * 3 + 0) * N + base, rows)], ax_v)
        pltpu.sync_copy(m2a_hbm.at[pl.ds((batch * 3 + 1) * N + base, rows)], ay_v)
        pltpu.sync_copy(m2a_hbm.at[pl.ds((batch * 3 + 2) * N + base, rows)], az_v)
        pltpu.sync_copy(asq_hbm.at[pl.ds(batch * N + base, rows)], aq_v)

        minpass(out_v, ax_v, ay_v, az_v, aq_v, bx_v, by_v, bz_v, bs_v,
                rows, M, clamp=True)
        pltpu.sync_copy(out_v, d1_hbm.at[pl.ds(batch * N + base, rows)])

        minpass(col_v, bx_v, by_v, bz_v, bs_v, ax_v, ay_v, az_v, aq_v,
                M, rows, clamp=False)

        pltpu.sync_copy(col_v, shared.at[pl.ds(s * M, M)])
        plsc.subcore_barrier()
        g0 = (s // _NW_PER_BATCH) * _NW_PER_BATCH
        for t in range(_NW_PER_BATCH):
            pltpu.sync_copy(shared.at[pl.ds((g0 + t) * M + base, rows)],
                            part_v.at[pl.ds(t * rows, rows)])

        def colred(jc, carry):
            o = jc * _L
            acc = part_v[pl.ds(o, _L)]
            for t in range(1, _NW_PER_BATCH):
                acc = jnp.minimum(acc, part_v[pl.ds(t * rows + o, _L)])
            out2_v[pl.ds(o, _L)] = jnp.maximum(acc, 0.0)
            return carry

        lax.fori_loop(0, rows // _L, colred, 0)
        pltpu.sync_copy(out2_v, d2_hbm.at[pl.ds(batch * M + base, rows)])

    return body, rows


def sc_chamfer(xyz1, xyz2):
    B, N, _ = xyz1.shape
    M = xyz2.shape[1]
    a_r = _round_bf16_rne(xyz1)
    b_r = _round_bf16_rne(xyz2)
    m2a = jnp.transpose(-2.0 * a_r, (0, 2, 1)).reshape(-1)
    br = jnp.transpose(b_r, (0, 2, 1)).reshape(-1)
    asq = jnp.sum(xyz1 * xyz1, axis=-1).reshape(-1)
    bsq = jnp.sum(xyz2 * xyz2, axis=-1).reshape(-1)

    body, rows = _make_sc_body(B, N, M)
    mesh = plsc.VectorSubcoreMesh(core_axis_name="c", subcore_axis_name="s")
    f32 = jnp.float32
    run = functools.partial(
        pl.kernel,
        out_type=[jax.ShapeDtypeStruct((B * N,), f32),
                  jax.ShapeDtypeStruct((B * M,), f32)],
        mesh=mesh,
        scratch_types=[
            pltpu.VMEM((M,), f32),
            pltpu.VMEM((M,), f32),
            pltpu.VMEM((M,), f32),
            pltpu.VMEM((M,), f32),
            pltpu.VMEM((rows,), f32),
            pltpu.VMEM((rows,), f32),
            pltpu.VMEM((rows,), f32),
            pltpu.VMEM((rows,), f32),
            pltpu.VMEM((M,), f32),
            pltpu.VMEM((rows,), f32),
            pltpu.VMEM((rows * _NW_PER_BATCH,), f32),
            pltpu.VMEM((rows,), f32),
            pltpu.VMEM_SHARED((16 * M,), f32),
        ],
    )(body)
    d1, d2 = run(m2a, asq, br, bsq)
    return d1.reshape(B, N), d2.reshape(B, M)


def kernel(xyz1, xyz2):
    return sc_chamfer(xyz1, xyz2)

# --- scband reference (transcript-rebuilt; emitter-appended) ---
"""Pipeline reference for scband-chamfer-distance-1726576856987 (READ-ONLY COPY).

The authoritative reference and input builder live on the scoring server;
editing this copy changes nothing except your own understanding.
"""

import jax, jax.numpy as jnp
import numpy as np


def setup_inputs(seed: int = 0) -> dict:
    key = jax.random.key(seed)
    k1, k2 = jax.random.split(key)
    xyz1 = jax.random.normal(k1, (4, 4096, 3), dtype=jnp.float32)
    xyz2 = jax.random.normal(k2, (4, 4096, 3), dtype=jnp.float32)
    return {"xyz1": xyz1, "xyz2": xyz2}


def _chamfer_single(a, b):
    # a: [n, 3], b: [m, 3]
    # squared pairwise distances via ||a||^2 + ||b||^2 - 2 a.b
    a_sq = jnp.sum(a * a, axis=-1)  # [n]
    b_sq = jnp.sum(b * b, axis=-1)  # [m]
    cross = a @ b.T                  # [n, m]
    d = a_sq[:, None] + b_sq[None, :] - 2.0 * cross  # [n, m]
    d = jnp.maximum(d, 0.0)
    dist1 = jnp.min(d, axis=1)  # [n] min sq dist from each a-point to b
    dist2 = jnp.min(d, axis=0)  # [m] min sq dist from each b-point to a
    return dist1, dist2


def reference(xyz1, xyz2):
    # Faithful Chamfer distance: per-point nearest-neighbor squared distances
    # dist1: [B, n], dist2: [B, m]
    dist1, dist2 = jax.vmap(_chamfer_single)(xyz1, xyz2)
    return (dist1, dist2)

if __name__ == "__main__":
    import jax
    _d = setup_inputs()
    print(jax.jit(kernel)(*tuple(_d.values())))

</pallas_src>

<mosaic_0001>
#map = affine_map<(d0, d1) -> (0)>
module attributes {stable_mosaic.version = 14 : i64} {
  func.func @body(%arg0: i32, %arg1: i32, %arg2: memref<49152xf32, #tpu.memory_space<hbm>>, %arg3: memref<16384xf32, #tpu.memory_space<hbm>>, %arg4: memref<49152xf32, #tpu.memory_space<hbm>>, %arg5: memref<16384xf32, #tpu.memory_space<hbm>>, %arg6: memref<16384xf32, #tpu.memory_space<hbm>>, %arg7: memref<16384xf32, #tpu.memory_space<hbm>>, %arg8: memref<4096xf32, #tpu.memory_space<vmem>>, %arg9: memref<4096xf32, #tpu.memory_space<vmem>>, %arg10: memref<4096xf32, #tpu.memory_space<vmem>>, %arg11: memref<4096xf32, #tpu.memory_space<vmem>>, %arg12: memref<512xf32, #tpu.memory_space<vmem>>, %arg13: memref<512xf32, #tpu.memory_space<vmem>>, %arg14: memref<512xf32, #tpu.memory_space<vmem>>, %arg15: memref<512xf32, #tpu.memory_space<vmem>>, %arg16: memref<4096xf32, #tpu.memory_space<vmem>>, %arg17: memref<512xf32, #tpu.memory_space<vmem>>, %arg18: memref<4096xf32, #tpu.memory_space<vmem>>, %arg19: memref<512xf32, #tpu.memory_space<vmem>>, %arg20: memref<65536xf32, #tpu.memory_space<vmem_shared>>) attributes {dimension_semantics = [#tpu.dimension_semantics<core_parallel>, #tpu.dimension_semantics<subcore_parallel>], iteration_bounds = array<i64: 2, 16>, scalar_prefetch = 0 : i64, scratch_operands = 13 : i64, tpu.core_type = #tpu.core_type<sc_vector_subcore>, window_params = [{transform_indices = #map}, {transform_indices = #map}, {transform_indices = #map}, {transform_indices = #map}, {transform_indices = #map}, {transform_indices = #map}]} {
    %mul3A = arith.constant 2 : i32
    %mul3A_0 = arith.muli %arg0, %mul3A : i32
    %jit3A = arith.constant 8 : i32
    %div3A = arith.divsi %arg1, %jit3A : i32
    %sign3A = arith.constant 0 : i32
    %sign3A_1 = arith.cmpi sgt, %arg1, %sign3A : i32
    %sign3A_2 = arith.extui %sign3A_1 : i1 to i32
    %sign3A_3 = arith.constant 0 : i32
    %sign3A_4 = arith.cmpi slt, %arg1, %sign3A_3 : i32
    %sign3A_5 = arith.extui %sign3A_4 : i1 to i32
    %sign3A_6 = arith.subi %sign3A_2, %sign3A_5 : i32
    %sign3A_7 = arith.constant 0 : i32
    %sign3A_8 = arith.cmpi sgt, %jit3A, %sign3A_7 : i32
    %sign3A_9 = arith.extui %sign3A_8 : i1 to i32
    %sign3A_10 = arith.constant 0 : i32
    %sign3A_11 = arith.cmpi slt, %jit3A, %sign3A_10 : i32
    %sign3A_12 = arith.extui %sign3A_11 : i1 to i32
    %sign3A_13 = arith.subi %sign3A_9, %sign3A_12 : i32
    %ne3A = arith.cmpi ne, %sign3A_6, %sign3A_13 : i32
    %rem3A = arith.remsi %arg1, %jit3A : i32
    %ne3A_14 = arith.constant 0 : i32
    %ne3A_15 = arith.cmpi ne, %rem3A, %ne3A_14 : i32
    %and3A = arith.andi %ne3A, %ne3A_15 : i1
    %sub3A = arith.constant 1 : i32
    %sub3A_16 = arith.subi %div3A, %sub3A : i32
    %select_n3A = arith.select %and3A, %sub3A_16, %div3A : i32
    %add3A = arith.addi %mul3A_0, %select_n3A : i32
    %jit3A_17 = arith.constant 8 : i32
    %eq3A = arith.constant 0 : i32
    %eq3A_18 = arith.cmpi eq, %jit3A_17, %eq3A : i32
    %jit3A_19 = arith.constant 1 : i32
    %select_n3A_20 = arith.select %eq3A_18, %jit3A_19, %jit3A_17 : i32
    %rem3A_21 = arith.remsi %arg1, %select_n3A_20 : i32
    %ne3A_22 = arith.constant 0 : i32
    %ne3A_23 = arith.cmpi ne, %rem3A_21, %ne3A_22 : i32
    %lt3A = arith.constant 0 : i32
    %lt3A_24 = arith.cmpi slt, %rem3A_21, %lt3A : i32
    %lt3A_25 = arith.constant 0 : i32
    %lt3A_26 = arith.cmpi slt, %select_n3A_20, %lt3A_25 : i32
    %ne3A_27 = arith.xori %lt3A_24, %lt3A_26 : i1
    %and3A_28 = arith.andi %ne3A_27, %ne3A_23 : i1
    %add3A_29 = arith.addi %rem3A_21, %select_n3A_20 : i32
    %select_n3A_30 = arith.select %and3A_28, %add3A_29, %rem3A_21 : i32
    %mul3A_31 = arith.constant 512 : i32
    %mul3A_32 = arith.muli %select_n3A_30, %mul3A_31 : i32
    %mul3A_33 = arith.constant 3 : i32
    %mul3A_34 = arith.muli %add3A, %mul3A_33 : i32
    %add3A_35 = arith.constant 0 : i32
    %add3A_36 = arith.addi %mul3A_34, %add3A_35 : i32
    %mul3A_37 = arith.constant 4096 : i32
    %mul3A_38 = arith.muli %add3A_36, %mul3A_37 : i32
    "tpu.region"() ({
      %run_scoped3A = tpu.sem_alloc : memref<!tpu.dma_semaphore, #tpu.memory_space<semaphore_mem>>
      %dma_start3A = tpu.memref_slice %arg4[%mul3A_38] : memref<49152xf32, #tpu.memory_space<hbm>> -> memref<4096xf32, #tpu.memory_space<hbm>>
      %dma_start3A_168 = tpu.memref_slice %arg4[%mul3A_38] : memref<49152xf32, #tpu.memory_space<hbm>> -> memref<4096xf32, #tpu.memory_space<hbm>>
      tpu.enqueue_dma source(%dma_start3A_168 : memref<4096xf32, #tpu.memory_space<hbm>>) target(%arg8 : memref<4096xf32, #tpu.memory_space<vmem>>) target_semaphore(%run_scoped3A : memref<!tpu.dma_semaphore, #tpu.memory_space<semaphore_mem>>)
      %dma_wait3A = tpu.memref_slice %arg4[%mul3A_38] : memref<49152xf32, #tpu.memory_space<hbm>> -> memref<4096xf32, #tpu.memory_space<hbm>>
      %dma_wait3A_169 = tpu.memref_slice %arg4[%mul3A_38] : memref<49152xf32, #tpu.memory_space<hbm>> -> memref<4096xf32, #tpu.memory_space<hbm>>
      tpu.wait_dma2 semaphore(%run_scoped3A : memref<!tpu.dma_semaphore, #tpu.memory_space<semaphore_mem>>) src(%dma_wait3A_169 : memref<4096xf32, #tpu.memory_space<hbm>>) dst(%arg8 : memref<4096xf32, #tpu.memory_space<vmem>>)
      tpu.yield
    }) : () -> ()
    %mul3A_39 = arith.constant 3 : i32
    %mul3A_40 = arith.muli %add3A, %mul3A_39 : i32
    %add3A_41 = arith.constant 1 : i32
    %add3A_42 = arith.addi %mul3A_40, %add3A_41 : i32
    %mul3A_43 = arith.constant 4096 : i32
    %mul3A_44 = arith.muli %add3A_42, %mul3A_43 : i32
    "tpu.region"() ({
      %run_scoped3A = tpu.sem_alloc : memref<!tpu.dma_semaphore, #tpu.memory_space<semaphore_mem>>
      %dma_start3A = tpu.memref_slice %arg4[%mul3A_44] : memref<49152xf32, #tpu.memory_space<hbm>> -> memref<4096xf32, #tpu.memory_space<hbm>>
      %dma_start3A_168 = tpu.memref_slice %arg4[%mul3A_44] : memref<49152xf32, #tpu.memory_space<hbm>> -> memref<4096xf32, #tpu.memory_space<hbm>>
      tpu.enqueue_dma source(%dma_start3A_168 : memref<4096xf32, #tpu.memory_space<hbm>>) target(%arg9 : memref<4096xf32, #tpu.memory_space<vmem>>) target_semaphore(%run_scoped3A : memref<!tpu.dma_semaphore, #tpu.memory_space<semaphore_mem>>)
      %dma_wait3A = tpu.memref_slice %arg4[%mul3A_44] : memref<49152xf32, #tpu.memory_space<hbm>> -> memref<4096xf32, #tpu.memory_space<hbm>>
      %dma_wait3A_169 = tpu.memref_slice %arg4[%mul3A_44] : memref<49152xf32, #tpu.memory_space<hbm>> -> memref<4096xf32, #tpu.memory_space<hbm>>
      tpu.wait_dma2 semaphore(%run_scoped3A : memref<!tpu.dma_semaphore, #tpu.memory_space<semaphore_mem>>) src(%dma_wait3A_169 : memref<4096xf32, #tpu.memory_space<hbm>>) dst(%arg9 : memref<4096xf32, #tpu.memory_space<vmem>>)
      tpu.yield
    }) : () -> ()
    %mul3A_45 = arith.constant 3 : i32
    %mul3A_46 = arith.muli %add3A, %mul3A_45 : i32
    %add3A_47 = arith.constant 2 : i32
    %add3A_48 = arith.addi %mul3A_46, %add3A_47 : i32
    %mul3A_49 = arith.constant 4096 : i32
    %mul3A_50 = arith.muli %add3A_48, %mul3A_49 : i32
    "tpu.region"() ({
      %run_scoped3A = tpu.sem_alloc : memref<!tpu.dma_semaphore, #tpu.memory_space<semaphore_mem>>
      %dma_start3A = tpu.memref_slice %arg4[%mul3A_50] : memref<49152xf32, #tpu.memory_space<hbm>> -> memref<4096xf32, #tpu.memory_space<hbm>>
      %dma_start3A_168 = tpu.memref_slice %arg4[%mul3A_50] : memref<49152xf32, #tpu.memory_space<hbm>> -> memref<4096xf32, #tpu.memory_space<hbm>>
      tpu.enqueue_dma source(%dma_start3A_168 : memref<4096xf32, #tpu.memory_space<hbm>>) target(%arg10 : memref<4096xf32, #tpu.memory_space<vmem>>) target_semaphore(%run_scoped3A : memref<!tpu.dma_semaphore, #tpu.memory_space<semaphore_mem>>)
      %dma_wait3A = tpu.memref_slice %arg4[%mul3A_50] : memref<49152xf32, #tpu.memory_space<hbm>> -> memref<4096xf32, #tpu.memory_space<hbm>>
      %dma_wait3A_169 = tpu.memref_slice %arg4[%mul3A_50] : memref<49152xf32, #tpu.memory_space<hbm>> -> memref<4096xf32, #tpu.memory_space<hbm>>
      tpu.wait_dma2 semaphore(%run_scoped3A : memref<!tpu.dma_semaphore, #tpu.memory_space<semaphore_mem>>) src(%dma_wait3A_169 : memref<4096xf32, #tpu.memory_space<hbm>>) dst(%arg10 : memref<4096xf32, #tpu.memory_space<vmem>>)
      tpu.yield
    }) : () -> ()
    %mul3A_51 = arith.constant 4096 : i32
    %mul3A_52 = arith.muli %add3A, %mul3A_51 : i32
    "tpu.region"() ({
      %run_scoped3A = tpu.sem_alloc : memref<!tpu.dma_semaphore, #tpu.memory_space<semaphore_mem>>
      %dma_start3A = tpu.memref_slice %arg5[%mul3A_52] : memref<16384xf32, #tpu.memory_space<hbm>> -> memref<4096xf32, #tpu.memory_space<hbm>>
      %dma_start3A_168 = tpu.memref_slice %arg5[%mul3A_52] : memref<16384xf32, #tpu.memory_space<hbm>> -> memref<4096xf32, #tpu.memory_space<hbm>>
      tpu.enqueue_dma source(%dma_start3A_168 : memref<4096xf32, #tpu.memory_space<hbm>>) target(%arg11 : memref<4096xf32, #tpu.memory_space<vmem>>) target_semaphore(%run_scoped3A : memref<!tpu.dma_semaphore, #tpu.memory_space<semaphore_mem>>)
      %dma_wait3A = tpu.memref_slice %arg5[%mul3A_52] : memref<16384xf32, #tpu.memory_space<hbm>> -> memref<4096xf32, #tpu.memory_space<hbm>>
      %dma_wait3A_169 = tpu.memref_slice %arg5[%mul3A_52] : memref<16384xf32, #tpu.memory_space<hbm>> -> memref<4096xf32, #tpu.memory_space<hbm>>
      tpu.wait_dma2 semaphore(%run_scoped3A : memref<!tpu.dma_semaphore, #tpu.memory_space<semaphore_mem>>) src(%dma_wait3A_169 : memref<4096xf32, #tpu.memory_space<hbm>>) dst(%arg11 : memref<4096xf32, #tpu.memory_space<vmem>>)
      tpu.yield
    }) : () -> ()
    %mul3A_53 = arith.constant 3 : i32
    %mul3A_54 = arith.muli %add3A, %mul3A_53 : i32
    %add3A_55 = arith.constant 0 : i32
    %add3A_56 = arith.addi %mul3A_54, %add3A_55 : i32
    %mul3A_57 = arith.constant 4096 : i32
    %mul3A_58 = arith.muli %add3A_56, %mul3A_57 : i32
    %add3A_59 = arith.addi %mul3A_58, %mul3A_32 : i32
    "tpu.region"() ({
      %run_scoped3A = tpu.sem_alloc : memref<!tpu.dma_semaphore, #tpu.memory_space<semaphore_mem>>
      %dma_start3A = tpu.memref_slice %arg2[%add3A_59] : memref<49152xf32, #tpu.memory_space<hbm>> -> memref<512xf32, #tpu.memory_space<hbm>>
      %dma_start3A_168 = tpu.memref_slice %arg2[%add3A_59] : memref<49152xf32, #tpu.memory_space<hbm>> -> memref<512xf32, #tpu.memory_space<hbm>>
      tpu.enqueue_dma source(%dma_start3A_168 : memref<512xf32, #tpu.memory_space<hbm>>) target(%arg12 : memref<512xf32, #tpu.memory_space<vmem>>) target_semaphore(%run_scoped3A : memref<!tpu.dma_semaphore, #tpu.memory_space<semaphore_mem>>)
      %dma_wait3A = tpu.memref_slice %arg2[%add3A_59] : memref<49152xf32, #tpu.memory_space<hbm>> -> memref<512xf32, #tpu.memory_space<hbm>>
      %dma_wait3A_169 = tpu.memref_slice %arg2[%add3A_59] : memref<49152xf32, #tpu.memory_space<hbm>> -> memref<512xf32, #tpu.memory_space<hbm>>
      tpu.wait_dma2 semaphore(%run_scoped3A : memref<!tpu.dma_semaphore, #tpu.memory_space<semaphore_mem>>) src(%dma_wait3A_169 : memref<512xf32, #tpu.memory_space<hbm>>) dst(%arg12 : memref<512xf32, #tpu.memory_space<vmem>>)
      tpu.yield
    }) : () -> ()
    %mul3A_60 = arith.constant 3 : i32
    %mul3A_61 = arith.muli %add3A, %mul3A_60 : i32
    %add3A_62 = arith.constant 1 : i32
    %add3A_63 = arith.addi %mul3A_61, %add3A_62 : i32
    %mul3A_64 = arith.constant 4096 : i32
    %mul3A_65 = arith.muli %add3A_63, %mul3A_64 : i32
    %add3A_66 = arith.addi %mul3A_65, %mul3A_32 : i32
    "tpu.region"() ({
      %run_scoped3A = tpu.sem_alloc : memref<!tpu.dma_semaphore, #tpu.memory_space<semaphore_mem>>
      %dma_start3A = tpu.memref_slice %arg2[%add3A_66] : memref<49152xf32, #tpu.memory_space<hbm>> -> memref<512xf32, #tpu.memory_space<hbm>>
      %dma_start3A_168 = tpu.memref_slice %arg2[%add3A_66] : memref<49152xf32, #tpu.memory_space<hbm>> -> memref<512xf32, #tpu.memory_space<hbm>>
      tpu.enqueue_dma source(%dma_start3A_168 : memref<512xf32, #tpu.memory_space<hbm>>) target(%arg13 : memref<512xf32, #tpu.memory_space<vmem>>) target_semaphore(%run_scoped3A : memref<!tpu.dma_semaphore, #tpu.memory_space<semaphore_mem>>)
      %dma_wait3A = tpu.memref_slice %arg2[%add3A_66] : memref<49152xf32, #tpu.memory_space<hbm>> -> memref<512xf32, #tpu.memory_space<hbm>>
      %dma_wait3A_169 = tpu.memref_slice %arg2[%add3A_66] : memref<49152xf32, #tpu.memory_space<hbm>> -> memref<512xf32, #tpu.memory_space<hbm>>
      tpu.wait_dma2 semaphore(%run_scoped3A : memref<!tpu.dma_semaphore, #tpu.memory_space<semaphore_mem>>) src(%dma_wait3A_169 : memref<512xf32, #tpu.memory_space<hbm>>) dst(%arg13 : memref<512xf32, #tpu.memory_space<vmem>>)
      tpu.yield
    }) : () -> ()
    %mul3A_67 = arith.constant 3 : i32
    %mul3A_68 = arith.muli %add3A, %mul3A_67 : i32
    %add3A_69 = arith.constant 2 : i32
    %add3A_70 = arith.addi %mul3A_68, %add3A_69 : i32
    %mul3A_71 = arith.constant 4096 : i32
    %mul3A_72 = arith.muli %add3A_70, %mul3A_71 : i32
    %add3A_73 = arith.addi %mul3A_72, %mul3A_32 : i32
    "tpu.region"() ({
      %run_scoped3A = tpu.sem_alloc : memref<!tpu.dma_semaphore, #tpu.memory_space<semaphore_mem>>
      %dma_start3A = tpu.memref_slice %arg2[%add3A_73] : memref<49152xf32, #tpu.memory_space<hbm>> -> memref<512xf32, #tpu.memory_space<hbm>>
      %dma_start3A_168 = tpu.memref_slice %arg2[%add3A_73] : memref<49152xf32, #tpu.memory_space<hbm>> -> memref<512xf32, #tpu.memory_space<hbm>>
      tpu.enqueue_dma source(%dma_start3A_168 : memref<512xf32, #tpu.memory_space<hbm>>) target(%arg14 : memref<512xf32, #tpu.memory_space<vmem>>) target_semaphore(%run_scoped3A : memref<!tpu.dma_semaphore, #tpu.memory_space<semaphore_mem>>)
      %dma_wait3A = tpu.memref_slice %arg2[%add3A_73] : memref<49152xf32, #tpu.memory_space<hbm>> -> memref<512xf32, #tpu.memory_space<hbm>>
      %dma_wait3A_169 = tpu.memref_slice %arg2[%add3A_73] : memref<49152xf32, #tpu.memory_space<hbm>> -> memref<512xf32, #tpu.memory_space<hbm>>
      tpu.wait_dma2 semaphore(%run_scoped3A : memref<!tpu.dma_semaphore, #tpu.memory_space<semaphore_mem>>) src(%dma_wait3A_169 : memref<512xf32, #tpu.memory_space<hbm>>) dst(%arg14 : memref<512xf32, #tpu.memory_space<vmem>>)
      tpu.yield
    }) : () -> ()
    %mul3A_74 = arith.constant 4096 : i32
    %mul3A_75 = arith.muli %add3A, %mul3A_74 : i32
    %add3A_76 = arith.addi %mul3A_75, %mul3A_32 : i32
    "tpu.region"() ({
      %run_scoped3A = tpu.sem_alloc : memref<!tpu.dma_semaphore, #tpu.memory_space<semaphore_mem>>
      %dma_start3A = tpu.memref_slice %arg3[%add3A_76] : memref<16384xf32, #tpu.memory_space<hbm>> -> memref<512xf32, #tpu.memory_space<hbm>>
      %dma_start3A_168 = tpu.memref_slice %arg3[%add3A_76] : memref<16384xf32, #tpu.memory_space<hbm>> -> memref<512xf32, #tpu.memory_space<hbm>>
      tpu.enqueue_dma source(%dma_start3A_168 : memref<512xf32, #tpu.memory_space<hbm>>) target(%arg15 : memref<512xf32, #tpu.memory_space<vmem>>) target_semaphore(%run_scoped3A : memref<!tpu.dma_semaphore, #tpu.memory_space<semaphore_mem>>)
      %dma_wait3A = tpu.memref_slice %arg3[%add3A_76] : memref<16384xf32, #tpu.memory_space<hbm>> -> memref<512xf32, #tpu.memory_space<hbm>>
      %dma_wait3A_169 = tpu.memref_slice %arg3[%add3A_76] : memref<16384xf32, #tpu.memory_space<hbm>> -> memref<512xf32, #tpu.memory_space<hbm>>
      tpu.wait_dma2 semaphore(%run_scoped3A : memref<!tpu.dma_semaphore, #tpu.memory_space<semaphore_mem>>) src(%dma_wait3A_169 : memref<512xf32, #tpu.memory_space<hbm>>) dst(%arg15 : memref<512xf32, #tpu.memory_space<vmem>>)
      tpu.yield
    }) : () -> ()
    %scan3A = arith.constant 0 : i32
    %scan3A_77 = arith.constant 0 : i32
    %scan3A_78 = arith.constant 8 : i32
    %scan3A_79 = arith.addi %scan3A_77, %scan3A_78 : i32
    %scan3A_80 = arith.constant 1 : i32
    scf.for %scan3A_168 = %scan3A_77 to %scan3A_79 step %scan3A_80  : i32 {
      %mul3A_169 = arith.constant 64 : i32
      %mul3A_170 = arith.muli %scan3A_168, %mul3A_169 : i32
      %add3A_171 = arith.constant 0 : i32
      %add3A_172 = arith.addi %mul3A_170, %add3A_171 : i32
      %get3A = arith.index_cast %add3A_172 : i32 to index
      %get3A_173 = tpu.vector_load %arg12[%get3A] {strides = array<i32>} : memref<512xf32, #tpu.memory_space<vmem>>, vector<16xf32>,
      %get3A_174 = vector.shape_cast %get3A_173 : vector<16xf32> to vector<16xf32>
      %add3A_175 = arith.constant 16 : i32
      %add3A_176 = arith.addi %mul3A_170, %add3A_175 : i32
      %get3A_177 = arith.index_cast %add3A_176 : i32 to index
      %get3A_178 = tpu.vector_load %arg12[%get3A_177] {strides = array<i32>} : memref<512xf32, #tpu.memory_space<vmem>>, vector<16xf32>,
      %get3A_179 = vector.shape_cast %get3A_178 : vector<16xf32> to vector<16xf32>
      %add3A_180 = arith.constant 32 : i32
      %add3A_181 = arith.addi %mul3A_170, %add3A_180 : i32
      %get3A_182 = arith.index_cast %add3A_181 : i32 to index
      %get3A_183 = tpu.vector_load %arg12[%get3A_182] {strides = array<i32>} : memref<512xf32, #tpu.memory_space<vmem>>, vector<16xf32>,
      %get3A_184 = vector.shape_cast %get3A_183 : vector<16xf32> to vector<16xf32>
      %add3A_185 = arith.constant 48 : i32
      %add3A_186 = arith.addi %mul3A_170, %add3A_185 : i32
      %get3A_187 = arith.index_cast %add3A_186 : i32 to index
      %get3A_188 = tpu.vector_load %arg12[%get3A_187] {strides = array<i32>} : memref<512xf32, #tpu.memory_space<vmem>>, vector<16xf32>,
      %get3A_189 = vector.shape_cast %get3A_188 : vector<16xf32> to vector<16xf32>
      %add3A_190 = arith.constant 0 : i32
      %add3A_191 = arith.addi %mul3A_170, %add3A_190 : i32
      %get3A_192 = arith.index_cast %add3A_191 : i32 to index
      %get3A_193 = tpu.vector_load %arg13[%get3A_192] {strides = array<i32>} : memref<512xf32, #tpu.memory_space<vmem>>, vector<16xf32>,
      %get3A_194 = vector.shape_cast %get3A_193 : vector<16xf32> to vector<16xf32>
      %add3A_195 = arith.constant 16 : i32
      %add3A_196 = arith.addi %mul3A_170, %add3A_195 : i32
      %get3A_197 = arith.index_cast %add3A_196 : i32 to index
      %get3A_198 = tpu.vector_load %arg13[%get3A_197] {strides = array<i32>} : memref<512xf32, #tpu.memory_space<vmem>>, vector<16xf32>,
      %get3A_199 = vector.shape_cast %get3A_198 : vector<16xf32> to vector<16xf32>
      %add3A_200 = arith.constant 32 : i32
      %add3A_201 = arith.addi %mul3A_170, %add3A_200 : i32
      %get3A_202 = arith.index_cast %add3A_201 : i32 to index
      %get3A_203 = tpu.vector_load %arg13[%get3A_202] {strides = array<i32>} : memref<512xf32, #tpu.memory_space<vmem>>, vector<16xf32>,
      %get3A_204 = vector.shape_cast %get3A_203 : vector<16xf32> to vector<16xf32>
      %add3A_205 = arith.constant 48 : i32
      %add3A_206 = arith.addi %mul3A_170, %add3A_205 : i32
      %get3A_207 = arith.index_cast %add3A_206 : i32 to index
      %get3A_208 = tpu.vector_load %arg13[%get3A_207] {strides = array<i32>} : memref<512xf32, #tpu.memory_space<vmem>>, vector<16xf32>,
      %get3A_209 = vector.shape_cast %get3A_208 : vector<16xf32> to vector<16xf32>
      %add3A_210 = arith.constant 0 : i32
      %add3A_211 = arith.addi %mul3A_170, %add3A_210 : i32
      %get3A_212 = arith.index_cast %add3A_211 : i32 to index
      %get3A_213 = tpu.vector_load %arg14[%get3A_212] {strides = array<i32>} : memref<512xf32, #tpu.memory_space<vmem>>, vector<16xf32>,
      %get3A_214 = vector.shape_cast %get3A_213 : vector<16xf32> to vector<16xf32>
      %add3A_215 = arith.constant 16 : i32
      %add3A_216 = arith.addi %mul3A_170, %add3A_215 : i32
      %get3A_217 = arith.index_cast %add3A_216 : i32 to index
      %get3A_218 = tpu.vector_load %arg14[%get3A_217] {strides = array<i32>} : memref<512xf32, #tpu.memory_space<vmem>>, vector<16xf32>,
      %get3A_219 = vector.shape_cast %get3A_218 : vector<16xf32> to vector<16xf32>
      %add3A_220 = arith.constant 32 : i32
      %add3A_221 = arith.addi %mul3A_170, %add3A_220 : i32
      %get3A_222 = arith.index_cast %add3A_221 : i32 to index
      %get3A_223 = tpu.vector_load %arg14[%get3A_222] {strides = array<i32>} : memref<512xf32, #tpu.memory_space<vmem>>, vector<16xf32>,
      %get3A_224 = vector.shape_cast %get3A_223 : vector<16xf32> to vector<16xf32>
      %add3A_225 = arith.constant 48 : i32
      %add3A_226 = arith.addi %mul3A_170, %add3A_225 : i32
      %get3A_227 = arith.index_cast %add3A_226 : i32 to index
      %get3A_228 = tpu.vector_load %arg14[%get3A_227] {strides = array<i32>} : memref<512xf32, #tpu.memory_space<vmem>>, vector<16xf32>,
      %get3A_229 = vector.shape_cast %get3A_228 : vector<16xf32> to vector<16xf32>
      %add3A_230 = arith.constant 0 : i32
      %add3A_231 = arith.addi %mul3A_170, %add3A_230 : i32
      %get3A_232 = arith.index_cast %add3A_231 : i32 to index
      %get3A_233 = tpu.vector_load %arg15[%get3A_232] {strides = array<i32>} : memref<512xf32, #tpu.memory_space<vmem>>, vector<16xf32>,
      %get3A_234 = vector.shape_cast %get3A_233 : vector<16xf32> to vector<16xf32>
      %add3A_235 = arith.constant 16 : i32
      %add3A_236 = arith.addi %mul3A_170, %add3A_235 : i32
      %get3A_237 = arith.index_cast %add3A_236 : i32 to index
      %get3A_238 = tpu.vector_load %arg15[%get3A_237] {strides = array<i32>} : memref<512xf32, #tpu.memory_space<vmem>>, vector<16xf32>,
      %get3A_239 = vector.shape_cast %get3A_238 : vector<16xf32> to vector<16xf32>
      %add3A_240 = arith.constant 32 : i32
      %add3A_241 = arith.addi %mul3A_170, %add3A_240 : i32
      %get3A_242 = arith.index_cast %add3A_241 : i32 to index
      %get3A_243 = tpu.vector_load %arg15[%get3A_242] {strides = array<i32>} : memref<512xf32, #tpu.memory_space<vmem>>, vector<16xf32>,
      %get3A_244 = vector.shape_cast %get3A_243 : vector<16xf32> to vector<16xf32>
      %add3A_245 = arith.constant 48 : i32
      %add3A_246 = arith.addi %mul3A_170, %add3A_245 : i32
      %get3A_247 = arith.index_cast %add3A_246 : i32 to index
      %get3A_248 = tpu.vector_load %arg15[%get3A_247] {strides = array<i32>} : memref<512xf32, #tpu.memory_space<vmem>>, vector<16xf32>,
      %get3A_249 = vector.shape_cast %get3A_248 : vector<16xf32> to vector<16xf32>
      %broadcast_in_dim3A = arith.constant 0x7F800000 : f32
      %broadcast_in_dim3A_250 = vector.broadcast %broadcast_in_dim3A : f32 to vector<16xf32>
      %scan3A_251 = arith.constant 0 : i32
      %scan3A_252 = arith.constant 256 : i32
      %scan3A_253 = arith.addi %scan3A_251, %scan3A_252 : i32
      %scan3A_254 = arith.constant 1 : i32
      %scan3A_255:4 = scf.for %scan3A_291 = %scan3A_251 to %scan3A_253 step %scan3A_254 iter_args(%scan3A_292 = %broadcast_in_dim3A_250, %scan3A_293 = %broadcast_in_dim3A_250, %scan3A_294 = %broadcast_in_dim3A_250, %scan3A_295 = %broadcast_in_dim3A_250) -> (vector<16xf32>, vector<16xf32>, vector<16xf32>, vector<16xf32>)  : i32 {
        %mul3A_296 = arith.constant 16 : i32
        %mul3A_297 = arith.muli %scan3A_291, %mul3A_296 : i32
        %get3A_298 = arith.index_cast %mul3A_297 : i32 to index
        %get3A_299 = tpu.vector_load %arg8[%get3A_298] {strides = array<i32>} : memref<4096xf32, #tpu.memory_space<vmem>>, vector<16xf32>,
        %get3A_300 = vector.shape_cast %get3A_299 : vector<16xf32> to vector<16xf32>
        %mul3A_301 = arith.constant 16 : i32
        %mul3A_302 = arith.muli %scan3A_291, %mul3A_301 : i32
        %get3A_303 = arith.index_cast %mul3A_302 : i32 to index
        %get3A_304 = tpu.vector_load %arg9[%get3A_303] {strides = array<i32>} : memref<4096xf32, #tpu.memory_space<vmem>>, vector<16xf32>,
        %get3A_305 = vector.shape_cast %get3A_304 : vector<16xf32> to vector<16xf32>
        %mul3A_306 = arith.constant 16 : i32
        %mul3A_307 = arith.muli %scan3A_291, %mul3A_306 : i32
        %get3A_308 = arith.index_cast %mul3A_307 : i32 to index
        %get3A_309 = tpu.vector_load %arg10[%get3A_308] {strides = array<i32>} : memref<4096xf32, #tpu.memory_space<vmem>>, vector<16xf32>,
        %get3A_310 = vector.shape_cast %get3A_309 : vector<16xf32> to vector<16xf32>
        %mul3A_311 = arith.constant 16 : i32
        %mul3A_312 = arith.muli %scan3A_291, %mul3A_311 : i32
        %get3A_313 = arith.index_cast %mul3A_312 : i32 to index
        %get3A_314 = tpu.vector_load %arg11[%get3A_313] {strides = array<i32>} : memref<4096xf32, #tpu.memory_space<vmem>>, vector<16xf32>,
        %get3A_315 = vector.shape_cast %get3A_314 : vector<16xf32> to vector<16xf32>
        %slice3A = vector.extract_strided_slice %get3A_300 {offsets = [0], sizes = [1], strides = [1]} : vector<16xf32> to vector<1xf32>
        %squeeze3A = vector.extract %slice3A[0] : f32 from vector<1xf32>
        %broadcast_in_dim3A_316 = vector.broadcast %squeeze3A : f32 to vector<16xf32>
        %slice3A_317 = vector.extract_strided_slice %get3A_305 {offsets = [0], sizes = [1], strides = [1]} : vector<16xf32> to vector<1xf32>
        %squeeze3A_318 = vector.extract %slice3A_317[0] : f32 from vector<1xf32>
        %broadcast_in_dim3A_319 = vector.broadcast %squeeze3A_318 : f32 to vector<16xf32>
        %slice3A_320 = vector.extract_strided_slice %get3A_310 {offsets = [0], sizes = [1], strides = [1]} : vector<16xf32> to vector<1xf32>
        %squeeze3A_321 = vector.extract %slice3A_320[0] : f32 from vector<1xf32>
        %broadcast_in_dim3A_322 = vector.broadcast %squeeze3A_321 : f32 to vector<16xf32>
        %slice3A_323 = vector.extract_strided_slice %get3A_315 {offsets = [0], sizes = [1], strides = [1]} : vector<16xf32> to vector<1xf32>
        %squeeze3A_324 = vector.extract %slice3A_323[0] : f32 from vector<1xf32>
        %broadcast_in_dim3A_325 = vector.broadcast %squeeze3A_324 : f32 to vector<16xf32>
        %mul3A_326 = arith.mulf %get3A_174, %broadcast_in_dim3A_316 : vector<16xf32>
        %add3A_327 = arith.addf %mul3A_326, %get3A_234 : vector<16xf32>
        %mul3A_328 = arith.mulf %get3A_194, %broadcast_in_dim3A_319 : vector<16xf32>
        %add3A_329 = arith.addf %mul3A_328, %add3A_327 : vector<16xf32>
        %mul3A_330 = arith.mulf %get3A_214, %broadcast_in_dim3A_322 : vector<16xf32>
        %add3A_331 = arith.addf %mul3A_330, %add3A_329 : vector<16xf32>
        %add3A_332 = arith.addf %add3A_331, %broadcast_in_dim3A_325 : vector<16xf32>
        %min3A = arith.minimumf %scan3A_292, %add3A_332 : vector<16xf32>
        %mul3A_333 = arith.mulf %get3A_179, %broadcast_in_dim3A_316 : vector<16xf32>
        %add3A_334 = arith.addf %mul3A_333, %get3A_239 : vector<16xf32>
        %mul3A_335 = arith.mulf %get3A_199, %broadcast_in_dim3A_319 : vector<16xf32>
        %add3A_336 = arith.addf %mul3A_335, %add3A_334 : vector<16xf32>
        %mul3A_337 = arith.mulf %get3A_219, %broadcast_in_dim3A_322 : vector<16xf32>
        %add3A_338 = arith.addf %mul3A_337, %add3A_336 : vector<16xf32>
        %add3A_339 = arith.addf %add3A_338, %broadcast_in_dim3A_325 : vector<16xf32>
        %min3A_340 = arith.minimumf %scan3A_293, %add3A_339 : vector<16xf32>
        %mul3A_341 = arith.mulf %get3A_184, %broadcast_in_dim3A_316 : vector<16xf32>
        %add3A_342 = arith.addf %mul3A_341, %get3A_244 : vector<16xf32>
        %mul3A_343 = arith.mulf %get3A_204, %broadcast_in_dim3A_319 : vector<16xf32>
        %add3A_344 = arith.addf %mul3A_343, %add3A_342 : vector<16xf32>
        %mul3A_345 = arith.mulf %get3A_224, %broadcast_in_dim3A_322 : vector<16xf32>
        %add3A_346 = arith.addf %mul3A_345, %add3A_344 : vector<16xf32>
        %add3A_347 = arith.addf %add3A_346, %broadcast_in_dim3A_325 : vector<16xf32>
        %min3A_348 = arith.minimumf %scan3A_294, %add3A_347 : vector<16xf32>
        %mul3A_349 = arith.mulf %get3A_189, %broadcast_in_dim3A_316 : vector<16xf32>
        %add3A_350 = arith.addf %mul3A_349, %get3A_249 : vector<16xf32>
        %mul3A_351 = arith.mulf %get3A_209, %broadcast_in_dim3A_319 : vector<16xf32>
        %add3A_352 = arith.addf %mul3A_351, %add3A_350 : vector<16xf32>
        %mul3A_353 = arith.mulf %get3A_229, %broadcast_in_dim3A_322 : vector<16xf32>
        %add3A_354 = arith.addf %mul3A_353, %add3A_352 : vector<16xf32>
        %add3A_355 = arith.addf %add3A_354, %broadcast_in_dim3A_325 : vector<16xf32>
        %min3A_356 = arith.minimumf %scan3A_295, %add3A_355 : vector<16xf32>
        %slice3A_357 = vector.extract_strided_slice %get3A_300 {offsets = [1], sizes = [1], strides = [1]} : vector<16xf32> to vector<1xf32>
        %squeeze3A_358 = vector.extract %slice3A_357[0] : f32 from vector<1xf32>
        %broadcast_in_dim3A_359 = vector.broadcast %squeeze3A_358 : f32 to vector<16xf32>
        %slice3A_360 = vector.extract_strided_slice %get3A_305 {offsets = [1], sizes = [1], strides = [1]} : vector<16xf32> to vector<1xf32>
        %squeeze3A_361 = vector.extract %slice3A_360[0] : f32 from vector<1xf32>
        %broadcast_in_dim3A_362 = vector.broadcast %squeeze3A_361 : f32 to vector<16xf32>
        %slice3A_363 = vector.extract_strided_slice %get3A_310 {offsets = [1], sizes = [1], strides = [1]} : vector<16xf32> to vector<1xf32>
        %squeeze3A_364 = vector.extract %slice3A_363[0] : f32 from vector<1xf32>
        %broadcast_in_dim3A_365 = vector.broadcast %squeeze3A_364 : f32 to vector<16xf32>
        %slice3A_366 = vector.extract_strided_slice %get3A_315 {offsets = [1], sizes = [1], strides = [1]} : vector<16xf32> to vector<1xf32>
        %squeeze3A_367 = vector.extract %slice3A_366[0] : f32 from vector<1xf32>
        %broadcast_in_dim3A_368 = vector.broadcast %squeeze3A_367 : f32 to vector<16xf32>
        %mul3A_369 = arith.mulf %get3A_174, %broadcast_in_dim3A_359 : vector<16xf32>
        %add3A_370 = arith.addf %mul3A_369, %get3A_234 : vector<16xf32>
        %mul3A_371 = arith.mulf %get3A_194, %broadcast_in_dim3A_362 : vector<16xf32>
        %add3A_372 = arith.addf %mul3A_371, %add3A_370 : vector<16xf32>
        %mul3A_373 = arith.mulf %get3A_214, %broadcast_in_dim3A_365 : vector<16xf32>
        %add3A_374 = arith.addf %mul3A_373, %add3A_372 : vector<16xf32>
        %add3A_375 = arith.addf %add3A_374, %broadcast_in_dim3A_368 : vector<16xf32>
        %min3A_376 = arith.minimumf %min3A, %add3A_375 : vector<16xf32>
        %mul3A_377 = arith.mulf %get3A_179, %broadcast_in_dim3A_359 : vector<16xf32>
        %add3A_378 = arith.addf %mul3A_377, %get3A_239 : vector<16xf32>
        %mul3A_379 = arith.mulf %get3A_199, %broadcast_in_dim3A_362 : vector<16xf32>
        %add3A_380 = arith.addf %mul3A_379, %add3A_378 : vector<16xf32>
        %mul3A_381 = arith.mulf %get3A_219, %broadcast_in_dim3A_365 : vector<16xf32>
        %add3A_382 = arith.addf %mul3A_381, %add3A_380 : vector<16xf32>
        %add3A_383 = arith.addf %add3A_382, %broadcast_in_dim3A_368 : vector<16xf32>
        %min3A_384 = arith.minimumf %min3A_340, %add3A_383 : vector<16xf32>
        %mul3A_385 = arith.mulf %get3A_184, %broadcast_in_dim3A_359 : vector<16xf32>
        %add3A_386 = arith.addf %mul3A_385, %get3A_244 : vector<16xf32>
        %mul3A_387 = arith.mulf %get3A_204, %broadcast_in_dim3A_362 : vector<16xf32>
        %add3A_388 = arith.addf %mul3A_387, %add3A_386 : vector<16xf32>
        %mul3A_389 = arith.mulf %get3A_224, %broadcast_in_dim3A_365 : vector<16xf32>
        %add3A_390 = arith.addf %mul3A_389, %add3A_388 : vector<16xf32>
        %add3A_391 = arith.addf %add3A_390, %broadcast_in_dim3A_368 : vector<16xf32>
        %min3A_392 = arith.minimumf %min3A_348, %add3A_391 : vector<16xf32>
        %mul3A_393 = arith.mulf %get3A_189, %broadcast_in_dim3A_359 : vector<16xf32>
        %add3A_394 = arith.addf %mul3A_393, %get3A_249 : vector<16xf32>
        %mul3A_395 = arith.mulf %get3A_209, %broadcast_in_dim3A_362 : vector<16xf32>
        %add3A_396 = arith.addf %mul3A_395, %add3A_394 : vector<16xf32>
        %mul3A_397 = arith.mulf %get3A_229, %broadcast_in_dim3A_365 : vector<16xf32>
        %add3A_398 = arith.addf %mul3A_397, %add3A_396 : vector<16xf32>
        %add3A_399 = arith.addf %add3A_398, %broadcast_in_dim3A_368 : vector<16xf32>
        %min3A_400 = arith.minimumf %min3A_356, %add3A_399 : vector<16xf32>
        %slice3A_401 = vector.extract_strided_slice %get3A_300 {offsets = [2], sizes = [1], strides = [1]} : vector<16xf32> to vector<1xf32>
        %squeeze3A_402 = vector.extract %slice3A_401[0] : f32 from vector<1xf32>
        %broadcast_in_dim3A_403 = vector.broadcast %squeeze3A_402 : f32 to vector<16xf32>
        %slice3A_404 = vector.extract_strided_slice %get3A_305 {offsets = [2], sizes = [1], strides = [1]} : vector<16xf32> to vector<1xf32>
        %squeeze3A_405 = vector.extract %slice3A_404[0] : f32 from vector<1xf32>
        %broadcast_in_dim3A_406 = vector.broadcast %squeeze3A_405 : f32 to vector<16xf32>
        %slice3A_407 = vector.extract_strided_slice %get3A_310 {offsets = [2], sizes = [1], strides = [1]} : vector<16xf32> to vector<1xf32>
        %squeeze3A_408 = vector.extract %slice3A_407[0] : f32 from vector<1xf32>
        %broadcast_in_dim3A_409 = vector.broadcast %squeeze3A_408 : f32 to vector<16xf32>
        %slice3A_410 = vector.extract_strided_slice %get3A_315 {offsets = [2], sizes = [1], strides = [1]} : vector<16xf32> to vector<1xf32>
        %squeeze3A_411 = vector.extract %slice3A_410[0] : f32 from vector<1xf32>
        %broadcast_in_dim3A_412 = vector.broadcast %squeeze3A_411 : f32 to vector<16xf32>
        %mul3A_413 = arith.mulf %get3A_174, %broadcast_in_dim3A_403 : vector<16xf32>
        %add3A_414 = arith.addf %mul3A_413, %get3A_234 : vector<16xf32>
        %mul3A_415 = arith.mulf %get3A_194, %broadcast_in_dim3A_406 : vector<16xf32>
        %add3A_416 = arith.addf %mul3A_415, %add3A_414 : vector<16xf32>
        %mul3A_417 = arith.mulf %get3A_214, %broadcast_in_dim3A_409 : vector<16xf32>
        %add3A_418 = arith.addf %mul3A_417, %add3A_416 : vector<16xf32>
        %add3A_419 = arith.addf %add3A_418, %broadcast_in_dim3A_412 : vector<16xf32>
        %min3A_420 = arith.minimumf %min3A_376, %add3A_419 : vector<16xf32>
        %mul3A_421 = arith.mulf %get3A_179, %broadcast_in_dim3A_403 : vector<16xf32>
        %add3A_422 = arith.addf %mul3A_421, %get3A_239 : vector<16xf32>
        %mul3A_423 = arith.mulf %get3A_199, %broadcast_in_dim3A_406 : vector<16xf32>
        %add3A_424 = arith.addf %mul3A_423, %add3A_422 : vector<16xf32>
        %mul3A_425 = arith.mulf %get3A_219, %broadcast_in_dim3A_409 : vector<16xf32>
        %add3A_426 = arith.addf %mul3A_425, %add3A_424 : vector<16xf32>
        %add3A_427 = arith.addf %add3A_426, %broadcast_in_dim3A_412 : vector<16xf32>
        %min3A_428 = arith.minimumf %min3A_384, %add3A_427 : vector<16xf32>
        %mul3A_429 = arith.mulf %get3A_184, %broadcast_in_dim3A_403 : vector<16xf32>
        %add3A_430 = arith.addf %mul3A_429, %get3A_244 : vector<16xf32>
        %mul3A_431 = arith.mulf %get3A_204, %broadcast_in_dim3A_406 : vector<16xf32>
        %add3A_432 = arith.addf %mul3A_431, %add3A_430 : vector<16xf32>
        %mul3A_433 = arith.mulf %get3A_224, %broadcast_in_dim3A_409 : vector<16xf32>
        %add3A_434 = arith.addf %mul3A_433, %add3A_432 : vector<16xf32>
        %add3A_435 = arith.addf %add3A_434, %broadcast_in_dim3A_412 : vector<16xf32>
        %min3A_436 = arith.minimumf %min3A_392, %add3A_435 : vector<16xf32>
        %mul3A_437 = arith.mulf %get3A_189, %broadcast_in_dim3A_403 : vector<16xf32>
        %add3A_438 = arith.addf %mul3A_437, %get3A_249 : vector<16xf32>
        %mul3A_439 = arith.mulf %get3A_209, %broadcast_in_dim3A_406 : vector<16xf32>
        %add3A_440 = arith.addf %mul3A_439, %add3A_438 : vector<16xf32>
        %mul3A_441 = arith.mulf %get3A_229, %broadcast_in_dim3A_409 : vector<16xf32>
        %add3A_442 = arith.addf %mul3A_441, %add3A_440 : vector<16xf32>
        %add3A_443 = arith.addf %add3A_442, %broadcast_in_dim3A_412 : vector<16xf32>
        %min3A_444 = arith.minimumf %min3A_400, %add3A_443 : vector<16xf32>
        %slice3A_445 = vector.extract_strided_slice %get3A_300 {offsets = [3], sizes = [1], strides = [1]} : vector<16xf32> to vector<1xf32>
        %squeeze3A_446 = vector.extract %slice3A_445[0] : f32 from vector<1xf32>
        %broadcast_in_dim3A_447 = vector.broadcast %squeeze3A_446 : f32 to vector<16xf32>
        %slice3A_448 = vector.extract_strided_slice %get3A_305 {offsets = [3], sizes = [1], strides = [1]} : vector<16xf32> to vector<1xf32>
        %squeeze3A_449 = vector.extract %slice3A_448[0] : f32 from vector<1xf32>
        %broadcast_in_dim3A_450 = vector.broadcast %squeeze3A_449 : f32 to vector<16xf32>
        %slice3A_451 = vector.extract_strided_slice %get3A_310 {offsets = [3], sizes = [1], strides = [1]} : vector<16xf32> to vector<1xf32>
        %squeeze3A_452 = vector.extract %slice3A_451[0] : f32 from vector<1xf32>
        %broadcast_in_dim3A_453 = vector.broadcast %squeeze3A_452 : f32 to vector<16xf32>
        %slice3A_454 = vector.extract_strided_slice %get3A_315 {offsets = [3], sizes = [1], strides = [1]} : vector<16xf32> to vector<1xf32>
        %squeeze3A_455 = vector.extract %slice3A_454[0] : f32 from vector<1xf32>
        %broadcast_in_dim3A_456 = vector.broadcast %squeeze3A_455 : f32 to vector<16xf32>
        %mul3A_457 = arith.mulf %get3A_174, %broadcast_in_dim3A_447 : vector<16xf32>
        %add3A_458 = arith.addf %mul3A_457, %get3A_234 : vector<16xf32>
        %mul3A_459 = arith.mulf %get3A_194, %broadcast_in_dim3A_450 : vector<16xf32>
        %add3A_460 = arith.addf %mul3A_459, %add3A_458 : vector<16xf32>
        %mul3A_461 = arith.mulf %get3A_214, %broadcast_in_dim3A_453 : vector<16xf32>
        %add3A_462 = arith.addf %mul3A_461, %add3A_460 : vector<16xf32>
        %add3A_463 = arith.addf %add3A_462, %broadcast_in_dim3A_456 : vector<16xf32>
        %min3A_464 = arith.minimumf %min3A_420, %add3A_463 : vector<16xf32>
        %mul3A_465 = arith.mulf %get3A_179, %broadcast_in_dim3A_447 : vector<16xf32>
        %add3A_466 = arith.addf %mul3A_465, %get3A_239 : vector<16xf32>
        %mul3A_467 = arith.mulf %get3A_199, %broadcast_in_dim3A_450 : vector<16xf32>
        %add3A_468 = arith.addf %mul3A_467, %add3A_466 : vector<16xf32>
        %mul3A_469 = arith.mulf %get3A_219, %broadcast_in_dim3A_453 : vector<16xf32>
        %add3A_470 = arith.addf %mul3A_469, %add3A_468 : vector<16xf32>
        %add3A_471 = arith.addf %add3A_470, %broadcast_in_dim3A_456 : vector<16xf32>
        %min3A_472 = arith.minimumf %min3A_428, %add3A_471 : vector<16xf32>
        %mul3A_473 = arith.mulf %get3A_184, %broadcast_in_dim3A_447 : vector<16xf32>
        %add3A_474 = arith.addf %mul3A_473, %get3A_244 : vector<16xf32>
        %mul3A_475 = arith.mulf %get3A_204, %broadcast_in_dim3A_450 : vector<16xf32>
        %add3A_476 = arith.addf %mul3A_475, %add3A_474 : vector<16xf32>
        %mul3A_477 = arith.mulf %get3A_224, %broadcast_in_dim3A_453 : vector<16xf32>
        %add3A_478 = arith.addf %mul3A_477, %add3A_476 : vector<16xf32>
        %add3A_479 = arith.addf %add3A_478, %broadcast_in_dim3A_456 : vector<16xf32>
        %min3A_480 = arith.minimumf %min3A_436, %add3A_479 : vector<16xf32>
        %mul3A_481 = arith.mulf %get3A_189, %broadcast_in_dim3A_447 : vector<16xf32>
        %add3A_482 = arith.addf %mul3A_481, %get3A_249 : vector<16xf32>
        %mul3A_483 = arith.mulf %get3A_209, %broadcast_in_dim3A_450 : vector<16xf32>
        %add3A_484 = arith.addf %mul3A_483, %add3A_482 : vector<16xf32>
        %mul3A_485 = arith.mulf %get3A_229, %broadcast_in_dim3A_453 : vector<16xf32>
        %add3A_486 = arith.addf %mul3A_485, %add3A_484 : vector<16xf32>
        %add3A_487 = arith.addf %add3A_486, %broadcast_in_dim3A_456 : vector<16xf32>
        %min3A_488 = arith.minimumf %min3A_444, %add3A_487 : vector<16xf32>
        %slice3A_489 = vector.extract_strided_slice %get3A_300 {offsets = [4], sizes = [1], strides = [1]} : vector<16xf32> to vector<1xf32>
        %squeeze3A_490 = vector.extract %slice3A_489[0] : f32 from vector<1xf32>
        %broadcast_in_dim3A_491 = vector.broadcast %squeeze3A_490 : f32 to vector<16xf32>
        %slice3A_492 = vector.extract_strided_slice %get3A_305 {offsets = [4], sizes = [1], strides = [1]} : vector<16xf32> to vector<1xf32>
        %squeeze3A_493 = vector.extract %slice3A_492[0] : f32 from vector<1xf32>
        %broadcast_in_dim3A_494 = vector.broadcast %squeeze3A_493 : f32 to vector<16xf32>
        %slice3A_495 = vector.extract_strided_slice %get3A_310 {offsets = [4], sizes = [1], strides = [1]} : vector<16xf32> to vector<1xf32>
        %squeeze3A_496 = vector.extract %slice3A_495[0] : f32 from vector<1xf32>
        %broadcast_in_dim3A_497 = vector.broadcast %squeeze3A_496 : f32 to vector<16xf32>
        %slice3A_498 = vector.extract_strided_slice %get3A_315 {offsets = [4], sizes = [1], strides = [1]} : vector<16xf32> to vector<1xf32>
        %squeeze3A_499 = vector.extract %slice3A_498[0] : f32 from vector<1xf32>
        %broadcast_in_dim3A_500 = vector.broadcast %squeeze3A_499 : f32 to vector<16xf32>
        %mul3A_501 = arith.mulf %get3A_174, %broadcast_in_dim3A_491 : vector<16xf32>
        %add3A_502 = arith.addf %mul3A_501, %get3A_234 : vector<16xf32>
        %mul3A_503 = arith.mulf %get3A_194, %broadcast_in_dim3A_494 : vector<16xf32>
        %add3A_504 = arith.addf %mul3A_503, %add3A_502 : vector<16xf32>
        %mul3A_505 = arith.mulf %get3A_214, %broadcast_in_dim3A_497 : vector<16xf32>
        %add3A_506 = arith.addf %mul3A_505, %add3A_504 : vector<16xf32>
        %add3A_507 = arith.addf %add3A_506, %broadcast_in_dim3A_500 : vector<16xf32>
        %min3A_508 = arith.minimumf %min3A_464, %add3A_507 : vector<16xf32>
        %mul3A_509 = arith.mulf %get3A_179, %broadcast_in_dim3A_491 : vector<16xf32>
        %add3A_510 = arith.addf %mul3A_509, %get3A_239 : vector<16xf32>
        %mul3A_511 = arith.mulf %get3A_199, %broadcast_in_dim3A_494 : vector<16xf32>
        %add3A_512 = arith.addf %mul3A_511, %add3A_510 : vector<16xf32>
        %mul3A_513 = arith.mulf %get3A_219, %broadcast_in_dim3A_497 : vector<16xf32>
        %add3A_514 = arith.addf %mul3A_513, %add3A_512 : vector<16xf32>
        %add3A_515 = arith.addf %add3A_514, %broadcast_in_dim3A_500 : vector<16xf32>
        %min3A_516 = arith.minimumf %min3A_472, %add3A_515 : vector<16xf32>
        %mul3A_517 = arith.mulf %get3A_184, %broadcast_in_dim3A_491 : vector<16xf32>
        %add3A_518 = arith.addf %mul3A_517, %get3A_244 : vector<16xf32>
        %mul3A_519 = arith.mulf %get3A_204, %broadcast_in_dim3A_494 : vector<16xf32>
        %add3A_520 = arith.addf %mul3A_519, %add3A_518 : vector<16xf32>
        %mul3A_521 = arith.mulf %get3A_224, %broadcast_in_dim3A_497 : vector<16xf32>
        %add3A_522 = arith.addf %mul3A_521, %add3A_520 : vector<16xf32>
        %add3A_523 = arith.addf %add3A_522, %broadcast_in_dim3A_500 : vector<16xf32>
        %min3A_524 = arith.minimumf %min3A_480, %add3A_523 : vector<16xf32>
        %mul3A_525 = arith.mulf %get3A_189, %broadcast_in_dim3A_491 : vector<16xf32>
        %add3A_526 = arith.addf %mul3A_525, %get3A_249 : vector<16xf32>
        %mul3A_527 = arith.mulf %get3A_209, %broadcast_in_dim3A_494 : vector<16xf32>
        %add3A_528 = arith.addf %mul3A_527, %add3A_526 : vector<16xf32>
        %mul3A_529 = arith.mulf %get3A_229, %broadcast_in_dim3A_497 : vector<16xf32>
        %add3A_530 = arith.addf %mul3A_529, %add3A_528 : vector<16xf32>
        %add3A_531 = arith.addf %add3A_530, %broadcast_in_dim3A_500 : vector<16xf32>
        %min3A_532 = arith.minimumf %min3A_488, %add3A_531 : vector<16xf32>
        %slice3A_533 = vector.extract_strided_slice %get3A_300 {offsets = [5], sizes = [1], strides = [1]} : vector<16xf32> to vector<1xf32>
        %squeeze3A_534 = vector.extract %slice3A_533[0] : f32 from vector<1xf32>
        %broadcast_in_dim3A_535 = vector.broadcast %squeeze3A_534 : f32 to vector<16xf32>
        %slice3A_536 = vector.extract_strided_slice %get3A_305 {offsets = [5], sizes = [1], strides = [1]} : vector<16xf32> to vector<1xf32>
        %squeeze3A_537 = vector.extract %slice3A_536[0] : f32 from vector<1xf32>
        %broadcast_in_dim3A_538 = vector.broadcast %squeeze3A_537 : f32 to vector<16xf32>
        %slice3A_539 = vector.extract_strided_slice %get3A_310 {offsets = [5], sizes = [1], strides = [1]} : vector<16xf32> to vector<1xf32>
        %squeeze3A_540 = vector.extract %slice3A_539[0] : f32 from vector<1xf32>
        %broadcast_in_dim3A_541 = vector.broadcast %squeeze3A_540 : f32 to vector<16xf32>
        %slice3A_542 = vector.extract_strided_slice %get3A_315 {offsets = [5], sizes = [1], strides = [1]} : vector<16xf32> to vector<1xf32>
        %squeeze3A_543 = vector.extract %slice3A_542[0] : f32 from vector<1xf32>
        %broadcast_in_dim3A_544 = vector.broadcast %squeeze3A_543 : f32 to vector<16xf32>
        %mul3A_545 = arith.mulf %get3A_174, %broadcast_in_dim3A_535 : vector<16xf32>
        %add3A_546 = arith.addf %mul3A_545, %get3A_234 : vector<16xf32>
        %mul3A_547 = arith.mulf %get3A_194, %broadcast_in_dim3A_538 : vector<16xf32>
        %add3A_548 = arith.addf %mul3A_547, %add3A_546 : vector<16xf32>
        %mul3A_549 = arith.mulf %get3A_214, %broadcast_in_dim3A_541 : vector<16xf32>
        %add3A_550 = arith.addf %mul3A_549, %add3A_548 : vector<16xf32>
        %add3A_551 = arith.addf %add3A_550, %broadcast_in_dim3A_544 : vector<16xf32>
        %min3A_552 = arith.minimumf %min3A_508, %add3A_551 : vector<16xf32>
        %mul3A_553 = arith.mulf %get3A_179, %broadcast_in_dim3A_535 : vector<16xf32>
        %add3A_554 = arith.addf %mul3A_553, %get3A_239 : vector<16xf32>
        %mul3A_555 = arith.mulf %get3A_199, %broadcast_in_dim3A_538 : vector<16xf32>
        %add3A_556 = arith.addf %mul3A_555, %add3A_554 : vector<16xf32>
        %mul3A_557 = arith.mulf %get3A_219, %broadcast_in_dim3A_541 : vector<16xf32>
        %add3A_558 = arith.addf %mul3A_557, %add3A_556 : vector<16xf32>
        %add3A_559 = arith.addf %add3A_558, %broadcast_in_dim3A_544 : vector<16xf32>
        %min3A_560 = arith.minimumf %min3A_516, %add3A_559 : vector<16xf32>
        %mul3A_561 = arith.mulf %get3A_184, %broadcast_in_dim3A_535 : vector<16xf32>
        %add3A_562 = arith.addf %mul3A_561, %get3A_244 : vector<16xf32>
        %mul3A_563 = arith.mulf %get3A_204, %broadcast_in_dim3A_538 : vector<16xf32>
        %add3A_564 = arith.addf %mul3A_563, %add3A_562 : vector<16xf32>
        %mul3A_565 = arith.mulf %get3A_224, %broadcast_in_dim3A_541 : vector<16xf32>
        %add3A_566 = arith.addf %mul3A_565, %add3A_564 : vector<16xf32>
        %add3A_567 = arith.addf %add3A_566, %broadcast_in_dim3A_544 : vector<16xf32>
        %min3A_568 = arith.minimumf %min3A_524, %add3A_567 : vector<16xf32>
        %mul3A_569 = arith.mulf %get3A_189, %broadcast_in_dim3A_535 : vector<16xf32>
        %add3A_570 = arith.addf %mul3A_569, %get3A_249 : vector<16xf32>
        %mul3A_571 = arith.mulf %get3A_209, %broadcast_in_dim3A_538 : vector<16xf32>
        %add3A_572 = arith.addf %mul3A_571, %add3A_570 : vector<16xf32>
        %mul3A_573 = arith.mulf %get3A_229, %broadcast_in_dim3A_541 : vector<16xf32>
        %add3A_574 = arith.addf %mul3A_573, %add3A_572 : vector<16xf32>
        %add3A_575 = arith.addf %add3A_574, %broadcast_in_dim3A_544 : vector<16xf32>
        %min3A_576 = arith.minimumf %min3A_532, %add3A_575 : vector<16xf32>
        %slice3A_577 = vector.extract_strided_slice %get3A_300 {offsets = [6], sizes = [1], strides = [1]} : vector<16xf32> to vector<1xf32>
        %squeeze3A_578 = vector.extract %slice3A_577[0] : f32 from vector<1xf32>
        %broadcast_in_dim3A_579 = vector.broadcast %squeeze3A_578 : f32 to vector<16xf32>
        %slice3A_580 = vector.extract_strided_slice %get3A_305 {offsets = [6], sizes = [1], strides = [1]} : vector<16xf32> to vector<1xf32>
        %squeeze3A_581 = vector.extract %slice3A_580[0] : f32 from vector<1xf32>
        %broadcast_in_dim3A_582 = vector.broadcast %squeeze3A_581 : f32 to vector<16xf32>
        %slice3A_583 = vector.extract_strided_slice %get3A_310 {offsets = [6], sizes = [1], strides = [1]} : vector<16xf32> to vector<1xf32>
        %squeeze3A_584 = vector.extract %slice3A_583[0] : f32 from vector<1xf32>
        %broadcast_in_dim3A_585 = vector.broadcast %squeeze3A_584 : f32 to vector<16xf32>
        %slice3A_586 = vector.extract_strided_slice %get3A_315 {offsets = [6], sizes = [1], strides = [1]} : vector<16xf32> to vector<1xf32>
        %squeeze3A_587 = vector.extract %slice3A_586[0] : f32 from vector<1xf32>
        %broadcast_in_dim3A_588 = vector.broadcast %squeeze3A_587 : f32 to vector<16xf32>
        %mul3A_589 = arith.mulf %get3A_174, %broadcast_in_dim3A_579 : vector<16xf32>
        %add3A_590 = arith.addf %mul3A_589, %get3A_234 : vector<16xf32>
        %mul3A_591 = arith.mulf %get3A_194, %broadcast_in_dim3A_582 : vector<16xf32>
        %add3A_592 = arith.addf %mul3A_591, %add3A_590 : vector<16xf32>
        %mul3A_593 = arith.mulf %get3A_214, %broadcast_in_dim3A_585 : vector<16xf32>
        %add3A_594 = arith.addf %mul3A_593, %add3A_592 : vector<16xf32>
        %add3A_595 = arith.addf %add3A_594, %broadcast_in_dim3A_588 : vector<16xf32>
        %min3A_596 = arith.minimumf %min3A_552, %add3A_595 : vector<16xf32>
        %mul3A_597 = arith.mulf %get3A_179, %broadcast_in_dim3A_579 : vector<16xf32>
        %add3A_598 = arith.addf %mul3A_597, %get3A_239 : vector<16xf32>
        %mul3A_599 = arith.mulf %get3A_199, %broadcast_in_dim3A_582 : vector<16xf32>
        %add3A_600 = arith.addf %mul3A_599, %add3A_598 : vector<16xf32>
        %mul3A_601 = arith.mulf %get3A_219, %broadcast_in_dim3A_585 : vector<16xf32>
        %add3A_602 = arith.addf %mul3A_601, %add3A_600 : vector<16xf32>
        %add3A_603 = arith.addf %add3A_602, %broadcast_in_dim3A_588 : vector<16xf32>
        %min3A_604 = arith.minimumf %min3A_560, %add3A_603 : vector<16xf32>
        %mul3A_605 = arith.mulf %get3A_184, %broadcast_in_dim3A_579 : vector<16xf32>
        %add3A_606 = arith.addf %mul3A_605, %get3A_244 : vector<16xf32>
        %mul3A_607 = arith.mulf %get3A_204, %broadcast_in_dim3A_582 : vector<16xf32>
        %add3A_608 = arith.addf %mul3A_607, %add3A_606 : vector<16xf32>
        %mul3A_609 = arith.mulf %get3A_224, %broadcast_in_dim3A_585 : vector<16xf32>
        %add3A_610 = arith.addf %mul3A_609, %add3A_608 : vector<16xf32>
        %add3A_611 = arith.addf %add3A_610, %broadcast_in_dim3A_588 : vector<16xf32>
        %min3A_612 = arith.minimumf %min3A_568, %add3A_611 : vector<16xf32>
        %mul3A_613 = arith.mulf %get3A_189, %broadcast_in_dim3A_579 : vector<16xf32>
        %add3A_614 = arith.addf %mul3A_613, %get3A_249 : vector<16xf32>
        %mul3A_615 = arith.mulf %get3A_209, %broadcast_in_dim3A_582 : vector<16xf32>
        %add3A_616 = arith.addf %mul3A_615, %add3A_614 : vector<16xf32>
        %mul3A_617 = arith.mulf %get3A_229, %broadcast_in_dim3A_585 : vector<16xf32>
        %add3A_618 = arith.addf %mul3A_617, %add3A_616 : vector<16xf32>
        %add3A_619 = arith.addf %add3A_618, %broadcast_in_dim3A_588 : vector<16xf32>
        %min3A_620 = arith.minimumf %min3A_576, %add3A_619 : vector<16xf32>
        %slice3A_621 = vector.extract_strided_slice %get3A_300 {offsets = [7], sizes = [1], strides = [1]} : vector<16xf32> to vector<1xf32>
        %squeeze3A_622 = vector.extract %slice3A_621[0] : f32 from vector<1xf32>
        %broadcast_in_dim3A_623 = vector.broadcast %squeeze3A_622 : f32 to vector<16xf32>
        %slice3A_624 = vector.extract_strided_slice %get3A_305 {offsets = [7], sizes = [1], strides = [1]} : vector<16xf32> to vector<1xf32>
        %squeeze3A_625 = vector.extract %slice3A_624[0] : f32 from vector<1xf32>
        %broadcast_in_dim3A_626 = vector.broadcast %squeeze3A_625 : f32 to vector<16xf32>
        %slice3A_627 = vector.extract_strided_slice %get3A_310 {offsets = [7], sizes = [1], strides = [1]} : vector<16xf32> to vector<1xf32>
        %squeeze3A_628 = vector.extract %slice3A_627[0] : f32 from vector<1xf32>
        %broadcast_in_dim3A_629 = vector.broadcast %squeeze3A_628 : f32 to vector<16xf32>
        %slice3A_630 = vector.extract_strided_slice %get3A_315 {offsets = [7], sizes = [1], strides = [1]} : vector<16xf32> to vector<1xf32>
        %squeeze3A_631 = vector.extract %slice3A_630[0] : f32 from vector<1xf32>
        %broadcast_in_dim3A_632 = vector.broadcast %squeeze3A_631 : f32 to vector<16xf32>
        %mul3A_633 = arith.mulf %get3A_174, %broadcast_in_dim3A_623 : vector<16xf32>
        %add3A_634 = arith.addf %mul3A_633, %get3A_234 : vector<16xf32>
        %mul3A_635 = arith.mulf %get3A_194, %broadcast_in_dim3A_626 : vector<16xf32>
        %add3A_636 = arith.addf %mul3A_635, %add3A_634 : vector<16xf32>
        %mul3A_637 = arith.mulf %get3A_214, %broadcast_in_dim3A_629 : vector<16xf32>
        %add3A_638 = arith.addf %mul3A_637, %add3A_636 : vector<16xf32>
        %add3A_639 = arith.addf %add3A_638, %broadcast_in_dim3A_632 : vector<16xf32>
        %min3A_640 = arith.minimumf %min3A_596, %add3A_639 : vector<16xf32>
        %mul3A_641 = arith.mulf %get3A_179, %broadcast_in_dim3A_623 : vector<16xf32>
        %add3A_642 = arith.addf %mul3A_641, %get3A_239 : vector<16xf32>
        %mul3A_643 = arith.mulf %get3A_199, %broadcast_in_dim3A_626 : vector<16xf32>
        %add3A_644 = arith.addf %mul3A_643, %add3A_642 : vector<16xf32>
        %mul3A_645 = arith.mulf %get3A_219, %broadcast_in_dim3A_629 : vector<16xf32>
        %add3A_646 = arith.addf %mul3A_645, %add3A_644 : vector<16xf32>
        %add3A_647 = arith.addf %add3A_646, %broadcast_in_dim3A_632 : vector<16xf32>
        %min3A_648 = arith.minimumf %min3A_604, %add3A_647 : vector<16xf32>
        %mul3A_649 = arith.mulf %get3A_184, %broadcast_in_dim3A_623 : vector<16xf32>
        %add3A_650 = arith.addf %mul3A_649, %get3A_244 : vector<16xf32>
        %mul3A_651 = arith.mulf %get3A_204, %broadcast_in_dim3A_626 : vector<16xf32>
        %add3A_652 = arith.addf %mul3A_651, %add3A_650 : vector<16xf32>
        %mul3A_653 = arith.mulf %get3A_224, %broadcast_in_dim3A_629 : vector<16xf32>
        %add3A_654 = arith.addf %mul3A_653, %add3A_652 : vector<16xf32>
        %add3A_655 = arith.addf %add3A_654, %broadcast_in_dim3A_632 : vector<16xf32>
        %min3A_656 = arith.minimumf %min3A_612, %add3A_655 : vector<16xf32>
        %mul3A_657 = arith.mulf %get3A_189, %broadcast_in_dim3A_623 : vector<16xf32>
        %add3A_658 = arith.addf %mul3A_657, %get3A_249 : vector<16xf32>
        %mul3A_659 = arith.mulf %get3A_209, %broadcast_in_dim3A_626 : vector<16xf32>
        %add3A_660 = arith.addf %mul3A_659, %add3A_658 : vector<16xf32>
        %mul3A_661 = arith.mulf %get3A_229, %broadcast_in_dim3A_629 : vector<16xf32>
        %add3A_662 = arith.addf %mul3A_661, %add3A_660 : vector<16xf32>
        %add3A_663 = arith.addf %add3A_662, %broadcast_in_dim3A_632 : vector<16xf32>
        %min3A_664 = arith.minimumf %min3A_620, %add3A_663 : vector<16xf32>
        %slice3A_665 = vector.extract_strided_slice %get3A_300 {offsets = [8], sizes = [1], strides = [1]} : vector<16xf32> to vector<1xf32>
        %squeeze3A_666 = vector.extract %slice3A_665[0] : f32 from vector<1xf32>
        %broadcast_in_dim3A_667 = vector.broadcast %squeeze3A_666 : f32 to vector<16xf32>
        %slice3A_668 = vector.extract_strided_slice %get3A_305 {offsets = [8], sizes = [1], strides = [1]} : vector<16xf32> to vector<1xf32>
        %squeeze3A_669 = vector.extract %slice3A_668[0] : f32 from vector<1xf32>
        %broadcast_in_dim3A_670 = vector.broadcast %squeeze3A_669 : f32 to vector<16xf32>
        %slice3A_671 = vector.extract_strided_slice %get3A_310 {offsets = [8], sizes = [1], strides = [1]} : vector<16xf32> to vector<1xf32>
        %squeeze3A_672 = vector.extract %slice3A_671[0] : f32 from vector<1xf32>
        %broadcast_in_dim3A_673 = vector.broadcast %squeeze3A_672 : f32 to vector<16xf32>
        %slice3A_674 = vector.extract_strided_slice %get3A_315 {offsets = [8], sizes = [1], strides = [1]} : vector<16xf32> to vector<1xf32>
        %squeeze3A_675 = vector.extract %slice3A_674[0] : f32 from vector<1xf32>
        %broadcast_in_dim3A_676 = vector.broadcast %squeeze3A_675 : f32 to vector<16xf32>
        %mul3A_677 = arith.mulf %get3A_174, %broadcast_in_dim3A_667 : vector<16xf32>
        %add3A_678 = arith.addf %mul3A_677, %get3A_234 : vector<16xf32>
        %mul3A_679 = arith.mulf %get3A_194, %broadcast_in_dim3A_670 : vector<16xf32>
        %add3A_680 = arith.addf %mul3A_679, %add3A_678 : vector<16xf32>
        %mul3A_681 = arith.mulf %get3A_214, %broadcast_in_dim3A_673 : vector<16xf32>
        %add3A_682 = arith.addf %mul3A_681, %add3A_680 : vector<16xf32>
        %add3A_683 = arith.addf %add3A_682, %broadcast_in_dim3A_676 : vector<16xf32>
        %min3A_684 = arith.minimumf %min3A_640, %add3A_683 : vector<16xf32>
        %mul3A_685 = arith.mulf %get3A_179, %broadcast_in_dim3A_667 : vector<16xf32>
        %add3A_686 = arith.addf %mul3A_685, %get3A_239 : vector<16xf32>
        %mul3A_687 = arith.mulf %get3A_199, %broadcast_in_dim3A_670 : vector<16xf32>
        %add3A_688 = arith.addf %mul3A_687, %add3A_686 : vector<16xf32>
        %mul3A_689 = arith.mulf %get3A_219, %broadcast_in_dim3A_673 : vector<16xf32>
        %add3A_690 = arith.addf %mul3A_689, %add3A_688 : vector<16xf32>
        %add3A_691 = arith.addf %add3A_690, %broadcast_in_dim3A_676 : vector<16xf32>
        %min3A_692 = arith.minimumf %min3A_648, %add3A_691 : vector<16xf32>
        %mul3A_693 = arith.mulf %get3A_184, %broadcast_in_dim3A_667 : vector<16xf32>
        %add3A_694 = arith.addf %mul3A_693, %get3A_244 : vector<16xf32>
        %mul3A_695 = arith.mulf %get3A_204, %broadcast_in_dim3A_670 : vector<16xf32>
        %add3A_696 = arith.addf %mul3A_695, %add3A_694 : vector<16xf32>
        %mul3A_697 = arith.mulf %get3A_224, %broadcast_in_dim3A_673 : vector<16xf32>
        %add3A_698 = arith.addf %mul3A_697, %add3A_696 : vector<16xf32>
        %add3A_699 = arith.addf %add3A_698, %broadcast_in_dim3A_676 : vector<16xf32>
        %min3A_700 = arith.minimumf %min3A_656, %add3A_699 : vector<16xf32>
        %mul3A_701 = arith.mulf %get3A_189, %broadcast_in_dim3A_667 : vector<16xf32>
        %add3A_702 = arith.addf %mul3A_701, %get3A_249 : vector<16xf32>
        %mul3A_703 = arith.mulf %get3A_209, %broadcast_in_dim3A_670 : vector<16xf32>
        %add3A_704 = arith.addf %mul3A_703, %add3A_702 : vector<16xf32>
        %mul3A_705 = arith.mulf %get3A_229, %broadcast_in_dim3A_673 : vector<16xf32>
        %add3A_706 = arith.addf %mul3A_705, %add3A_704 : vector<16xf32>
        %add3A_707 = arith.addf %add3A_706, %broadcast_in_dim3A_676 : vector<16xf32>
        %min3A_708 = arith.minimumf %min3A_664, %add3A_707 : vector<16xf32>
        %slice3A_709 = vector.extract_strided_slice %get3A_300 {offsets = [9], sizes = [1], strides = [1]} : vector<16xf32> to vector<1xf32>
        %squeeze3A_710 = vector.extract %slice3A_709[0] : f32 from vector<1xf32>
        %broadcast_in_dim3A_711 = vector.broadcast %squeeze3A_710 : f32 to vector<16xf32>
        %slice3A_712 = vector.extract_strided_slice %get3A_305 {offsets = [9], sizes = [1], strides = [1]} : vector<16xf32> to vector<1xf32>
        %squeeze3A_713 = vector.extract %slice3A_712[0] : f32 from vector<1xf32>
        %broadcast_in_dim3A_714 = vector.broadcast %squeeze3A_713 : f32 to vector<16xf32>
        %slice3A_715 = vector.extract_strided_slice %get3A_310 {offsets = [9], sizes = [1], strides = [1]} : vector<16xf32> to vector<1xf32>
        %squeeze3A_716 = vector.extract %slice3A_715[0] : f32 from vector<1xf32>
        %broadcast_in_dim3A_717 = vector.broadcast %squeeze3A_716 : f32 to vector<16xf32>
        %slice3A_718 = vector.extract_strided_slice %get3A_315 {offsets = [9], sizes = [1], strides = [1]} : vector<16xf32> to vector<1xf32>
        %squeeze3A_719 = vector.extract %slice3A_718[0] : f32 from vector<1xf32>
        %broadcast_in_dim3A_720 = vector.broadcast %squeeze3A_719 : f32 to vector<16xf32>
        %mul3A_721 = arith.mulf %get3A_174, %broadcast_in_dim3A_711 : vector<16xf32>
        %add3A_722 = arith.addf %mul3A_721, %get3A_234 : vector<16xf32>
        %mul3A_723 = arith.mulf %get3A_194, %broadcast_in_dim3A_714 : vector<16xf32>
        %add3A_724 = arith.addf %mul3A_723, %add3A_722 : vector<16xf32>
        %mul3A_725 = arith.mulf %get3A_214, %broadcast_in_dim3A_717 : vector<16xf32>
        %add3A_726 = arith.addf %mul3A_725, %add3A_724 : vector<16xf32>
        %add3A_727 = arith.addf %add3A_726, %broadcast_in_dim3A_720 : vector<16xf32>
        %min3A_728 = arith.minimumf %min3A_684, %add3A_727 : vector<16xf32>
        %mul3A_729 = arith.mulf %get3A_179, %broadcast_in_dim3A_711 : vector<16xf32>
        %add3A_730 = arith.addf %mul3A_729, %get3A_239 : vector<16xf32>
        %mul3A_731 = arith.mulf %get3A_199, %broadcast_in_dim3A_714 : vector<16xf32>
        %add3A_732 = arith.addf %mul3A_731, %add3A_730 : vector<16xf32>
        %mul3A_733 = arith.mulf %get3A_219, %broadcast_in_dim3A_717 : vector<16xf32>
        %add3A_734 = arith.addf %mul3A_733, %add3A_732 : vector<16xf32>
        %add3A_735 = arith.addf %add3A_734, %broadcast_in_dim3A_720 : vector<16xf32>
        %min3A_736 = arith.minimumf %min3A_692, %add3A_735 : vector<16xf32>
        %mul3A_737 = arith.mulf %get3A_184, %broadcast_in_dim3A_711 : vector<16xf32>
        %add3A_738 = arith.addf %mul3A_737, %get3A_244 : vector<16xf32>
        %mul3A_739 = arith.mulf %get3A_204, %broadcast_in_dim3A_714 : vector<16xf32>
        %add3A_740 = arith.addf %mul3A_739, %add3A_738 : vector<16xf32>
        %mul3A_741 = arith.mulf %get3A_224, %broadcast_in_dim3A_717 : vector<16xf32>
        %add3A_742 = arith.addf %mul3A_741, %add3A_740 : vector<16xf32>
        %add3A_743 = arith.addf %add3A_742, %broadcast_in_dim3A_720 : vector<16xf32>
        %min3A_744 = arith.minimumf %min3A_700, %add3A_743 : vector<16xf32>
        %mul3A_745 = arith.mulf %get3A_189, %broadcast_in_dim3A_711 : vector<16xf32>
        %add3A_746 = arith.addf %mul3A_745, %get3A_249 : vector<16xf32>
        %mul3A_747 = arith.mulf %get3A_209, %broadcast_in_dim3A_714 : vector<16xf32>
        %add3A_748 = arith.addf %mul3A_747, %add3A_746 : vector<16xf32>
        %mul3A_749 = arith.mulf %get3A_229, %broadcast_in_dim3A_717 : vector<16xf32>
        %add3A_750 = arith.addf %mul3A_749, %add3A_748 : vector<16xf32>
        %add3A_751 = arith.addf %add3A_750, %broadcast_in_dim3A_720 : vector<16xf32>
        %min3A_752 = arith.minimumf %min3A_708, %add3A_751 : vector<16xf32>
        %slice3A_753 = vector.extract_strided_slice %get3A_300 {offsets = [10], sizes = [1], strides = [1]} : vector<16xf32> to vector<1xf32>
        %squeeze3A_754 = vector.extract %slice3A_753[0] : f32 from vector<1xf32>
        %broadcast_in_dim3A_755 = vector.broadcast %squeeze3A_754 : f32 to vector<16xf32>
        %slice3A_756 = vector.extract_strided_slice %get3A_305 {offsets = [10], sizes = [1], strides = [1]} : vector<16xf32> to vector<1xf32>
        %squeeze3A_757 = vector.extract %slice3A_756[0] : f32 from vector<1xf32>
        %broadcast_in_dim3A_758 = vector.broadcast %squeeze3A_757 : f32 to vector<16xf32>
        %slice3A_759 = vector.extract_strided_slice %get3A_310 {offsets = [10], sizes = [1], strides = [1]} : vector<16xf32> to vector<1xf32>
        %squeeze3A_760 = vector.extract %slice3A_759[0] : f32 from vector<1xf32>
        %broadcast_in_dim3A_761 = vector.broadcast %squeeze3A_760 : f32 to vector<16xf32>
        %slice3A_762 = vector.extract_strided_slice %get3A_315 {offsets = [10], sizes = [1], strides = [1]} : vector<16xf32> to vector<1xf32>
        %squeeze3A_763 = vector.extract %slice3A_762[0] : f32 from vector<1xf32>
        %broadcast_in_dim3A_764 = vector.broadcast %squeeze3A_763 : f32 to vector<16xf32>
        %mul3A_765 = arith.mulf %get3A_174, %broadcast_in_dim3A_755 : vector<16xf32>
        %add3A_766 = arith.addf %mul3A_765, %get3A_234 : vector<16xf32>
        %mul3A_767 = arith.mulf %get3A_194, %broadcast_in_dim3A_758 : vector<16xf32>
        %add3A_768 = arith.addf %mul3A_767, %add3A_766 : vector<16xf32>
        %mul3A_769 = arith.mulf %get3A_214, %broadcast_in_dim3A_761 : vector<16xf32>
        %add3A_770 = arith.addf %mul3A_769, %add3A_768 : vector<16xf32>
        %add3A_771 = arith.addf %add3A_770, %broadcast_in_dim3A_764 : vector<16xf32>
        %min3A_772 = arith.minimumf %min3A_728, %add3A_771 : vector<16xf32>
        %mul3A_773 = arith.mulf %get3A_179, %broadcast_in_dim3A_755 : vector<16xf32>
        %add3A_774 = arith.addf %mul3A_773, %get3A_239 : vector<16xf32>
        %mul3A_775 = arith.mulf %get3A_199, %broadcast_in_dim3A_758 : vector<16xf32>
        %add3A_776 = arith.addf %mul3A_775, %add3A_774 : vector<16xf32>
        %mul3A_777 = arith.mulf %get3A_219, %broadcast_in_dim3A_761 : vector<16xf32>
        %add3A_778 = arith.addf %mul3A_777, %add3A_776 : vector<16xf32>
        %add3A_779 = arith.addf %add3A_778, %broadcast_in_dim3A_764 : vector<16xf32>
        %min3A_780 = arith.minimumf %min3A_736, %add3A_779 : vector<16xf32>
        %mul3A_781 = arith.mulf %get3A_184, %broadcast_in_dim3A_755 : vector<16xf32>
        %add3A_782 = arith.addf %mul3A_781, %get3A_244 : vector<16xf32>
        %mul3A_783 = arith.mulf %get3A_204, %broadcast_in_dim3A_758 : vector<16xf32>
        %add3A_784 = arith.addf %mul3A_783, %add3A_782 : vector<16xf32>
        %mul3A_785 = arith.mulf %get3A_224, %broadcast_in_dim3A_761 : vector<16xf32>
        %add3A_786 = arith.addf %mul3A_785, %add3A_784 : vector<16xf32>
        %add3A_787 = arith.addf %add3A_786, %broadcast_in_dim3A_764 : vector<16xf32>
        %min3A_788 = arith.minimumf %min3A_744, %add3A_787 : vector<16xf32>
        %mul3A_789 = arith.mulf %get3A_189, %broadcast_in_dim3A_755 : vector<16xf32>
        %add3A_790 = arith.addf %mul3A_789, %get3A_249 : vector<16xf32>
        %mul3A_791 = arith.mulf %get3A_209, %broadcast_in_dim3A_758 : vector<16xf32>
        %add3A_792 = arith.addf %mul3A_791, %add3A_790 : vector<16xf32>
        %mul3A_793 = arith.mulf %get3A_229, %broadcast_in_dim3A_761 : vector<16xf32>
        %add3A_794 = arith.addf %mul3A_793, %add3A_792 : vector<16xf32>
        %add3A_795 = arith.addf %add3A_794, %broadcast_in_dim3A_764 : vector<16xf32>
        %min3A_796 = arith.minimumf %min3A_752, %add3A_795 : vector<16xf32>
        %slice3A_797 = vector.extract_strided_slice %get3A_300 {offsets = [11], sizes = [1], strides = [1]} : vector<16xf32> to vector<1xf32>
        %squeeze3A_798 = vector.extract %slice3A_797[0] : f32 from vector<1xf32>
        %broadcast_in_dim3A_799 = vector.broadcast %squeeze3A_798 : f32 to vector<16xf32>
        %slice3A_800 = vector.extract_strided_slice %get3A_305 {offsets = [11], sizes = [1], strides = [1]} : vector<16xf32> to vector<1xf32>
        %squeeze3A_801 = vector.extract %slice3A_800[0] : f32 from vector<1xf32>
        %broadcast_in_dim3A_802 = vector.broadcast %squeeze3A_801 : f32 to vector<16xf32>
        %slice3A_803 = vector.extract_strided_slice %get3A_310 {offsets = [11], sizes = [1], strides = [1]} : vector<16xf32> to vector<1xf32>
        %squeeze3A_804 = vector.extract %slice3A_803[0] : f32 from vector<1xf32>
        %broadcast_in_dim3A_805 = vector.broadcast %squeeze3A_804 : f32 to vector<16xf32>
        %slice3A_806 = vector.extract_strided_slice %get3A_315 {offsets = [11], sizes = [1], strides = [1]} : vector<16xf32> to vector<1xf32>
        %squeeze3A_807 = vector.extract %slice3A_806[0] : f32 from vector<1xf32>
        %broadcast_in_dim3A_808 = vector.broadcast %squeeze3A_807 : f32 to vector<16xf32>
        %mul3A_809 = arith.mulf %get3A_174, %broadcast_in_dim3A_799 : vector<16xf32>
        %add3A_810 = arith.addf %mul3A_809, %get3A_234 : vector<16xf32>
        %mul3A_811 = arith.mulf %get3A_194, %broadcast_in_dim3A_802 : vector<16xf32>
        %add3A_812 = arith.addf %mul3A_811, %add3A_810 : vector<16xf32>
        %mul3A_813 = arith.mulf %get3A_214, %broadcast_in_dim3A_805 : vector<16xf32>
        %add3A_814 = arith.addf %mul3A_813, %add3A_812 : vector<16xf32>
        %add3A_815 = arith.addf %add3A_814, %broadcast_in_dim3A_808 : vector<16xf32>
        %min3A_816 = arith.minimumf %min3A_772, %add3A_815 : vector<16xf32>
        %mul3A_817 = arith.mulf %get3A_179, %broadcast_in_dim3A_799 : vector<16xf32>
        %add3A_818 = arith.addf %mul3A_817, %get3A_239 : vector<16xf32>
        %mul3A_819 = arith.mulf %get3A_199, %broadcast_in_dim3A_802 : vector<16xf32>
        %add3A_820 = arith.addf %mul3A_819, %add3A_818 : vector<16xf32>
        %mul3A_821 = arith.mulf %get3A_219, %broadcast_in_dim3A_805 : vector<16xf32>
        %add3A_822 = arith.addf %mul3A_821, %add3A_820 : vector<16xf32>
        %add3A_823 = arith.addf %add3A_822, %broadcast_in_dim3A_808 : vector<16xf32>
        %min3A_824 = arith.minimumf %min3A_780, %add3A_823 : vector<16xf32>
        %mul3A_825 = arith.mulf %get3A_184, %broadcast_in_dim3A_799 : vector<16xf32>
        %add3A_826 = arith.addf %mul3A_825, %get3A_244 : vector<16xf32>
        %mul3A_827 = arith.mulf %get3A_204, %broadcast_in_dim3A_802 : vector<16xf32>
        %add3A_828 = arith.addf %mul3A_827, %add3A_826 : vector<16xf32>
        %mul3A_829 = arith.mulf %get3A_224, %broadcast_in_dim3A_805 : vector<16xf32>
        %add3A_830 = arith.addf %mul3A_829, %add3A_828 : vector<16xf32>
        %add3A_831 = arith.addf %add3A_830, %broadcast_in_dim3A_808 : vector<16xf32>
        %min3A_832 = arith.minimumf %min3A_788, %add3A_831 : vector<16xf32>
        %mul3A_833 = arith.mulf %get3A_189, %broadcast_in_dim3A_799 : vector<16xf32>
        %add3A_834 = arith.addf %mul3A_833, %get3A_249 : vector<16xf32>
        %mul3A_835 = arith.mulf %get3A_209, %broadcast_in_dim3A_802 : vector<16xf32>
        %add3A_836 = arith.addf %mul3A_835, %add3A_834 : vector<16xf32>
        %mul3A_837 = arith.mulf %get3A_229, %broadcast_in_dim3A_805 : vector<16xf32>
        %add3A_838 = arith.addf %mul3A_837, %add3A_836 : vector<16xf32>
        %add3A_839 = arith.addf %add3A_838, %broadcast_in_dim3A_808 : vector<16xf32>
        %min3A_840 = arith.minimumf %min3A_796, %add3A_839 : vector<16xf32>
        %slice3A_841 = vector.extract_strided_slice %get3A_300 {offsets = [12], sizes = [1], strides = [1]} : vector<16xf32> to vector<1xf32>
        %squeeze3A_842 = vector.extract %slice3A_841[0] : f32 from vector<1xf32>
        %broadcast_in_dim3A_843 = vector.broadcast %squeeze3A_842 : f32 to vector<16xf32>
        %slice3A_844 = vector.extract_strided_slice %get3A_305 {offsets = [12], sizes = [1], strides = [1]} : vector<16xf32> to vector<1xf32>
        %squeeze3A_845 = vector.extract %slice3A_844[0] : f32 from vector<1xf32>
        %broadcast_in_dim3A_846 = vector.broadcast %squeeze3A_845 : f32 to vector<16xf32>
        %slice3A_847 = vector.extract_strided_slice %get3A_310 {offsets = [12], sizes = [1], strides = [1]} : vector<16xf32> to vector<1xf32>
        %squeeze3A_848 = vector.extract %slice3A_847[0] : f32 from vector<1xf32>
        %broadcast_in_dim3A_849 = vector.broadcast %squeeze3A_848 : f32 to vector<16xf32>
        %slice3A_850 = vector.extract_strided_slice %get3A_315 {offsets = [12], sizes = [1], strides = [1]} : vector<16xf32> to vector<1xf32>
        %squeeze3A_851 = vector.extract %slice3A_850[0] : f32 from vector<1xf32>
        %broadcast_in_dim3A_852 = vector.broadcast %squeeze3A_851 : f32 to vector<16xf32>
        %mul3A_853 = arith.mulf %get3A_174, %broadcast_in_dim3A_843 : vector<16xf32>
        %add3A_854 = arith.addf %mul3A_853, %get3A_234 : vector<16xf32>
        %mul3A_855 = arith.mulf %get3A_194, %broadcast_in_dim3A_846 : vector<16xf32>
        %add3A_856 = arith.addf %mul3A_855, %add3A_854 : vector<16xf32>
        %mul3A_857 = arith.mulf %get3A_214, %broadcast_in_dim3A_849 : vector<16xf32>
        %add3A_858 = arith.addf %mul3A_857, %add3A_856 : vector<16xf32>
        %add3A_859 = arith.addf %add3A_858, %broadcast_in_dim3A_852 : vector<16xf32>
        %min3A_860 = arith.minimumf %min3A_816, %add3A_859 : vector<16xf32>
        %mul3A_861 = arith.mulf %get3A_179, %broadcast_in_dim3A_843 : vector<16xf32>
        %add3A_862 = arith.addf %mul3A_861, %get3A_239 : vector<16xf32>
        %mul3A_863 = arith.mulf %get3A_199, %broadcast_in_dim3A_846 : vector<16xf32>
        %add3A_864 = arith.addf %mul3A_863, %add3A_862 : vector<16xf32>
        %mul3A_865 = arith.mulf %get3A_219, %broadcast_in_dim3A_849 : vector<16xf32>
        %add3A_866 = arith.addf %mul3A_865, %add3A_864 : vector<16xf32>
        %add3A_867 = arith.addf %add3A_866, %broadcast_in_dim3A_852 : vector<16xf32>
        %min3A_868 = arith.minimumf %min3A_824, %add3A_867 : vector<16xf32>
        %mul3A_869 = arith.mulf %get3A_184, %broadcast_in_dim3A_843 : vector<16xf32>
        %add3A_870 = arith.addf %mul3A_869, %get3A_244 : vector<16xf32>
        %mul3A_871 = arith.mulf %get3A_204, %broadcast_in_dim3A_846 : vector<16xf32>
        %add3A_872 = arith.addf %mul3A_871, %add3A_870 : vector<16xf32>
        %mul3A_873 = arith.mulf %get3A_224, %broadcast_in_dim3A_849 : vector<16xf32>
        %add3A_874 = arith.addf %mul3A_873, %add3A_872 : vector<16xf32>
        %add3A_875 = arith.addf %add3A_874, %broadcast_in_dim3A_852 : vector<16xf32>
        %min3A_876 = arith.minimumf %min3A_832, %add3A_875 : vector<16xf32>
        %mul3A_877 = arith.mulf %get3A_189, %broadcast_in_dim3A_843 : vector<16xf32>
        %add3A_878 = arith.addf %mul3A_877, %get3A_249 : vector<16xf32>
        %mul3A_879 = arith.mulf %get3A_209, %broadcast_in_dim3A_846 : vector<16xf32>
        %add3A_880 = arith.addf %mul3A_879, %add3A_878 : vector<16xf32>
        %mul3A_881 = arith.mulf %get3A_229, %broadcast_in_dim3A_849 : vector<16xf32>
        %add3A_882 = arith.addf %mul3A_881, %add3A_880 : vector<16xf32>
        %add3A_883 = arith.addf %add3A_882, %broadcast_in_dim3A_852 : vector<16xf32>
        %min3A_884 = arith.minimumf %min3A_840, %add3A_883 : vector<16xf32>
        %slice3A_885 = vector.extract_strided_slice %get3A_300 {offsets = [13], sizes = [1], strides = [1]} : vector<16xf32> to vector<1xf32>
        %squeeze3A_886 = vector.extract %slice3A_885[0] : f32 from vector<1xf32>
        %broadcast_in_dim3A_887 = vector.broadcast %squeeze3A_886 : f32 to vector<16xf32>
        %slice3A_888 = vector.extract_strided_slice %get3A_305 {offsets = [13], sizes = [1], strides = [1]} : vector<16xf32> to vector<1xf32>
        %squeeze3A_889 = vector.extract %slice3A_888[0] : f32 from vector<1xf32>
        %broadcast_in_dim3A_890 = vector.broadcast %squeeze3A_889 : f32 to vector<16xf32>
        %slice3A_891 = vector.extract_strided_slice %get3A_310 {offsets = [13], sizes = [1], strides = [1]} : vector<16xf32> to vector<1xf32>
        %squeeze3A_892 = vector.extract %slice3A_891[0] : f32 from vector<1xf32>
        %broadcast_in_dim3A_893 = vector.broadcast %squeeze3A_892 : f32 to vector<16xf32>
        %slice3A_894 = vector.extract_strided_slice %get3A_315 {offsets = [13], sizes = [1], strides = [1]} : vector<16xf32> to vector<1xf32>
        %squeeze3A_895 = vector.extract %slice3A_894[0] : f32 from vector<1xf32>
        %broadcast_in_dim3A_896 = vector.broadcast %squeeze3A_895 : f32 to vector<16xf32>
        %mul3A_897 = arith.mulf %get3A_174, %broadcast_in_dim3A_887 : vector<16xf32>
        %add3A_898 = arith.addf %mul3A_897, %get3A_234 : vector<16xf32>
        %mul3A_899 = arith.mulf %get3A_194, %broadcast_in_dim3A_890 : vector<16xf32>
        %add3A_900 = arith.addf %mul3A_899, %add3A_898 : vector<16xf32>
        %mul3A_901 = arith.mulf %get3A_214, %broadcast_in_dim3A_893 : vector<16xf32>
        %add3A_902 = arith.addf %mul3A_901, %add3A_900 : vector<16xf32>
        %add3A_903 = arith.addf %add3A_902, %broadcast_in_dim3A_896 : vector<16xf32>
        %min3A_904 = arith.minimumf %min3A_860, %add3A_903 : vector<16xf32>
        %mul3A_905 = arith.mulf %get3A_179, %broadcast_in_dim3A_887 : vector<16xf32>
        %add3A_906 = arith.addf %mul3A_905, %get3A_239 : vector<16xf32>
        %mul3A_907 = arith.mulf %get3A_199, %broadcast_in_dim3A_890 : vector<16xf32>
        %add3A_908 = arith.addf %mul3A_907, %add3A_906 : vector<16xf32>
        %mul3A_909 = arith.mulf %get3A_219, %broadcast_in_dim3A_893 : vector<16xf32>
        %add3A_910 = arith.addf %mul3A_909, %add3A_908 : vector<16xf32>
        %add3A_911 = arith.addf %add3A_910, %broadcast_in_dim3A_896 : vector<16xf32>
        %min3A_912 = arith.minimumf %min3A_868, %add3A_911 : vector<16xf32>
        %mul3A_913 = arith.mulf %get3A_184, %broadcast_in_dim3A_887 : vector<16xf32>
        %add3A_914 = arith.addf %mul3A_913, %get3A_244 : vector<16xf32>
        %mul3A_915 = arith.mulf %get3A_204, %broadcast_in_dim3A_890 : vector<16xf32>
        %add3A_916 = arith.addf %mul3A_915, %add3A_914 : vector<16xf32>
        %mul3A_917 = arith.mulf %get3A_224, %broadcast_in_dim3A_893 : vector<16xf32>
        %add3A_918 = arith.addf %mul3A_917, %add3A_916 : vector<16xf32>
        %add3A_919 = arith.addf %add3A_918, %broadcast_in_dim3A_896 : vector<16xf32>
        %min3A_920 = arith.minimumf %min3A_876, %add3A_919 : vector<16xf32>
        %mul3A_921 = arith.mulf %get3A_189, %broadcast_in_dim3A_887 : vector<16xf32>
        %add3A_922 = arith.addf %mul3A_921, %get3A_249 : vector<16xf32>
        %mul3A_923 = arith.mulf %get3A_209, %broadcast_in_dim3A_890 : vector<16xf32>
        %add3A_924 = arith.addf %mul3A_923, %add3A_922 : vector<16xf32>
        %mul3A_925 = arith.mulf %get3A_229, %broadcast_in_dim3A_893 : vector<16xf32>
        %add3A_926 = arith.addf %mul3A_925, %add3A_924 : vector<16xf32>
        %add3A_927 = arith.addf %add3A_926, %broadcast_in_dim3A_896 : vector<16xf32>
        %min3A_928 = arith.minimumf %min3A_884, %add3A_927 : vector<16xf32>
        %slice3A_929 = vector.extract_strided_slice %get3A_300 {offsets = [14], sizes = [1], strides = [1]} : vector<16xf32> to vector<1xf32>
        %squeeze3A_930 = vector.extract %slice3A_929[0] : f32 from vector<1xf32>
        %broadcast_in_dim3A_931 = vector.broadcast %squeeze3A_930 : f32 to vector<16xf32>
        %slice3A_932 = vector.extract_strided_slice %get3A_305 {offsets = [14], sizes = [1], strides = [1]} : vector<16xf32> to vector<1xf32>
        %squeeze3A_933 = vector.extract %slice3A_932[0] : f32 from vector<1xf32>
        %broadcast_in_dim3A_934 = vector.broadcast %squeeze3A_933 : f32 to vector<16xf32>
        %slice3A_935 = vector.extract_strided_slice %get3A_310 {offsets = [14], sizes = [1], strides = [1]} : vector<16xf32> to vector<1xf32>
        %squeeze3A_936 = vector.extract %slice3A_935[0] : f32 from vector<1xf32>
        %broadcast_in_dim3A_937 = vector.broadcast %squeeze3A_936 : f32 to vector<16xf32>
        %slice3A_938 = vector.extract_strided_slice %get3A_315 {offsets = [14], sizes = [1], strides = [1]} : vector<16xf32> to vector<1xf32>
        %squeeze3A_939 = vector.extract %slice3A_938[0] : f32 from vector<1xf32>
        %broadcast_in_dim3A_940 = vector.broadcast %squeeze3A_939 : f32 to vector<16xf32>
        %mul3A_941 = arith.mulf %get3A_174, %broadcast_in_dim3A_931 : vector<16xf32>
        %add3A_942 = arith.addf %mul3A_941, %get3A_234 : vector<16xf32>
        %mul3A_943 = arith.mulf %get3A_194, %broadcast_in_dim3A_934 : vector<16xf32>
        %add3A_944 = arith.addf %mul3A_943, %add3A_942 : vector<16xf32>
        %mul3A_945 = arith.mulf %get3A_214, %broadcast_in_dim3A_937 : vector<16xf32>
        %add3A_946 = arith.addf %mul3A_945, %add3A_944 : vector<16xf32>
        %add3A_947 = arith.addf %add3A_946, %broadcast_in_dim3A_940 : vector<16xf32>
        %min3A_948 = arith.minimumf %min3A_904, %add3A_947 : vector<16xf32>
        %mul3A_949 = arith.mulf %get3A_179, %broadcast_in_dim3A_931 : vector<16xf32>
        %add3A_950 = arith.addf %mul3A_949, %get3A_239 : vector<16xf32>
        %mul3A_951 = arith.mulf %get3A_199, %broadcast_in_dim3A_934 : vector<16xf32>
        %add3A_952 = arith.addf %mul3A_951, %add3A_950 : vector<16xf32>
        %mul3A_953 = arith.mulf %get3A_219, %broadcast_in_dim3A_937 : vector<16xf32>
        %add3A_954 = arith.addf %mul3A_953, %add3A_952 : vector<16xf32>
        %add3A_955 = arith.addf %add3A_954, %broadcast_in_dim3A_940 : vector<16xf32>
        %min3A_956 = arith.minimumf %min3A_912, %add3A_955 : vector<16xf32>
        %mul3A_957 = arith.mulf %get3A_184, %broadcast_in_dim3A_931 : vector<16xf32>
        %add3A_958 = arith.addf %mul3A_957, %get3A_244 : vector<16xf32>
        %mul3A_959 = arith.mulf %get3A_204, %broadcast_in_dim3A_934 : vector<16xf32>
        %add3A_960 = arith.addf %mul3A_959, %add3A_958 : vector<16xf32>
        %mul3A_961 = arith.mulf %get3A_224, %broadcast_in_dim3A_937 : vector<16xf32>
        %add3A_962 = arith.addf %mul3A_961, %add3A_960 : vector<16xf32>
        %add3A_963 = arith.addf %add3A_962, %broadcast_in_dim3A_940 : vector<16xf32>
        %min3A_964 = arith.minimumf %min3A_920, %add3A_963 : vector<16xf32>
        %mul3A_965 = arith.mulf %get3A_189, %broadcast_in_dim3A_931 : vector<16xf32>
        %add3A_966 = arith.addf %mul3A_965, %get3A_249 : vector<16xf32>
        %mul3A_967 = arith.mulf %get3A_209, %broadcast_in_dim3A_934 : vector<16xf32>
        %add3A_968 = arith.addf %mul3A_967, %add3A_966 : vector<16xf32>
        %mul3A_969 = arith.mulf %get3A_229, %broadcast_in_dim3A_937 : vector<16xf32>
        %add3A_970 = arith.addf %mul3A_969, %add3A_968 : vector<16xf32>
        %add3A_971 = arith.addf %add3A_970, %broadcast_in_dim3A_940 : vector<16xf32>
        %min3A_972 = arith.minimumf %min3A_928, %add3A_971 : vector<16xf32>
        %slice3A_973 = vector.extract_strided_slice %get3A_300 {offsets = [15], sizes = [1], strides = [1]} : vector<16xf32> to vector<1xf32>
        %squeeze3A_974 = vector.extract %slice3A_973[0] : f32 from vector<1xf32>
        %broadcast_in_dim3A_975 = vector.broadcast %squeeze3A_974 : f32 to vector<16xf32>
        %slice3A_976 = vector.extract_strided_slice %get3A_305 {offsets = [15], sizes = [1], strides = [1]} : vector<16xf32> to vector<1xf32>
        %squeeze3A_977 = vector.extract %slice3A_976[0] : f32 from vector<1xf32>
        %broadcast_in_dim3A_978 = vector.broadcast %squeeze3A_977 : f32 to vector<16xf32>
        %slice3A_979 = vector.extract_strided_slice %get3A_310 {offsets = [15], sizes = [1], strides = [1]} : vector<16xf32> to vector<1xf32>
        %squeeze3A_980 = vector.extract %slice3A_979[0] : f32 from vector<1xf32>
        %broadcast_in_dim3A_981 = vector.broadcast %squeeze3A_980 : f32 to vector<16xf32>
        %slice3A_982 = vector.extract_strided_slice %get3A_315 {offsets = [15], sizes = [1], strides = [1]} : vector<16xf32> to vector<1xf32>
        %squeeze3A_983 = vector.extract %slice3A_982[0] : f32 from vector<1xf32>
        %broadcast_in_dim3A_984 = vector.broadcast %squeeze3A_983 : f32 to vector<16xf32>
        %mul3A_985 = arith.mulf %get3A_174, %broadcast_in_dim3A_975 : vector<16xf32>
        %add3A_986 = arith.addf %mul3A_985, %get3A_234 : vector<16xf32>
        %mul3A_987 = arith.mulf %get3A_194, %broadcast_in_dim3A_978 : vector<16xf32>
        %add3A_988 = arith.addf %mul3A_987, %add3A_986 : vector<16xf32>
        %mul3A_989 = arith.mulf %get3A_214, %broadcast_in_dim3A_981 : vector<16xf32>
        %add3A_990 = arith.addf %mul3A_989, %add3A_988 : vector<16xf32>
        %add3A_991 = arith.addf %add3A_990, %broadcast_in_dim3A_984 : vector<16xf32>
        %min3A_992 = arith.minimumf %min3A_948, %add3A_991 : vector<16xf32>
        %mul3A_993 = arith.mulf %get3A_179, %broadcast_in_dim3A_975 : vector<16xf32>
        %add3A_994 = arith.addf %mul3A_993, %get3A_239 : vector<16xf32>
        %mul3A_995 = arith.mulf %get3A_199, %broadcast_in_dim3A_978 : vector<16xf32>
        %add3A_996 = arith.addf %mul3A_995, %add3A_994 : vector<16xf32>
        %mul3A_997 = arith.mulf %get3A_219, %broadcast_in_dim3A_981 : vector<16xf32>
        %add3A_998 = arith.addf %mul3A_997, %add3A_996 : vector<16xf32>
        %add3A_999 = arith.addf %add3A_998, %broadcast_in_dim3A_984 : vector<16xf32>
        %min3A_1000 = arith.minimumf %min3A_956, %add3A_999 : vector<16xf32>
        %mul3A_1001 = arith.mulf %get3A_184, %broadcast_in_dim3A_975 : vector<16xf32>
        %add3A_1002 = arith.addf %mul3A_1001, %get3A_244 : vector<16xf32>
        %mul3A_1003 = arith.mulf %get3A_204, %broadcast_in_dim3A_978 : vector<16xf32>
        %add3A_1004 = arith.addf %mul3A_1003, %add3A_1002 : vector<16xf32>
        %mul3A_1005 = arith.mulf %get3A_224, %broadcast_in_dim3A_981 : vector<16xf32>
        %add3A_1006 = arith.addf %mul3A_1005, %add3A_1004 : vector<16xf32>
        %add3A_1007 = arith.addf %add3A_1006, %broadcast_in_dim3A_984 : vector<16xf32>
        %min3A_1008 = arith.minimumf %min3A_964, %add3A_1007 : vector<16xf32>
        %mul3A_1009 = arith.mulf %get3A_189, %broadcast_in_dim3A_975 : vector<16xf32>
        %add3A_1010 = arith.addf %mul3A_1009, %get3A_249 : vector<16xf32>
        %mul3A_1011 = arith.mulf %get3A_209, %broadcast_in_dim3A_978 : vector<16xf32>
        %add3A_1012 = arith.addf %mul3A_1011, %add3A_1010 : vector<16xf32>
        %mul3A_1013 = arith.mulf %get3A_229, %broadcast_in_dim3A_981 : vector<16xf32>
        %add3A_1014 = arith.addf %mul3A_1013, %add3A_1012 : vector<16xf32>
        %add3A_1015 = arith.addf %add3A_1014, %broadcast_in_dim3A_984 : vector<16xf32>
        %min3A_1016 = arith.minimumf %min3A_972, %add3A_1015 : vector<16xf32>
        scf.yield %min3A_992, %min3A_1000, %min3A_1008, %min3A_1016 : vector<16xf32>, vector<16xf32>, vector<16xf32>, vector<16xf32>
      }
      %scan3A_256 = arith.constant 256 : i32
      %max3A = arith.constant 0.000000e+00 : f32
      %max3A_257 = vector.broadcast %max3A : f32 to vector<16xf32>
      %max3A_258 = arith.maximumf %scan3A_255#0, %max3A_257 : vector<16xf32>
      %add3A_259 = arith.constant 0 : i32
      %add3A_260 = arith.addi %mul3A_170, %add3A_259 : i32
      %swap3A = arith.index_cast %add3A_260 : i32 to index
      %swap3A_261 = tpu.vector_load %arg17[%swap3A] {strides = array<i32>} : memref<512xf32, #tpu.memory_space<vmem>>, vector<16xf32>,
      %swap3A_262 = vector.shape_cast %swap3A_261 : vector<16xf32> to vector<16xf32>
      %swap3A_263 = vector.shape_cast %max3A_258 : vector<16xf32> to vector<16xf32>
      tpu.vector_store %arg17[%swap3A], %swap3A_263 {strides = array<i32>} : memref<512xf32, #tpu.memory_space<vmem>>, vector<16xf32>,
      %max3A_264 = arith.constant 0.000000e+00 : f32
      %max3A_265 = vector.broadcast %max3A_264 : f32 to vector<16xf32>
      %max3A_266 = arith.maximumf %scan3A_255#1, %max3A_265 : vector<16xf32>
      %add3A_267 = arith.constant 16 : i32
      %add3A_268 = arith.addi %mul3A_170, %add3A_267 : i32
      %swap3A_269 = arith.index_cast %add3A_268 : i32 to index
      %swap3A_270 = tpu.vector_load %arg17[%swap3A_269] {strides = array<i32>} : memref<512xf32, #tpu.memory_space<vmem>>, vector<16xf32>,
      %swap3A_271 = vector.shape_cast %swap3A_270 : vector<16xf32> to vector<16xf32>
      %swap3A_272 = vector.shape_cast %max3A_266 : vector<16xf32> to vector<16xf32>
      tpu.vector_store %arg17[%swap3A_269], %swap3A_272 {strides = array<i32>} : memref<512xf32, #tpu.memory_space<vmem>>, vector<16xf32>,
      %max3A_273 = arith.constant 0.000000e+00 : f32
      %max3A_274 = vector.broadcast %max3A_273 : f32 to vector<16xf32>
      %max3A_275 = arith.maximumf %scan3A_255#2, %max3A_274 : vector<16xf32>
      %add3A_276 = arith.constant 32 : i32
      %add3A_277 = arith.addi %mul3A_170, %add3A_276 : i32
      %swap3A_278 = arith.index_cast %add3A_277 : i32 to index
      %swap3A_279 = tpu.vector_load %arg17[%swap3A_278] {strides = array<i32>} : memref<512xf32, #tpu.memory_space<vmem>>, vector<16xf32>,
      %swap3A_280 = vector.shape_cast %swap3A_279 : vector<16xf32> to vector<16xf32>
      %swap3A_281 = vector.shape_cast %max3A_275 : vector<16xf32> to vector<16xf32>
      tpu.vector_store %arg17[%swap3A_278], %swap3A_281 {strides = array<i32>} : memref<512xf32, #tpu.memory_space<vmem>>, vector<16xf32>,
      %max3A_282 = arith.constant 0.000000e+00 : f32
      %max3A_283 = vector.broadcast %max3A_282 : f32 to vector<16xf32>
      %max3A_284 = arith.maximumf %scan3A_255#3, %max3A_283 : vector<16xf32>
      %add3A_285 = arith.constant 48 : i32
      %add3A_286 = arith.addi %mul3A_170, %add3A_285 : i32
      %swap3A_287 = arith.index_cast %add3A_286 : i32 to index
      %swap3A_288 = tpu.vector_load %arg17[%swap3A_287] {strides = array<i32>} : memref<512xf32, #tpu.memory_space<vmem>>, vector<16xf32>,
      %swap3A_289 = vector.shape_cast %swap3A_288 : vector<16xf32> to vector<16xf32>
      %swap3A_290 = vector.shape_cast %max3A_284 : vector<16xf32> to vector<16xf32>
      tpu.vector_store %arg17[%swap3A_287], %swap3A_290 {strides = array<i32>} : memref<512xf32, #tpu.memory_space<vmem>>, vector<16xf32>,
    }
    %scan3A_81 = arith.constant 8 : i32
    %mul3A_82 = arith.constant 4096 : i32
    %mul3A_83 = arith.muli %add3A, %mul3A_82 : i32
    %add3A_84 = arith.addi %mul3A_83, %mul3A_32 : i32
    "tpu.region"() ({
      %run_scoped3A = tpu.sem_alloc : memref<!tpu.dma_semaphore, #tpu.memory_space<semaphore_mem>>
      %dma_start3A = tpu.memref_slice %arg6[%add3A_84] : memref<16384xf32, #tpu.memory_space<hbm>> -> memref<512xf32, #tpu.memory_space<hbm>>
      %dma_start3A_168 = tpu.memref_slice %arg6[%add3A_84] : memref<16384xf32, #tpu.memory_space<hbm>> -> memref<512xf32, #tpu.memory_space<hbm>>
      tpu.enqueue_dma source(%arg17 : memref<512xf32, #tpu.memory_space<vmem>>) target(%dma_start3A_168 : memref<512xf32, #tpu.memory_space<hbm>>) target_semaphore(%run_scoped3A : memref<!tpu.dma_semaphore, #tpu.memory_space<semaphore_mem>>)
      %dma_wait3A = tpu.memref_slice %arg6[%add3A_84] : memref<16384xf32, #tpu.memory_space<hbm>> -> memref<512xf32, #tpu.memory_space<hbm>>
      %dma_wait3A_169 = tpu.memref_slice %arg6[%add3A_84] : memref<16384xf32, #tpu.memory_space<hbm>> -> memref<512xf32, #tpu.memory_space<hbm>>
      tpu.wait_dma2 semaphore(%run_scoped3A : memref<!tpu.dma_semaphore, #tpu.memory_space<semaphore_mem>>) src(%arg17 : memref<512xf32, #tpu.memory_space<vmem>>) dst(%dma_wait3A_169 : memref<512xf32, #tpu.memory_space<hbm>>)
      tpu.yield
    }) : () -> ()
    %scan3A_85 = arith.constant 0 : i32
    %scan3A_86 = arith.constant 0 : i32
    %scan3A_87 = arith.constant 64 : i32
    %scan3A_88 = arith.addi %scan3A_86, %scan3A_87 : i32
    %scan3A_89 = arith.constant 1 : i32
    scf.for %scan3A_168 = %scan3A_86 to %scan3A_88 step %scan3A_89  : i32 {
      %mul3A_169 = arith.constant 64 : i32
      %mul3A_170 = arith.muli %scan3A_168, %mul3A_169 : i32
      %add3A_171 = arith.constant 0 : i32
      %add3A_172 = arith.addi %mul3A_170, %add3A_171 : i32
      %get3A = arith.index_cast %add3A_172 : i32 to index
      %get3A_173 = tpu.vector_load %arg8[%get3A] {strides = array<i32>} : memref<4096xf32, #tpu.memory_space<vmem>>, vector<16xf32>,
      %get3A_174 = vector.shape_cast %get3A_173 : vector<16xf32> to vector<16xf32>
      %add3A_175 = arith.constant 16 : i32
      %add3A_176 = arith.addi %mul3A_170, %add3A_175 : i32
      %get3A_177 = arith.index_cast %add3A_176 : i32 to index
      %get3A_178 = tpu.vector_load %arg8[%get3A_177] {strides = array<i32>} : memref<4096xf32, #tpu.memory_space<vmem>>, vector<16xf32>,
      %get3A_179 = vector.shape_cast %get3A_178 : vector<16xf32> to vector<16xf32>
      %add3A_180 = arith.constant 32 : i32
      %add3A_181 = arith.addi %mul3A_170, %add3A_180 : i32
      %get3A_182 = arith.index_cast %add3A_181 : i32 to index
      %get3A_183 = tpu.vector_load %arg8[%get3A_182] {strides = array<i32>} : memref<4096xf32, #tpu.memory_space<vmem>>, vector<16xf32>,
      %get3A_184 = vector.shape_cast %get3A_183 : vector<16xf32> to vector<16xf32>
      %add3A_185 = arith.constant 48 : i32
      %add3A_186 = arith.addi %mul3A_170, %add3A_185 : i32
      %get3A_187 = arith.index_cast %add3A_186 : i32 to index
      %get3A_188 = tpu.vector_load %arg8[%get3A_187] {strides = array<i32>} : memref<4096xf32, #tpu.memory_space<vmem>>, vector<16xf32>,
      %get3A_189 = vector.shape_cast %get3A_188 : vector<16xf32> to vector<16xf32>
      %add3A_190 = arith.constant 0 : i32
      %add3A_191 = arith.addi %mul3A_170, %add3A_190 : i32
      %get3A_192 = arith.index_cast %add3A_191 : i32 to index
      %get3A_193 = tpu.vector_load %arg9[%get3A_192] {strides = array<i32>} : memref<4096xf32, #tpu.memory_space<vmem>>, vector<16xf32>,
      %get3A_194 = vector.shape_cast %get3A_193 : vector<16xf32> to vector<16xf32>
      %add3A_195 = arith.constant 16 : i32
      %add3A_196 = arith.addi %mul3A_170, %add3A_195 : i32
      %get3A_197 = arith.index_cast %add3A_196 : i32 to index
      %get3A_198 = tpu.vector_load %arg9[%get3A_197] {strides = array<i32>} : memref<4096xf32, #tpu.memory_space<vmem>>, vector<16xf32>,
      %get3A_199 = vector.shape_cast %get3A_198 : vector<16xf32> to vector<16xf32>
      %add3A_200 = arith.constant 32 : i32
      %add3A_201 = arith.addi %mul3A_170, %add3A_200 : i32
      %get3A_202 = arith.index_cast %add3A_201 : i32 to index
      %get3A_203 = tpu.vector_load %arg9[%get3A_202] {strides = array<i32>} : memref<4096xf32, #tpu.memory_space<vmem>>, vector<16xf32>,
      %get3A_204 = vector.shape_cast %get3A_203 : vector<16xf32> to vector<16xf32>
      %add3A_205 = arith.constant 48 : i32
      %add3A_206 = arith.addi %mul3A_170, %add3A_205 : i32
      %get3A_207 = arith.index_cast %add3A_206 : i32 to index
      %get3A_208 = tpu.vector_load %arg9[%get3A_207] {strides = array<i32>} : memref<4096xf32, #tpu.memory_space<vmem>>, vector<16xf32>,
      %get3A_209 = vector.shape_cast %get3A_208 : vector<16xf32> to vector<16xf32>
      %add3A_210 = arith.constant 0 : i32
      %add3A_211 = arith.addi %mul3A_170, %add3A_210 : i32
      %get3A_212 = arith.index_cast %add3A_211 : i32 to index
      %get3A_213 = tpu.vector_load %arg10[%get3A_212] {strides = array<i32>} : memref<4096xf32, #tpu.memory_space<vmem>>, vector<16xf32>,
      %get3A_214 = vector.shape_cast %get3A_213 : vector<16xf32> to vector<16xf32>
      %add3A_215 = arith.constant 16 : i32
      %add3A_216 = arith.addi %mul3A_170, %add3A_215 : i32
      %get3A_217 = arith.index_cast %add3A_216 : i32 to index
      %get3A_218 = tpu.vector_load %arg10[%get3A_217] {strides = array<i32>} : memref<4096xf32, #tpu.memory_space<vmem>>, vector<16xf32>,
      %get3A_219 = vector.shape_cast %get3A_218 : vector<16xf32> to vector<16xf32>
      %add3A_220 = arith.constant 32 : i32
      %add3A_221 = arith.addi %mul3A_170, %add3A_220 : i32
      %get3A_222 = arith.index_cast %add3A_221 : i32 to index
      %get3A_223 = tpu.vector_load %arg10[%get3A_222] {strides = array<i32>} : memref<4096xf32, #tpu.memory_space<vmem>>, vector<16xf32>,
      %get3A_224 = vector.shape_cast %get3A_223 : vector<16xf32> to vector<16xf32>
      %add3A_225 = arith.constant 48 : i32
      %add3A_226 = arith.addi %mul3A_170, %add3A_225 : i32
      %get3A_227 = arith.index_cast %add3A_226 : i32 to index
      %get3A_228 = tpu.vector_load %arg10[%get3A_227] {strides = array<i32>} : memref<4096xf32, #tpu.memory_space<vmem>>, vector<16xf32>,
      %get3A_229 = vector.shape_cast %get3A_228 : vector<16xf32> to vector<16xf32>
      %add3A_230 = arith.constant 0 : i32
      %add3A_231 = arith.addi %mul3A_170, %add3A_230 : i32
      %get3A_232 = arith.index_cast %add3A_231 : i32 to index
      %get3A_233 = tpu.vector_load %arg11[%get3A_232] {strides = array<i32>} : memref<4096xf32, #tpu.memory_space<vmem>>, vector<16xf32>,
      %get3A_234 = vector.shape_cast %get3A_233 : vector<16xf32> to vector<16xf32>
      %add3A_235 = arith.constant 16 : i32
      %add3A_236 = arith.addi %mul3A_170, %add3A_235 : i32
      %get3A_237 = arith.index_cast %add3A_236 : i32 to index
      %get3A_238 = tpu.vector_load %arg11[%get3A_237] {strides = array<i32>} : memref<4096xf32, #tpu.memory_space<vmem>>, vector<16xf32>,
      %get3A_239 = vector.shape_cast %get3A_238 : vector<16xf32> to vector<16xf32>
      %add3A_240 = arith.constant 32 : i32
      %add3A_241 = arith.addi %mul3A_170, %add3A_240 : i32
      %get3A_242 = arith.index_cast %add3A_241 : i32 to index
      %get3A_243 = tpu.vector_load %arg11[%get3A_242] {strides = array<i32>} : memref<4096xf32, #tpu.memory_space<vmem>>, vector<16xf32>,
      %get3A_244 = vector.shape_cast %get3A_243 : vector<16xf32> to vector<16xf32>
      %add3A_245 = arith.constant 48 : i32
      %add3A_246 = arith.addi %mul3A_170, %add3A_245 : i32
      %get3A_247 = arith.index_cast %add3A_246 : i32 to index
      %get3A_248 = tpu.vector_load %arg11[%get3A_247] {strides = array<i32>} : memref<4096xf32, #tpu.memory_space<vmem>>, vector<16xf32>,
      %get3A_249 = vector.shape_cast %get3A_248 : vector<16xf32> to vector<16xf32>
      %broadcast_in_dim3A = arith.constant 0x7F800000 : f32
      %broadcast_in_dim3A_250 = vector.broadcast %broadcast_in_dim3A : f32 to vector<16xf32>
      %scan3A_251 = arith.constant 0 : i32
      %scan3A_252 = arith.constant 32 : i32
      %scan3A_253 = arith.addi %scan3A_251, %scan3A_252 : i32
      %scan3A_254 = arith.constant 1 : i32
      %scan3A_255:4 = scf.for %scan3A_280 = %scan3A_251 to %scan3A_253 step %scan3A_254 iter_args(%scan3A_281 = %broadcast_in_dim3A_250, %scan3A_282 = %broadcast_in_dim3A_250, %scan3A_283 = %broadcast_in_dim3A_250, %scan3A_284 = %broadcast_in_dim3A_250) -> (vector<16xf32>, vector<16xf32>, vector<16xf32>, vector<16xf32>)  : i32 {
        %mul3A_285 = arith.constant 16 : i32
        %mul3A_286 = arith.muli %scan3A_280, %mul3A_285 : i32
        %get3A_287 = arith.index_cast %mul3A_286 : i32 to index
        %get3A_288 = tpu.vector_load %arg12[%get3A_287] {strides = array<i32>} : memref<512xf32, #tpu.memory_space<vmem>>, vector<16xf32>,
        %get3A_289 = vector.shape_cast %get3A_288 : vector<16xf32> to vector<16xf32>
        %mul3A_290 = arith.constant 16 : i32
        %mul3A_291 = arith.muli %scan3A_280, %mul3A_290 : i32
        %get3A_292 = arith.index_cast %mul3A_291 : i32 to index
        %get3A_293 = tpu.vector_load %arg13[%get3A_292] {strides = array<i32>} : memref<512xf32, #tpu.memory_space<vmem>>, vector<16xf32>,
        %get3A_294 = vector.shape_cast %get3A_293 : vector<16xf32> to vector<16xf32>
        %mul3A_295 = arith.constant 16 : i32
        %mul3A_296 = arith.muli %scan3A_280, %mul3A_295 : i32
        %get3A_297 = arith.index_cast %mul3A_296 : i32 to index
        %get3A_298 = tpu.vector_load %arg14[%get3A_297] {strides = array<i32>} : memref<512xf32, #tpu.memory_space<vmem>>, vector<16xf32>,
        %get3A_299 = vector.shape_cast %get3A_298 : vector<16xf32> to vector<16xf32>
        %mul3A_300 = arith.constant 16 : i32
        %mul3A_301 = arith.muli %scan3A_280, %mul3A_300 : i32
        %get3A_302 = arith.index_cast %mul3A_301 : i32 to index
        %get3A_303 = tpu.vector_load %arg15[%get3A_302] {strides = array<i32>} : memref<512xf32, #tpu.memory_space<vmem>>, vector<16xf32>,
        %get3A_304 = vector.shape_cast %get3A_303 : vector<16xf32> to vector<16xf32>
        %slice3A = vector.extract_strided_slice %get3A_289 {offsets = [0], sizes = [1], strides = [1]} : vector<16xf32> to vector<1xf32>
        %squeeze3A = vector.extract %slice3A[0] : f32 from vector<1xf32>
        %broadcast_in_dim3A_305 = vector.broadcast %squeeze3A : f32 to vector<16xf32>
        %slice3A_306 = vector.extract_strided_slice %get3A_294 {offsets = [0], sizes = [1], strides = [1]} : vector<16xf32> to vector<1xf32>
        %squeeze3A_307 = vector.extract %slice3A_306[0] : f32 from vector<1xf32>
        %broadcast_in_dim3A_308 = vector.broadcast %squeeze3A_307 : f32 to vector<16xf32>
        %slice3A_309 = vector.extract_strided_slice %get3A_299 {offsets = [0], sizes = [1], strides = [1]} : vector<16xf32> to vector<1xf32>
        %squeeze3A_310 = vector.extract %slice3A_309[0] : f32 from vector<1xf32>
        %broadcast_in_dim3A_311 = vector.broadcast %squeeze3A_310 : f32 to vector<16xf32>
        %slice3A_312 = vector.extract_strided_slice %get3A_304 {offsets = [0], sizes = [1], strides = [1]} : vector<16xf32> to vector<1xf32>
        %squeeze3A_313 = vector.extract %slice3A_312[0] : f32 from vector<1xf32>
        %broadcast_in_dim3A_314 = vector.broadcast %squeeze3A_313 : f32 to vector<16xf32>
        %mul3A_315 = arith.mulf %get3A_174, %broadcast_in_dim3A_305 : vector<16xf32>
        %add3A_316 = arith.addf %mul3A_315, %get3A_234 : vector<16xf32>
        %mul3A_317 = arith.mulf %get3A_194, %broadcast_in_dim3A_308 : vector<16xf32>
        %add3A_318 = arith.addf %mul3A_317, %add3A_316 : vector<16xf32>
        %mul3A_319 = arith.mulf %get3A_214, %broadcast_in_dim3A_311 : vector<16xf32>
        %add3A_320 = arith.addf %mul3A_319, %add3A_318 : vector<16xf32>
        %add3A_321 = arith.addf %add3A_320, %broadcast_in_dim3A_314 : vector<16xf32>
        %min3A = arith.minimumf %scan3A_281, %add3A_321 : vector<16xf32>
        %mul3A_322 = arith.mulf %get3A_179, %broadcast_in_dim3A_305 : vector<16xf32>
        %add3A_323 = arith.addf %mul3A_322, %get3A_239 : vector<16xf32>
        %mul3A_324 = arith.mulf %get3A_199, %broadcast_in_dim3A_308 : vector<16xf32>
        %add3A_325 = arith.addf %mul3A_324, %add3A_323 : vector<16xf32>
        %mul3A_326 = arith.mulf %get3A_219, %broadcast_in_dim3A_311 : vector<16xf32>
        %add3A_327 = arith.addf %mul3A_326, %add3A_325 : vector<16xf32>
        %add3A_328 = arith.addf %add3A_327, %broadcast_in_dim3A_314 : vector<16xf32>
        %min3A_329 = arith.minimumf %scan3A_282, %add3A_328 : vector<16xf32>
        %mul3A_330 = arith.mulf %get3A_184, %broadcast_in_dim3A_305 : vector<16xf32>
        %add3A_331 = arith.addf %mul3A_330, %get3A_244 : vector<16xf32>
        %mul3A_332 = arith.mulf %get3A_204, %broadcast_in_dim3A_308 : vector<16xf32>
        %add3A_333 = arith.addf %mul3A_332, %add3A_331 : vector<16xf32>
        %mul3A_334 = arith.mulf %get3A_224, %broadcast_in_dim3A_311 : vector<16xf32>
        %add3A_335 = arith.addf %mul3A_334, %add3A_333 : vector<16xf32>
        %add3A_336 = arith.addf %add3A_335, %broadcast_in_dim3A_314 : vector<16xf32>
        %min3A_337 = arith.minimumf %scan3A_283, %add3A_336 : vector<16xf32>
        %mul3A_338 = arith.mulf %get3A_189, %broadcast_in_dim3A_305 : vector<16xf32>
        %add3A_339 = arith.addf %mul3A_338, %get3A_249 : vector<16xf32>
        %mul3A_340 = arith.mulf %get3A_209, %broadcast_in_dim3A_308 : vector<16xf32>
        %add3A_341 = arith.addf %mul3A_340, %add3A_339 : vector<16xf32>
        %mul3A_342 = arith.mulf %get3A_229, %broadcast_in_dim3A_311 : vector<16xf32>
        %add3A_343 = arith.addf %mul3A_342, %add3A_341 : vector<16xf32>
        %add3A_344 = arith.addf %add3A_343, %broadcast_in_dim3A_314 : vector<16xf32>
        %min3A_345 = arith.minimumf %scan3A_284, %add3A_344 : vector<16xf32>
        %slice3A_346 = vector.extract_strided_slice %get3A_289 {offsets = [1], sizes = [1], strides = [1]} : vector<16xf32> to vector<1xf32>
        %squeeze3A_347 = vector.extract %slice3A_346[0] : f32 from vector<1xf32>
        %broadcast_in_dim3A_348 = vector.broadcast %squeeze3A_347 : f32 to vector<16xf32>
        %slice3A_349 = vector.extract_strided_slice %get3A_294 {offsets = [1], sizes = [1], strides = [1]} : vector<16xf32> to vector<1xf32>
        %squeeze3A_350 = vector.extract %slice3A_349[0] : f32 from vector<1xf32>
        %broadcast_in_dim3A_351 = vector.broadcast %squeeze3A_350 : f32 to vector<16xf32>
        %slice3A_352 = vector.extract_strided_slice %get3A_299 {offsets = [1], sizes = [1], strides = [1]} : vector<16xf32> to vector<1xf32>
        %squeeze3A_353 = vector.extract %slice3A_352[0] : f32 from vector<1xf32>
        %broadcast_in_dim3A_354 = vector.broadcast %squeeze3A_353 : f32 to vector<16xf32>
        %slice3A_355 = vector.extract_strided_slice %get3A_304 {offsets = [1], sizes = [1], strides = [1]} : vector<16xf32> to vector<1xf32>
        %squeeze3A_356 = vector.extract %slice3A_355[0] : f32 from vector<1xf32>
        %broadcast_in_dim3A_357 = vector.broadcast %squeeze3A_356 : f32 to vector<16xf32>
        %mul3A_358 = arith.mulf %get3A_174, %broadcast_in_dim3A_348 : vector<16xf32>
        %add3A_359 = arith.addf %mul3A_358, %get3A_234 : vector<16xf32>
        %mul3A_360 = arith.mulf %get3A_194, %broadcast_in_dim3A_351 : vector<16xf32>
        %add3A_361 = arith.addf %mul3A_360, %add3A_359 : vector<16xf32>
        %mul3A_362 = arith.mulf %get3A_214, %broadcast_in_dim3A_354 : vector<16xf32>
        %add3A_363 = arith.addf %mul3A_362, %add3A_361 : vector<16xf32>
        %add3A_364 = arith.addf %add3A_363, %broadcast_in_dim3A_357 : vector<16xf32>
        %min3A_365 = arith.minimumf %min3A, %add3A_364 : vector<16xf32>
        %mul3A_366 = arith.mulf %get3A_179, %broadcast_in_dim3A_348 : vector<16xf32>
        %add3A_367 = arith.addf %mul3A_366, %get3A_239 : vector<16xf32>
        %mul3A_368 = arith.mulf %get3A_199, %broadcast_in_dim3A_351 : vector<16xf32>
        %add3A_369 = arith.addf %mul3A_368, %add3A_367 : vector<16xf32>
        %mul3A_370 = arith.mulf %get3A_219, %broadcast_in_dim3A_354 : vector<16xf32>
        %add3A_371 = arith.addf %mul3A_370, %add3A_369 : vector<16xf32>
        %add3A_372 = arith.addf %add3A_371, %broadcast_in_dim3A_357 : vector<16xf32>
        %min3A_373 = arith.minimumf %min3A_329, %add3A_372 : vector<16xf32>
        %mul3A_374 = arith.mulf %get3A_184, %broadcast_in_dim3A_348 : vector<16xf32>
        %add3A_375 = arith.addf %mul3A_374, %get3A_244 : vector<16xf32>
        %mul3A_376 = arith.mulf %get3A_204, %broadcast_in_dim3A_351 : vector<16xf32>
        %add3A_377 = arith.addf %mul3A_376, %add3A_375 : vector<16xf32>
        %mul3A_378 = arith.mulf %get3A_224, %broadcast_in_dim3A_354 : vector<16xf32>
        %add3A_379 = arith.addf %mul3A_378, %add3A_377 : vector<16xf32>
        %add3A_380 = arith.addf %add3A_379, %broadcast_in_dim3A_357 : vector<16xf32>
        %min3A_381 = arith.minimumf %min3A_337, %add3A_380 : vector<16xf32>
        %mul3A_382 = arith.mulf %get3A_189, %broadcast_in_dim3A_348 : vector<16xf32>
        %add3A_383 = arith.addf %mul3A_382, %get3A_249 : vector<16xf32>
        %mul3A_384 = arith.mulf %get3A_209, %broadcast_in_dim3A_351 : vector<16xf32>
        %add3A_385 = arith.addf %mul3A_384, %add3A_383 : vector<16xf32>
        %mul3A_386 = arith.mulf %get3A_229, %broadcast_in_dim3A_354 : vector<16xf32>
        %add3A_387 = arith.addf %mul3A_386, %add3A_385 : vector<16xf32>
        %add3A_388 = arith.addf %add3A_387, %broadcast_in_dim3A_357 : vector<16xf32>
        %min3A_389 = arith.minimumf %min3A_345, %add3A_388 : vector<16xf32>
        %slice3A_390 = vector.extract_strided_slice %get3A_289 {offsets = [2], sizes = [1], strides = [1]} : vector<16xf32> to vector<1xf32>
        %squeeze3A_391 = vector.extract %slice3A_390[0] : f32 from vector<1xf32>
        %broadcast_in_dim3A_392 = vector.broadcast %squeeze3A_391 : f32 to vector<16xf32>
        %slice3A_393 = vector.extract_strided_slice %get3A_294 {offsets = [2], sizes = [1], strides = [1]} : vector<16xf32> to vector<1xf32>
        %squeeze3A_394 = vector.extract %slice3A_393[0] : f32 from vector<1xf32>
        %broadcast_in_dim3A_395 = vector.broadcast %squeeze3A_394 : f32 to vector<16xf32>
        %slice3A_396 = vector.extract_strided_slice %get3A_299 {offsets = [2], sizes = [1], strides = [1]} : vector<16xf32> to vector<1xf32>
        %squeeze3A_397 = vector.extract %slice3A_396[0] : f32 from vector<1xf32>
        %broadcast_in_dim3A_398 = vector.broadcast %squeeze3A_397 : f32 to vector<16xf32>
        %slice3A_399 = vector.extract_strided_slice %get3A_304 {offsets = [2], sizes = [1], strides = [1]} : vector<16xf32> to vector<1xf32>
        %squeeze3A_400 = vector.extract %slice3A_399[0] : f32 from vector<1xf32>
        %broadcast_in_dim3A_401 = vector.broadcast %squeeze3A_400 : f32 to vector<16xf32>
        %mul3A_402 = arith.mulf %get3A_174, %broadcast_in_dim3A_392 : vector<16xf32>
        %add3A_403 = arith.addf %mul3A_402, %get3A_234 : vector<16xf32>
        %mul3A_404 = arith.mulf %get3A_194, %broadcast_in_dim3A_395 : vector<16xf32>
        %add3A_405 = arith.addf %mul3A_404, %add3A_403 : vector<16xf32>
        %mul3A_406 = arith.mulf %get3A_214, %broadcast_in_dim3A_398 : vector<16xf32>
        %add3A_407 = arith.addf %mul3A_406, %add3A_405 : vector<16xf32>
        %add3A_408 = arith.addf %add3A_407, %broadcast_in_dim3A_401 : vector<16xf32>
        %min3A_409 = arith.minimumf %min3A_365, %add3A_408 : vector<16xf32>
        %mul3A_410 = arith.mulf %get3A_179, %broadcast_in_dim3A_392 : vector<16xf32>
        %add3A_411 = arith.addf %mul3A_410, %get3A_239 : vector<16xf32>
        %mul3A_412 = arith.mulf %get3A_199, %broadcast_in_dim3A_395 : vector<16xf32>
        %add3A_413 = arith.addf %mul3A_412, %add3A_411 : vector<16xf32>
        %mul3A_414 = arith.mulf %get3A_219, %broadcast_in_dim3A_398 : vector<16xf32>
        %add3A_415 = arith.addf %mul3A_414, %add3A_413 : vector<16xf32>
        %add3A_416 = arith.addf %add3A_415, %broadcast_in_dim3A_401 : vector<16xf32>
        %min3A_417 = arith.minimumf %min3A_373, %add3A_416 : vector<16xf32>
        %mul3A_418 = arith.mulf %get3A_184, %broadcast_in_dim3A_392 : vector<16xf32>
        %add3A_419 = arith.addf %mul3A_418, %get3A_244 : vector<16xf32>
        %mul3A_420 = arith.mulf %get3A_204, %broadcast_in_dim3A_395 : vector<16xf32>
        %add3A_421 = arith.addf %mul3A_420, %add3A_419 : vector<16xf32>
        %mul3A_422 = arith.mulf %get3A_224, %broadcast_in_dim3A_398 : vector<16xf32>
        %add3A_423 = arith.addf %mul3A_422, %add3A_421 : vector<16xf32>
        %add3A_424 = arith.addf %add3A_423, %broadcast_in_dim3A_401 : vector<16xf32>
        %min3A_425 = arith.minimumf %min3A_381, %add3A_424 : vector<16xf32>
        %mul3A_426 = arith.mulf %get3A_189, %broadcast_in_dim3A_392 : vector<16xf32>
        %add3A_427 = arith.addf %mul3A_426, %get3A_249 : vector<16xf32>
        %mul3A_428 = arith.mulf %get3A_209, %broadcast_in_dim3A_395 : vector<16xf32>
        %add3A_429 = arith.addf %mul3A_428, %add3A_427 : vector<16xf32>
        %mul3A_430 = arith.mulf %get3A_229, %broadcast_in_dim3A_398 : vector<16xf32>
        %add3A_431 = arith.addf %mul3A_430, %add3A_429 : vector<16xf32>
        %add3A_432 = arith.addf %add3A_431, %broadcast_in_dim3A_401 : vector<16xf32>
        %min3A_433 = arith.minimumf %min3A_389, %add3A_432 : vector<16xf32>
        %slice3A_434 = vector.extract_strided_slice %get3A_289 {offsets = [3], sizes = [1], strides = [1]} : vector<16xf32> to vector<1xf32>
        %squeeze3A_435 = vector.extract %slice3A_434[0] : f32 from vector<1xf32>
        %broadcast_in_dim3A_436 = vector.broadcast %squeeze3A_435 : f32 to vector<16xf32>
        %slice3A_437 = vector.extract_strided_slice %get3A_294 {offsets = [3], sizes = [1], strides = [1]} : vector<16xf32> to vector<1xf32>
        %squeeze3A_438 = vector.extract %slice3A_437[0] : f32 from vector<1xf32>
        %broadcast_in_dim3A_439 = vector.broadcast %squeeze3A_438 : f32 to vector<16xf32>
        %slice3A_440 = vector.extract_strided_slice %get3A_299 {offsets = [3], sizes = [1], strides = [1]} : vector<16xf32> to vector<1xf32>
        %squeeze3A_441 = vector.extract %slice3A_440[0] : f32 from vector<1xf32>
        %broadcast_in_dim3A_442 = vector.broadcast %squeeze3A_441 : f32 to vector<16xf32>
        %slice3A_443 = vector.extract_strided_slice %get3A_304 {offsets = [3], sizes = [1], strides = [1]} : vector<16xf32> to vector<1xf32>
        %squeeze3A_444 = vector.extract %slice3A_443[0] : f32 from vector<1xf32>
        %broadcast_in_dim3A_445 = vector.broadcast %squeeze3A_444 : f32 to vector<16xf32>
        %mul3A_446 = arith.mulf %get3A_174, %broadcast_in_dim3A_436 : vector<16xf32>
        %add3A_447 = arith.addf %mul3A_446, %get3A_234 : vector<16xf32>
        %mul3A_448 = arith.mulf %get3A_194, %broadcast_in_dim3A_439 : vector<16xf32>
        %add3A_449 = arith.addf %mul3A_448, %add3A_447 : vector<16xf32>
        %mul3A_450 = arith.mulf %get3A_214, %broadcast_in_dim3A_442 : vector<16xf32>
        %add3A_451 = arith.addf %mul3A_450, %add3A_449 : vector<16xf32>
        %add3A_452 = arith.addf %add3A_451, %broadcast_in_dim3A_445 : vector<16xf32>
        %min3A_453 = arith.minimumf %min3A_409, %add3A_452 : vector<16xf32>
        %mul3A_454 = arith.mulf %get3A_179, %broadcast_in_dim3A_436 : vector<16xf32>
        %add3A_455 = arith.addf %mul3A_454, %get3A_239 : vector<16xf32>
        %mul3A_456 = arith.mulf %get3A_199, %broadcast_in_dim3A_439 : vector<16xf32>
        %add3A_457 = arith.addf %mul3A_456, %add3A_455 : vector<16xf32>
        %mul3A_458 = arith.mulf %get3A_219, %broadcast_in_dim3A_442 : vector<16xf32>
        %add3A_459 = arith.addf %mul3A_458, %add3A_457 : vector<16xf32>
        %add3A_460 = arith.addf %add3A_459, %broadcast_in_dim3A_445 : vector<16xf32>
        %min3A_461 = arith.minimumf %min3A_417, %add3A_460 : vector<16xf32>
        %mul3A_462 = arith.mulf %get3A_184, %broadcast_in_dim3A_436 : vector<16xf32>
        %add3A_463 = arith.addf %mul3A_462, %get3A_244 : vector<16xf32>
        %mul3A_464 = arith.mulf %get3A_204, %broadcast_in_dim3A_439 : vector<16xf32>
        %add3A_465 = arith.addf %mul3A_464, %add3A_463 : vector<16xf32>
        %mul3A_466 = arith.mulf %get3A_224, %broadcast_in_dim3A_442 : vector<16xf32>
        %add3A_467 = arith.addf %mul3A_466, %add3A_465 : vector<16xf32>
        %add3A_468 = arith.addf %add3A_467, %broadcast_in_dim3A_445 : vector<16xf32>
        %min3A_469 = arith.minimumf %min3A_425, %add3A_468 : vector<16xf32>
        %mul3A_470 = arith.mulf %get3A_189, %broadcast_in_dim3A_436 : vector<16xf32>
        %add3A_471 = arith.addf %mul3A_470, %get3A_249 : vector<16xf32>
        %mul3A_472 = arith.mulf %get3A_209, %broadcast_in_dim3A_439 : vector<16xf32>
        %add3A_473 = arith.addf %mul3A_472, %add3A_471 : vector<16xf32>
        %mul3A_474 = arith.mulf %get3A_229, %broadcast_in_dim3A_442 : vector<16xf32>
        %add3A_475 = arith.addf %mul3A_474, %add3A_473 : vector<16xf32>
        %add3A_476 = arith.addf %add3A_475, %broadcast_in_dim3A_445 : vector<16xf32>
        %min3A_477 = arith.minimumf %min3A_433, %add3A_476 : vector<16xf32>
        %slice3A_478 = vector.extract_strided_slice %get3A_289 {offsets = [4], sizes = [1], strides = [1]} : vector<16xf32> to vector<1xf32>
        %squeeze3A_479 = vector.extract %slice3A_478[0] : f32 from vector<1xf32>
        %broadcast_in_dim3A_480 = vector.broadcast %squeeze3A_479 : f32 to vector<16xf32>
        %slice3A_481 = vector.extract_strided_slice %get3A_294 {offsets = [4], sizes = [1], strides = [1]} : vector<16xf32> to vector<1xf32>
        %squeeze3A_482 = vector.extract %slice3A_481[0] : f32 from vector<1xf32>
        %broadcast_in_dim3A_483 = vector.broadcast %squeeze3A_482 : f32 to vector<16xf32>
        %slice3A_484 = vector.extract_strided_slice %get3A_299 {offsets = [4], sizes = [1], strides = [1]} : vector<16xf32> to vector<1xf32>
        %squeeze3A_485 = vector.extract %slice3A_484[0] : f32 from vector<1xf32>
        %broadcast_in_dim3A_486 = vector.broadcast %squeeze3A_485 : f32 to vector<16xf32>
        %slice3A_487 = vector.extract_strided_slice %get3A_304 {offsets = [4], sizes = [1], strides = [1]} : vector<16xf32> to vector<1xf32>
        %squeeze3A_488 = vector.extract %slice3A_487[0] : f32 from vector<1xf32>
        %broadcast_in_dim3A_489 = vector.broadcast %squeeze3A_488 : f32 to vector<16xf32>
        %mul3A_490 = arith.mulf %get3A_174, %broadcast_in_dim3A_480 : vector<16xf32>
        %add3A_491 = arith.addf %mul3A_490, %get3A_234 : vector<16xf32>
        %mul3A_492 = arith.mulf %get3A_194, %broadcast_in_dim3A_483 : vector<16xf32>
        %add3A_493 = arith.addf %mul3A_492, %add3A_491 : vector<16xf32>
        %mul3A_494 = arith.mulf %get3A_214, %broadcast_in_dim3A_486 : vector<16xf32>
        %add3A_495 = arith.addf %mul3A_494, %add3A_493 : vector<16xf32>
        %add3A_496 = arith.addf %add3A_495, %broadcast_in_dim3A_489 : vector<16xf32>
        %min3A_497 = arith.minimumf %min3A_453, %add3A_496 : vector<16xf32>
        %mul3A_498 = arith.mulf %get3A_179, %broadcast_in_dim3A_480 : vector<16xf32>
        %add3A_499 = arith.addf %mul3A_498, %get3A_239 : vector<16xf32>
        %mul3A_500 = arith.mulf %get3A_199, %broadcast_in_dim3A_483 : vector<16xf32>
        %add3A_501 = arith.addf %mul3A_500, %add3A_499 : vector<16xf32>
        %mul3A_502 = arith.mulf %get3A_219, %broadcast_in_dim3A_486 : vector<16xf32>
        %add3A_503 = arith.addf %mul3A_502, %add3A_501 : vector<16xf32>
        %add3A_504 = arith.addf %add3A_503, %broadcast_in_dim3A_489 : vector<16xf32>
        %min3A_505 = arith.minimumf %min3A_461, %add3A_504 : vector<16xf32>
        %mul3A_506 = arith.mulf %get3A_184, %broadcast_in_dim3A_480 : vector<16xf32>
        %add3A_507 = arith.addf %mul3A_506, %get3A_244 : vector<16xf32>
        %mul3A_508 = arith.mulf %get3A_204, %broadcast_in_dim3A_483 : vector<16xf32>
        %add3A_509 = arith.addf %mul3A_508, %add3A_507 : vector<16xf32>
        %mul3A_510 = arith.mulf %get3A_224, %broadcast_in_dim3A_486 : vector<16xf32>
        %add3A_511 = arith.addf %mul3A_510, %add3A_509 : vector<16xf32>
        %add3A_512 = arith.addf %add3A_511, %broadcast_in_dim3A_489 : vector<16xf32>
        %min3A_513 = arith.minimumf %min3A_469, %add3A_512 : vector<16xf32>
        %mul3A_514 = arith.mulf %get3A_189, %broadcast_in_dim3A_480 : vector<16xf32>
        %add3A_515 = arith.addf %mul3A_514, %get3A_249 : vector<16xf32>
        %mul3A_516 = arith.mulf %get3A_209, %broadcast_in_dim3A_483 : vector<16xf32>
        %add3A_517 = arith.addf %mul3A_516, %add3A_515 : vector<16xf32>
        %mul3A_518 = arith.mulf %get3A_229, %broadcast_in_dim3A_486 : vector<16xf32>
        %add3A_519 = arith.addf %mul3A_518, %add3A_517 : vector<16xf32>
        %add3A_520 = arith.addf %add3A_519, %broadcast_in_dim3A_489 : vector<16xf32>
        %min3A_521 = arith.minimumf %min3A_477, %add3A_520 : vector<16xf32>
        %slice3A_522 = vector.extract_strided_slice %get3A_289 {offsets = [5], sizes = [1], strides = [1]} : vector<16xf32> to vector<1xf32>
        %squeeze3A_523 = vector.extract %slice3A_522[0] : f32 from vector<1xf32>
        %broadcast_in_dim3A_524 = vector.broadcast %squeeze3A_523 : f32 to vector<16xf32>
        %slice3A_525 = vector.extract_strided_slice %get3A_294 {offsets = [5], sizes = [1], strides = [1]} : vector<16xf32> to vector<1xf32>
        %squeeze3A_526 = vector.extract %slice3A_525[0] : f32 from vector<1xf32>
        %broadcast_in_dim3A_527 = vector.broadcast %squeeze3A_526 : f32 to vector<16xf32>
        %slice3A_528 = vector.extract_strided_slice %get3A_299 {offsets = [5], sizes = [1], strides = [1]} : vector<16xf32> to vector<1xf32>
        %squeeze3A_529 = vector.extract %slice3A_528[0] : f32 from vector<1xf32>
        %broadcast_in_dim3A_530 = vector.broadcast %squeeze3A_529 : f32 to vector<16xf32>
        %slice3A_531 = vector.extract_strided_slice %get3A_304 {offsets = [5], sizes = [1], strides = [1]} : vector<16xf32> to vector<1xf32>
        %squeeze3A_532 = vector.extract %slice3A_531[0] : f32 from vector<1xf32>
        %broadcast_in_dim3A_533 = vector.broadcast %squeeze3A_532 : f32 to vector<16xf32>
        %mul3A_534 = arith.mulf %get3A_174, %broadcast_in_dim3A_524 : vector<16xf32>
        %add3A_535 = arith.addf %mul3A_534, %get3A_234 : vector<16xf32>
        %mul3A_536 = arith.mulf %get3A_194, %broadcast_in_dim3A_527 : vector<16xf32>
        %add3A_537 = arith.addf %mul3A_536, %add3A_535 : vector<16xf32>
        %mul3A_538 = arith.mulf %get3A_214, %broadcast_in_dim3A_530 : vector<16xf32>
        %add3A_539 = arith.addf %mul3A_538, %add3A_537 : vector<16xf32>
        %add3A_540 = arith.addf %add3A_539, %broadcast_in_dim3A_533 : vector<16xf32>
        %min3A_541 = arith.minimumf %min3A_497, %add3A_540 : vector<16xf32>
        %mul3A_542 = arith.mulf %get3A_179, %broadcast_in_dim3A_524 : vector<16xf32>
        %add3A_543 = arith.addf %mul3A_542, %get3A_239 : vector<16xf32>
        %mul3A_544 = arith.mulf %get3A_199, %broadcast_in_dim3A_527 : vector<16xf32>
        %add3A_545 = arith.addf %mul3A_544, %add3A_543 : vector<16xf32>
        %mul3A_546 = arith.mulf %get3A_219, %broadcast_in_dim3A_530 : vector<16xf32>
        %add3A_547 = arith.addf %mul3A_546, %add3A_545 : vector<16xf32>
        %add3A_548 = arith.addf %add3A_547, %broadcast_in_dim3A_533 : vector<16xf32>
        %min3A_549 = arith.minimumf %min3A_505, %add3A_548 : vector<16xf32>
        %mul3A_550 = arith.mulf %get3A_184, %broadcast_in_dim3A_524 : vector<16xf32>
        %add3A_551 = arith.addf %mul3A_550, %get3A_244 : vector<16xf32>
        %mul3A_552 = arith.mulf %get3A_204, %broadcast_in_dim3A_527 : vector<16xf32>
        %add3A_553 = arith.addf %mul3A_552, %add3A_551 : vector<16xf32>
        %mul3A_554 = arith.mulf %get3A_224, %broadcast_in_dim3A_530 : vector<16xf32>
        %add3A_555 = arith.addf %mul3A_554, %add3A_553 : vector<16xf32>
        %add3A_556 = arith.addf %add3A_555, %broadcast_in_dim3A_533 : vector<16xf32>
        %min3A_557 = arith.minimumf %min3A_513, %add3A_556 : vector<16xf32>
        %mul3A_558 = arith.mulf %get3A_189, %broadcast_in_dim3A_524 : vector<16xf32>
        %add3A_559 = arith.addf %mul3A_558, %get3A_249 : vector<16xf32>
        %mul3A_560 = arith.mulf %get3A_209, %broadcast_in_dim3A_527 : vector<16xf32>
        %add3A_561 = arith.addf %mul3A_560, %add3A_559 : vector<16xf32>
        %mul3A_562 = arith.mulf %get3A_229, %broadcast_in_dim3A_530 : vector<16xf32>
        %add3A_563 = arith.addf %mul3A_562, %add3A_561 : vector<16xf32>
        %add3A_564 = arith.addf %add3A_563, %broadcast_in_dim3A_533 : vector<16xf32>
        %min3A_565 = arith.minimumf %min3A_521, %add3A_564 : vector<16xf32>
        %slice3A_566 = vector.extract_strided_slice %get3A_289 {offsets = [6], sizes = [1], strides = [1]} : vector<16xf32> to vector<1xf32>
        %squeeze3A_567 = vector.extract %slice3A_566[0] : f32 from vector<1xf32>
        %broadcast_in_dim3A_568 = vector.broadcast %squeeze3A_567 : f32 to vector<16xf32>
        %slice3A_569 = vector.extract_strided_slice %get3A_294 {offsets = [6], sizes = [1], strides = [1]} : vector<16xf32> to vector<1xf32>
        %squeeze3A_570 = vector.extract %slice3A_569[0] : f32 from vector<1xf32>
        %broadcast_in_dim3A_571 = vector.broadcast %squeeze3A_570 : f32 to vector<16xf32>
        %slice3A_572 = vector.extract_strided_slice %get3A_299 {offsets = [6], sizes = [1], strides = [1]} : vector<16xf32> to vector<1xf32>
        %squeeze3A_573 = vector.extract %slice3A_572[0] : f32 from vector<1xf32>
        %broadcast_in_dim3A_574 = vector.broadcast %squeeze3A_573 : f32 to vector<16xf32>
        %slice3A_575 = vector.extract_strided_slice %get3A_304 {offsets = [6], sizes = [1], strides = [1]} : vector<16xf32> to vector<1xf32>
        %squeeze3A_576 = vector.extract %slice3A_575[0] : f32 from vector<1xf32>
        %broadcast_in_dim3A_577 = vector.broadcast %squeeze3A_576 : f32 to vector<16xf32>
        %mul3A_578 = arith.mulf %get3A_174, %broadcast_in_dim3A_568 : vector<16xf32>
        %add3A_579 = arith.addf %mul3A_578, %get3A_234 : vector<16xf32>
        %mul3A_580 = arith.mulf %get3A_194, %broadcast_in_dim3A_571 : vector<16xf32>
        %add3A_581 = arith.addf %mul3A_580, %add3A_579 : vector<16xf32>
        %mul3A_582 = arith.mulf %get3A_214, %broadcast_in_dim3A_574 : vector<16xf32>
        %add3A_583 = arith.addf %mul3A_582, %add3A_581 : vector<16xf32>
        %add3A_584 = arith.addf %add3A_583, %broadcast_in_dim3A_577 : vector<16xf32>
        %min3A_585 = arith.minimumf %min3A_541, %add3A_584 : vector<16xf32>
        %mul3A_586 = arith.mulf %get3A_179, %broadcast_in_dim3A_568 : vector<16xf32>
        %add3A_587 = arith.addf %mul3A_586, %get3A_239 : vector<16xf32>
        %mul3A_588 = arith.mulf %get3A_199, %broadcast_in_dim3A_571 : vector<16xf32>
        %add3A_589 = arith.addf %mul3A_588, %add3A_587 : vector<16xf32>
        %mul3A_590 = arith.mulf %get3A_219, %broadcast_in_dim3A_574 : vector<16xf32>
        %add3A_591 = arith.addf %mul3A_590, %add3A_589 : vector<16xf32>
        %add3A_592 = arith.addf %add3A_591, %broadcast_in_dim3A_577 : vector<16xf32>
        %min3A_593 = arith.minimumf %min3A_549, %add3A_592 : vector<16xf32>
        %mul3A_594 = arith.mulf %get3A_184, %broadcast_in_dim3A_568 : vector<16xf32>
        %add3A_595 = arith.addf %mul3A_594, %get3A_244 : vector<16xf32>
        %mul3A_596 = arith.mulf %get3A_204, %broadcast_in_dim3A_571 : vector<16xf32>
        %add3A_597 = arith.addf %mul3A_596, %add3A_595 : vector<16xf32>
        %mul3A_598 = arith.mulf %get3A_224, %broadcast_in_dim3A_574 : vector<16xf32>
        %add3A_599 = arith.addf %mul3A_598, %add3A_597 : vector<16xf32>
        %add3A_600 = arith.addf %add3A_599, %broadcast_in_dim3A_577 : vector<16xf32>
        %min3A_601 = arith.minimumf %min3A_557, %add3A_600 : vector<16xf32>
        %mul3A_602 = arith.mulf %get3A_189, %broadcast_in_dim3A_568 : vector<16xf32>
        %add3A_603 = arith.addf %mul3A_602, %get3A_249 : vector<16xf32>
        %mul3A_604 = arith.mulf %get3A_209, %broadcast_in_dim3A_571 : vector<16xf32>
        %add3A_605 = arith.addf %mul3A_604, %add3A_603 : vector<16xf32>
        %mul3A_606 = arith.mulf %get3A_229, %broadcast_in_dim3A_574 : vector<16xf32>
        %add3A_607 = arith.addf %mul3A_606, %add3A_605 : vector<16xf32>
        %add3A_608 = arith.addf %add3A_607, %broadcast_in_dim3A_577 : vector<16xf32>
        %min3A_609 = arith.minimumf %min3A_565, %add3A_608 : vector<16xf32>
        %slice3A_610 = vector.extract_strided_slice %get3A_289 {offsets = [7], sizes = [1], strides = [1]} : vector<16xf32> to vector<1xf32>
        %squeeze3A_611 = vector.extract %slice3A_610[0] : f32 from vector<1xf32>
        %broadcast_in_dim3A_612 = vector.broadcast %squeeze3A_611 : f32 to vector<16xf32>
        %slice3A_613 = vector.extract_strided_slice %get3A_294 {offsets = [7], sizes = [1], strides = [1]} : vector<16xf32> to vector<1xf32>
        %squeeze3A_614 = vector.extract %slice3A_613[0] : f32 from vector<1xf32>
        %broadcast_in_dim3A_615 = vector.broadcast %squeeze3A_614 : f32 to vector<16xf32>
        %slice3A_616 = vector.extract_strided_slice %get3A_299 {offsets = [7], sizes = [1], strides = [1]} : vector<16xf32> to vector<1xf32>
        %squeeze3A_617 = vector.extract %slice3A_616[0] : f32 from vector<1xf32>
        %broadcast_in_dim3A_618 = vector.broadcast %squeeze3A_617 : f32 to vector<16xf32>
        %slice3A_619 = vector.extract_strided_slice %get3A_304 {offsets = [7], sizes = [1], strides = [1]} : vector<16xf32> to vector<1xf32>
        %squeeze3A_620 = vector.extract %slice3A_619[0] : f32 from vector<1xf32>
        %broadcast_in_dim3A_621 = vector.broadcast %squeeze3A_620 : f32 to vector<16xf32>
        %mul3A_622 = arith.mulf %get3A_174, %broadcast_in_dim3A_612 : vector<16xf32>
        %add3A_623 = arith.addf %mul3A_622, %get3A_234 : vector<16xf32>
        %mul3A_624 = arith.mulf %get3A_194, %broadcast_in_dim3A_615 : vector<16xf32>
        %add3A_625 = arith.addf %mul3A_624, %add3A_623 : vector<16xf32>
        %mul3A_626 = arith.mulf %get3A_214, %broadcast_in_dim3A_618 : vector<16xf32>
        %add3A_627 = arith.addf %mul3A_626, %add3A_625 : vector<16xf32>
        %add3A_628 = arith.addf %add3A_627, %broadcast_in_dim3A_621 : vector<16xf32>
        %min3A_629 = arith.minimumf %min3A_585, %add3A_628 : vector<16xf32>
        %mul3A_630 = arith.mulf %get3A_179, %broadcast_in_dim3A_612 : vector<16xf32>
        %add3A_631 = arith.addf %mul3A_630, %get3A_239 : vector<16xf32>
        %mul3A_632 = arith.mulf %get3A_199, %broadcast_in_dim3A_615 : vector<16xf32>
        %add3A_633 = arith.addf %mul3A_632, %add3A_631 : vector<16xf32>
        %mul3A_634 = arith.mulf %get3A_219, %broadcast_in_dim3A_618 : vector<16xf32>
        %add3A_635 = arith.addf %mul3A_634, %add3A_633 : vector<16xf32>
        %add3A_636 = arith.addf %add3A_635, %broadcast_in_dim3A_621 : vector<16xf32>
        %min3A_637 = arith.minimumf %min3A_593, %add3A_636 : vector<16xf32>
        %mul3A_638 = arith.mulf %get3A_184, %broadcast_in_dim3A_612 : vector<16xf32>
        %add3A_639 = arith.addf %mul3A_638, %get3A_244 : vector<16xf32>
        %mul3A_640 = arith.mulf %get3A_204, %broadcast_in_dim3A_615 : vector<16xf32>
        %add3A_641 = arith.addf %mul3A_640, %add3A_639 : vector<16xf32>
        %mul3A_642 = arith.mulf %get3A_224, %broadcast_in_dim3A_618 : vector<16xf32>
        %add3A_643 = arith.addf %mul3A_642, %add3A_641 : vector<16xf32>
        %add3A_644 = arith.addf %add3A_643, %broadcast_in_dim3A_621 : vector<16xf32>
        %min3A_645 = arith.minimumf %min3A_601, %add3A_644 : vector<16xf32>
        %mul3A_646 = arith.mulf %get3A_189, %broadcast_in_dim3A_612 : vector<16xf32>
        %add3A_647 = arith.addf %mul3A_646, %get3A_249 : vector<16xf32>
        %mul3A_648 = arith.mulf %get3A_209, %broadcast_in_dim3A_615 : vector<16xf32>
        %add3A_649 = arith.addf %mul3A_648, %add3A_647 : vector<16xf32>
        %mul3A_650 = arith.mulf %get3A_229, %broadcast_in_dim3A_618 : vector<16xf32>
        %add3A_651 = arith.addf %mul3A_650, %add3A_649 : vector<16xf32>
        %add3A_652 = arith.addf %add3A_651, %broadcast_in_dim3A_621 : vector<16xf32>
        %min3A_653 = arith.minimumf %min3A_609, %add3A_652 : vector<16xf32>
        %slice3A_654 = vector.extract_strided_slice %get3A_289 {offsets = [8], sizes = [1], strides = [1]} : vector<16xf32> to vector<1xf32>
        %squeeze3A_655 = vector.extract %slice3A_654[0] : f32 from vector<1xf32>
        %broadcast_in_dim3A_656 = vector.broadcast %squeeze3A_655 : f32 to vector<16xf32>
        %slice3A_657 = vector.extract_strided_slice %get3A_294 {offsets = [8], sizes = [1], strides = [1]} : vector<16xf32> to vector<1xf32>
        %squeeze3A_658 = vector.extract %slice3A_657[0] : f32 from vector<1xf32>
        %broadcast_in_dim3A_659 = vector.broadcast %squeeze3A_658 : f32 to vector<16xf32>
        %slice3A_660 = vector.extract_strided_slice %get3A_299 {offsets = [8], sizes = [1], strides = [1]} : vector<16xf32> to vector<1xf32>
        %squeeze3A_661 = vector.extract %slice3A_660[0] : f32 from vector<1xf32>
        %broadcast_in_dim3A_662 = vector.broadcast %squeeze3A_661 : f32 to vector<16xf32>
        %slice3A_663 = vector.extract_strided_slice %get3A_304 {offsets = [8], sizes = [1], strides = [1]} : vector<16xf32> to vector<1xf32>
        %squeeze3A_664 = vector.extract %slice3A_663[0] : f32 from vector<1xf32>
        %broadcast_in_dim3A_665 = vector.broadcast %squeeze3A_664 : f32 to vector<16xf32>
        %mul3A_666 = arith.mulf %get3A_174, %broadcast_in_dim3A_656 : vector<16xf32>
        %add3A_667 = arith.addf %mul3A_666, %get3A_234 : vector<16xf32>
        %mul3A_668 = arith.mulf %get3A_194, %broadcast_in_dim3A_659 : vector<16xf32>
        %add3A_669 = arith.addf %mul3A_668, %add3A_667 : vector<16xf32>
        %mul3A_670 = arith.mulf %get3A_214, %broadcast_in_dim3A_662 : vector<16xf32>
        %add3A_671 = arith.addf %mul3A_670, %add3A_669 : vector<16xf32>
        %add3A_672 = arith.addf %add3A_671, %broadcast_in_dim3A_665 : vector<16xf32>
        %min3A_673 = arith.minimumf %min3A_629, %add3A_672 : vector<16xf32>
        %mul3A_674 = arith.mulf %get3A_179, %broadcast_in_dim3A_656 : vector<16xf32>
        %add3A_675 = arith.addf %mul3A_674, %get3A_239 : vector<16xf32>
        %mul3A_676 = arith.mulf %get3A_199, %broadcast_in_dim3A_659 : vector<16xf32>
        %add3A_677 = arith.addf %mul3A_676, %add3A_675 : vector<16xf32>
        %mul3A_678 = arith.mulf %get3A_219, %broadcast_in_dim3A_662 : vector<16xf32>
        %add3A_679 = arith.addf %mul3A_678, %add3A_677 : vector<16xf32>
        %add3A_680 = arith.addf %add3A_679, %broadcast_in_dim3A_665 : vector<16xf32>
        %min3A_681 = arith.minimumf %min3A_637, %add3A_680 : vector<16xf32>
        %mul3A_682 = arith.mulf %get3A_184, %broadcast_in_dim3A_656 : vector<16xf32>
        %add3A_683 = arith.addf %mul3A_682, %get3A_244 : vector<16xf32>
        %mul3A_684 = arith.mulf %get3A_204, %broadcast_in_dim3A_659 : vector<16xf32>
        %add3A_685 = arith.addf %mul3A_684, %add3A_683 : vector<16xf32>
        %mul3A_686 = arith.mulf %get3A_224, %broadcast_in_dim3A_662 : vector<16xf32>
        %add3A_687 = arith.addf %mul3A_686, %add3A_685 : vector<16xf32>
        %add3A_688 = arith.addf %add3A_687, %broadcast_in_dim3A_665 : vector<16xf32>
        %min3A_689 = arith.minimumf %min3A_645, %add3A_688 : vector<16xf32>
        %mul3A_690 = arith.mulf %get3A_189, %broadcast_in_dim3A_656 : vector<16xf32>
        %add3A_691 = arith.addf %mul3A_690, %get3A_249 : vector<16xf32>
        %mul3A_692 = arith.mulf %get3A_209, %broadcast_in_dim3A_659 : vector<16xf32>
        %add3A_693 = arith.addf %mul3A_692, %add3A_691 : vector<16xf32>
        %mul3A_694 = arith.mulf %get3A_229, %broadcast_in_dim3A_662 : vector<16xf32>
        %add3A_695 = arith.addf %mul3A_694, %add3A_693 : vector<16xf32>
        %add3A_696 = arith.addf %add3A_695, %broadcast_in_dim3A_665 : vector<16xf32>
        %min3A_697 = arith.minimumf %min3A_653, %add3A_696 : vector<16xf32>
        %slice3A_698 = vector.extract_strided_slice %get3A_289 {offsets = [9], sizes = [1], strides = [1]} : vector<16xf32> to vector<1xf32>
        %squeeze3A_699 = vector.extract %slice3A_698[0] : f32 from vector<1xf32>
        %broadcast_in_dim3A_700 = vector.broadcast %squeeze3A_699 : f32 to vector<16xf32>
        %slice3A_701 = vector.extract_strided_slice %get3A_294 {offsets = [9], sizes = [1], strides = [1]} : vector<16xf32> to vector<1xf32>
        %squeeze3A_702 = vector.extract %slice3A_701[0] : f32 from vector<1xf32>
        %broadcast_in_dim3A_703 = vector.broadcast %squeeze3A_702 : f32 to vector<16xf32>
        %slice3A_704 = vector.extract_strided_slice %get3A_299 {offsets = [9], sizes = [1], strides = [1]} : vector<16xf32> to vector<1xf32>
        %squeeze3A_705 = vector.extract %slice3A_704[0] : f32 from vector<1xf32>
        %broadcast_in_dim3A_706 = vector.broadcast %squeeze3A_705 : f32 to vector<16xf32>
        %slice3A_707 = vector.extract_strided_slice %get3A_304 {offsets = [9], sizes = [1], strides = [1]} : vector<16xf32> to vector<1xf32>
        %squeeze3A_708 = vector.extract %slice3A_707[0] : f32 from vector<1xf32>
        %broadcast_in_dim3A_709 = vector.broadcast %squeeze3A_708 : f32 to vector<16xf32>
        %mul3A_710 = arith.mulf %get3A_174, %broadcast_in_dim3A_700 : vector<16xf32>
        %add3A_711 = arith.addf %mul3A_710, %get3A_234 : vector<16xf32>
        %mul3A_712 = arith.mulf %get3A_194, %broadcast_in_dim3A_703 : vector<16xf32>
        %add3A_713 = arith.addf %mul3A_712, %add3A_711 : vector<16xf32>
        %mul3A_714 = arith.mulf %get3A_214, %broadcast_in_dim3A_706 : vector<16xf32>
        %add3A_715 = arith.addf %mul3A_714, %add3A_713 : vector<16xf32>
        %add3A_716 = arith.addf %add3A_715, %broadcast_in_dim3A_709 : vector<16xf32>
        %min3A_717 = arith.minimumf %min3A_673, %add3A_716 : vector<16xf32>
        %mul3A_718 = arith.mulf %get3A_179, %broadcast_in_dim3A_700 : vector<16xf32>
        %add3A_719 = arith.addf %mul3A_718, %get3A_239 : vector<16xf32>
        %mul3A_720 = arith.mulf %get3A_199, %broadcast_in_dim3A_703 : vector<16xf32>
        %add3A_721 = arith.addf %mul3A_720, %add3A_719 : vector<16xf32>
        %mul3A_722 = arith.mulf %get3A_219, %broadcast_in_dim3A_706 : vector<16xf32>
        %add3A_723 = arith.addf %mul3A_722, %add3A_721 : vector<16xf32>
        %add3A_724 = arith.addf %add3A_723, %broadcast_in_dim3A_709 : vector<16xf32>
        %min3A_725 = arith.minimumf %min3A_681, %add3A_724 : vector<16xf32>
        %mul3A_726 = arith.mulf %get3A_184, %broadcast_in_dim3A_700 : vector<16xf32>
        %add3A_727 = arith.addf %mul3A_726, %get3A_244 : vector<16xf32>
        %mul3A_728 = arith.mulf %get3A_204, %broadcast_in_dim3A_703 : vector<16xf32>
        %add3A_729 = arith.addf %mul3A_728, %add3A_727 : vector<16xf32>
        %mul3A_730 = arith.mulf %get3A_224, %broadcast_in_dim3A_706 : vector<16xf32>
        %add3A_731 = arith.addf %mul3A_730, %add3A_729 : vector<16xf32>
        %add3A_732 = arith.addf %add3A_731, %broadcast_in_dim3A_709 : vector<16xf32>
        %min3A_733 = arith.minimumf %min3A_689, %add3A_732 : vector<16xf32>
        %mul3A_734 = arith.mulf %get3A_189, %broadcast_in_dim3A_700 : vector<16xf32>
        %add3A_735 = arith.addf %mul3A_734, %get3A_249 : vector<16xf32>
        %mul3A_736 = arith.mulf %get3A_209, %broadcast_in_dim3A_703 : vector<16xf32>
        %add3A_737 = arith.addf %mul3A_736, %add3A_735 : vector<16xf32>
        %mul3A_738 = arith.mulf %get3A_229, %broadcast_in_dim3A_706 : vector<16xf32>
        %add3A_739 = arith.addf %mul3A_738, %add3A_737 : vector<16xf32>
        %add3A_740 = arith.addf %add3A_739, %broadcast_in_dim3A_709 : vector<16xf32>
        %min3A_741 = arith.minimumf %min3A_697, %add3A_740 : vector<16xf32>
        %slice3A_742 = vector.extract_strided_slice %get3A_289 {offsets = [10], sizes = [1], strides = [1]} : vector<16xf32> to vector<1xf32>
        %squeeze3A_743 = vector.extract %slice3A_742[0] : f32 from vector<1xf32>
        %broadcast_in_dim3A_744 = vector.broadcast %squeeze3A_743 : f32 to vector<16xf32>
        %slice3A_745 = vector.extract_strided_slice %get3A_294 {offsets = [10], sizes = [1], strides = [1]} : vector<16xf32> to vector<1xf32>
        %squeeze3A_746 = vector.extract %slice3A_745[0] : f32 from vector<1xf32>
        %broadcast_in_dim3A_747 = vector.broadcast %squeeze3A_746 : f32 to vector<16xf32>
        %slice3A_748 = vector.extract_strided_slice %get3A_299 {offsets = [10], sizes = [1], strides = [1]} : vector<16xf32> to vector<1xf32>
        %squeeze3A_749 = vector.extract %slice3A_748[0] : f32 from vector<1xf32>
        %broadcast_in_dim3A_750 = vector.broadcast %squeeze3A_749 : f32 to vector<16xf32>
        %slice3A_751 = vector.extract_strided_slice %get3A_304 {offsets = [10], sizes = [1], strides = [1]} : vector<16xf32> to vector<1xf32>
        %squeeze3A_752 = vector.extract %slice3A_751[0] : f32 from vector<1xf32>
        %broadcast_in_dim3A_753 = vector.broadcast %squeeze3A_752 : f32 to vector<16xf32>
        %mul3A_754 = arith.mulf %get3A_174, %broadcast_in_dim3A_744 : vector<16xf32>
        %add3A_755 = arith.addf %mul3A_754, %get3A_234 : vector<16xf32>
        %mul3A_756 = arith.mulf %get3A_194, %broadcast_in_dim3A_747 : vector<16xf32>
        %add3A_757 = arith.addf %mul3A_756, %add3A_755 : vector<16xf32>
        %mul3A_758 = arith.mulf %get3A_214, %broadcast_in_dim3A_750 : vector<16xf32>
        %add3A_759 = arith.addf %mul3A_758, %add3A_757 : vector<16xf32>
        %add3A_760 = arith.addf %add3A_759, %broadcast_in_dim3A_753 : vector<16xf32>
        %min3A_761 = arith.minimumf %min3A_717, %add3A_760 : vector<16xf32>
        %mul3A_762 = arith.mulf %get3A_179, %broadcast_in_dim3A_744 : vector<16xf32>
        %add3A_763 = arith.addf %mul3A_762, %get3A_239 : vector<16xf32>
        %mul3A_764 = arith.mulf %get3A_199, %broadcast_in_dim3A_747 : vector<16xf32>
        %add3A_765 = arith.addf %mul3A_764, %add3A_763 : vector<16xf32>
        %mul3A_766 = arith.mulf %get3A_219, %broadcast_in_dim3A_750 : vector<16xf32>
        %add3A_767 = arith.addf %mul3A_766, %add3A_765 : vector<16xf32>
        %add3A_768 = arith.addf %add3A_767, %broadcast_in_dim3A_753 : vector<16xf32>
        %min3A_769 = arith.minimumf %min3A_725, %add3A_768 : vector<16xf32>
        %mul3A_770 = arith.mulf %get3A_184, %broadcast_in_dim3A_744 : vector<16xf32>
        %add3A_771 = arith.addf %mul3A_770, %get3A_244 : vector<16xf32>
        %mul3A_772 = arith.mulf %get3A_204, %broadcast_in_dim3A_747 : vector<16xf32>
        %add3A_773 = arith.addf %mul3A_772, %add3A_771 : vector<16xf32>
        %mul3A_774 = arith.mulf %get3A_224, %broadcast_in_dim3A_750 : vector<16xf32>
        %add3A_775 = arith.addf %mul3A_774, %add3A_773 : vector<16xf32>
        %add3A_776 = arith.addf %add3A_775, %broadcast_in_dim3A_753 : vector<16xf32>
        %min3A_777 = arith.minimumf %min3A_733, %add3A_776 : vector<16xf32>
        %mul3A_778 = arith.mulf %get3A_189, %broadcast_in_dim3A_744 : vector<16xf32>
        %add3A_779 = arith.addf %mul3A_778, %get3A_249 : vector<16xf32>
        %mul3A_780 = arith.mulf %get3A_209, %broadcast_in_dim3A_747 : vector<16xf32>
        %add3A_781 = arith.addf %mul3A_780, %add3A_779 : vector<16xf32>
        %mul3A_782 = arith.mulf %get3A_229, %broadcast_in_dim3A_750 : vector<16xf32>
        %add3A_783 = arith.addf %mul3A_782, %add3A_781 : vector<16xf32>
        %add3A_784 = arith.addf %add3A_783, %broadcast_in_dim3A_753 : vector<16xf32>
        %min3A_785 = arith.minimumf %min3A_741, %add3A_784 : vector<16xf32>
        %slice3A_786 = vector.extract_strided_slice %get3A_289 {offsets = [11], sizes = [1], strides = [1]} : vector<16xf32> to vector<1xf32>
        %squeeze3A_787 = vector.extract %slice3A_786[0] : f32 from vector<1xf32>
        %broadcast_in_dim3A_788 = vector.broadcast %squeeze3A_787 : f32 to vector<16xf32>
        %slice3A_789 = vector.extract_strided_slice %get3A_294 {offsets = [11], sizes = [1], strides = [1]} : vector<16xf32> to vector<1xf32>
        %squeeze3A_790 = vector.extract %slice3A_789[0] : f32 from vector<1xf32>
        %broadcast_in_dim3A_791 = vector.broadcast %squeeze3A_790 : f32 to vector<16xf32>
        %slice3A_792 = vector.extract_strided_slice %get3A_299 {offsets = [11], sizes = [1], strides = [1]} : vector<16xf32> to vector<1xf32>
        %squeeze3A_793 = vector.extract %slice3A_792[0] : f32 from vector<1xf32>
        %broadcast_in_dim3A_794 = vector.broadcast %squeeze3A_793 : f32 to vector<16xf32>
        %slice3A_795 = vector.extract_strided_slice %get3A_304 {offsets = [11], sizes = [1], strides = [1]} : vector<16xf32> to vector<1xf32>
        %squeeze3A_796 = vector.extract %slice3A_795[0] : f32 from vector<1xf32>
        %broadcast_in_dim3A_797 = vector.broadcast %squeeze3A_796 : f32 to vector<16xf32>
        %mul3A_798 = arith.mulf %get3A_174, %broadcast_in_dim3A_788 : vector<16xf32>
        %add3A_799 = arith.addf %mul3A_798, %get3A_234 : vector<16xf32>
        %mul3A_800 = arith.mulf %get3A_194, %broadcast_in_dim3A_791 : vector<16xf32>
        %add3A_801 = arith.addf %mul3A_800, %add3A_799 : vector<16xf32>
        %mul3A_802 = arith.mulf %get3A_214, %broadcast_in_dim3A_794 : vector<16xf32>
        %add3A_803 = arith.addf %mul3A_802, %add3A_801 : vector<16xf32>
        %add3A_804 = arith.addf %add3A_803, %broadcast_in_dim3A_797 : vector<16xf32>
        %min3A_805 = arith.minimumf %min3A_761, %add3A_804 : vector<16xf32>
        %mul3A_806 = arith.mulf %get3A_179, %broadcast_in_dim3A_788 : vector<16xf32>
        %add3A_807 = arith.addf %mul3A_806, %get3A_239 : vector<16xf32>
        %mul3A_808 = arith.mulf %get3A_199, %broadcast_in_dim3A_791 : vector<16xf32>
        %add3A_809 = arith.addf %mul3A_808, %add3A_807 : vector<16xf32>
        %mul3A_810 = arith.mulf %get3A_219, %broadcast_in_dim3A_794 : vector<16xf32>
        %add3A_811 = arith.addf %mul3A_810, %add3A_809 : vector<16xf32>
        %add3A_812 = arith.addf %add3A_811, %broadcast_in_dim3A_797 : vector<16xf32>
        %min3A_813 = arith.minimumf %min3A_769, %add3A_812 : vector<16xf32>
        %mul3A_814 = arith.mulf %get3A_184, %broadcast_in_dim3A_788 : vector<16xf32>
        %add3A_815 = arith.addf %mul3A_814, %get3A_244 : vector<16xf32>
        %mul3A_816 = arith.mulf %get3A_204, %broadcast_in_dim3A_791 : vector<16xf32>
        %add3A_817 = arith.addf %mul3A_816, %add3A_815 : vector<16xf32>
        %mul3A_818 = arith.mulf %get3A_224, %broadcast_in_dim3A_794 : vector<16xf32>
        %add3A_819 = arith.addf %mul3A_818, %add3A_817 : vector<16xf32>
        %add3A_820 = arith.addf %add3A_819, %broadcast_in_dim3A_797 : vector<16xf32>
        %min3A_821 = arith.minimumf %min3A_777, %add3A_820 : vector<16xf32>
        %mul3A_822 = arith.mulf %get3A_189, %broadcast_in_dim3A_788 : vector<16xf32>
        %add3A_823 = arith.addf %mul3A_822, %get3A_249 : vector<16xf32>
        %mul3A_824 = arith.mulf %get3A_209, %broadcast_in_dim3A_791 : vector<16xf32>
        %add3A_825 = arith.addf %mul3A_824, %add3A_823 : vector<16xf32>
        %mul3A_826 = arith.mulf %get3A_229, %broadcast_in_dim3A_794 : vector<16xf32>
        %add3A_827 = arith.addf %mul3A_826, %add3A_825 : vector<16xf32>
        %add3A_828 = arith.addf %add3A_827, %broadcast_in_dim3A_797 : vector<16xf32>
        %min3A_829 = arith.minimumf %min3A_785, %add3A_828 : vector<16xf32>
        %slice3A_830 = vector.extract_strided_slice %get3A_289 {offsets = [12], sizes = [1], strides = [1]} : vector<16xf32> to vector<1xf32>
        %squeeze3A_831 = vector.extract %slice3A_830[0] : f32 from vector<1xf32>
        %broadcast_in_dim3A_832 = vector.broadcast %squeeze3A_831 : f32 to vector<16xf32>
        %slice3A_833 = vector.extract_strided_slice %get3A_294 {offsets = [12], sizes = [1], strides = [1]} : vector<16xf32> to vector<1xf32>
        %squeeze3A_834 = vector.extract %slice3A_833[0] : f32 from vector<1xf32>
        %broadcast_in_dim3A_835 = vector.broadcast %squeeze3A_834 : f32 to vector<16xf32>
        %slice3A_836 = vector.extract_strided_slice %get3A_299 {offsets = [12], sizes = [1], strides = [1]} : vector<16xf32> to vector<1xf32>
        %squeeze3A_837 = vector.extract %slice3A_836[0] : f32 from vector<1xf32>
        %broadcast_in_dim3A_838 = vector.broadcast %squeeze3A_837 : f32 to vector<16xf32>
        %slice3A_839 = vector.extract_strided_slice %get3A_304 {offsets = [12], sizes = [1], strides = [1]} : vector<16xf32> to vector<1xf32>
        %squeeze3A_840 = vector.extract %slice3A_839[0] : f32 from vector<1xf32>
        %broadcast_in_dim3A_841 = vector.broadcast %squeeze3A_840 : f32 to vector<16xf32>
        %mul3A_842 = arith.mulf %get3A_174, %broadcast_in_dim3A_832 : vector<16xf32>
        %add3A_843 = arith.addf %mul3A_842, %get3A_234 : vector<16xf32>
        %mul3A_844 = arith.mulf %get3A_194, %broadcast_in_dim3A_835 : vector<16xf32>
        %add3A_845 = arith.addf %mul3A_844, %add3A_843 : vector<16xf32>
        %mul3A_846 = arith.mulf %get3A_214, %broadcast_in_dim3A_838 : vector<16xf32>
        %add3A_847 = arith.addf %mul3A_846, %add3A_845 : vector<16xf32>
        %add3A_848 = arith.addf %add3A_847, %broadcast_in_dim3A_841 : vector<16xf32>
        %min3A_849 = arith.minimumf %min3A_805, %add3A_848 : vector<16xf32>
        %mul3A_850 = arith.mulf %get3A_179, %broadcast_in_dim3A_832 : vector<16xf32>
        %add3A_851 = arith.addf %mul3A_850, %get3A_239 : vector<16xf32>
        %mul3A_852 = arith.mulf %get3A_199, %broadcast_in_dim3A_835 : vector<16xf32>
        %add3A_853 = arith.addf %mul3A_852, %add3A_851 : vector<16xf32>
        %mul3A_854 = arith.mulf %get3A_219, %broadcast_in_dim3A_838 : vector<16xf32>
        %add3A_855 = arith.addf %mul3A_854, %add3A_853 : vector<16xf32>
        %add3A_856 = arith.addf %add3A_855, %broadcast_in_dim3A_841 : vector<16xf32>
        %min3A_857 = arith.minimumf %min3A_813, %add3A_856 : vector<16xf32>
        %mul3A_858 = arith.mulf %get3A_184, %broadcast_in_dim3A_832 : vector<16xf32>
        %add3A_859 = arith.addf %mul3A_858, %get3A_244 : vector<16xf32>
        %mul3A_860 = arith.mulf %get3A_204, %broadcast_in_dim3A_835 : vector<16xf32>
        %add3A_861 = arith.addf %mul3A_860, %add3A_859 : vector<16xf32>
        %mul3A_862 = arith.mulf %get3A_224, %broadcast_in_dim3A_838 : vector<16xf32>
        %add3A_863 = arith.addf %mul3A_862, %add3A_861 : vector<16xf32>
        %add3A_864 = arith.addf %add3A_863, %broadcast_in_dim3A_841 : vector<16xf32>
        %min3A_865 = arith.minimumf %min3A_821, %add3A_864 : vector<16xf32>
        %mul3A_866 = arith.mulf %get3A_189, %broadcast_in_dim3A_832 : vector<16xf32>
        %add3A_867 = arith.addf %mul3A_866, %get3A_249 : vector<16xf32>
        %mul3A_868 = arith.mulf %get3A_209, %broadcast_in_dim3A_835 : vector<16xf32>
        %add3A_869 = arith.addf %mul3A_868, %add3A_867 : vector<16xf32>
        %mul3A_870 = arith.mulf %get3A_229, %broadcast_in_dim3A_838 : vector<16xf32>
        %add3A_871 = arith.addf %mul3A_870, %add3A_869 : vector<16xf32>
        %add3A_872 = arith.addf %add3A_871, %broadcast_in_dim3A_841 : vector<16xf32>
        %min3A_873 = arith.minimumf %min3A_829, %add3A_872 : vector<16xf32>
        %slice3A_874 = vector.extract_strided_slice %get3A_289 {offsets = [13], sizes = [1], strides = [1]} : vector<16xf32> to vector<1xf32>
        %squeeze3A_875 = vector.extract %slice3A_874[0] : f32 from vector<1xf32>
        %broadcast_in_dim3A_876 = vector.broadcast %squeeze3A_875 : f32 to vector<16xf32>
        %slice3A_877 = vector.extract_strided_slice %get3A_294 {offsets = [13], sizes = [1], strides = [1]} : vector<16xf32> to vector<1xf32>
        %squeeze3A_878 = vector.extract %slice3A_877[0] : f32 from vector<1xf32>
        %broadcast_in_dim3A_879 = vector.broadcast %squeeze3A_878 : f32 to vector<16xf32>
        %slice3A_880 = vector.extract_strided_slice %get3A_299 {offsets = [13], sizes = [1], strides = [1]} : vector<16xf32> to vector<1xf32>
        %squeeze3A_881 = vector.extract %slice3A_880[0] : f32 from vector<1xf32>
        %broadcast_in_dim3A_882 = vector.broadcast %squeeze3A_881 : f32 to vector<16xf32>
        %slice3A_883 = vector.extract_strided_slice %get3A_304 {offsets = [13], sizes = [1], strides = [1]} : vector<16xf32> to vector<1xf32>
        %squeeze3A_884 = vector.extract %slice3A_883[0] : f32 from vector<1xf32>
        %broadcast_in_dim3A_885 = vector.broadcast %squeeze3A_884 : f32 to vector<16xf32>
        %mul3A_886 = arith.mulf %get3A_174, %broadcast_in_dim3A_876 : vector<16xf32>
        %add3A_887 = arith.addf %mul3A_886, %get3A_234 : vector<16xf32>
        %mul3A_888 = arith.mulf %get3A_194, %broadcast_in_dim3A_879 : vector<16xf32>
        %add3A_889 = arith.addf %mul3A_888, %add3A_887 : vector<16xf32>
        %mul3A_890 = arith.mulf %get3A_214, %broadcast_in_dim3A_882 : vector<16xf32>
        %add3A_891 = arith.addf %mul3A_890, %add3A_889 : vector<16xf32>
        %add3A_892 = arith.addf %add3A_891, %broadcast_in_dim3A_885 : vector<16xf32>
        %min3A_893 = arith.minimumf %min3A_849, %add3A_892 : vector<16xf32>
        %mul3A_894 = arith.mulf %get3A_179, %broadcast_in_dim3A_876 : vector<16xf32>
        %add3A_895 = arith.addf %mul3A_894, %get3A_239 : vector<16xf32>
        %mul3A_896 = arith.mulf %get3A_199, %broadcast_in_dim3A_879 : vector<16xf32>
        %add3A_897 = arith.addf %mul3A_896, %add3A_895 : vector<16xf32>
        %mul3A_898 = arith.mulf %get3A_219, %broadcast_in_dim3A_882 : vector<16xf32>
        %add3A_899 = arith.addf %mul3A_898, %add3A_897 : vector<16xf32>
        %add3A_900 = arith.addf %add3A_899, %broadcast_in_dim3A_885 : vector<16xf32>
        %min3A_901 = arith.minimumf %min3A_857, %add3A_900 : vector<16xf32>
        %mul3A_902 = arith.mulf %get3A_184, %broadcast_in_dim3A_876 : vector<16xf32>
        %add3A_903 = arith.addf %mul3A_902, %get3A_244 : vector<16xf32>
        %mul3A_904 = arith.mulf %get3A_204, %broadcast_in_dim3A_879 : vector<16xf32>
        %add3A_905 = arith.addf %mul3A_904, %add3A_903 : vector<16xf32>
        %mul3A_906 = arith.mulf %get3A_224, %broadcast_in_dim3A_882 : vector<16xf32>
        %add3A_907 = arith.addf %mul3A_906, %add3A_905 : vector<16xf32>
        %add3A_908 = arith.addf %add3A_907, %broadcast_in_dim3A_885 : vector<16xf32>
        %min3A_909 = arith.minimumf %min3A_865, %add3A_908 : vector<16xf32>
        %mul3A_910 = arith.mulf %get3A_189, %broadcast_in_dim3A_876 : vector<16xf32>
        %add3A_911 = arith.addf %mul3A_910, %get3A_249 : vector<16xf32>
        %mul3A_912 = arith.mulf %get3A_209, %broadcast_in_dim3A_879 : vector<16xf32>
        %add3A_913 = arith.addf %mul3A_912, %add3A_911 : vector<16xf32>
        %mul3A_914 = arith.mulf %get3A_229, %broadcast_in_dim3A_882 : vector<16xf32>
        %add3A_915 = arith.addf %mul3A_914, %add3A_913 : vector<16xf32>
        %add3A_916 = arith.addf %add3A_915, %broadcast_in_dim3A_885 : vector<16xf32>
        %min3A_917 = arith.minimumf %min3A_873, %add3A_916 : vector<16xf32>
        %slice3A_918 = vector.extract_strided_slice %get3A_289 {offsets = [14], sizes = [1], strides = [1]} : vector<16xf32> to vector<1xf32>
        %squeeze3A_919 = vector.extract %slice3A_918[0] : f32 from vector<1xf32>
        %broadcast_in_dim3A_920 = vector.broadcast %squeeze3A_919 : f32 to vector<16xf32>
        %slice3A_921 = vector.extract_strided_slice %get3A_294 {offsets = [14], sizes = [1], strides = [1]} : vector<16xf32> to vector<1xf32>
        %squeeze3A_922 = vector.extract %slice3A_921[0] : f32 from vector<1xf32>
        %broadcast_in_dim3A_923 = vector.broadcast %squeeze3A_922 : f32 to vector<16xf32>
        %slice3A_924 = vector.extract_strided_slice %get3A_299 {offsets = [14], sizes = [1], strides = [1]} : vector<16xf32> to vector<1xf32>
        %squeeze3A_925 = vector.extract %slice3A_924[0] : f32 from vector<1xf32>
        %broadcast_in_dim3A_926 = vector.broadcast %squeeze3A_925 : f32 to vector<16xf32>
        %slice3A_927 = vector.extract_strided_slice %get3A_304 {offsets = [14], sizes = [1], strides = [1]} : vector<16xf32> to vector<1xf32>
        %squeeze3A_928 = vector.extract %slice3A_927[0] : f32 from vector<1xf32>
        %broadcast_in_dim3A_929 = vector.broadcast %squeeze3A_928 : f32 to vector<16xf32>
        %mul3A_930 = arith.mulf %get3A_174, %broadcast_in_dim3A_920 : vector<16xf32>
        %add3A_931 = arith.addf %mul3A_930, %get3A_234 : vector<16xf32>
        %mul3A_932 = arith.mulf %get3A_194, %broadcast_in_dim3A_923 : vector<16xf32>
        %add3A_933 = arith.addf %mul3A_932, %add3A_931 : vector<16xf32>
        %mul3A_934 = arith.mulf %get3A_214, %broadcast_in_dim3A_926 : vector<16xf32>
        %add3A_935 = arith.addf %mul3A_934, %add3A_933 : vector<16xf32>
        %add3A_936 = arith.addf %add3A_935, %broadcast_in_dim3A_929 : vector<16xf32>
        %min3A_937 = arith.minimumf %min3A_893, %add3A_936 : vector<16xf32>
        %mul3A_938 = arith.mulf %get3A_179, %broadcast_in_dim3A_920 : vector<16xf32>
        %add3A_939 = arith.addf %mul3A_938, %get3A_239 : vector<16xf32>
        %mul3A_940 = arith.mulf %get3A_199, %broadcast_in_dim3A_923 : vector<16xf32>
        %add3A_941 = arith.addf %mul3A_940, %add3A_939 : vector<16xf32>
        %mul3A_942 = arith.mulf %get3A_219, %broadcast_in_dim3A_926 : vector<16xf32>
        %add3A_943 = arith.addf %mul3A_942, %add3A_941 : vector<16xf32>
        %add3A_944 = arith.addf %add3A_943, %broadcast_in_dim3A_929 : vector<16xf32>
        %min3A_945 = arith.minimumf %min3A_901, %add3A_944 : vector<16xf32>
        %mul3A_946 = arith.mulf %get3A_184, %broadcast_in_dim3A_920 : vector<16xf32>
        %add3A_947 = arith.addf %mul3A_946, %get3A_244 : vector<16xf32>
        %mul3A_948 = arith.mulf %get3A_204, %broadcast_in_dim3A_923 : vector<16xf32>
        %add3A_949 = arith.addf %mul3A_948, %add3A_947 : vector<16xf32>
        %mul3A_950 = arith.mulf %get3A_224, %broadcast_in_dim3A_926 : vector<16xf32>
        %add3A_951 = arith.addf %mul3A_950, %add3A_949 : vector<16xf32>
        %add3A_952 = arith.addf %add3A_951, %broadcast_in_dim3A_929 : vector<16xf32>
        %min3A_953 = arith.minimumf %min3A_909, %add3A_952 : vector<16xf32>
        %mul3A_954 = arith.mulf %get3A_189, %broadcast_in_dim3A_920 : vector<16xf32>
        %add3A_955 = arith.addf %mul3A_954, %get3A_249 : vector<16xf32>
        %mul3A_956 = arith.mulf %get3A_209, %broadcast_in_dim3A_923 : vector<16xf32>
        %add3A_957 = arith.addf %mul3A_956, %add3A_955 : vector<16xf32>
        %mul3A_958 = arith.mulf %get3A_229, %broadcast_in_dim3A_926 : vector<16xf32>
        %add3A_959 = arith.addf %mul3A_958, %add3A_957 : vector<16xf32>
        %add3A_960 = arith.addf %add3A_959, %broadcast_in_dim3A_929 : vector<16xf32>
        %min3A_961 = arith.minimumf %min3A_917, %add3A_960 : vector<16xf32>
        %slice3A_962 = vector.extract_strided_slice %get3A_289 {offsets = [15], sizes = [1], strides = [1]} : vector<16xf32> to vector<1xf32>
        %squeeze3A_963 = vector.extract %slice3A_962[0] : f32 from vector<1xf32>
        %broadcast_in_dim3A_964 = vector.broadcast %squeeze3A_963 : f32 to vector<16xf32>
        %slice3A_965 = vector.extract_strided_slice %get3A_294 {offsets = [15], sizes = [1], strides = [1]} : vector<16xf32> to vector<1xf32>
        %squeeze3A_966 = vector.extract %slice3A_965[0] : f32 from vector<1xf32>
        %broadcast_in_dim3A_967 = vector.broadcast %squeeze3A_966 : f32 to vector<16xf32>
        %slice3A_968 = vector.extract_strided_slice %get3A_299 {offsets = [15], sizes = [1], strides = [1]} : vector<16xf32> to vector<1xf32>
        %squeeze3A_969 = vector.extract %slice3A_968[0] : f32 from vector<1xf32>
        %broadcast_in_dim3A_970 = vector.broadcast %squeeze3A_969 : f32 to vector<16xf32>
        %slice3A_971 = vector.extract_strided_slice %get3A_304 {offsets = [15], sizes = [1], strides = [1]} : vector<16xf32> to vector<1xf32>
        %squeeze3A_972 = vector.extract %slice3A_971[0] : f32 from vector<1xf32>
        %broadcast_in_dim3A_973 = vector.broadcast %squeeze3A_972 : f32 to vector<16xf32>
        %mul3A_974 = arith.mulf %get3A_174, %broadcast_in_dim3A_964 : vector<16xf32>
        %add3A_975 = arith.addf %mul3A_974, %get3A_234 : vector<16xf32>
        %mul3A_976 = arith.mulf %get3A_194, %broadcast_in_dim3A_967 : vector<16xf32>
        %add3A_977 = arith.addf %mul3A_976, %add3A_975 : vector<16xf32>
        %mul3A_978 = arith.mulf %get3A_214, %broadcast_in_dim3A_970 : vector<16xf32>
        %add3A_979 = arith.addf %mul3A_978, %add3A_977 : vector<16xf32>
        %add3A_980 = arith.addf %add3A_979, %broadcast_in_dim3A_973 : vector<16xf32>
        %min3A_981 = arith.minimumf %min3A_937, %add3A_980 : vector<16xf32>
        %mul3A_982 = arith.mulf %get3A_179, %broadcast_in_dim3A_964 : vector<16xf32>
        %add3A_983 = arith.addf %mul3A_982, %get3A_239 : vector<16xf32>
        %mul3A_984 = arith.mulf %get3A_199, %broadcast_in_dim3A_967 : vector<16xf32>
        %add3A_985 = arith.addf %mul3A_984, %add3A_983 : vector<16xf32>
        %mul3A_986 = arith.mulf %get3A_219, %broadcast_in_dim3A_970 : vector<16xf32>
        %add3A_987 = arith.addf %mul3A_986, %add3A_985 : vector<16xf32>
        %add3A_988 = arith.addf %add3A_987, %broadcast_in_dim3A_973 : vector<16xf32>
        %min3A_989 = arith.minimumf %min3A_945, %add3A_988 : vector<16xf32>
        %mul3A_990 = arith.mulf %get3A_184, %broadcast_in_dim3A_964 : vector<16xf32>
        %add3A_991 = arith.addf %mul3A_990, %get3A_244 : vector<16xf32>
        %mul3A_992 = arith.mulf %get3A_204, %broadcast_in_dim3A_967 : vector<16xf32>
        %add3A_993 = arith.addf %mul3A_992, %add3A_991 : vector<16xf32>
        %mul3A_994 = arith.mulf %get3A_224, %broadcast_in_dim3A_970 : vector<16xf32>
        %add3A_995 = arith.addf %mul3A_994, %add3A_993 : vector<16xf32>
        %add3A_996 = arith.addf %add3A_995, %broadcast_in_dim3A_973 : vector<16xf32>
        %min3A_997 = arith.minimumf %min3A_953, %add3A_996 : vector<16xf32>
        %mul3A_998 = arith.mulf %get3A_189, %broadcast_in_dim3A_964 : vector<16xf32>
        %add3A_999 = arith.addf %mul3A_998, %get3A_249 : vector<16xf32>
        %mul3A_1000 = arith.mulf %get3A_209, %broadcast_in_dim3A_967 : vector<16xf32>
        %add3A_1001 = arith.addf %mul3A_1000, %add3A_999 : vector<16xf32>
        %mul3A_1002 = arith.mulf %get3A_229, %broadcast_in_dim3A_970 : vector<16xf32>
        %add3A_1003 = arith.addf %mul3A_1002, %add3A_1001 : vector<16xf32>
        %add3A_1004 = arith.addf %add3A_1003, %broadcast_in_dim3A_973 : vector<16xf32>
        %min3A_1005 = arith.minimumf %min3A_961, %add3A_1004 : vector<16xf32>
        scf.yield %min3A_981, %min3A_989, %min3A_997, %min3A_1005 : vector<16xf32>, vector<16xf32>, vector<16xf32>, vector<16xf32>
      }
      %scan3A_256 = arith.constant 32 : i32
      %add3A_257 = arith.constant 0 : i32
      %add3A_258 = arith.addi %mul3A_170, %add3A_257 : i32
      %swap3A = arith.index_cast %add3A_258 : i32 to index
      %swap3A_259 = tpu.vector_load %arg16[%swap3A] {strides = array<i32>} : memref<4096xf32, #tpu.memory_space<vmem>>, vector<16xf32>,
      %swap3A_260 = vector.shape_cast %swap3A_259 : vector<16xf32> to vector<16xf32>
      %swap3A_261 = vector.shape_cast %scan3A_255#0 : vector<16xf32> to vector<16xf32>
      tpu.vector_store %arg16[%swap3A], %swap3A_261 {strides = array<i32>} : memref<4096xf32, #tpu.memory_space<vmem>>, vector<16xf32>,
      %add3A_262 = arith.constant 16 : i32
      %add3A_263 = arith.addi %mul3A_170, %add3A_262 : i32
      %swap3A_264 = arith.index_cast %add3A_263 : i32 to index
      %swap3A_265 = tpu.vector_load %arg16[%swap3A_264] {strides = array<i32>} : memref<4096xf32, #tpu.memory_space<vmem>>, vector<16xf32>,
      %swap3A_266 = vector.shape_cast %swap3A_265 : vector<16xf32> to vector<16xf32>
      %swap3A_267 = vector.shape_cast %scan3A_255#1 : vector<16xf32> to vector<16xf32>
      tpu.vector_store %arg16[%swap3A_264], %swap3A_267 {strides = array<i32>} : memref<4096xf32, #tpu.memory_space<vmem>>, vector<16xf32>,
      %add3A_268 = arith.constant 32 : i32
      %add3A_269 = arith.addi %mul3A_170, %add3A_268 : i32
      %swap3A_270 = arith.index_cast %add3A_269 : i32 to index
      %swap3A_271 = tpu.vector_load %arg16[%swap3A_270] {strides = array<i32>} : memref<4096xf32, #tpu.memory_space<vmem>>, vector<16xf32>,
      %swap3A_272 = vector.shape_cast %swap3A_271 : vector<16xf32> to vector<16xf32>
      %swap3A_273 = vector.shape_cast %scan3A_255#2 : vector<16xf32> to vector<16xf32>
      tpu.vector_store %arg16[%swap3A_270], %swap3A_273 {strides = array<i32>} : memref<4096xf32, #tpu.memory_space<vmem>>, vector<16xf32>,
      %add3A_274 = arith.constant 48 : i32
      %add3A_275 = arith.addi %mul3A_170, %add3A_274 : i32
      %swap3A_276 = arith.index_cast %add3A_275 : i32 to index
      %swap3A_277 = tpu.vector_load %arg16[%swap3A_276] {strides = array<i32>} : memref<4096xf32, #tpu.memory_space<vmem>>, vector<16xf32>,
      %swap3A_278 = vector.shape_cast %swap3A_277 : vector<16xf32> to vector<16xf32>
      %swap3A_279 = vector.shape_cast %scan3A_255#3 : vector<16xf32> to vector<16xf32>
      tpu.vector_store %arg16[%swap3A_276], %swap3A_279 {strides = array<i32>} : memref<4096xf32, #tpu.memory_space<vmem>>, vector<16xf32>,
    }
    %scan3A_90 = arith.constant 64 : i32
    %mul3A_91 = arith.constant 4096 : i32
    %mul3A_92 = arith.muli %arg1, %mul3A_91 : i32
    "tpu.region"() ({
      %run_scoped3A = tpu.sem_alloc : memref<!tpu.dma_semaphore, #tpu.memory_space<semaphore_mem>>
      %dma_start3A = tpu.memref_slice %arg20[%mul3A_92] : memref<65536xf32, #tpu.memory_space<vmem_shared>> -> memref<4096xf32, #tpu.memory_space<vmem_shared>>
      %dma_start3A_168 = tpu.memref_slice %arg20[%mul3A_92] : memref<65536xf32, #tpu.memory_space<vmem_shared>> -> memref<4096xf32, #tpu.memory_space<vmem_shared>>
      tpu.enqueue_dma source(%arg16 : memref<4096xf32, #tpu.memory_space<vmem>>) target(%dma_start3A_168 : memref<4096xf32, #tpu.memory_space<vmem_shared>>) target_semaphore(%run_scoped3A : memref<!tpu.dma_semaphore, #tpu.memory_space<semaphore_mem>>)
      %dma_wait3A = tpu.memref_slice %arg20[%mul3A_92] : memref<65536xf32, #tpu.memory_space<vmem_shared>> -> memref<4096xf32, #tpu.memory_space<vmem_shared>>
      %dma_wait3A_169 = tpu.memref_slice %arg20[%mul3A_92] : memref<65536xf32, #tpu.memory_space<vmem_shared>> -> memref<4096xf32, #tpu.memory_space<vmem_shared>>
      tpu.wait_dma2 semaphore(%run_scoped3A : memref<!tpu.dma_semaphore, #tpu.memory_space<semaphore_mem>>) src(%arg16 : memref<4096xf32, #tpu.memory_space<vmem>>) dst(%dma_wait3A_169 : memref<4096xf32, #tpu.memory_space<vmem_shared>>)
      tpu.yield
    }) : () -> ()
    %barrier3A = arith.constant 0 : index
    tpu.barrier barrier_id(%barrier3A)
    %jit3A_93 = arith.constant 8 : i32
    %div3A_94 = arith.divsi %arg1, %jit3A_93 : i32
    %sign3A_95 = arith.constant 0 : i32
    %sign3A_96 = arith.cmpi sgt, %arg1, %sign3A_95 : i32
    %sign3A_97 = arith.extui %sign3A_96 : i1 to i32
    %sign3A_98 = arith.constant 0 : i32
    %sign3A_99 = arith.cmpi slt, %arg1, %sign3A_98 : i32
    %sign3A_100 = arith.extui %sign3A_99 : i1 to i32
    %sign3A_101 = arith.subi %sign3A_97, %sign3A_100 : i32
    %sign3A_102 = arith.constant 0 : i32
    %sign3A_103 = arith.cmpi sgt, %jit3A_93, %sign3A_102 : i32
    %sign3A_104 = arith.extui %sign3A_103 : i1 to i32
    %sign3A_105 = arith.constant 0 : i32
    %sign3A_106 = arith.cmpi slt, %jit3A_93, %sign3A_105 : i32
    %sign3A_107 = arith.extui %sign3A_106 : i1 to i32
    %sign3A_108 = arith.subi %sign3A_104, %sign3A_107 : i32
    %ne3A_109 = arith.cmpi ne, %sign3A_101, %sign3A_108 : i32
    %rem3A_110 = arith.remsi %arg1, %jit3A_93 : i32
    %ne3A_111 = arith.constant 0 : i32
    %ne3A_112 = arith.cmpi ne, %rem3A_110, %ne3A_111 : i32
    %and3A_113 = arith.andi %ne3A_109, %ne3A_112 : i1
    %sub3A_114 = arith.constant 1 : i32
    %sub3A_115 = arith.subi %div3A_94, %sub3A_114 : i32
    %select_n3A_116 = arith.select %and3A_113, %sub3A_115, %div3A_94 : i32
    %mul3A_117 = arith.constant 8 : i32
    %mul3A_118 = arith.muli %select_n3A_116, %mul3A_117 : i32
    %add3A_119 = arith.constant 0 : i32
    %add3A_120 = arith.addi %mul3A_118, %add3A_119 : i32
    %mul3A_121 = arith.constant 4096 : i32
    %mul3A_122 = arith.muli %add3A_120, %mul3A_121 : i32
    %add3A_123 = arith.addi %mul3A_122, %mul3A_32 : i32
    "tpu.region"() ({
      %run_scoped3A = tpu.sem_alloc : memref<!tpu.dma_semaphore, #tpu.memory_space<semaphore_mem>>
      %dma_start3A = arith.constant 0 : i32
      %dma_start3A_168 = tpu.memref_slice %arg18[%dma_start3A] : memref<4096xf32, #tpu.memory_space<vmem>> -> memref<512xf32, #tpu.memory_space<vmem>>
      %dma_start3A_169 = tpu.memref_slice %arg20[%add3A_123] : memref<65536xf32, #tpu.memory_space<vmem_shared>> -> memref<512xf32, #tpu.memory_space<vmem_shared>>
      %dma_start3A_170 = arith.constant 0 : i32
      %dma_start3A_171 = tpu.memref_slice %arg18[%dma_start3A_170] : memref<4096xf32, #tpu.memory_space<vmem>> -> memref<512xf32, #tpu.memory_space<vmem>>
      %dma_start3A_172 = tpu.memref_slice %arg20[%add3A_123] : memref<65536xf32, #tpu.memory_space<vmem_shared>> -> memref<512xf32, #tpu.memory_space<vmem_shared>>
      tpu.enqueue_dma source(%dma_start3A_172 : memref<512xf32, #tpu.memory_space<vmem_shared>>) target(%dma_start3A_171 : memref<512xf32, #tpu.memory_space<vmem>>) target_semaphore(%run_scoped3A : memref<!tpu.dma_semaphore, #tpu.memory_space<semaphore_mem>>)
      %dma_wait3A = arith.constant 0 : i32
      %dma_wait3A_173 = tpu.memref_slice %arg18[%dma_wait3A] : memref<4096xf32, #tpu.memory_space<vmem>> -> memref<512xf32, #tpu.memory_space<vmem>>
      %dma_wait3A_174 = tpu.memref_slice %arg20[%add3A_123] : memref<65536xf32, #tpu.memory_space<vmem_shared>> -> memref<512xf32, #tpu.memory_space<vmem_shared>>
      %dma_wait3A_175 = arith.constant 0 : i32
      %dma_wait3A_176 = tpu.memref_slice %arg18[%dma_wait3A_175] : memref<4096xf32, #tpu.memory_space<vmem>> -> memref<512xf32, #tpu.memory_space<vmem>>
      %dma_wait3A_177 = tpu.memref_slice %arg20[%add3A_123] : memref<65536xf32, #tpu.memory_space<vmem_shared>> -> memref<512xf32, #tpu.memory_space<vmem_shared>>
      tpu.wait_dma2 semaphore(%run_scoped3A : memref<!tpu.dma_semaphore, #tpu.memory_space<semaphore_mem>>) src(%dma_wait3A_177 : memref<512xf32, #tpu.memory_space<vmem_shared>>) dst(%dma_wait3A_176 : memref<512xf32, #tpu.memory_space<vmem>>)
      tpu.yield
    }) : () -> ()
    %add3A_124 = arith.constant 1 : i32
    %add3A_125 = arith.addi %mul3A_118, %add3A_124 : i32
    %mul3A_126 = arith.constant 4096 : i32
    %mul3A_127 = arith.muli %add3A_125, %mul3A_126 : i32
    %add3A_128 = arith.addi %mul3A_127, %mul3A_32 : i32
    "tpu.region"() ({
      %run_scoped3A = tpu.sem_alloc : memref<!tpu.dma_semaphore, #tpu.memory_space<semaphore_mem>>
      %dma_start3A = arith.constant 512 : i32
      %dma_start3A_168 = tpu.memref_slice %arg18[%dma_start3A] : memref<4096xf32, #tpu.memory_space<vmem>> -> memref<512xf32, #tpu.memory_space<vmem>>
      %dma_start3A_169 = tpu.memref_slice %arg20[%add3A_128] : memref<65536xf32, #tpu.memory_space<vmem_shared>> -> memref<512xf32, #tpu.memory_space<vmem_shared>>
      %dma_start3A_170 = arith.constant 512 : i32
      %dma_start3A_171 = tpu.memref_slice %arg18[%dma_start3A_170] : memref<4096xf32, #tpu.memory_space<vmem>> -> memref<512xf32, #tpu.memory_space<vmem>>
      %dma_start3A_172 = tpu.memref_slice %arg20[%add3A_128] : memref<65536xf32, #tpu.memory_space<vmem_shared>> -> memref<512xf32, #tpu.memory_space<vmem_shared>>
      tpu.enqueue_dma source(%dma_start3A_172 : memref<512xf32, #tpu.memory_space<vmem_shared>>) target(%dma_start3A_171 : memref<512xf32, #tpu.memory_space<vmem>>) target_semaphore(%run_scoped3A : memref<!tpu.dma_semaphore, #tpu.memory_space<semaphore_mem>>)
      %dma_wait3A = arith.constant 512 : i32
      %dma_wait3A_173 = tpu.memref_slice %arg18[%dma_wait3A] : memref<4096xf32, #tpu.memory_space<vmem>> -> memref<512xf32, #tpu.memory_space<vmem>>
      %dma_wait3A_174 = tpu.memref_slice %arg20[%add3A_128] : memref<65536xf32, #tpu.memory_space<vmem_shared>> -> memref<512xf32, #tpu.memory_space<vmem_shared>>
      %dma_wait3A_175 = arith.constant 512 : i32
      %dma_wait3A_176 = tpu.memref_slice %arg18[%dma_wait3A_175] : memref<4096xf32, #tpu.memory_space<vmem>> -> memref<512xf32, #tpu.memory_space<vmem>>
      %dma_wait3A_177 = tpu.memref_slice %arg20[%add3A_128] : memref<65536xf32, #tpu.memory_space<vmem_shared>> -> memref<512xf32, #tpu.memory_space<vmem_shared>>
      tpu.wait_dma2 semaphore(%run_scoped3A : memref<!tpu.dma_semaphore, #tpu.memory_space<semaphore_mem>>) src(%dma_wait3A_177 : memref<512xf32, #tpu.memory_space<vmem_shared>>) dst(%dma_wait3A_176 : memref<512xf32, #tpu.memory_space<vmem>>)
      tpu.yield
    }) : () -> ()
    %add3A_129 = arith.constant 2 : i32
    %add3A_130 = arith.addi %mul3A_118, %add3A_129 : i32
    %mul3A_131 = arith.constant 4096 : i32
    %mul3A_132 = arith.muli %add3A_130, %mul3A_131 : i32
    %add3A_133 = arith.addi %mul3A_132, %mul3A_32 : i32
    "tpu.region"() ({
      %run_scoped3A = tpu.sem_alloc : memref<!tpu.dma_semaphore, #tpu.memory_space<semaphore_mem>>
      %dma_start3A = arith.constant 1024 : i32
      %dma_start3A_168 = tpu.memref_slice %arg18[%dma_start3A] : memref<4096xf32, #tpu.memory_space<vmem>> -> memref<512xf32, #tpu.memory_space<vmem>>
      %dma_start3A_169 = tpu.memref_slice %arg20[%add3A_133] : memref<65536xf32, #tpu.memory_space<vmem_shared>> -> memref<512xf32, #tpu.memory_space<vmem_shared>>
      %dma_start3A_170 = arith.constant 1024 : i32
      %dma_start3A_171 = tpu.memref_slice %arg18[%dma_start3A_170] : memref<4096xf32, #tpu.memory_space<vmem>> -> memref<512xf32, #tpu.memory_space<vmem>>
      %dma_start3A_172 = tpu.memref_slice %arg20[%add3A_133] : memref<65536xf32, #tpu.memory_space<vmem_shared>> -> memref<512xf32, #tpu.memory_space<vmem_shared>>
      tpu.enqueue_dma source(%dma_start3A_172 : memref<512xf32, #tpu.memory_space<vmem_shared>>) target(%dma_start3A_171 : memref<512xf32, #tpu.memory_space<vmem>>) target_semaphore(%run_scoped3A : memref<!tpu.dma_semaphore, #tpu.memory_space<semaphore_mem>>)
      %dma_wait3A = arith.constant 1024 : i32
      %dma_wait3A_173 = tpu.memref_slice %arg18[%dma_wait3A] : memref<4096xf32, #tpu.memory_space<vmem>> -> memref<512xf32, #tpu.memory_space<vmem>>
      %dma_wait3A_174 = tpu.memref_slice %arg20[%add3A_133] : memref<65536xf32, #tpu.memory_space<vmem_shared>> -> memref<512xf32, #tpu.memory_space<vmem_shared>>
      %dma_wait3A_175 = arith.constant 1024 : i32
      %dma_wait3A_176 = tpu.memref_slice %arg18[%dma_wait3A_175] : memref<4096xf32, #tpu.memory_space<vmem>> -> memref<512xf32, #tpu.memory_space<vmem>>
      %dma_wait3A_177 = tpu.memref_slice %arg20[%add3A_133] : memref<65536xf32, #tpu.memory_space<vmem_shared>> -> memref<512xf32, #tpu.memory_space<vmem_shared>>
      tpu.wait_dma2 semaphore(%run_scoped3A : memref<!tpu.dma_semaphore, #tpu.memory_space<semaphore_mem>>) src(%dma_wait3A_177 : memref<512xf32, #tpu.memory_space<vmem_shared>>) dst(%dma_wait3A_176 : memref<512xf32, #tpu.memory_space<vmem>>)
      tpu.yield
    }) : () -> ()
    %add3A_134 = arith.constant 3 : i32
    %add3A_135 = arith.addi %mul3A_118, %add3A_134 : i32
    %mul3A_136 = arith.constant 4096 : i32
    %mul3A_137 = arith.muli %add3A_135, %mul3A_136 : i32
    %add3A_138 = arith.addi %mul3A_137, %mul3A_32 : i32
    "tpu.region"() ({
      %run_scoped3A = tpu.sem_alloc : memref<!tpu.dma_semaphore, #tpu.memory_space<semaphore_mem>>
      %dma_start3A = arith.constant 1536 : i32
      %dma_start3A_168 = tpu.memref_slice %arg18[%dma_start3A] : memref<4096xf32, #tpu.memory_space<vmem>> -> memref<512xf32, #tpu.memory_space<vmem>>
      %dma_start3A_169 = tpu.memref_slice %arg20[%add3A_138] : memref<65536xf32, #tpu.memory_space<vmem_shared>> -> memref<512xf32, #tpu.memory_space<vmem_shared>>
      %dma_start3A_170 = arith.constant 1536 : i32
      %dma_start3A_171 = tpu.memref_slice %arg18[%dma_start3A_170] : memref<4096xf32, #tpu.memory_space<vmem>> -> memref<512xf32, #tpu.memory_space<vmem>>
      %dma_start3A_172 = tpu.memref_slice %arg20[%add3A_138] : memref<65536xf32, #tpu.memory_space<vmem_shared>> -> memref<512xf32, #tpu.memory_space<vmem_shared>>
      tpu.enqueue_dma source(%dma_start3A_172 : memref<512xf32, #tpu.memory_space<vmem_shared>>) target(%dma_start3A_171 : memref<512xf32, #tpu.memory_space<vmem>>) target_semaphore(%run_scoped3A : memref<!tpu.dma_semaphore, #tpu.memory_space<semaphore_mem>>)
      %dma_wait3A = arith.constant 1536 : i32
      %dma_wait3A_173 = tpu.memref_slice %arg18[%dma_wait3A] : memref<4096xf32, #tpu.memory_space<vmem>> -> memref<512xf32, #tpu.memory_space<vmem>>
      %dma_wait3A_174 = tpu.memref_slice %arg20[%add3A_138] : memref<65536xf32, #tpu.memory_space<vmem_shared>> -> memref<512xf32, #tpu.memory_space<vmem_shared>>
      %dma_wait3A_175 = arith.constant 1536 : i32
      %dma_wait3A_176 = tpu.memref_slice %arg18[%dma_wait3A_175] : memref<4096xf32, #tpu.memory_space<vmem>> -> memref<512xf32, #tpu.memory_space<vmem>>
      %dma_wait3A_177 = tpu.memref_slice %arg20[%add3A_138] : memref<65536xf32, #tpu.memory_space<vmem_shared>> -> memref<512xf32, #tpu.memory_space<vmem_shared>>
      tpu.wait_dma2 semaphore(%run_scoped3A : memref<!tpu.dma_semaphore, #tpu.memory_space<semaphore_mem>>) src(%dma_wait3A_177 : memref<512xf32, #tpu.memory_space<vmem_shared>>) dst(%dma_wait3A_176 : memref<512xf32, #tpu.memory_space<vmem>>)
      tpu.yield
    }) : () -> ()
    %add3A_139 = arith.constant 4 : i32
    %add3A_140 = arith.addi %mul3A_118, %add3A_139 : i32
    %mul3A_141 = arith.constant 4096 : i32
    %mul3A_142 = arith.muli %add3A_140, %mul3A_141 : i32
    %add3A_143 = arith.addi %mul3A_142, %mul3A_32 : i32
    "tpu.region"() ({
      %run_scoped3A = tpu.sem_alloc : memref<!tpu.dma_semaphore, #tpu.memory_space<semaphore_mem>>
      %dma_start3A = arith.constant 2048 : i32
      %dma_start3A_168 = tpu.memref_slice %arg18[%dma_start3A] : memref<4096xf32, #tpu.memory_space<vmem>> -> memref<512xf32, #tpu.memory_space<vmem>>
      %dma_start3A_169 = tpu.memref_slice %arg20[%add3A_143] : memref<65536xf32, #tpu.memory_space<vmem_shared>> -> memref<512xf32, #tpu.memory_space<vmem_shared>>
      %dma_start3A_170 = arith.constant 2048 : i32
      %dma_start3A_171 = tpu.memref_slice %arg18[%dma_start3A_170] : memref<4096xf32, #tpu.memory_space<vmem>> -> memref<512xf32, #tpu.memory_space<vmem>>
      %dma_start3A_172 = tpu.memref_slice %arg20[%add3A_143] : memref<65536xf32, #tpu.memory_space<vmem_shared>> -> memref<512xf32, #tpu.memory_space<vmem_shared>>
      tpu.enqueue_dma source(%dma_start3A_172 : memref<512xf32, #tpu.memory_space<vmem_shared>>) target(%dma_start3A_171 : memref<512xf32, #tpu.memory_space<vmem>>) target_semaphore(%run_scoped3A : memref<!tpu.dma_semaphore, #tpu.memory_space<semaphore_mem>>)
      %dma_wait3A = arith.constant 2048 : i32
      %dma_wait3A_173 = tpu.memref_slice %arg18[%dma_wait3A] : memref<4096xf32, #tpu.memory_space<vmem>> -> memref<512xf32, #tpu.memory_space<vmem>>
      %dma_wait3A_174 = tpu.memref_slice %arg20[%add3A_143] : memref<65536xf32, #tpu.memory_space<vmem_shared>> -> memref<512xf32, #tpu.memory_space<vmem_shared>>
      %dma_wait3A_175 = arith.constant 2048 : i32
      %dma_wait3A_176 = tpu.memref_slice %arg18[%dma_wait3A_175] : memref<4096xf32, #tpu.memory_space<vmem>> -> memref<512xf32, #tpu.memory_space<vmem>>
      %dma_wait3A_177 = tpu.memref_slice %arg20[%add3A_143] : memref<65536xf32, #tpu.memory_space<vmem_shared>> -> memref<512xf32, #tpu.memory_space<vmem_shared>>
      tpu.wait_dma2 semaphore(%run_scoped3A : memref<!tpu.dma_semaphore, #tpu.memory_space<semaphore_mem>>) src(%dma_wait3A_177 : memref<512xf32, #tpu.memory_space<vmem_shared>>) dst(%dma_wait3A_176 : memref<512xf32, #tpu.memory_space<vmem>>)
      tpu.yield
    }) : () -> ()
    %add3A_144 = arith.constant 5 : i32
    %add3A_145 = arith.addi %mul3A_118, %add3A_144 : i32
    %mul3A_146 = arith.constant 4096 : i32
    %mul3A_147 = arith.muli %add3A_145, %mul3A_146 : i32
    %add3A_148 = arith.addi %mul3A_147, %mul3A_32 : i32
    "tpu.region"() ({
      %run_scoped3A = tpu.sem_alloc : memref<!tpu.dma_semaphore, #tpu.memory_space<semaphore_mem>>
      %dma_start3A = arith.constant 2560 : i32
      %dma_start3A_168 = tpu.memref_slice %arg18[%dma_start3A] : memref<4096xf32, #tpu.memory_space<vmem>> -> memref<512xf32, #tpu.memory_space<vmem>>
      %dma_start3A_169 = tpu.memref_slice %arg20[%add3A_148] : memref<65536xf32, #tpu.memory_space<vmem_shared>> -> memref<512xf32, #tpu.memory_space<vmem_shared>>
      %dma_start3A_170 = arith.constant 2560 : i32
      %dma_start3A_171 = tpu.memref_slice %arg18[%dma_start3A_170] : memref<4096xf32, #tpu.memory_space<vmem>> -> memref<512xf32, #tpu.memory_space<vmem>>
      %dma_start3A_172 = tpu.memref_slice %arg20[%add3A_148] : memref<65536xf32, #tpu.memory_space<vmem_shared>> -> memref<512xf32, #tpu.memory_space<vmem_shared>>
      tpu.enqueue_dma source(%dma_start3A_172 : memref<512xf32, #tpu.memory_space<vmem_shared>>) target(%dma_start3A_171 : memref<512xf32, #tpu.memory_space<vmem>>) target_semaphore(%run_scoped3A : memref<!tpu.dma_semaphore, #tpu.memory_space<semaphore_mem>>)
      %dma_wait3A = arith.constant 2560 : i32
      %dma_wait3A_173 = tpu.memref_slice %arg18[%dma_wait3A] : memref<4096xf32, #tpu.memory_space<vmem>> -> memref<512xf32, #tpu.memory_space<vmem>>
      %dma_wait3A_174 = tpu.memref_slice %arg20[%add3A_148] : memref<65536xf32, #tpu.memory_space<vmem_shared>> -> memref<512xf32, #tpu.memory_space<vmem_shared>>
      %dma_wait3A_175 = arith.constant 2560 : i32
      %dma_wait3A_176 = tpu.memref_slice %arg18[%dma_wait3A_175] : memref<4096xf32, #tpu.memory_space<vmem>> -> memref<512xf32, #tpu.memory_space<vmem>>
      %dma_wait3A_177 = tpu.memref_slice %arg20[%add3A_148] : memref<65536xf32, #tpu.memory_space<vmem_shared>> -> memref<512xf32, #tpu.memory_space<vmem_shared>>
      tpu.wait_dma2 semaphore(%run_scoped3A : memref<!tpu.dma_semaphore, #tpu.memory_space<semaphore_mem>>) src(%dma_wait3A_177 : memref<512xf32, #tpu.memory_space<vmem_shared>>) dst(%dma_wait3A_176 : memref<512xf32, #tpu.memory_space<vmem>>)
      tpu.yield
    }) : () -> ()
    %add3A_149 = arith.constant 6 : i32
    %add3A_150 = arith.addi %mul3A_118, %add3A_149 : i32
    %mul3A_151 = arith.constant 4096 : i32
    %mul3A_152 = arith.muli %add3A_150, %mul3A_151 : i32
    %add3A_153 = arith.addi %mul3A_152, %mul3A_32 : i32
    "tpu.region"() ({
      %run_scoped3A = tpu.sem_alloc : memref<!tpu.dma_semaphore, #tpu.memory_space<semaphore_mem>>
      %dma_start3A = arith.constant 3072 : i32
      %dma_start3A_168 = tpu.memref_slice %arg18[%dma_start3A] : memref<4096xf32, #tpu.memory_space<vmem>> -> memref<512xf32, #tpu.memory_space<vmem>>
      %dma_start3A_169 = tpu.memref_slice %arg20[%add3A_153] : memref<65536xf32, #tpu.memory_space<vmem_shared>> -> memref<512xf32, #tpu.memory_space<vmem_shared>>
      %dma_start3A_170 = arith.constant 3072 : i32
      %dma_start3A_171 = tpu.memref_slice %arg18[%dma_start3A_170] : memref<4096xf32, #tpu.memory_space<vmem>> -> memref<512xf32, #tpu.memory_space<vmem>>
      %dma_start3A_172 = tpu.memref_slice %arg20[%add3A_153] : memref<65536xf32, #tpu.memory_space<vmem_shared>> -> memref<512xf32, #tpu.memory_space<vmem_shared>>
      tpu.enqueue_dma source(%dma_start3A_172 : memref<512xf32, #tpu.memory_space<vmem_shared>>) target(%dma_start3A_171 : memref<512xf32, #tpu.memory_space<vmem>>) target_semaphore(%run_scoped3A : memref<!tpu.dma_semaphore, #tpu.memory_space<semaphore_mem>>)
      %dma_wait3A = arith.constant 3072 : i32
      %dma_wait3A_173 = tpu.memref_slice %arg18[%dma_wait3A] : memref<4096xf32, #tpu.memory_space<vmem>> -> memref<512xf32, #tpu.memory_space<vmem>>
      %dma_wait3A_174 = tpu.memref_slice %arg20[%add3A_153] : memref<65536xf32, #tpu.memory_space<vmem_shared>> -> memref<512xf32, #tpu.memory_space<vmem_shared>>
      %dma_wait3A_175 = arith.constant 3072 : i32
      %dma_wait3A_176 = tpu.memref_slice %arg18[%dma_wait3A_175] : memref<4096xf32, #tpu.memory_space<vmem>> -> memref<512xf32, #tpu.memory_space<vmem>>
      %dma_wait3A_177 = tpu.memref_slice %arg20[%add3A_153] : memref<65536xf32, #tpu.memory_space<vmem_shared>> -> memref<512xf32, #tpu.memory_space<vmem_shared>>
      tpu.wait_dma2 semaphore(%run_scoped3A : memref<!tpu.dma_semaphore, #tpu.memory_space<semaphore_mem>>) src(%dma_wait3A_177 : memref<512xf32, #tpu.memory_space<vmem_shared>>) dst(%dma_wait3A_176 : memref<512xf32, #tpu.memory_space<vmem>>)
      tpu.yield
    }) : () -> ()
    %add3A_154 = arith.constant 7 : i32
    %add3A_155 = arith.addi %mul3A_118, %add3A_154 : i32
    %mul3A_156 = arith.constant 4096 : i32
    %mul3A_157 = arith.muli %add3A_155, %mul3A_156 : i32
    %add3A_158 = arith.addi %mul3A_157, %mul3A_32 : i32
    "tpu.region"() ({
      %run_scoped3A = tpu.sem_alloc : memref<!tpu.dma_semaphore, #tpu.memory_space<semaphore_mem>>
      %dma_start3A = arith.constant 3584 : i32
      %dma_start3A_168 = tpu.memref_slice %arg18[%dma_start3A] : memref<4096xf32, #tpu.memory_space<vmem>> -> memref<512xf32, #tpu.memory_space<vmem>>
      %dma_start3A_169 = tpu.memref_slice %arg20[%add3A_158] : memref<65536xf32, #tpu.memory_space<vmem_shared>> -> memref<512xf32, #tpu.memory_space<vmem_shared>>
      %dma_start3A_170 = arith.constant 3584 : i32
      %dma_start3A_171 = tpu.memref_slice %arg18[%dma_start3A_170] : memref<4096xf32, #tpu.memory_space<vmem>> -> memref<512xf32, #tpu.memory_space<vmem>>
      %dma_start3A_172 = tpu.memref_slice %arg20[%add3A_158] : memref<65536xf32, #tpu.memory_space<vmem_shared>> -> memref<512xf32, #tpu.memory_space<vmem_shared>>
      tpu.enqueue_dma source(%dma_start3A_172 : memref<512xf32, #tpu.memory_space<vmem_shared>>) target(%dma_start3A_171 : memref<512xf32, #tpu.memory_space<vmem>>) target_semaphore(%run_scoped3A : memref<!tpu.dma_semaphore, #tpu.memory_space<semaphore_mem>>)
      %dma_wait3A = arith.constant 3584 : i32
      %dma_wait3A_173 = tpu.memref_slice %arg18[%dma_wait3A] : memref<4096xf32, #tpu.memory_space<vmem>> -> memref<512xf32, #tpu.memory_space<vmem>>
      %dma_wait3A_174 = tpu.memref_slice %arg20[%add3A_158] : memref<65536xf32, #tpu.memory_space<vmem_shared>> -> memref<512xf32, #tpu.memory_space<vmem_shared>>
      %dma_wait3A_175 = arith.constant 3584 : i32
      %dma_wait3A_176 = tpu.memref_slice %arg18[%dma_wait3A_175] : memref<4096xf32, #tpu.memory_space<vmem>> -> memref<512xf32, #tpu.memory_space<vmem>>
      %dma_wait3A_177 = tpu.memref_slice %arg20[%add3A_158] : memref<65536xf32, #tpu.memory_space<vmem_shared>> -> memref<512xf32, #tpu.memory_space<vmem_shared>>
      tpu.wait_dma2 semaphore(%run_scoped3A : memref<!tpu.dma_semaphore, #tpu.memory_space<semaphore_mem>>) src(%dma_wait3A_177 : memref<512xf32, #tpu.memory_space<vmem_shared>>) dst(%dma_wait3A_176 : memref<512xf32, #tpu.memory_space<vmem>>)
      tpu.yield
    }) : () -> ()
    %scan3A_159 = arith.constant 0 : i32
    %scan3A_160 = arith.constant 0 : i32
    %scan3A_161 = arith.constant 32 : i32
    %scan3A_162 = arith.addi %scan3A_160, %scan3A_161 : i32
    %scan3A_163 = arith.constant 1 : i32
    scf.for %scan3A_168 = %scan3A_160 to %scan3A_162 step %scan3A_163  : i32 {
      %mul3A_169 = arith.constant 16 : i32
      %mul3A_170 = arith.muli %scan3A_168, %mul3A_169 : i32
      %get3A = arith.index_cast %mul3A_170 : i32 to index
      %get3A_171 = tpu.vector_load %arg18[%get3A] {strides = array<i32>} : memref<4096xf32, #tpu.memory_space<vmem>>, vector<16xf32>,
      %get3A_172 = vector.shape_cast %get3A_171 : vector<16xf32> to vector<16xf32>
      %add3A_173 = arith.constant 512 : i32
      %add3A_174 = arith.addi %add3A_173, %mul3A_170 : i32
      %get3A_175 = arith.index_cast %add3A_174 : i32 to index
      %get3A_176 = tpu.vector_load %arg18[%get3A_175] {strides = array<i32>} : memref<4096xf32, #tpu.memory_space<vmem>>, vector<16xf32>,
      %get3A_177 = vector.shape_cast %get3A_176 : vector<16xf32> to vector<16xf32>
      %min3A = arith.minimumf %get3A_172, %get3A_177 : vector<16xf32>
      %add3A_178 = arith.constant 1024 : i32
      %add3A_179 = arith.addi %add3A_178, %mul3A_170 : i32
      %get3A_180 = arith.index_cast %add3A_179 : i32 to index
      %get3A_181 = tpu.vector_load %arg18[%get3A_180] {strides = array<i32>} : memref<4096xf32, #tpu.memory_space<vmem>>, vector<16xf32>,
      %get3A_182 = vector.shape_cast %get3A_181 : vector<16xf32> to vector<16xf32>
      %min3A_183 = arith.minimumf %min3A, %get3A_182 : vector<16xf32>
      %add3A_184 = arith.constant 1536 : i32
      %add3A_185 = arith.addi %add3A_184, %mul3A_170 : i32
      %get3A_186 = arith.index_cast %add3A_185 : i32 to index
      %get3A_187 = tpu.vector_load %arg18[%get3A_186] {strides = array<i32>} : memref<4096xf32, #tpu.memory_space<vmem>>, vector<16xf32>,
      %get3A_188 = vector.shape_cast %get3A_187 : vector<16xf32> to vector<16xf32>
      %min3A_189 = arith.minimumf %min3A_183, %get3A_188 : vector<16xf32>
      %add3A_190 = arith.constant 2048 : i32
      %add3A_191 = arith.addi %add3A_190, %mul3A_170 : i32
      %get3A_192 = arith.index_cast %add3A_191 : i32 to index
      %get3A_193 = tpu.vector_load %arg18[%get3A_192] {strides = array<i32>} : memref<4096xf32, #tpu.memory_space<vmem>>, vector<16xf32>,
      %get3A_194 = vector.shape_cast %get3A_193 : vector<16xf32> to vector<16xf32>
      %min3A_195 = arith.minimumf %min3A_189, %get3A_194 : vector<16xf32>
      %add3A_196 = arith.constant 2560 : i32
      %add3A_197 = arith.addi %add3A_196, %mul3A_170 : i32
      %get3A_198 = arith.index_cast %add3A_197 : i32 to index
      %get3A_199 = tpu.vector_load %arg18[%get3A_198] {strides = array<i32>} : memref<4096xf32, #tpu.memory_space<vmem>>, vector<16xf32>,
      %get3A_200 = vector.shape_cast %get3A_199 : vector<16xf32> to vector<16xf32>
      %min3A_201 = arith.minimumf %min3A_195, %get3A_200 : vector<16xf32>
      %add3A_202 = arith.constant 3072 : i32
      %add3A_203 = arith.addi %add3A_202, %mul3A_170 : i32
      %get3A_204 = arith.index_cast %add3A_203 : i32 to index
      %get3A_205 = tpu.vector_load %arg18[%get3A_204] {strides = array<i32>} : memref<4096xf32, #tpu.memory_space<vmem>>, vector<16xf32>,
      %get3A_206 = vector.shape_cast %get3A_205 : vector<16xf32> to vector<16xf32>
      %min3A_207 = arith.minimumf %min3A_201, %get3A_206 : vector<16xf32>
      %add3A_208 = arith.constant 3584 : i32
      %add3A_209 = arith.addi %add3A_208, %mul3A_170 : i32
      %get3A_210 = arith.index_cast %add3A_209 : i32 to index
      %get3A_211 = tpu.vector_load %arg18[%get3A_210] {strides = array<i32>} : memref<4096xf32, #tpu.memory_space<vmem>>, vector<16xf32>,
      %get3A_212 = vector.shape_cast %get3A_211 : vector<16xf32> to vector<16xf32>
      %min3A_213 = arith.minimumf %min3A_207, %get3A_212 : vector<16xf32>
      %max3A = arith.constant 0.000000e+00 : f32
      %max3A_214 = vector.broadcast %max3A : f32 to vector<16xf32>
      %max3A_215 = arith.maximumf %min3A_213, %max3A_214 : vector<16xf32>
      %swap3A = arith.index_cast %mul3A_170 : i32 to index
      %swap3A_216 = tpu.vector_load %arg19[%swap3A] {strides = array<i32>} : memref<512xf32, #tpu.memory_space<vmem>>, vector<16xf32>,
      %swap3A_217 = vector.shape_cast %swap3A_216 : vector<16xf32> to vector<16xf32>
      %swap3A_218 = vector.shape_cast %max3A_215 : vector<16xf32> to vector<16xf32>
      tpu.vector_store %arg19[%swap3A], %swap3A_218 {strides = array<i32>} : memref<512xf32, #tpu.memory_space<vmem>>, vector<16xf32>,
    }
    %scan3A_164 = arith.constant 32 : i32
    %mul3A_165 = arith.constant 4096 : i32
    %mul3A_166 = arith.muli %add3A, %mul3A_165 : i32
    %add3A_167 = arith.addi %mul3A_166, %mul3A_32 : i32
    "tpu.region"() ({
      %run_scoped3A = tpu.sem_alloc : memref<!tpu.dma_semaphore, #tpu.memory_space<semaphore_mem>>
      %dma_start3A = tpu.memref_slice %arg7[%add3A_167] : memref<16384xf32, #tpu.memory_space<hbm>> -> memref<512xf32, #tpu.memory_space<hbm>>
      %dma_start3A_168 = tpu.memref_slice %arg7[%add3A_167] : memref<16384xf32, #tpu.memory_space<hbm>> -> memref<512xf32, #tpu.memory_space<hbm>>
      tpu.enqueue_dma source(%arg19 : memref<512xf32, #tpu.memory_space<vmem>>) target(%dma_start3A_168 : memref<512xf32, #tpu.memory_space<hbm>>) target_semaphore(%run_scoped3A : memref<!tpu.dma_semaphore, #tpu.memory_space<semaphore_mem>>)
      %dma_wait3A = tpu.memref_slice %arg7[%add3A_167] : memref<16384xf32, #tpu.memory_space<hbm>> -> memref<512xf32, #tpu.memory_space<hbm>>
      %dma_wait3A_169 = tpu.memref_slice %arg7[%add3A_167] : memref<16384xf32, #tpu.memory_space<hbm>> -> memref<512xf32, #tpu.memory_space<hbm>>
      tpu.wait_dma2 semaphore(%run_scoped3A : memref<!tpu.dma_semaphore, #tpu.memory_space<semaphore_mem>>) src(%arg19 : memref<512xf32, #tpu.memory_space<vmem>>) dst(%dma_wait3A_169 : memref<512xf32, #tpu.memory_space<hbm>>)
      tpu.yield
    }) : () -> ()
    return
  }
}

</mosaic_0001>

<sc_bundles>
// kernel: kernel.3.cloned.1.call-start
scs
__scs_entry_jumppad:
0x0: {  	(pc) =	sbr.rel $0x88, $3  }
0x1: {  	(tag) =	ssettag $0x0;
	lr =	simm.s32 $0x1  }
0x2: {  	[smem:$0x3F9F] =	sst lr;
	_ =	strace $0xD0000000  }
0x3: {  	_ = 	snop  }
0x4: {  	_ = 	snop  }
0x5: {  	_ = 	snop  }
0x6: {  	_ = 	snop  }
0x7: {  	_ = 	snop  }
__scs_overlays_trampoline_lowered:
0x8: {  	[smem:$0x3FAE] =	sst s0  }
0x9: {  	[smem:$0x3FAF] =	sst s1  }
0xa: {  	[smem:$0x3FB0] =	sst s2  }
0xb: {  	[smem:$0x3FB1] =	sst s3  }
0xc: {  	[smem:$0x3FB2] =	sst s4  }
0xd: {  	[smem:$0x3FB3] =	sst s5  }
0xe: {  	[smem:$0x3FB4] =	sst s6  }
0xf: {  	[smem:$0x3FB5] =	sst s7  }
0x10: {  	[smem:$0x3FB6] =	sst s8  }
0x11: {  	[smem:$0x3FB7] =	sst s9;
	s0 =	simm.s32 @!p0 $0x0  }
0x12: {  	s1 =	sld [smem:$0x3F9D];
	s0 =	simm.s32 @p0 $0x1  }
0x13: {  	[smem:$0x3FB8] =	sst s0;
	s0 =	simm.s32 @!p1 $0x0  }
0x14: {  	s2 =	sld [smem:$0x3F9C];
	s0 =	simm.s32 @p1 $0x1  }
0x15: {  	[smem:$0x3FB9] =	sst s0;
	s0 =	simm.s32 @!p2 $0x0  }
0x16: {  	s3 =	sld [smem:$0x3FDB];
	s0 =	simm.s32 @p2 $0x1  }
0x17: {  	s4 =	simm.s32 $0x1BF5;
	[smem:$0x3FBB] =	sst s0  }
0x18: {  	s0 =	sld [smem:$0x3F9E];
	_ =	swait.ge [sflag:s4], $0x0  }
0x19: {  	s7 =	sld [smem:$0x3F9F]  }
0x1a: {  	s8 =	sadd.s32 $0xFFFFE003, lr  }
0x1b: {  	s9 =	sadd.s32 $0xFFFFFEF7, lr;
	s5 =	simm.s32 $0xFFFFFFFF;
	p2 =	slt.u32 s8, $0xFFFFF086  }
0x1c: {  	p1 =	slt.u32 s9, $0xF7A;
	s5 =	simm.s32 @!p2 $0x0  }
0x1d: {  	s5 =	simm.s32 @p1 $0x1;
	p0 =	seq.s32 s7, s2  }
0x1e: {  	s7 =	smul.u32 @!p0 $0xF7A, s2;
	p2 =	seq.s32 @!p0 s5, $0x0  }
0x1f: {  	s9 =	smul.u32 $0xF7A, s1;
	s8 =	simm.s32 @!p0 $0x1BF5;
	p2 =	por !p2, p0  }
0x20: {  	[sflag:s8] =	ssyncset.s32 @!p0 $0xFFFFF086;
	s6 =	sadd.s32 @!p0 s3, s7;
	s7 =	simm.s32 @!p0 $0x108  }
0x21: {  	s3 =	sadd.s32 s3, s9;
	s6 =	sadd.s32 @!p0 $0x88, s6;
	s7 =	simm.s32 @p2 $0x1082  }
0x22: {  	[simem:s7], [sflag:s8] =	dma.local @!p0 [hbm:s6], $0xF7A  }
0x23: {  	s9 =	sor.u32 $0xD0000000, s2;
	s6 =	simm.s32 $0x108;
	_ =	swait.ge @!p0 [sflag:s8], $0x0  }
0x24: {  	s3 =	sadd.s32 $0x88, s3;
	s6 =	simm.s32 @!p1 $0x1082;
	[sflag:s4] =	ssyncset.s32 $0xFFFFF086  }
0x25: {  	[simem:s6], [sflag:s4] =	dma.local [hbm:s3], $0xF7A  }
0x26: {  	[smem:$0x3F9F] =	sst s1;
	(tag) =	ssettag s2;
	_ =	strace s9  }
0x27: {  	s1 =	sld [smem:$0x3FAF]  }
0x28: {  	s2 =	sld [smem:$0x3FB0]  }
0x29: {  	s4 =	sld [smem:$0x3FB2]  }
0x2a: {  	p0 =	seq.s32 s5, $0x0;
	s5 =	sld [smem:$0x3FB3]  }
0x2b: {  	s6 =	sld [smem:$0x3FB4]  }
0x2c: {  	s7 =	sld [smem:$0x3FB5]  }
0x2d: {  	s3 =	simm.s32 $0x108;
	s8 =	sld [smem:$0x3FB6]  }
0x2e: {  	s3 =	simm.s32 @!p0 $0x1082;
	s9 =	sld [smem:$0x3FB7]  }
0x2f: {  	lr =	sadd.s32 s0, s3;
	s0 =	sld [smem:$0x3FAE]  }
0x30: {  	s3 =	sld [smem:$0x3FB1]  }
0x31: {  	[smem:$0x3FBA] =	sst s10  }
0x32: {  	s10 =	sld [smem:$0x3FB8];
	_ =	sdelay $0x3  }
0x33: {  	p0 =	seq.s32 s10, $0x1;
	s10 =	sld [smem:$0x3FBA];
	_ =	sdelay $0x3  }
0x34: {  	[smem:$0x3FBA] =	sst s10  }
0x35: {  	s10 =	sld [smem:$0x3FB9];
	_ =	sdelay $0x3  }
0x36: {  	p1 =	seq.s32 s10, $0x1;
	s10 =	sld [smem:$0x3FBA];
	_ =	sdelay $0x3  }
0x37: {  	[smem:$0x3FBA] =	sst s10  }
0x38: {  	s10 =	sld [smem:$0x3FBB]  }
0x39: {  	_ = 	snop;
	(pc) =	sbr.ind lr, $3  }
0x3a: {  	_ = 	snop  }
0x3b: {  	_ = 	snop  }
0x3c: {  	p2 =	seq.s32 s10, $0x1;
	s10 =	sld [smem:$0x3FBA]  }
0x3d: {  	_ =	shalt  }
0x3e: {  	_ =	shalt  }
0x3f: {  	_ =	shalt  }
0x40: {  	_ =	shalt  }
0x41: {  	_ =	shalt  }
0x42: {  	_ =	shalt  }
0x43: {  	_ =	shalt  }
0x44: {  	_ =	shalt  }
0x45: {  	_ =	shalt  }
0x46: {  	_ =	shalt  }
0x47: {  	_ =	shalt  }
0x48: {  	_ =	shalt  }
0x49: {  	_ =	shalt  }
0x4a: {  	_ =	shalt  }
0x4b: {  	_ =	shalt  }
0x4c: {  	_ =	shalt  }
0x4d: {  	_ =	shalt  }
0x4e: {  	_ =	shalt  }
0x4f: {  	_ =	shalt  }
0x50: {  	_ =	shalt  }
0x51: {  	_ =	shalt  }
0x52: {  	_ =	shalt  }
0x53: {  	_ =	shalt  }
0x54: {  	_ =	shalt  }
0x55: {  	_ =	shalt  }
0x56: {  	_ =	shalt  }
0x57: {  	_ =	shalt  }
0x58: {  	_ =	shalt  }
0x59: {  	_ =	shalt  }
0x5a: {  	_ =	shalt  }
0x5b: {  	_ =	shalt  }
0x5c: {  	_ =	shalt  }
0x5d: {  	_ =	shalt  }
0x5e: {  	_ =	shalt  }
0x5f: {  	_ =	shalt  }
0x60: {  	_ =	shalt  }
0x61: {  	_ =	shalt  }
0x62: {  	_ =	shalt  }
0x63: {  	_ =	shalt  }
0x64: {  	_ =	shalt  }
0x65: {  	_ =	shalt  }
0x66: {  	_ =	shalt  }
0x67: {  	_ =	shalt  }
0x68: {  	_ =	shalt  }
0x69: {  	_ =	shalt  }
0x6a: {  	_ =	shalt  }
0x6b: {  	_ =	shalt  }
0x6c: {  	_ =	shalt  }
0x6d: {  	_ =	shalt  }
0x6e: {  	_ =	shalt  }
0x6f: {  	_ =	shalt  }
0x70: {  	_ =	shalt  }
0x71: {  	_ =	shalt  }
0x72: {  	_ =	shalt  }
0x73: {  	_ =	shalt  }
0x74: {  	_ =	shalt  }
0x75: {  	_ =	shalt  }
0x76: {  	_ =	shalt  }
0x77: {  	_ =	shalt  }
0x78: {  	_ =	shalt  }
0x79: {  	_ =	shalt  }
0x7a: {  	_ =	shalt  }
0x7b: {  	_ =	shalt  }
0x7c: {  	_ =	shalt  }
0x7d: {  	_ =	shalt  }
0x7e: {  	_ =	shalt  }
0x7f: {  	_ =	shalt  }
0x80: {  	_ =	shalt  }
0x81: {  	_ =	shalt  }
0x82: {  	_ =	shalt  }
0x83: {  	_ =	shalt  }
0x84: {  	_ =	shalt  }
0x85: {  	_ =	shalt  }
0x86: {  	_ =	shalt  }
0x87: {  	_ =	shalt  }
.Lfunc_end0:
.L_simem_size_0:
called_computation_lowered:
.L_overlay_start_0:
0x88: {  	s2 =	sld [smem:$0x3FD9]  }
0x89: {  	s3 =	sld [smem:$0x3FFE];
	_ =	sdelay $0x1  }
0x8a: {  	s1 =	srdreg.scid  }
0x8b: {  	s0 =	sand.u32 $0x1, s1  }
0x8c: {  	s14 =	sshll.u32 s0, $0xA;
	s2 =	sadd.s32 s3, s2  }
0x8d: {  	s2 =	sadd.s32 s2, s14  }
0x8e: {  	[smem:$0x3FC6] =	sst s2  }
0x8f: {  	_ = 	snop  }
0x90: {  	s2 =	sld [smem:$0x3FD0];
	_ =	sdelay $0x2  }
0x91: {  	s15 =	simm.s32 $0xA;
	s4 =	simm.s32 $0x10  }
0x92: {  	[smem:s4], [sflag:s15] =	dma.local [hbm:s2], $0x1  }
0x93: {  	_ =	swait.eq [sflag:s15], $0x1  }
0x94: {  	[sflag:s15] =	ssyncset.done $0x0  }
0x95: {  	s16 =	sld [smem:$0x10];
	[sflag:s15] =	ssyncadd.s32 $0xFFFFFFFF  }
0x96: {  	s17 =	sld [smem:$0x11];
	(tm) =	ssettm $0x1  }
0x97: {  	s18 =	sld [smem:$0x3FFB];
	_ =	sdelay $0x3  }
0x98: {  	_ =	strace s18  }
0x99: {  	s4 =	sld [smem:$0x3FFC];
	_ =	sdelay $0x3  }
0x9a: {  	_ =	strace s4  }
0x9b: {  	s4 =	sld [smem:$0x3FFD];
	_ =	sdelay $0x3  }
0x9c: {  	_ =	strace s4  }
0x9d: {  	_ =	strace $0x8FFFFFFF  }
0x9e: {  	s19 =	sld [smem:$0x3FDB];
	_ =	sdelay $0x1  }
0x9f: {  	s5 =	simm.s32 $_scs_section_size  }
0xa0: {  	s6 =	simm.s32 $_size__tile_overlayer_lowered;
	s7 =	simm.s32 $_tile_overlayer_lowered  }
0xa1: {  	s22 =	simm.s32 $0x1BFF;
	s21 =	sshll.u32 s7, $0x1;
	s4 =	sadd.s32 s5, s19  }
0xa2: {  	s8 =	simm.s32 $0x0;
	s20 =	sshll.u32 s6, $0x1;
	s6 =	sadd.s32 s21, s4  }
0xa3: {  	[timem:s8], [sflag:s22] =	dma.local [hbm:s6], s20  }
0xa4: {  	_ =	swait.ge [sflag:s22], s20  }
0xa5: {  	s5 =	ssub.s32 $0x0, s20;
	[sflag:s22] =	ssyncset.done $0x0  }
0xa6: {  	[sflag:s22] =	ssyncadd.s32 s5;
	_ =	sdelay $0x1  }
0xa7: {  	s23 =	simm.s32 $0x1B8B  }
0xa8: {  	_ =	swait.ge [sflag:s23], $0x1  }
0xa9: {  	[sflag:s23] =	ssyncset.done $0x0  }
0xaa: {  	s25 =	simm.s32 $0x1B8E;
	s24 =	sld [smem:$0x3FFE];
	[sflag:s23] =	ssyncadd.s32 $0xFFFFFFFF  }
0xab: {  	s26 =	simm.s32 $execute0_lowered;
	[smem:$0x3FD2] =	sst s25  }
0xac: {  	s6 =	sshll.u32 s26, $0x1;
	_ =	strace $0x80000046;
	[dreg:$0x1] =	wrdreg $0xFFFFFFFF  }
0xad: {  	s28 =	simm.s32 $_size_execute0_lowered;
	s4 =	sadd.s32 s4, s6;
	[dreg:$0x0] =	wrdreg $0x0  }
0xae: {  	s6 =	sshll.u32 s28, $0x1;
	[dreg:$0x2] =	wrdreg s4  }
0xaf: {  	[dreg:$0x3] =	wrdreg s6  }
0xb0: {  	[dreg:$0x4] =	wrdreg $0xC0  }
0xb1: {  	_ =	task [dreg:s8], $0x5FFFF  }
0xb2: {  	[dreg:$0x1] =	wrdreg $0xFFFFFFFF  }
0xb3: {  	[dreg:$0x0] =	wrdreg $0x60  }
0xb4: {  	[dreg:$0x2] =	wrdreg s24  }
0xb5: {  	[dreg:$0x3] =	wrdreg s17  }
0xb6: {  	[dreg:$0x4] =	wrdreg s16  }
0xb7: {  	[dreg:$0x5] =	wrdreg $0x6C000  }
0xb8: {  	[dreg:$0x6] =	wrdreg $0x9  }
0xb9: {  	_ =	task.clear_ibuf [dreg:s8], $0x7FFFF;
	_ =	strace $0x90000046  }
0xba: {  	s29 =	simm.s32 $0x9;
	_ =	strace $0x80000048  }
0xbb: {  	_ =	swait.ge [sflag:s29], $0x1  }
0xbc: {  	[sflag:s29] =	ssyncadd.s32 $0xFFFFFFFF  }
0xbd: {  	_ =	strace $0x90000048  }
0xbe: {  	_ =	sfence  }
0xbf: {  	s30 =	sld [smem:$0x0];
	_ =	sdelay $0x2  }
0xc0: {  	s31 =	sshll.u32 s1, $0xD;
	s1 =	sshrl.u32 s1, $0x2  }
0xc1: {  	s3 =	sand.u32 $0x4000, s31;
	s1 =	sadd.s32 s1, s30  }
0xc2: {  	s0 =	sor.u32 s3, s0;
	s1 =	sshll.u32 s1, $0x11  }
0xc3: {  	s0 =	sor.u32 s1, s0  }
0xc4: {  	s0 =	sadd.s32 $0x8F2B, s0  }
0xc5: {  	[sflag:s0] =	ssyncadd.remote.s32 $0x1  }
0xc6: {  	_ =	sfence.sel $0xFFFF  }
0xc7: {  	[dreg:$0x0] =	wrdreg $0xFFFFFFFF;
	(pc) =	sbr.abs _section_cstart, $3  }
0xc8: {  	[dreg:$0x1] =	wrdreg $0xFFFFFFFF  }
0xc9: {  	_ =	task.clear_ibuf [dreg:s8], $0x2FFFF;
	_ =	strace $0x9FFFFFFF  }
0xca: {  	(tm) =	ssettm $0x7FFFFFFF  }
0xcb: {  	_ =	shalt  }
tec
execute0_lowered:
.L_overlay_start_1:
0x0: {  	(tag) =	ssettag $0x1  }
0x1: {  	s0 =	rddreg [dreg:$0x0]  }
0x2: {  	s1 =	rddreg [dreg:$0x1]  }
0x3: {  	s6 =	rddreg [dreg:$0x2]  }
0x4: {  	s13 =	rddreg [dreg:$0x3]  }
0x5: {  	s2 =	srdreg.scid;
	s18 =	stileid.u32  }
0x6: {  	s3 =	sand.u32 $0x1, s2;
	s2 =	simm.s32 $0x0;
	s8 =	sshrl.u32 s18, $0x3  }
0x7: {  	s21 =	sshll.u32 s18, $0x9;
	s9 =	sadd.s32 $0x600, s0;
	s10 =	sadd.s32 $0x1E00, s0  }
0x8: {  	s31 =	sshll.u32 s18, $0xC;
	s4 =	sshll.u32 s3, $0x1;
	[smem:$0x7FF] =	sst s2  }
0x9: {  	s11 =	sand.u32 $0xE00, s21;
	s3 =	ssub.s32 $0x2, s3;
	s29 =	sshll.u32 s8, $0xF  }
0xa: {  	s5 =	sor.u32 s8, s4;
	_ =	strace $0x80000047;
	s23 =	sshrl.u32 s3, $0x1  }
0xb: {  	s30 =	sadd.s32 s29, s13;
	s13 =	sadd.s32 s31, s13;
	s22 =	sshll.u32 s5, $0xC  }
0xc: {  	s7 =	smul.u32 $0x3000, s5;
	s17 =	sshll.u32 s5, $0x9;
	s4 =	sor.u32 s11, s22  }
0xd: {  	s22 =	ssub.s32 s3, s23;
	s6 =	sadd.s32 s6, s17;
	s23 =	simm.s32 $0x1  }
0xe: {  	s12 =	sshrl.u32 s4, $0x3;
	s14 =	sadd.s32 $0x1000, s7;
	s24 =	sshrl.u32 s7, $0x3  }
0xf: {  	s15 =	sadd.s32 $0x2000, s7;
	s7 =	sor.u32 s11, s7;
	s22 =	smax.u32 s22, $0x1  }
0x10: {  	s0 =	sadd.s32 s12, s0;
	s25 =	sshrl.u32 s14, $0x3;
	s3 =	sadd.s32 s10, s24  }
0x11: {  	s16 =	sshrl.u32 s15, $0x3;
	s7 =	sshrl.u32 s7, $0x3;
	s26 =	sor.u32 s11, s14  }
0x12: {  	s28 =	sor.u32 s11, s15;
	s11 =	sadd.s32 s11, s30;
	s4 =	sadd.s32 s10, s25  }
0x13: {  	s5 =	sadd.s32 s10, s16;
	s7 =	sadd.s32 s9, s7;
	s10 =	sshrl.u32 s26, $0x3  }
0x14: {  	s14 =	sshrl.u32 s28, $0x3;
	s15 =	sadd.s32 $0x2000, s11;
	s16 =	sadd.s32 $0x3000, s11  }
0x15: {  	s17 =	sadd.s32 $0x4000, s11;
	s18 =	sadd.s32 $0x5000, s11;
	s19 =	sadd.s32 $0x6000, s11  }
0x16: {  	s20 =	sadd.s32 $0x7000, s11;
	s21 =	sadd.s32 $0x3E00, s0;
	s8 =	sadd.s32 s9, s10  }
0x17: {  	s9 =	sadd.s32 s9, s14;
	s10 =	sadd.s32 s1, s12;
	s12 =	sadd.s32 $0x3600, s0  }
0x18: {  	s14 =	sadd.s32 $0x1000, s11;
	s0 =	simm.s32 $0x6A00;
	s1 =	simm.s32 $0x0  }
.LBB2_1:
0x19: {  	[tilespmem:s2], [sflag:$0x1] =	stream.linear.gather [hbm4b:s3+s2], $0x1000, $0x38;
	[tilespmem:$0x7C00] =	vst v63  }
0x1a: {  	_ =	swait.ge [sflag:s23], $0x1000  }
0x1b: {  	[sflag:s23] =	ssyncset.done $0x0  }
0x1c: {  	s24 =	simm.s32 $0x1000;
	[sflag:s23] =	ssyncadd.s32 $0xFFFFF000  }
0x1d: {  	[tilespmem:s24], [sflag:$0x1] =	stream.linear.gather [hbm4b:s4+s2], $0x1000, $0x38;
	[tilespmem:$0x7C00] =	vst v63  }
0x1e: {  	_ =	swait.ge [sflag:s23], $0x1000  }
0x1f: {  	[sflag:s23] =	ssyncset.done $0x0  }
0x20: {  	s25 =	simm.s32 $0x2000;
	[sflag:s23] =	ssyncadd.s32 $0xFFFFF000  }
0x21: {  	[tilespmem:s25], [sflag:$0x1] =	stream.linear.gather [hbm4b:s5+s2], $0x1000, $0x38;
	[tilespmem:$0x7C00] =	vst v63  }
0x22: {  	_ =	swait.ge [sflag:s23], $0x1000  }
0x23: {  	[sflag:s23] =	ssyncset.done $0x0  }
0x24: {  	s26 =	simm.s32 $0x3000;
	[sflag:s23] =	ssyncadd.s32 $0xFFFFF000  }
0x25: {  	[tilespmem:s26], [sflag:$0x1] =	stream.linear.gather [hbm4b:s6+s2], $0x1000, $0x38;
	[tilespmem:$0x7C00] =	vst v63  }
0x26: {  	_ =	swait.ge [sflag:s23], $0x1000  }
0x27: {  	[sflag:s23] =	ssyncset.done $0x0  }
0x28: {  	s28 =	simm.s32 $0x4000;
	[sflag:s23] =	ssyncadd.s32 $0xFFFFF000  }
0x29: {  	[tilespmem:s28], [sflag:$0x1] =	stream.linear.gather [hbm4b:s7+s2], $0x200, $0x38;
	[tilespmem:$0x7C00] =	vst v63  }
0x2a: {  	_ =	swait.ge [sflag:s23], $0x200  }
0x2b: {  	[sflag:s23] =	ssyncset.done $0x0  }
0x2c: {  	s29 =	simm.s32 $0x4200;
	[sflag:s23] =	ssyncadd.s32 $0xFFFFFE00  }
0x2d: {  	[tilespmem:s29], [sflag:$0x1] =	stream.linear.gather [hbm4b:s8+s2], $0x200, $0x38;
	[tilespmem:$0x7C00] =	vst v63  }
0x2e: {  	_ =	swait.ge [sflag:s23], $0x200  }
0x2f: {  	[sflag:s23] =	ssyncset.done $0x0  }
0x30: {  	s30 =	simm.s32 $0x4400;
	[sflag:s23] =	ssyncadd.s32 $0xFFFFFE00  }
0x31: {  	[tilespmem:s30], [sflag:$0x1] =	stream.linear.gather [hbm4b:s9+s2], $0x200, $0x38;
	[tilespmem:$0x7C00] =	vst v63  }
0x32: {  	_ =	swait.ge [sflag:s23], $0x200  }
0x33: {  	[sflag:s23] =	ssyncset.done $0x0  }
0x34: {  	s31 =	simm.s32 $0x4600;
	[sflag:s23] =	ssyncadd.s32 $0xFFFFFE00  }
0x35: {  	[tilespmem:s31], [sflag:$0x1] =	stream.linear.gather [hbm4b:s10+s2], $0x200, $0x38;
	[tilespmem:$0x7C00] =	vst v63  }
0x36: {  	_ =	swait.ge [sflag:s23], $0x200  }
0x37: {  	[sflag:s23] =	ssyncset.done $0x0  }
0x38: {  	s24 =	simm.s32 $0x0;
	[sflag:s23] =	ssyncadd.s32 $0xFFFFFE00  }
.LBB2_2:
0x39: {  	s26 =	simm.s32 $0x0  }
0x3a: {  	v12 =	vld [tilespmem:s26+$0x1000]  }
0x3b: {  	v13 =	vld [tilespmem:s26+$0x0];
	_ =	sdelay $0x3  }
0x3c: {  	v5 =	vbroadcast v12, $0xF;
	v6 =	vbroadcast v12, $0xE  }
0x3d: {  	v7 =	vbroadcast v12, $0xD;
	v8 =	vbroadcast v13, $0xF  }
0x3e: {  	v9 =	vbroadcast v12, $0xC;
	v10 =	vbroadcast v13, $0xE  }
0x3f: {  	v11 =	vbroadcast v12, $0xB;
	v16 =	vbroadcast v13, $0xD  }
0x40: {  	s25 =	sshll.u32 s24, $0x6;
	v17 =	vbroadcast v12, $0xA;
	v18 =	vbroadcast v13, $0xC  }
0x41: {  	v51 =	vld [tilespmem:s25+$0x4200];
	v19 =	vbroadcast v12, $0x9;
	v20 =	vbroadcast v13, $0xB  }
0x42: {  	v57 =	vld [tilespmem:s25+$0x4210];
	v21 =	vbroadcast v12, $0x8;
	v22 =	vbroadcast v13, $0xA  }
0x43: {  	v58 =	vld [tilespmem:s25+$0x4220];
	v1 =	vbroadcast v12, $0x7;
	v23 =	vbroadcast v13, $0x9  }
0x44: {  	v59 =	vld [tilespmem:s25+$0x4230];
	v2 =	vbroadcast v12, $0x6;
	v24 =	vbroadcast v13, $0x8  }
0x45: {  	v55 =	vbroadcast v12, $0x5;
	v4 =	vbroadcast v13, $0x7  }
0x46: {  	v14 =	vbroadcast v12, $0x4;
	v3 =	vbroadcast v13, $0x6  }
0x47: {  	v60 =	vld [tilespmem:s25+$0x4000];
	v0 =	vbroadcast v13, $0x5;
	v15 =	vbroadcast v13, $0x4  }
0x48: {  	v61 =	vld [tilespmem:s25+$0x4010];
	v25 =	vmul.f32 v5, v51;
	v26 =	vmul.f32 v5, v57  }
0x49: {  	v62 =	vld [tilespmem:s25+$0x4020];
	v27 =	vmul.f32 v5, v58;
	v5 =	vmul.f32 v5, v59  }
0x4a: {  	v63 =	vld [tilespmem:s25+$0x4030];
	v28 =	vmul.f32 v6, v51;
	v29 =	vmul.f32 v6, v57  }
0x4b: {  	v30 =	vmul.f32 v6, v58;
	v6 =	vmul.f32 v6, v59  }
0x4c: {  	v31 =	vmul.f32 v7, v51;
	v32 =	vmul.f32 v7, v57  }
0x4d: {  	v54 =	vmul.f32 v7, v58;
	v7 =	vmul.f32 v7, v59  }
0x4e: {  	v34 =	vmul.f32 v8, v60;
	v35 =	vmul.f32 v8, v61  }
0x4f: {  	v56 =	vld [tilespmem:s25+$0x4600];
	v36 =	vmul.f32 v8, v62;
	v8 =	vmul.f32 v8, v63  }
0x50: {  	v50 =	vld [tilespmem:s25+$0x4610];
	v37 =	vmul.f32 v9, v51;
	v38 =	vmul.f32 v9, v57  }
0x51: {  	v43 =	vld [tilespmem:s25+$0x4620];
	v39 =	vmul.f32 v9, v58;
	v9 =	vmul.f32 v9, v59  }
0x52: {  	v33 =	vld [tilespmem:s25+$0x4630];
	v40 =	vmul.f32 v10, v60;
	v41 =	vmul.f32 v10, v61  }
0x53: {  	v42 =	vmul.f32 v10, v62;
	v10 =	vmul.f32 v10, v63  }
0x54: {  	v53 =	vmul.f32 v11, v51;
	v44 =	vmul.f32 v11, v57  }
0x55: {  	v46 =	vmul.f32 v16, v60;
	v47 =	vmul.f32 v16, v61;
	v34 =	vadd.f32 v34, v56  }
0x56: {  	v48 =	vmul.f32 v16, v62;
	v35 =	vadd.f32 v35, v50;
	v36 =	vadd.f32 v36, v43  }
0x57: {  	v16 =	vmul.f32 v16, v63;
	v8 =	vadd.f32 v8, v33;
	v40 =	vadd.f32 v40, v56  }
0x58: {  	v45 =	vmul.f32 v11, v58;
	v10 =	vadd.f32 v10, v33;
	v26 =	vadd.f32 v35, v26  }
0x59: {  	v11 =	vmul.f32 v11, v59;
	v16 =	vadd.f32 v16, v33;
	v27 =	vadd.f32 v36, v27  }
0x5a: {  	v25 =	vadd.f32 v34, v25;
	v5 =	vadd.f32 v8, v5;
	v8 =	vmul.f32 v18, v63;
	[tilespmem:$0x1FC50] =	vst v26  }
0x5b: {  	v28 =	vadd.f32 v40, v28;
	v34 =	vadd.f32 v16, v7;
	v26 =	vmul.f32 v18, v60;
	[tilespmem:$0x1FC60] =	vst v27  }
0x5c: {  	v27 =	vmul.f32 v18, v61;
	[tilespmem:$0x1FC70] =	vst v5;
	v5 =	vmul.f32 v18, v62;
	v18 =	vadd.f32 v41, v50  }
0x5d: {  	v49 =	vmul.f32 v17, v51;
	v41 =	vadd.f32 v42, v43;
	v42 =	vadd.f32 v47, v50  }
0x5e: {  	v52 =	vmul.f32 v17, v57;
	v47 =	vadd.f32 v10, v6;
	v10 =	vadd.f32 v48, v43  }
0x5f: {  	v7 =	vmul.f32 v21, v57;
	v8 =	vadd.f32 v8, v33;
	v18 =	vadd.f32 v18, v29  }
0x60: {  	[tilespmem:$0x1FC40] =	vst v25;
	v25 =	vmul.f32 v17, v58;
	v29 =	vadd.f32 v41, v30;
	v30 =	vadd.f32 v46, v56  }
0x61: {  	v6 =	vmul.f32 v20, v60;
	v32 =	vadd.f32 v42, v32;
	v26 =	vadd.f32 v26, v56  }
0x62: {  	v17 =	vmul.f32 v17, v59;
	[tilespmem:$0x1FC80] =	vst v28;
	v10 =	vadd.f32 v10, v54;
	v16 =	vadd.f32 v27, v50  }
0x63: {  	v28 =	vmul.f32 v19, v51;
	v5 =	vadd.f32 v5, v43;
	v6 =	vadd.f32 v6, v56;
	[tilespmem:$0x1FC90] =	vst v18  }
0x64: {  	v8 =	vadd.f32 v8, v9;
	v18 =	vmul.f32 v19, v57;
	[tilespmem:$0x1FCA0] =	vst v29;
	v29 =	vmul.f32 v19, v58  }
0x65: {  	v19 =	vmul.f32 v19, v59;
	v48 =	vadd.f32 v30, v31;
	v30 =	vmul.f32 v20, v61  }
0x66: {  	v31 =	vmul.f32 v20, v62;
	v20 =	vmul.f32 v20, v63;
	[tilespmem:$0x1FCB0] =	vst v10;
	v26 =	vadd.f32 v26, v37  }
0x67: {  	v10 =	vmul.f32 v21, v51;
	v16 =	vadd.f32 v16, v38;
	v5 =	vadd.f32 v5, v39;
	[tilespmem:$0x1FCF0] =	vst v8  }
0x68: {  	v8 =	vmul.f32 v22, v62;
	[tilespmem:$0x1FCC0] =	vst v26;
	v26 =	vmul.f32 v21, v58;
	v9 =	vadd.f32 v30, v50  }
0x69: {  	[tilespmem:$0x1FCD0] =	vst v16;
	v16 =	vmul.f32 v22, v60;
	v27 =	vadd.f32 v31, v43;
	v31 =	vadd.f32 v6, v53  }
0x6a: {  	[tilespmem:$0x1FCE0] =	vst v5;
	v5 =	vmul.f32 v22, v61;
	v20 =	vadd.f32 v20, v33;
	v8 =	vadd.f32 v8, v43  }
0x6b: {  	v22 =	vmul.f32 v22, v63;
	v9 =	vadd.f32 v9, v44;
	v16 =	vadd.f32 v16, v56  }
0x6c: {  	v6 =	vmul.f32 v23, v60;
	v27 =	vadd.f32 v27, v45;
	v5 =	vadd.f32 v5, v50  }
0x6d: {  	v21 =	vmul.f32 v21, v59;
	v11 =	vadd.f32 v20, v11;
	v22 =	vadd.f32 v22, v33  }
0x6e: {  	v20 =	vmul.f32 v24, v63;
	v8 =	vadd.f32 v8, v25;
	v6 =	vadd.f32 v6, v56;
	[tilespmem:$0x1FD00] =	vst v9  }
0x6f: {  	v9 =	vmul.f32 v23, v61;
	[tilespmem:$0x1FD20] =	vst v11;
	v11 =	vmul.f32 v24, v60;
	v16 =	vadd.f32 v16, v49  }
0x70: {  	[tilespmem:$0x1FD10] =	vst v27;
	v27 =	vmul.f32 v23, v62;
	v5 =	vadd.f32 v5, v52;
	v17 =	vadd.f32 v22, v17  }
0x71: {  	v23 =	vmul.f32 v23, v63;
	v6 =	vadd.f32 v6, v28;
	v11 =	vadd.f32 v11, v56  }
0x72: {  	[tilespmem:$0x1FD30] =	vst v16;
	v16 =	vmul.f32 v24, v61;
	v9 =	vadd.f32 v9, v50;
	v22 =	vadd.f32 v27, v43  }
0x73: {  	[tilespmem:$0x1FD40] =	vst v5;
	v5 =	vmul.f32 v24, v62;
	v24 =	vadd.f32 v11, v10;
	v11 =	vadd.f32 v20, v33  }
0x74: {  	[tilespmem:$0x1FD50] =	vst v8;
	v8 =	vmul.f32 v4, v60;
	v9 =	vadd.f32 v9, v18;
	v16 =	vadd.f32 v16, v50  }
0x75: {  	[tilespmem:$0x1FD60] =	vst v17;
	v17 =	vmul.f32 v4, v61;
	v23 =	vadd.f32 v23, v33;
	v11 =	vadd.f32 v11, v21  }
0x76: {  	v8 =	vadd.f32 v8, v56;
	[tilespmem:$0x1FD80] =	vst v9;
	v42 =	vadd.f32 v16, v7;
	v7 =	vmul.f32 v1, v51  }
0x77: {  	v9 =	vmul.f32 v3, v60;
	v16 =	vadd.f32 v17, v50;
	[tilespmem:$0x1FDB0] =	vst v11;
	v11 =	vmul.f32 v1, v57  }
0x78: {  	[tilespmem:$0x1FD70] =	vst v6;
	v6 =	vmul.f32 v4, v62;
	v18 =	vadd.f32 v22, v29;
	v7 =	vadd.f32 v8, v7  }
0x79: {  	v4 =	vmul.f32 v4, v63;
	v8 =	vadd.f32 v9, v56;
	v9 =	vadd.f32 v16, v11  }
0x7a: {  	v19 =	vadd.f32 v23, v19;
	v10 =	vmul.f32 v0, v60;
	v5 =	vadd.f32 v5, v43;
	[tilespmem:$0x1FD90] =	vst v18  }
0x7b: {  	v6 =	vadd.f32 v6, v43;
	v18 =	vmul.f32 v3, v61;
	[tilespmem:$0x1FDE0] =	vst v9;
	v9 =	vmul.f32 v1, v58  }
0x7c: {  	v4 =	vadd.f32 v4, v33;
	[tilespmem:$0x1FDA0] =	vst v19;
	v19 =	vmul.f32 v3, v62;
	v3 =	vmul.f32 v3, v63  }
0x7d: {  	v1 =	vmul.f32 v1, v59;
	v45 =	vadd.f32 v6, v9;
	v6 =	vmul.f32 v2, v51  }
0x7e: {  	v40 =	vadd.f32 v5, v26;
	v5 =	vmul.f32 v0, v61;
	[tilespmem:$0x1FDC0] =	vst v7;
	v7 =	vmul.f32 v0, v62  }
0x7f: {  	v0 =	vmul.f32 v0, v63;
	v39 =	vadd.f32 v4, v1;
	v4 =	vadd.f32 v8, v6  }
0x80: {  	v3 =	vadd.f32 v3, v33;
	v11 =	vadd.f32 v18, v50;
	v1 =	vmul.f32 v2, v57  }
0x81: {  	v16 =	vadd.f32 v19, v43;
	v0 =	vadd.f32 v0, v33;
	[tilespmem:$0x1FE20] =	vst v4;
	v4 =	vmul.f32 v2, v58  }
0x82: {  	v9 =	vadd.f32 v10, v56;
	v37 =	vadd.f32 v11, v1;
	v1 =	vmul.f32 v55, v51  }
0x83: {  	v2 =	vmul.f32 v2, v59;
	v36 =	vadd.f32 v16, v4;
	v4 =	vmul.f32 v15, v60  }
0x84: {  	v6 =	vadd.f32 v7, v43;
	v41 =	vadd.f32 v9, v1;
	v1 =	vmul.f32 v55, v58  }
0x85: {  	v38 =	vadd.f32 v3, v2;
	v3 =	vadd.f32 v4, v56;
	v4 =	vmul.f32 v55, v59  }
0x86: {  	v5 =	vadd.f32 v5, v50;
	v7 =	vmul.f32 v14, v51;
	v2 =	vmul.f32 v55, v57  }
0x87: {  	v44 =	vadd.f32 v6, v1;
	v0 =	vadd.f32 v0, v4  }
0x88: {  	v1 =	vmul.f32 v15, v61;
	v35 =	vadd.f32 v5, v2;
	v2 =	vadd.f32 v3, v7  }
0x89: {  	[tilespmem:$0x1FE60] =	vst v0;
	v0 =	vmul.f32 v15, v62  }
0x8a: {  	v1 =	vadd.f32 v1, v50;
	v3 =	vmul.f32 v14, v57;
	[tilespmem:$0x1FE70] =	vst v2;
	v2 =	vbroadcast v13, $0x3  }
0x8b: {  	v5 =	vmul.f32 v14, v58;
	v4 =	vmul.f32 v15, v63;
	v0 =	vadd.f32 v0, v43  }
0x8c: {  	v29 =	vadd.f32 v1, v3;
	v1 =	vbroadcast v12, $0x3;
	v3 =	vmul.f32 v2, v60  }
0x8d: {  	v30 =	vadd.f32 v0, v5;
	v0 =	vadd.f32 v4, v33;
	v4 =	vmul.f32 v14, v59  }
0x8e: {  	v6 =	vmul.f32 v1, v51;
	v3 =	vadd.f32 v3, v56  }
0x8f: {  	v5 =	vmul.f32 v2, v61;
	v15 =	vadd.f32 v0, v4;
	v0 =	vbroadcast v13, $0x2  }
0x90: {  	v4 =	vmul.f32 v2, v62;
	v49 =	vadd.f32 v3, v6;
	v2 =	vmul.f32 v2, v63  }
0x91: {  	v3 =	vadd.f32 v5, v50;
	v6 =	vbroadcast v12, $0x2;
	v5 =	vmul.f32 v0, v60  }
0x92: {  	v8 =	vmul.f32 v1, v58;
	v7 =	vadd.f32 v2, v33;
	v2 =	vmul.f32 v1, v57  }
0x93: {  	v1 =	vmul.f32 v1, v59;
	v9 =	vmul.f32 v6, v51;
	v5 =	vadd.f32 v5, v56  }
0x94: {  	v4 =	vadd.f32 v4, v43  }
0x95: {  	v21 =	vadd.f32 v7, v1;
	v1 =	vadd.f32 v5, v9  }
0x96: {  	v19 =	vadd.f32 v3, v2;
	v3 =	vmul.f32 v0, v61  }
0x97: {  	v46 =	vadd.f32 v4, v8;
	v7 =	vbroadcast v13, $0x1;
	[tilespmem:$0x1FE80] =	vst v1;
	v1 =	vmul.f32 v0, v62  }
0x98: {  	v4 =	vmul.f32 v6, v57;
	v2 =	vbroadcast v13, $0x0;
	v3 =	vadd.f32 v3, v50  }
0x99: {  	v5 =	vmul.f32 v6, v58;
	v0 =	vmul.f32 v0, v63;
	v1 =	vadd.f32 v1, v43  }
0x9a: {  	v52 =	vadd.f32 v3, v4;
	v3 =	vbroadcast v12, $0x1;
	v4 =	vmul.f32 v7, v60  }
0x9b: {  	v0 =	vadd.f32 v0, v33;
	v53 =	vadd.f32 v1, v5;
	v1 =	vmul.f32 v6, v59  }
0x9c: {  	v10 =	vmul.f32 v2, v60;
	v4 =	vadd.f32 v4, v56;
	v8 =	vmul.f32 v3, v51  }
0x9d: {  	v11 =	vmul.f32 v3, v57;
	v54 =	vadd.f32 v0, v1;
	v0 =	vmul.f32 v7, v61  }
0x9e: {  	v1 =	vmul.f32 v7, v62;
	v7 =	vmul.f32 v7, v63  }
0x9f: {  	v13 =	vmul.f32 v3, v58;
	v3 =	vmul.f32 v3, v59;
	v4 =	vadd.f32 v4, v8  }
0xa0: {  	v8 =	vbroadcast v12, $0x0;
	v9 =	vadd.f32 v0, v50;
	v0 =	vadd.f32 v7, v33  }
0xa1: {  	[tilespmem:$0x1FB80] =	vst v60;
	v5 =	vadd.f32 v10, v56  }
0xa2: {  	[tilespmem:$0x1FE90] =	vst v4;
	v4 =	vld [tilespmem:s26+$0x2000];
	v14 =	vmul.f32 v8, v51;
	v60 =	vadd.f32 v0, v3;
	v3 =	vmul.f32 v2, v62;
	_ =	sdelay $0x1  }
0xa3: {  	v20 =	vld [tilespmem:s25+$0x4400];
	v0 =	vadd.f32 v5, v14;
	v5 =	vmul.f32 v8, v58;
	v3 =	vadd.f32 v3, v43;
	_ =	sdelay $0x1  }
0xa4: {  	[tilespmem:$0x1FBC0] =	vst v62;
	v62 =	vadd.f32 v3, v5;
	v5 =	vld [tilespmem:$0x1FC40]  }
0xa5: {  	[tilespmem:$0x1FBA0] =	vst v51;
	v51 =	vadd.f32 v9, v11;
	v9 =	vbroadcast v4, $0xF  }
0xa6: {  	v1 =	vadd.f32 v1, v43  }
0xa7: {  	v3 =	vmul.f32 v9, v20  }
0xa8: {  	v1 =	vadd.f32 v1, v13  }
0xa9: {  	v10 =	vld [tilespmem:s25+$0x4410];
	v3 =	vadd.f32 v5, v3  }
0xaa: {  	[tilespmem:$0x1FEA0] =	vst v1;
	v1 =	vmul.f32 v2, v61  }
0xab: {  	[tilespmem:$0x1FF00] =	vst v3;
	v3 =	vld [tilespmem:$0x1FC50]  }
0xac: {  	[tilespmem:$0x1FEF0] =	vst v0;
	v0 =	vmul.f32 v8, v57;
	v1 =	vadd.f32 v1, v50  }
0xad: {  	v6 =	vld [tilespmem:s25+$0x4430]  }
0xae: {  	v16 =	vadd.f32 v1, v0;
	v0 =	vmul.f32 v9, v10  }
0xaf: {  	v5 =	vld [tilespmem:$0x1FC70]  }
0xb0: {  	v7 =	vld [tilespmem:s25+$0x4420];
	v0 =	vadd.f32 v3, v0  }
0xb1: {  	v2 =	vmul.f32 v2, v63  }
0xb2: {  	v3 =	vmul.f32 v9, v6;
	[tilespmem:$0x1FF10] =	vst v0;
	v0 =	vld [tilespmem:$0x1FC60]  }
0xb3: {  	v1 =	vadd.f32 v2, v33;
	v2 =	vmul.f32 v8, v59  }
0xb4: {  	v3 =	vadd.f32 v5, v3;
	v5 =	vld [tilespmem:$0x1FC80]  }
0xb5: {  	[tilespmem:$0x1FBD0] =	vst v63;
	v63 =	vadd.f32 v1, v2;
	v1 =	vbroadcast v4, $0xE;
	v2 =	vmul.f32 v9, v7;
	_ =	sdelay $0x1  }
0xb6: {  	v0 =	vadd.f32 v0, v2;
	v2 =	vmul.f32 v1, v20;
	_ =	sdelay $0x1  }
0xb7: {  	v22 =	vadd.f32 v5, v2;
	v2 =	vld [tilespmem:$0x1FC90];
	_ =	sdelay $0x2  }
0xb8: {  	[tilespmem:$0x1FF20] =	vst v0;
	v0 =	vmul.f32 v1, v10;
	_ =	sdelay $0x1  }
0xb9: {  	v0 =	vadd.f32 v2, v0;
	_ =	sdelay $0x1  }
0xba: {  	[tilespmem:$0x1FF50] =	vst v0;
	v0 =	vld [tilespmem:$0x1FCA0];
	_ =	sdelay $0x2  }
0xbb: {  	v8 =	vmul.f32 v1, v7  }
0xbc: {  	[tilespmem:$0x1FF40] =	vst v3;
	v3 =	vbroadcast v4, $0xD  }
0xbd: {  	v0 =	vadd.f32 v0, v8  }
0xbe: {  	v9 =	vmul.f32 v3, v7;
	v2 =	vmul.f32 v3, v20  }
0xbf: {  	[tilespmem:$0x1FF70] =	vst v0;
	v0 =	vmul.f32 v3, v10;
	v3 =	vmul.f32 v3, v6  }
0xc0: {  	v1 =	vmul.f32 v1, v6  }
0xc1: {  	[tilespmem:$0x1FBF0] =	vst v57;
	v57 =	vadd.f32 v34, v3;
	v3 =	vld [tilespmem:$0x1FCC0]  }
0xc2: {  	v1 =	vadd.f32 v47, v1;
	v8 =	vbroadcast v4, $0xC  }
0xc3: {  	[tilespmem:$0x1FBB0] =	vst v61  }
0xc4: {  	[tilespmem:$0x1FF90] =	vst v1;
	v1 =	vmul.f32 v8, v20;
	v61 =	vadd.f32 v32, v0;
	v0 =	vld [tilespmem:$0x1FCB0];
	_ =	sdelay $0x1  }
0xc5: {  	v47 =	vadd.f32 v3, v1;
	v1 =	vld [tilespmem:$0x1FCD0];
	_ =	sdelay $0x2  }
0xc6: {  	[tilespmem:$0x1FC30] =	vst v59;
	v59 =	vadd.f32 v0, v9;
	v0 =	vmul.f32 v8, v10;
	_ =	sdelay $0x1  }
0xc7: {  	v13 =	vadd.f32 v1, v0;
	v1 =	vld [tilespmem:$0x1FCE0];
	_ =	sdelay $0x2  }
0xc8: {  	[tilespmem:$0x1FC10] =	vst v58;
	v58 =	vadd.f32 v48, v2;
	v2 =	vmul.f32 v8, v7;
	_ =	sdelay $0x1  }
0xc9: {  	v34 =	vadd.f32 v1, v2;
	v1 =	vld [tilespmem:$0x1FCF0];
	_ =	sdelay $0x2  }
0xca: {  	v0 =	vmul.f32 v8, v6;
	_ =	sdelay $0x1  }
0xcb: {  	[tilespmem:$0x1FC20] =	vst v33;
	v33 =	vadd.f32 v1, v0;
	v0 =	vld [tilespmem:$0x1FD00]  }
0xcc: {  	v9 =	vbroadcast v4, $0xB;
	_ =	sdelay $0x1  }
0xcd: {  	v2 =	vmul.f32 v9, v10;
	_ =	sdelay $0x1  }
0xce: {  	v32 =	vadd.f32 v0, v2;
	v0 =	vld [tilespmem:$0x1FD10];
	_ =	sdelay $0x1  }
0xcf: {  	v5 =	vld [tilespmem:$0x1FD30]  }
0xd0: {  	v11 =	vbroadcast v4, $0xA;
	v1 =	vmul.f32 v9, v7;
	_ =	sdelay $0x1  }
0xd1: {  	v3 =	vmul.f32 v11, v20;
	v48 =	vadd.f32 v0, v1;
	v0 =	vld [tilespmem:$0x1FD20];
	_ =	sdelay $0x1  }
0xd2: {  	v25 =	vadd.f32 v5, v3;
	v3 =	vld [tilespmem:$0x1FD40];
	v8 =	vmul.f32 v9, v20  }
0xd3: {  	v9 =	vmul.f32 v9, v6  }
0xd4: {  	v23 =	vadd.f32 v31, v8;
	v8 =	vld [tilespmem:$0x1FD70]  }
0xd5: {  	v2 =	vmul.f32 v11, v10;
	v31 =	vadd.f32 v0, v9;
	v0 =	vbroadcast v4, $0x9;
	_ =	sdelay $0x1  }
0xd6: {  	v27 =	vadd.f32 v3, v2;
	v3 =	vld [tilespmem:$0x1FD50];
	v5 =	vmul.f32 v0, v20;
	_ =	sdelay $0x1  }
0xd7: {  	v2 =	vmul.f32 v11, v6;
	v1 =	vmul.f32 v11, v7;
	v11 =	vadd.f32 v8, v5;
	v5 =	vld [tilespmem:$0x1FD80];
	_ =	sdelay $0x2  }
0xd8: {  	v28 =	vadd.f32 v3, v1;
	v1 =	vld [tilespmem:$0x1FD60];
	v3 =	vmul.f32 v0, v10;
	_ =	sdelay $0x1  }
0xd9: {  	v18 =	vadd.f32 v5, v3;
	v3 =	vld [tilespmem:$0x1FD90]  }
0xda: {  	v5 =	vld [tilespmem:$0x1FDA0];
	_ =	sdelay $0x1  }
0xdb: {  	v26 =	vadd.f32 v1, v2;
	v1 =	vmul.f32 v0, v7  }
0xdc: {  	v2 =	vbroadcast v4, $0x8;
	v0 =	vmul.f32 v0, v6  }
0xdd: {  	v8 =	vld [tilespmem:$0x1FDC0];
	v17 =	vadd.f32 v3, v1  }
0xde: {  	v1 =	vmul.f32 v2, v20;
	v9 =	vadd.f32 v5, v0;
	v0 =	vbroadcast v4, $0x7  }
0xdf: {  	v3 =	vmul.f32 v2, v10;
	v5 =	vmul.f32 v2, v7  }
0xe0: {  	v24 =	vadd.f32 v24, v1;
	v1 =	vmul.f32 v2, v6;
	v2 =	vmul.f32 v0, v20;
	_ =	sdelay $0x1  }
0xe1: {  	v2 =	vadd.f32 v8, v2  }
0xe2: {  	[tilespmem:$0x1FC00] =	vst v43;
	v43 =	vadd.f32 v40, v5;
	v5 =	vld [tilespmem:$0x1FDB0]  }
0xe3: {  	[tilespmem:$0x1FDD0] =	vst v2;
	v2 =	vld [tilespmem:$0x1FDE0];
	_ =	sdelay $0x2  }
0xe4: {  	v42 =	vadd.f32 v42, v3;
	v3 =	vmul.f32 v0, v10;
	_ =	sdelay $0x1  }
0xe5: {  	v40 =	vadd.f32 v5, v1;
	v5 =	vmul.f32 v0, v7;
	v2 =	vadd.f32 v2, v3  }
0xe6: {  	v8 =	vld [tilespmem:$0x1FE20];
	v0 =	vmul.f32 v0, v6  }
0xe7: {  	v1 =	vbroadcast v4, $0x6;
	[tilespmem:$0x1FDF0] =	vst v2;
	v2 =	vadd.f32 v45, v5  }
0xe8: {  	v0 =	vadd.f32 v39, v0  }
0xe9: {  	v3 =	vmul.f32 v1, v10;
	[tilespmem:$0x1FE00] =	vst v2;
	v2 =	vmul.f32 v1, v20  }
0xea: {  	[tilespmem:$0x1FE10] =	vst v0;
	v0 =	vbroadcast v4, $0x5  }
0xeb: {  	v5 =	vmul.f32 v1, v7;
	v14 =	vadd.f32 v8, v2;
	v2 =	vadd.f32 v37, v3;
	_ =	sdelay $0x1  }
0xec: {  	v1 =	vmul.f32 v1, v6;
	[tilespmem:$0x1FE30] =	vst v2;
	v2 =	vadd.f32 v36, v5;
	v5 =	vmul.f32 v0, v7;
	_ =	sdelay $0x1  }
0xed: {  	v1 =	vadd.f32 v38, v1;
	v45 =	vadd.f32 v44, v5;
	v5 =	vld [tilespmem:$0x1FE60]  }
0xee: {  	v8 =	vld [tilespmem:$0x1FE70];
	[tilespmem:$0x1FE40] =	vst v2;
	v2 =	vmul.f32 v0, v20  }
0xef: {  	v3 =	vmul.f32 v0, v10;
	[tilespmem:$0x1FE50] =	vst v1;
	v1 =	vbroadcast v4, $0x4  }
0xf0: {  	v0 =	vmul.f32 v0, v6;
	v55 =	vadd.f32 v41, v2  }
0xf1: {  	v41 =	vadd.f32 v35, v3;
	v2 =	vmul.f32 v1, v20;
	v3 =	vmul.f32 v1, v10  }
0xf2: {  	v44 =	vadd.f32 v5, v0;
	v0 =	vbroadcast v4, $0x3;
	v5 =	vmul.f32 v1, v7  }
0xf3: {  	v38 =	vadd.f32 v8, v2;
	v1 =	vmul.f32 v1, v6  }
0xf4: {  	v29 =	vadd.f32 v29, v3;
	v12 =	vadd.f32 v30, v5;
	v2 =	vmul.f32 v0, v20  }
0xf5: {  	v3 =	vmul.f32 v0, v10;
	v30 =	vadd.f32 v15, v1;
	v1 =	vbroadcast v4, $0x2  }
0xf6: {  	v5 =	vmul.f32 v0, v7;
	v0 =	vmul.f32 v0, v6;
	v15 =	vadd.f32 v49, v2  }
0xf7: {  	v49 =	vadd.f32 v19, v3;
	v2 =	vmul.f32 v1, v20;
	v3 =	vmul.f32 v1, v10  }
0xf8: {  	v8 =	vld [tilespmem:$0x1FE80];
	v46 =	vadd.f32 v46, v5;
	v5 =	vmul.f32 v1, v7;
	v1 =	vmul.f32 v1, v6  }
0xf9: {  	v19 =	vadd.f32 v21, v0  }
0xfa: {  	[tilespmem:$0x1FB90] =	vst v56;
	v0 =	vbroadcast v4, $0x1;
	v56 =	vadd.f32 v54, v1;
	v1 =	vbroadcast v4, $0x0;
	v4 =	vld [tilespmem:$0x1FE90];
	_ =	sdelay $0x2  }
0xfb: {  	v2 =	vadd.f32 v8, v2;
	v8 =	vmul.f32 v0, v20;
	_ =	sdelay $0x1  }
0xfc: {  	v4 =	vadd.f32 v4, v8;
	v8 =	vld [tilespmem:$0x1FEA0]  }
0xfd: {  	v21 =	vmul.f32 v0, v10  }
0xfe: {  	v52 =	vadd.f32 v52, v3;
	v3 =	vmul.f32 v0, v7;
	v0 =	vmul.f32 v0, v6  }
0xff: {  	[tilespmem:$0x1FBE0] =	vst v50;
	v54 =	vadd.f32 v51, v21  }
0x100: {  	[tilespmem:$0x1FEC0] =	vst v10;
	v10 =	vmul.f32 v1, v10;
	v50 =	vadd.f32 v60, v0;
	v0 =	vmul.f32 v1, v7  }
0x101: {  	[tilespmem:$0x1FEE0] =	vst v6;
	v51 =	vadd.f32 v8, v3;
	v3 =	vmul.f32 v1, v20;
	v1 =	vmul.f32 v1, v6;
	v6 =	vld [tilespmem:$0x1FEF0];
	_ =	sdelay $0x2  }
0x102: {  	v53 =	vadd.f32 v53, v5;
	v5 =	vld [tilespmem:s26+$0x3000];
	_ =	sdelay $0x1  }
0x103: {  	v8 =	vadd.f32 v6, v3;
	v6 =	vld [tilespmem:$0x1FF20];
	_ =	sdelay $0x2  }
0x104: {  	v3 =	vbroadcast v5, $0xF;
	_ =	sdelay $0x1  }
0x105: {  	v6 =	vadd.f32 v6, v3;
	_ =	sdelay $0x1  }
0x106: {  	[tilespmem:$0x1FF30] =	vst v6;
	v6 =	vld [tilespmem:$0x1FF40];
	_ =	sdelay $0x2  }
0x107: {  	v63 =	vadd.f32 v63, v1;
	v1 =	vld [tilespmem:$0x1FF10]  }
0x108: {  	v62 =	vadd.f32 v62, v0;
	v0 =	vld [tilespmem:$0x1FF00]  }
0x109: {  	v16 =	vadd.f32 v16, v10;
	v10 =	vadd.f32 v6, v3;
	v6 =	vld [tilespmem:$0x1FF70];
	_ =	sdelay $0x2  }
0x10a: {  	v37 =	vadd.f32 v1, v3;
	v1 =	vbroadcast v5, $0xE  }
0x10b: {  	v0 =	vadd.f32 v0, v3;
	v3 =	vld [tilespmem:$0x1FF50]  }
0x10c: {  	v6 =	vadd.f32 v6, v1;
	_ =	sdelay $0x1  }
0x10d: {  	[tilespmem:$0x1FF80] =	vst v6;
	v6 =	vld [tilespmem:$0x1FF90];
	_ =	sdelay $0x1  }
0x10e: {  	v3 =	vadd.f32 v3, v1;
	_ =	sdelay $0x1  }
0x10f: {  	[tilespmem:$0x1FF60] =	vst v3;
	v3 =	vbroadcast v5, $0xD  }
0x110: {  	v22 =	vadd.f32 v22, v1;
	v1 =	vadd.f32 v6, v1  }
0x111: {  	[tilespmem:$0x1FED0] =	vst v7;
	v6 =	vadd.f32 v61, v3  }
0x112: {  	v7 =	vadd.f32 v59, v3;
	[tilespmem:$0x1FFA0] =	vst v1  }
0x113: {  	v1 =	vadd.f32 v58, v3;
	[tilespmem:$0x1FFB0] =	vst v6;
	v6 =	vbroadcast v5, $0xC;
	v3 =	vadd.f32 v57, v3  }
0x114: {  	[tilespmem:$0x1FFC0] =	vst v7  }
0x115: {  	v39 =	vimm.f32 $+Inf;
	[tilespmem:$0x1FFD0] =	vst v3;
	v3 =	vadd.f32 v47, v6;
	v7 =	vadd.f32 v13, v6  }
0x116: {  	v13 =	vadd.f32 v34, v6;
	v33 =	vadd.f32 v33, v6;
	v6 =	vbroadcast v5, $0xA  }
0x117: {  	[tilespmem:$0x1FEB0] =	vst v20;
	v21 =	vimm.f32 $+Inf;
	v60 =	vimm.f32 $+Inf;
	v20 =	vimm.f32 $+Inf  }
0x118: {  	[tilespmem:$0x1FFE0] =	vst v7;
	v7 =	vbroadcast v5, $0xB;
	v25 =	vadd.f32 v25, v6;
	v57 =	vadd.f32 v27, v6  }
0x119: {  	v34 =	vmovc v10;
	v10 =	vbroadcast v5, $0x5;
	v59 =	vadd.f32 v28, v6;
	v58 =	vadd.f32 v26, v6  }
0x11a: {  	v27 =	vbroadcast v5, $0x9;
	v23 =	vadd.f32 v23, v7;
	v47 =	vadd.f32 v32, v7  }
0x11b: {  	v6 =	vbroadcast v5, $0x0;
	v48 =	vadd.f32 v48, v7;
	v31 =	vadd.f32 v31, v7  }
0x11c: {  	v28 =	vbroadcast v5, $0x8;
	v7 =	vadd.f32 v11, v27;
	v61 =	vadd.f32 v18, v27  }
0x11d: {  	v26 =	vbroadcast v5, $0x7;
	v17 =	vadd.f32 v17, v27;
	v18 =	vadd.f32 v9, v27  }
0x11e: {  	s30 =	simm.s32 $0x40;
	v32 =	vadd.f32 v8, v6;
	v11 =	vbroadcast v5, $0x6;
	v9 =	vbroadcast v5, $0x4  }
0x11f: {  	s28 =	sor.u32 $0x10, s25;
	s29 =	sor.u32 $0x20, s25;
	s26 =	sor.u32 $0x30, s25;
	[tilespmem:$0x1FFF0] =	vst v20;
	v27 =	vadd.f32 v24, v28;
	v24 =	vbroadcast v5, $0x1;
	v8 =	vbroadcast v5, $0x2  }
.LBB2_3:
0x120: {  	_ = 	snop  }
0x121: {  	v5 =	vbroadcast v5, $0x3  }
0x122: {  	v4 =	vadd.f32 v4, v24  }
0x123: {  	v2 =	vadd.f32 v2, v8;
	v20 =	vadd.f32 v15, v5;
	v15 =	vld [tilespmem:$0x1FDD0];
	v32 =	vmin.f32 v21, v32  }
0x124: {  	v4 =	vmin.f32 v32, v4  }
0x125: {  	v2 =	vmin.f32 v4, v2;
	v4 =	vadd.f32 v38, v9  }
0x126: {  	v2 =	vmin.f32 v2, v20;
	v20 =	vadd.f32 v55, v10  }
0x127: {  	v2 =	vmin.f32 v2, v4;
	v4 =	vadd.f32 v14, v11  }
0x128: {  	v21 =	vadd.f32 v15, v26;
	v15 =	vld [tilespmem:$0x1FDF0];
	v2 =	vmin.f32 v2, v20  }
0x129: {  	v2 =	vmin.f32 v2, v4  }
0x12a: {  	v2 =	vmin.f32 v2, v21  }
0x12b: {  	v2 =	vmin.f32 v2, v27  }
0x12c: {  	v2 =	vmin.f32 v2, v7  }
0x12d: {  	v55 =	vadd.f32 v15, v26;
	v15 =	vld [tilespmem:$0x1FE00];
	v2 =	vmin.f32 v2, v25  }
0x12e: {  	v2 =	vmin.f32 v2, v23  }
0x12f: {  	v2 =	vmin.f32 v2, v3  }
0x130: {  	v42 =	vadd.f32 v42, v28;
	v43 =	vadd.f32 v43, v28;
	v1 =	vmin.f32 v2, v1  }
0x131: {  	v28 =	vadd.f32 v40, v28;
	v3 =	vadd.f32 v16, v6;
	v1 =	vmin.f32 v1, v22  }
0x132: {  	v16 =	vadd.f32 v54, v24;
	v40 =	vadd.f32 v15, v26;
	v15 =	vld [tilespmem:$0x1FE30];
	v0 =	vmin.f32 v1, v0  }
0x133: {  	v25 =	vadd.f32 v52, v8;
	[tilespmem:$0x1FA60] =	vst v0;
	v0 =	vmin.f32 v39, v3  }
0x134: {  	v7 =	vadd.f32 v49, v5;
	v0 =	vmin.f32 v0, v16  }
0x135: {  	v21 =	vadd.f32 v29, v9;
	v0 =	vmin.f32 v0, v25  }
0x136: {  	v35 =	vadd.f32 v41, v10;
	v0 =	vmin.f32 v0, v7  }
0x137: {  	v20 =	vadd.f32 v15, v11;
	v0 =	vmin.f32 v0, v21  }
0x138: {  	v0 =	vmin.f32 v0, v35  }
0x139: {  	v36 =	vadd.f32 v45, v10;
	v4 =	vld [tilespmem:$0x1FE40];
	v0 =	vmin.f32 v0, v20  }
0x13a: {  	v29 =	vadd.f32 v46, v5;
	v2 =	vadd.f32 v62, v6;
	v3 =	vld [tilespmem:$0x1FFE0];
	v0 =	vmin.f32 v0, v55  }
0x13b: {  	v5 =	vadd.f32 v19, v5;
	v22 =	vadd.f32 v51, v24;
	v15 =	vld [tilespmem:$0x1FE10];
	v0 =	vmin.f32 v0, v42  }
0x13c: {  	v19 =	vadd.f32 v53, v8;
	v1 =	vmin.f32 v60, v2;
	v2 =	vld [tilespmem:$0x1FFF0];
	v0 =	vmin.f32 v0, v61  }
0x13d: {  	v27 =	vadd.f32 v12, v9;
	v1 =	vmin.f32 v1, v22;
	v0 =	vmin.f32 v0, v57  }
0x13e: {  	v4 =	vadd.f32 v4, v11;
	v1 =	vmin.f32 v1, v19;
	v0 =	vmin.f32 v0, v47  }
0x13f: {  	v6 =	vadd.f32 v63, v6;
	v1 =	vmin.f32 v1, v29;
	v0 =	vmin.f32 v0, v3;
	v3 =	vld [tilespmem:$0x1FFB0]  }
0x140: {  	v23 =	vadd.f32 v50, v24;
	v1 =	vmin.f32 v1, v27;
	v26 =	vadd.f32 v15, v26;
	v15 =	vld [tilespmem:$0x1FE50]  }
0x141: {  	v8 =	vadd.f32 v56, v8;
	v2 =	vmin.f32 v2, v6;
	v1 =	vmin.f32 v1, v36  }
0x142: {  	v10 =	vadd.f32 v44, v10;
	v2 =	vmin.f32 v2, v23;
	v1 =	vmin.f32 v1, v4  }
0x143: {  	v9 =	vadd.f32 v30, v9;
	v2 =	vmin.f32 v2, v8;
	v1 =	vmin.f32 v1, v40  }
0x144: {  	v2 =	vmin.f32 v2, v5;
	v1 =	vmin.f32 v1, v43;
	v0 =	vmin.f32 v0, v3;
	v3 =	vld [tilespmem:$0x1FFC0]  }
0x145: {  	v2 =	vmin.f32 v2, v9;
	v1 =	vmin.f32 v1, v17;
	v11 =	vadd.f32 v15, v11  }
0x146: {  	v2 =	vmin.f32 v2, v10;
	v1 =	vmin.f32 v1, v59  }
0x147: {  	v1 =	vmin.f32 v1, v48;
	v2 =	vmin.f32 v2, v11  }
0x148: {  	v1 =	vmin.f32 v1, v13;
	v2 =	vmin.f32 v2, v26  }
0x149: {  	v2 =	vmin.f32 v2, v28;
	v1 =	vmin.f32 v1, v3;
	v3 =	vld [tilespmem:$0x1FFD0]  }
0x14a: {  	v2 =	vmin.f32 v2, v18  }
0x14b: {  	v2 =	vmin.f32 v2, v58  }
0x14c: {  	v2 =	vmin.f32 v2, v31  }
0x14d: {  	v2 =	vmin.f32 v2, v33  }
0x14e: {  	v2 =	vmin.f32 v2, v3;
	v3 =	vld [tilespmem:$0x1FF60];
	_ =	sdelay $0x4  }
0x14f: {  	v0 =	vmin.f32 v0, v3;
	v3 =	vld [tilespmem:$0x1FF80];
	_ =	sdelay $0x1  }
0x150: {  	v14 =	vmov v37  }
0x151: {  	v0 =	vmin.f32 v0, v14  }
0x152: {  	[tilespmem:$0x1FAA0] =	vst v0;
	v0 =	vld [tilespmem:$0x1FF30]  }
0x153: {  	s31 =	sshra.s32 s30, $0x2;
	v1 =	vmin.f32 v1, v3;
	v3 =	vld [tilespmem:$0x1FFA0]  }
0x154: {  	v7 =	vld [tilespmem:s31+$0x2000];
	_ =	sdelay $0x3  }
0x155: {  	v8 =	vld [tilespmem:s31+$0x1000];
	v0 =	vmin.f32 v1, v0;
	v2 =	vmin.f32 v2, v3  }
0x156: {  	[tilespmem:$0x1FA10] =	vst v0;
	v0 =	vmin.f32 v2, v34;
	v2 =	vbroadcast v7, $0x5;
	_ =	sdelay $0x1  }
0x157: {  	[tilespmem:$0x1F780] =	vst v2;
	v2 =	vbroadcast v7, $0x4;
	_ =	sdelay $0x1  }
0x158: {  	[tilespmem:$0x1F810] =	vst v2;
	v2 =	vbroadcast v8, $0x6;
	_ =	sdelay $0x1  }
0x159: {  	[tilespmem:$0x1F260] =	vst v2;
	v2 =	vbroadcast v7, $0x3;
	_ =	sdelay $0x1  }
0x15a: {  	[tilespmem:$0x1F8E0] =	vst v2;
	v2 =	vbroadcast v8, $0x5;
	_ =	sdelay $0x1  }
0x15b: {  	[tilespmem:$0x1F330] =	vst v2;
	v2 =	vbroadcast v7, $0x2;
	_ =	sdelay $0x1  }
0x15c: {  	[tilespmem:$0x1F990] =	vst v2;
	v2 =	vbroadcast v8, $0x4;
	_ =	sdelay $0x1  }
0x15d: {  	[tilespmem:$0x1F3C0] =	vst v2;
	v2 =	vbroadcast v7, $0x1;
	_ =	sdelay $0x1  }
0x15e: {  	[tilespmem:$0x1F9E0] =	vst v2;
	v2 =	vbroadcast v8, $0x3;
	_ =	sdelay $0x1  }
0x15f: {  	[tilespmem:$0x1F490] =	vst v2;
	v2 =	vbroadcast v7, $0x0;
	_ =	sdelay $0x1  }
0x160: {  	[tilespmem:$0x1FA30] =	vst v2;
	v2 =	vbroadcast v8, $0x2  }
0x161: {  	v20 =	vld [tilespmem:$0x1FEB0]  }
0x162: {  	[tilespmem:$0x1F540] =	vst v2;
	v2 =	vbroadcast v8, $0x1  }
0x163: {  	v21 =	vld [tilespmem:$0x1FEC0]  }
0x164: {  	v11 =	vbroadcast v7, $0xF;
	[tilespmem:$0x1F5A0] =	vst v2;
	v2 =	vbroadcast v8, $0x0  }
0x165: {  	v23 =	vld [tilespmem:$0x1FED0]  }
0x166: {  	[tilespmem:$0x1F610] =	vst v2;
	v2 =	vmul.f32 v11, v20  }
0x167: {  	v24 =	vld [tilespmem:$0x1FEE0]  }
0x168: {  	[tilespmem:$0x1F6B0] =	vst v2;
	v2 =	vmul.f32 v11, v21  }
0x169: {  	v9 =	vld [tilespmem:s31+$0x0]  }
0x16a: {  	[tilespmem:$0x1F6C0] =	vst v2;
	v2 =	vmul.f32 v11, v23;
	_ =	sdelay $0x1  }
0x16b: {  	v10 =	vbroadcast v7, $0xE;
	[tilespmem:$0x1F6D0] =	vst v2;
	v2 =	vmul.f32 v11, v24  }
0x16c: {  	v38 =	vbroadcast v7, $0xD  }
0x16d: {  	v45 =	vbroadcast v9, $0xF;
	[tilespmem:$0x1F6E0] =	vst v2;
	v2 =	vmul.f32 v10, v20  }
0x16e: {  	v51 =	vbroadcast v9, $0xE;
	v6 =	vbroadcast v9, $0xD  }
0x16f: {  	v19 =	vbroadcast v9, $0x9;
	[tilespmem:$0x1F700] =	vst v2;
	v2 =	vmul.f32 v10, v21  }
0x170: {  	v22 =	vbroadcast v9, $0x8;
	v12 =	vbroadcast v9, $0x7  }
0x171: {  	v16 =	vbroadcast v9, $0x6;
	[tilespmem:$0x1F710] =	vst v2;
	v2 =	vmul.f32 v10, v23  }
0x172: {  	v56 =	vbroadcast v9, $0x5;
	v61 =	vbroadcast v9, $0x3  }
0x173: {  	v47 =	vbroadcast v9, $0x2;
	[tilespmem:$0x1F720] =	vst v2;
	v2 =	vmul.f32 v10, v24  }
0x174: {  	v62 =	vbroadcast v9, $0x0;
	[tilespmem:$0x1FFF0] =	vst v0;
	v0 =	vbroadcast v7, $0x7  }
0x175: {  	v59 =	vbroadcast v9, $0x1;
	[tilespmem:$0x1F730] =	vst v2;
	v2 =	vmul.f32 v38, v20  }
0x176: {  	v31 =	vbroadcast v9, $0x4;
	[tilespmem:$0x1F690] =	vst v0;
	v0 =	vbroadcast v7, $0x6  }
0x177: {  	v33 =	vbroadcast v9, $0xC;
	[tilespmem:$0x1F740] =	vst v2;
	v2 =	vmul.f32 v38, v21  }
0x178: {  	v1 =	vbroadcast v9, $0xA;
	[tilespmem:$0x1F6F0] =	vst v0;
	v0 =	vbroadcast v9, $0xB;
	v9 =	vld [tilespmem:$0x1FBA0]  }
0x179: {  	[tilespmem:$0x1F750] =	vst v2;
	v2 =	vmul.f32 v38, v23  }
0x17a: {  	v4 =	vld [tilespmem:$0x1FBF0]  }
0x17b: {  	v39 =	vbroadcast v8, $0xF;
	[tilespmem:$0x1F760] =	vst v2;
	v2 =	vmul.f32 v38, v24  }
0x17c: {  	v5 =	vld [tilespmem:$0x1FC10];
	v40 =	vbroadcast v7, $0xC;
	v42 =	vbroadcast v7, $0xB  }
0x17d: {  	v44 =	vbroadcast v7, $0xA;
	[tilespmem:$0x1F770] =	vst v2;
	v2 =	vmul.f32 v39, v9  }
0x17e: {  	v52 =	vbroadcast v7, $0x8;
	v48 =	vbroadcast v7, $0x9;
	v7 =	vld [tilespmem:$0x1FC30]  }
0x17f: {  	v41 =	vbroadcast v8, $0xE;
	[tilespmem:$0x1F210] =	vst v2;
	v2 =	vmul.f32 v39, v4  }
0x180: {  	v43 =	vbroadcast v8, $0xD;
	v49 =	vbroadcast v8, $0xC  }
0x181: {  	v50 =	vbroadcast v8, $0xB;
	[tilespmem:$0x1F230] =	vst v2;
	v2 =	vmul.f32 v39, v5  }
0x182: {  	v53 =	vbroadcast v8, $0xA;
	v30 =	vbroadcast v8, $0x9  }
0x183: {  	v32 =	vbroadcast v8, $0x8;
	[tilespmem:$0x1F240] =	vst v2;
	v2 =	vmul.f32 v39, v7  }
0x184: {  	v63 =	vbroadcast v8, $0x7;
	v8 =	vmul.f32 v44, v20  }
0x185: {  	[tilespmem:$0x1F250] =	vst v2;
	v2 =	vmul.f32 v40, v20  }
0x186: {  	[tilespmem:$0x1F820] =	vst v8;
	v8 =	vmul.f32 v44, v21  }
0x187: {  	[tilespmem:$0x1F790] =	vst v2;
	v2 =	vmul.f32 v40, v21  }
0x188: {  	[tilespmem:$0x1F830] =	vst v8;
	v8 =	vmul.f32 v44, v23  }
0x189: {  	[tilespmem:$0x1F7A0] =	vst v2;
	v2 =	vmul.f32 v40, v23  }
0x18a: {  	[tilespmem:$0x1F840] =	vst v8;
	v8 =	vmul.f32 v44, v24  }
0x18b: {  	[tilespmem:$0x1F7B0] =	vst v2;
	v2 =	vmul.f32 v40, v24  }
0x18c: {  	[tilespmem:$0x1F860] =	vst v8;
	v8 =	vmul.f32 v49, v9  }
0x18d: {  	[tilespmem:$0x1F7C0] =	vst v2;
	v2 =	vmul.f32 v41, v9  }
0x18e: {  	[tilespmem:$0x1F340] =	vst v8;
	v8 =	vmul.f32 v49, v4  }
0x18f: {  	[tilespmem:$0x1F270] =	vst v2;
	v2 =	vmul.f32 v41, v4  }
0x190: {  	[tilespmem:$0x1F350] =	vst v8;
	v8 =	vmul.f32 v49, v5  }
0x191: {  	[tilespmem:$0x1F290] =	vst v2;
	v2 =	vmul.f32 v41, v5  }
0x192: {  	[tilespmem:$0x1F360] =	vst v8;
	v8 =	vmul.f32 v49, v7  }
0x193: {  	[tilespmem:$0x1F2A0] =	vst v2;
	v2 =	vmul.f32 v41, v7  }
0x194: {  	[tilespmem:$0x1F370] =	vst v8;
	v8 =	vmul.f32 v48, v20  }
0x195: {  	[tilespmem:$0x1F2B0] =	vst v2;
	v2 =	vmul.f32 v42, v20  }
0x196: {  	[tilespmem:$0x1F870] =	vst v8;
	v8 =	vmul.f32 v48, v21  }
0x197: {  	v15 =	vld [tilespmem:$0x1FBC0];
	[tilespmem:$0x1F7D0] =	vst v2;
	v2 =	vmul.f32 v42, v21  }
0x198: {  	[tilespmem:$0x1F890] =	vst v8;
	v8 =	vmul.f32 v48, v23  }
0x199: {  	v18 =	vld [tilespmem:$0x1FB80];
	[tilespmem:$0x1F7E0] =	vst v2;
	v2 =	vmul.f32 v42, v23  }
0x19a: {  	[tilespmem:$0x1F8B0] =	vst v8;
	v8 =	vmul.f32 v48, v24  }
0x19b: {  	v14 =	vld [tilespmem:$0x1FBB0];
	[tilespmem:$0x1F7F0] =	vst v2;
	v2 =	vmul.f32 v42, v24  }
0x19c: {  	v13 =	vld [tilespmem:$0x1FBD0];
	v27 =	vmul.f32 v45, v15;
	[tilespmem:$0x1F8C0] =	vst v8;
	v8 =	vmul.f32 v50, v9  }
0x19d: {  	v17 =	vmul.f32 v6, v15;
	[tilespmem:$0x1F800] =	vst v2;
	v2 =	vmul.f32 v43, v9  }
0x19e: {  	v3 =	vmul.f32 v45, v18;
	[tilespmem:$0x1F380] =	vst v8;
	v8 =	vmul.f32 v50, v4  }
0x19f: {  	v54 =	vmul.f32 v0, v18;
	[tilespmem:$0x1F2C0] =	vst v2;
	v2 =	vmul.f32 v43, v4  }
0x1a0: {  	v55 =	vmul.f32 v0, v14;
	[tilespmem:$0x1F390] =	vst v8;
	v8 =	vmul.f32 v50, v5  }
0x1a1: {  	v57 =	vmul.f32 v0, v13;
	[tilespmem:$0x1F2E0] =	vst v2;
	v2 =	vmul.f32 v43, v5  }
0x1a2: {  	v49 =	vmul.f32 v0, v15;
	[tilespmem:$0x1F3A0] =	vst v8;
	v8 =	vmul.f32 v50, v7  }
0x1a3: {  	v0 =	vmul.f32 v32, v9;
	[tilespmem:$0x1F2F0] =	vst v2;
	v2 =	vmul.f32 v43, v7  }
0x1a4: {  	v48 =	vmul.f32 v6, v14;
	[tilespmem:$0x1F3B0] =	vst v8;
	v8 =	vmul.f32 v6, v18  }
0x1a5: {  	v42 =	vmul.f32 v45, v13;
	[tilespmem:$0x1F310] =	vst v2;
	v2 =	vmul.f32 v45, v14  }
0x1a6: {  	v45 =	vmul.f32 v6, v13;
	v6 =	vmul.f32 v52, v20  }
0x1a7: {  	[tilespmem:$0x1F4A0] =	vst v0;
	v0 =	vmul.f32 v32, v4  }
0x1a8: {  	[tilespmem:$0x1F8F0] =	vst v6;
	v6 =	vmul.f32 v52, v21  }
0x1a9: {  	[tilespmem:$0x1F4B0] =	vst v0;
	v0 =	vmul.f32 v32, v5  }
0x1aa: {  	[tilespmem:$0x1F900] =	vst v6;
	v6 =	vmul.f32 v52, v23  }
0x1ab: {  	[tilespmem:$0x1F4C0] =	vst v0;
	v0 =	vmul.f32 v32, v7  }
0x1ac: {  	[tilespmem:$0x1F910] =	vst v6;
	v6 =	vmul.f32 v52, v24  }
0x1ad: {  	[tilespmem:$0x1F4E0] =	vst v0  }
0x1ae: {  	v0 =	vld [tilespmem:$0x1FB90];
	[tilespmem:$0x1F930] =	vst v6;
	v6 =	vmul.f32 v53, v9  }
0x1af: {  	v58 =	vmul.f32 v1, v18;
	v60 =	vmul.f32 v1, v14  }
0x1b0: {  	v36 =	vmul.f32 v1, v13;
	[tilespmem:$0x1F3D0] =	vst v6;
	v6 =	vmul.f32 v53, v4  }
0x1b1: {  	v44 =	vmul.f32 v51, v14;
	v10 =	vmul.f32 v51, v13  }
0x1b2: {  	v39 =	vmul.f32 v51, v18;
	[tilespmem:$0x1F3E0] =	vst v6;
	v6 =	vmul.f32 v53, v5  }
0x1b3: {  	v40 =	vmul.f32 v51, v15;
	v51 =	vmul.f32 v1, v15;
	v1 =	vadd.f32 v3, v0  }
0x1b4: {  	[tilespmem:$0x1F3F0] =	vst v6;
	v6 =	vmul.f32 v53, v7  }
0x1b5: {  	[tilespmem:$0x1F220] =	vst v1;
	v1 =	vld [tilespmem:$0x1FBE0]  }
0x1b6: {  	[tilespmem:$0x1F410] =	vst v6;
	v6 =	vmul.f32 v30, v9  }
0x1b7: {  	v25 =	vmul.f32 v16, v13;
	v46 =	vmul.f32 v33, v18  }
0x1b8: {  	v11 =	vmul.f32 v19, v13;
	[tilespmem:$0x1F420] =	vst v6;
	v6 =	vmul.f32 v30, v4  }
0x1b9: {  	v32 =	vmul.f32 v12, v14;
	v38 =	vmul.f32 v19, v18;
	v46 =	vadd.f32 v46, v0;
	v3 =	vld [tilespmem:$0x1FC20]  }
0x1ba: {  	v50 =	vmul.f32 v33, v14;
	v35 =	vadd.f32 v2, v1;
	v2 =	vld [tilespmem:$0x1FC00];
	[tilespmem:$0x1F440] =	vst v6;
	v6 =	vmul.f32 v30, v5  }
0x1bb: {  	v54 =	vadd.f32 v54, v0;
	v41 =	vmul.f32 v19, v14;
	v52 =	vmul.f32 v33, v15  }
0x1bc: {  	v58 =	vadd.f32 v58, v0;
	v53 =	vmul.f32 v33, v13;
	[tilespmem:$0x1F460] =	vst v6;
	v6 =	vmul.f32 v30, v7  }
0x1bd: {  	v8 =	vadd.f32 v8, v0;
	v33 =	vmul.f32 v12, v15;
	v30 =	vmul.f32 v12, v18  }
0x1be: {  	[tilespmem:$0x1F470] =	vst v6;
	v6 =	vmul.f32 v19, v15;
	v19 =	vmul.f32 v12, v13;
	v12 =	vadd.f32 v39, v0  }
0x1bf: {  	[tilespmem:$0x1F2D0] =	vst v8;
	v25 =	vadd.f32 v25, v3;
	v8 =	vadd.f32 v17, v2  }
0x1c0: {  	v48 =	vadd.f32 v48, v1;
	[tilespmem:$0x1F280] =	vst v12;
	v12 =	vadd.f32 v51, v2  }
0x1c1: {  	v50 =	vadd.f32 v50, v1;
	v55 =	vadd.f32 v55, v1;
	[tilespmem:$0x1F300] =	vst v8  }
0x1c2: {  	v29 =	vmul.f32 v22, v15;
	v8 =	vadd.f32 v45, v3;
	[tilespmem:$0x1F400] =	vst v12;
	v12 =	vadd.f32 v38, v0  }
0x1c3: {  	v26 =	vmul.f32 v16, v15;
	[tilespmem:$0x1F560] =	vst v25;
	v38 =	vadd.f32 v6, v2;
	v6 =	vadd.f32 v11, v3  }
0x1c4: {  	v28 =	vmul.f32 v22, v18;
	v60 =	vadd.f32 v60, v1;
	[tilespmem:$0x1F320] =	vst v8;
	v19 =	vadd.f32 v19, v3  }
0x1c5: {  	v43 =	vmul.f32 v22, v14;
	v22 =	vmul.f32 v22, v13;
	[tilespmem:$0x1F480] =	vst v6;
	v6 =	vadd.f32 v29, v2  }
0x1c6: {  	v34 =	vadd.f32 v42, v3;
	v37 =	vadd.f32 v27, v2;
	v27 =	vmul.f32 v16, v18;
	[tilespmem:$0x1F530] =	vst v19  }
0x1c7: {  	v42 =	vadd.f32 v44, v1;
	v17 =	vmul.f32 v56, v18;
	[tilespmem:$0x1F4D0] =	vst v6;
	v6 =	vadd.f32 v22, v3  }
0x1c8: {  	v27 =	vadd.f32 v27, v0;
	v8 =	vmul.f32 v31, v18;
	[tilespmem:$0x1F430] =	vst v12;
	v22 =	vadd.f32 v30, v0  }
0x1c9: {  	v39 =	vadd.f32 v10, v3;
	v10 =	vmul.f32 v56, v15;
	v12 =	vadd.f32 v41, v1;
	[tilespmem:$0x1F4F0] =	vst v6  }
0x1ca: {  	v17 =	vadd.f32 v17, v0;
	v6 =	vmul.f32 v61, v15;
	[tilespmem:$0x1F500] =	vst v22;
	v22 =	vadd.f32 v32, v1  }
0x1cb: {  	v8 =	vadd.f32 v8, v0;
	v10 =	vadd.f32 v10, v2;
	[tilespmem:$0x1F450] =	vst v12;
	v12 =	vmul.f32 v61, v18  }
0x1cc: {  	v11 =	vmul.f32 v61, v14;
	[tilespmem:$0x1F510] =	vst v22;
	v22 =	vmul.f32 v61, v13;
	v6 =	vadd.f32 v6, v2  }
0x1cd: {  	v19 =	vmul.f32 v47, v14;
	[tilespmem:$0x1F590] =	vst v10;
	v41 =	vadd.f32 v28, v0;
	v12 =	vadd.f32 v12, v0  }
0x1ce: {  	v10 =	vmul.f32 v59, v18;
	v28 =	vadd.f32 v33, v2;
	[tilespmem:$0x1F5F0] =	vst v6;
	v6 =	vadd.f32 v22, v3  }
0x1cf: {  	v33 =	vmul.f32 v47, v18;
	v11 =	vadd.f32 v11, v1;
	[tilespmem:$0x1F5D0] =	vst v12;
	v12 =	vmul.f32 v62, v18  }
0x1d0: {  	v25 =	vmul.f32 v47, v15;
	v10 =	vadd.f32 v10, v0;
	[tilespmem:$0x1F600] =	vst v6;
	v6 =	vadd.f32 v19, v1  }
0x1d1: {  	v44 =	vmul.f32 v16, v14;
	[tilespmem:$0x1F5E0] =	vst v11;
	v61 =	vadd.f32 v33, v0;
	v0 =	vadd.f32 v12, v0  }
0x1d2: {  	v16 =	vmul.f32 v56, v14;
	v11 =	vmul.f32 v62, v14;
	[tilespmem:$0x1F620] =	vst v6;
	v6 =	vadd.f32 v25, v2  }
0x1d3: {  	v44 =	vadd.f32 v44, v1;
	v43 =	vadd.f32 v43, v1;
	v45 =	vmul.f32 v56, v13;
	[tilespmem:$0x1F670] =	vst v0  }
0x1d4: {  	v16 =	vadd.f32 v16, v1;
	v0 =	vadd.f32 v11, v1;
	[tilespmem:$0x1F630] =	vst v6;
	v6 =	vmul.f32 v62, v15  }
0x1d5: {  	[tilespmem:$0x1F5B0] =	vst v8;
	v8 =	vmul.f32 v59, v14;
	v56 =	vadd.f32 v49, v2;
	v49 =	vmul.f32 v31, v14  }
0x1d6: {  	v51 =	vmul.f32 v31, v15;
	v31 =	vmul.f32 v31, v13;
	[tilespmem:$0x1F680] =	vst v0;
	v0 =	vadd.f32 v6, v2  }
0x1d7: {  	[tilespmem:$0x1F580] =	vst v16;
	v8 =	vadd.f32 v8, v1;
	v49 =	vadd.f32 v49, v1;
	v1 =	vld [tilespmem:$0x1F220]  }
0x1d8: {  	v16 =	vadd.f32 v31, v3;
	[tilespmem:$0x1F6A0] =	vst v0;
	v0 =	vld [tilespmem:$0x1F210];
	_ =	sdelay $0x1  }
0x1d9: {  	v40 =	vadd.f32 v40, v2;
	[tilespmem:$0x1F5C0] =	vst v16;
	v16 =	vmul.f32 v59, v15  }
0x1da: {  	v26 =	vadd.f32 v26, v2;
	v52 =	vadd.f32 v52, v2  }
0x1db: {  	[tilespmem:$0x1F650] =	vst v8;
	v51 =	vadd.f32 v51, v2;
	v8 =	vadd.f32 v16, v2;
	v2 =	vld [tilespmem:$0x1F280]  }
0x1dc: {  	v33 =	vadd.f32 v1, v0;
	v1 =	vld [tilespmem:$0x1F270];
	_ =	sdelay $0x4  }
0x1dd: {  	v30 =	vadd.f32 v2, v1;
	v1 =	vld [tilespmem:$0x1F290];
	_ =	sdelay $0x2  }
0x1de: {  	v0 =	vld [tilespmem:$0x1F230];
	_ =	sdelay $0x1  }
0x1df: {  	v42 =	vadd.f32 v42, v1;
	v1 =	vld [tilespmem:$0x1F2A0];
	_ =	sdelay $0x2  }
0x1e0: {  	v35 =	vadd.f32 v35, v0;
	v0 =	vld [tilespmem:$0x1F240];
	_ =	sdelay $0x1  }
0x1e1: {  	v40 =	vadd.f32 v40, v1;
	v1 =	vld [tilespmem:$0x1F2B0];
	_ =	sdelay $0x2  }
0x1e2: {  	v37 =	vadd.f32 v37, v0;
	v0 =	vld [tilespmem:$0x1F250]  }
0x1e3: {  	v2 =	vld [tilespmem:$0x1F2D0]  }
0x1e4: {  	v39 =	vadd.f32 v39, v1;
	v1 =	vld [tilespmem:$0x1F2C0];
	_ =	sdelay $0x2  }
0x1e5: {  	v34 =	vadd.f32 v34, v0;
	v0 =	vld [tilespmem:$0x1F260];
	_ =	sdelay $0x1  }
0x1e6: {  	[tilespmem:$0x1F550] =	vst v26;
	v26 =	vmul.f32 v47, v13;
	v47 =	vadd.f32 v2, v1;
	v1 =	vld [tilespmem:$0x1F2E0];
	_ =	sdelay $0x1  }
0x1e7: {  	v29 =	vmul.f32 v62, v13  }
0x1e8: {  	v19 =	vmul.f32 v0, v9;
	v11 =	vmul.f32 v0, v4  }
0x1e9: {  	[tilespmem:$0x1F640] =	vst v10;
	v10 =	vmul.f32 v0, v5;
	v62 =	vmul.f32 v0, v7;
	v0 =	vld [tilespmem:$0x1F2F0]  }
0x1ea: {  	v48 =	vadd.f32 v48, v1;
	v1 =	vld [tilespmem:$0x1F300];
	_ =	sdelay $0x4  }
0x1eb: {  	v31 =	vadd.f32 v1, v0;
	v0 =	vld [tilespmem:$0x1F310]  }
0x1ec: {  	v1 =	vld [tilespmem:$0x1F320];
	_ =	sdelay $0x4  }
0x1ed: {  	v32 =	vadd.f32 v1, v0;
	v1 =	vld [tilespmem:$0x1F340];
	_ =	sdelay $0x4  }
0x1ee: {  	v46 =	vadd.f32 v46, v1;
	v1 =	vld [tilespmem:$0x1F350];
	_ =	sdelay $0x4  }
0x1ef: {  	v50 =	vadd.f32 v50, v1;
	v1 =	vld [tilespmem:$0x1F360];
	_ =	sdelay $0x4  }
0x1f0: {  	v52 =	vadd.f32 v52, v1;
	v1 =	vld [tilespmem:$0x1F370];
	_ =	sdelay $0x2  }
0x1f1: {  	v53 =	vadd.f32 v53, v3;
	_ =	sdelay $0x1  }
0x1f2: {  	v53 =	vadd.f32 v53, v1;
	v1 =	vld [tilespmem:$0x1F380];
	_ =	sdelay $0x4  }
0x1f3: {  	v54 =	vadd.f32 v54, v1;
	v1 =	vld [tilespmem:$0x1F390];
	_ =	sdelay $0x4  }
0x1f4: {  	v55 =	vadd.f32 v55, v1;
	v1 =	vld [tilespmem:$0x1F3D0];
	_ =	sdelay $0x4  }
0x1f5: {  	v58 =	vadd.f32 v58, v1;
	v1 =	vld [tilespmem:$0x1F3E0];
	_ =	sdelay $0x2  }
0x1f6: {  	v0 =	vld [tilespmem:$0x1F330]  }
0x1f7: {  	v2 =	vld [tilespmem:$0x1F400]  }
0x1f8: {  	v59 =	vmul.f32 v59, v13;
	v60 =	vadd.f32 v60, v1;
	v1 =	vld [tilespmem:$0x1F3F0]  }
0x1f9: {  	[tilespmem:$0x1F520] =	vst v28;
	v14 =	vmul.f32 v63, v5;
	v28 =	vmul.f32 v63, v7  }
0x1fa: {  	v13 =	vmul.f32 v63, v4;
	v22 =	vmul.f32 v63, v9  }
0x1fb: {  	v18 =	vmul.f32 v0, v9;
	v16 =	vmul.f32 v0, v4  }
0x1fc: {  	v15 =	vmul.f32 v0, v5;
	v63 =	vmul.f32 v0, v7;
	v0 =	vld [tilespmem:$0x1F3A0]  }
0x1fd: {  	v1 =	vadd.f32 v2, v1;
	_ =	sdelay $0x1  }
0x1fe: {  	[tilespmem:$0x1F850] =	vst v1;
	v1 =	vld [tilespmem:$0x1F410];
	_ =	sdelay $0x1  }
0x1ff: {  	v56 =	vadd.f32 v56, v0;
	v0 =	vld [tilespmem:$0x1F3B0]  }
0x200: {  	v36 =	vadd.f32 v36, v3  }
0x201: {  	v2 =	vld [tilespmem:$0x1F430]  }
0x202: {  	v57 =	vadd.f32 v57, v3;
	v36 =	vadd.f32 v36, v1;
	v1 =	vld [tilespmem:$0x1F420]  }
0x203: {  	[tilespmem:$0x1F570] =	vst v17;
	v17 =	vld [tilespmem:$0x1F4C0]  }
0x204: {  	v57 =	vadd.f32 v57, v0;
	v0 =	vld [tilespmem:$0x1F3C0]  }
0x205: {  	v25 =	vld [tilespmem:$0x1F4D0];
	_ =	sdelay $0x1  }
0x206: {  	v45 =	vadd.f32 v45, v3;
	v1 =	vadd.f32 v2, v1  }
0x207: {  	v26 =	vadd.f32 v26, v3;
	v59 =	vadd.f32 v59, v3;
	[tilespmem:$0x1F660] =	vst v8;
	v2 =	vld [tilespmem:$0x1F450]  }
0x208: {  	v29 =	vadd.f32 v29, v3;
	v12 =	vmul.f32 v0, v9;
	v8 =	vmul.f32 v0, v4;
	[tilespmem:$0x1F880] =	vst v1;
	v1 =	vld [tilespmem:$0x1F440]  }
0x209: {  	v17 =	vadd.f32 v25, v17;
	v6 =	vmul.f32 v0, v5;
	v3 =	vmul.f32 v0, v7;
	v0 =	vld [tilespmem:$0x1F460]  }
0x20a: {  	v25 =	vld [tilespmem:$0x1F4F0]  }
0x20b: {  	[tilespmem:$0x1F920] =	vst v17;
	v17 =	vld [tilespmem:$0x1F4E0];
	_ =	sdelay $0x1  }
0x20c: {  	v1 =	vadd.f32 v2, v1  }
0x20d: {  	v38 =	vadd.f32 v38, v0;
	v0 =	vld [tilespmem:$0x1F470]  }
0x20e: {  	[tilespmem:$0x1F8A0] =	vst v1;
	v1 =	vld [tilespmem:$0x1F480]  }
0x20f: {  	v17 =	vadd.f32 v25, v17;
	v25 =	vld [tilespmem:$0x1F500];
	_ =	sdelay $0x3  }
0x210: {  	v0 =	vadd.f32 v1, v0;
	v1 =	vld [tilespmem:$0x1F4A0]  }
0x211: {  	v22 =	vadd.f32 v25, v22;
	_ =	sdelay $0x1  }
0x212: {  	[tilespmem:$0x1F950] =	vst v22;
	v22 =	vld [tilespmem:$0x1F510]  }
0x213: {  	[tilespmem:$0x1F8D0] =	vst v0;
	v0 =	vld [tilespmem:$0x1F490]  }
0x214: {  	v41 =	vadd.f32 v41, v1;
	v1 =	vld [tilespmem:$0x1F4B0];
	_ =	sdelay $0x2  }
0x215: {  	v13 =	vadd.f32 v22, v13  }
0x216: {  	[tilespmem:$0x1F940] =	vst v17;
	v2 =	vmul.f32 v0, v9;
	v17 =	vmul.f32 v0, v5  }
0x217: {  	[tilespmem:$0x1F960] =	vst v13;
	v13 =	vmul.f32 v0, v7;
	v43 =	vadd.f32 v43, v1;
	v1 =	vmul.f32 v0, v4;
	v0 =	vld [tilespmem:$0x1F520];
	_ =	sdelay $0x3  }
0x218: {  	v19 =	vadd.f32 v27, v19  }
0x219: {  	v0 =	vadd.f32 v0, v14  }
0x21a: {  	[tilespmem:$0x1F9A0] =	vst v19;
	v19 =	vld [tilespmem:$0x1F550]  }
0x21b: {  	[tilespmem:$0x1F970] =	vst v0;
	v0 =	vld [tilespmem:$0x1F530];
	_ =	sdelay $0x4  }
0x21c: {  	v0 =	vadd.f32 v0, v28;
	v28 =	vadd.f32 v19, v10;
	v10 =	vld [tilespmem:$0x1F560]  }
0x21d: {  	v19 =	vld [tilespmem:$0x1F570];
	_ =	sdelay $0x3  }
0x21e: {  	v11 =	vadd.f32 v44, v11  }
0x21f: {  	v44 =	vadd.f32 v10, v62;
	v62 =	vadd.f32 v19, v18;
	v18 =	vld [tilespmem:$0x1F580]  }
0x220: {  	[tilespmem:$0x1F980] =	vst v0;
	v0 =	vld [tilespmem:$0x1F540];
	_ =	sdelay $0x3  }
0x221: {  	v16 =	vadd.f32 v18, v16  }
0x222: {  	[tilespmem:$0x1F9B0] =	vst v11;
	v14 =	vmul.f32 v0, v9;
	v11 =	vmul.f32 v0, v4  }
0x223: {  	v10 =	vmul.f32 v0, v5;
	[tilespmem:$0x1F9C0] =	vst v16;
	v16 =	vmul.f32 v0, v7;
	v0 =	vld [tilespmem:$0x1F590];
	_ =	sdelay $0x4  }
0x224: {  	v0 =	vadd.f32 v0, v15;
	_ =	sdelay $0x1  }
0x225: {  	[tilespmem:$0x1F9D0] =	vst v0;
	v0 =	vld [tilespmem:$0x1F5B0];
	_ =	sdelay $0x4  }
0x226: {  	v0 =	vadd.f32 v0, v12;
	_ =	sdelay $0x1  }
0x227: {  	[tilespmem:$0x1F9F0] =	vst v0;
	v0 =	vadd.f32 v51, v6;
	_ =	sdelay $0x1  }
0x228: {  	[tilespmem:$0x1FA00] =	vst v0;
	v0 =	vld [tilespmem:$0x1F5C0];
	_ =	sdelay $0x4  }
0x229: {  	v15 =	vadd.f32 v0, v3;
	v0 =	vld [tilespmem:$0x1F5D0];
	_ =	sdelay $0x4  }
0x22a: {  	v2 =	vadd.f32 v0, v2;
	v0 =	vld [tilespmem:$0x1F5E0];
	_ =	sdelay $0x4  }
0x22b: {  	v51 =	vadd.f32 v0, v1;
	v0 =	vld [tilespmem:$0x1F5F0];
	_ =	sdelay $0x3  }
0x22c: {  	v18 =	vld [tilespmem:$0x1F5A0]  }
0x22d: {  	v19 =	vadd.f32 v0, v17;
	v0 =	vld [tilespmem:$0x1F600]  }
0x22e: {  	v3 =	vld [tilespmem:$0x1F610];
	_ =	sdelay $0x3  }
0x22f: {  	v12 =	vadd.f32 v49, v8;
	v6 =	vmul.f32 v18, v5;
	v0 =	vadd.f32 v0, v13  }
0x230: {  	v8 =	vadd.f32 v61, v14;
	v14 =	vmul.f32 v3, v4;
	v25 =	vmul.f32 v3, v5;
	v5 =	vld [tilespmem:$0x1F710]  }
0x231: {  	v61 =	vmul.f32 v3, v7;
	[tilespmem:$0x1FA20] =	vst v0;
	v0 =	vmul.f32 v3, v9;
	v3 =	vld [tilespmem:$0x1F660];
	_ =	sdelay $0x4  }
0x232: {  	v3 =	vadd.f32 v3, v6;
	v6 =	vadd.f32 v42, v5;
	v5 =	vld [tilespmem:$0x1F720];
	_ =	sdelay $0x2  }
0x233: {  	[tilespmem:$0x1FA40] =	vst v8;
	v8 =	vld [tilespmem:$0x1F620];
	_ =	sdelay $0x1  }
0x234: {  	v1 =	vmul.f32 v18, v7;
	v7 =	vadd.f32 v40, v5;
	v5 =	vld [tilespmem:$0x1F730];
	_ =	sdelay $0x1  }
0x235: {  	v49 =	vmul.f32 v18, v4;
	v4 =	vld [tilespmem:$0x1F630]  }
0x236: {  	v8 =	vadd.f32 v8, v11;
	[tilespmem:$0x1FAB0] =	vst v3;
	v3 =	vld [tilespmem:$0x1F6A0];
	_ =	sdelay $0x1  }
0x237: {  	[tilespmem:$0x1FA50] =	vst v8;
	v8 =	vadd.f32 v39, v5;
	v5 =	vld [tilespmem:$0x1F740];
	_ =	sdelay $0x1  }
0x238: {  	v4 =	vadd.f32 v4, v10  }
0x239: {  	v3 =	vadd.f32 v3, v25  }
0x23a: {  	[tilespmem:$0x1FA70] =	vst v4;
	v1 =	vadd.f32 v59, v1  }
0x23b: {  	[tilespmem:$0x1FAF0] =	vst v3;
	v3 =	vadd.f32 v29, v61;
	v47 =	vadd.f32 v47, v5;
	v5 =	vld [tilespmem:$0x1F750]  }
0x23c: {  	[tilespmem:$0x1FAC0] =	vst v1;
	v1 =	vld [tilespmem:$0x1F670]  }
0x23d: {  	v4 =	vadd.f32 v26, v16;
	[tilespmem:$0x1FB00] =	vst v3;
	v3 =	vld [tilespmem:$0x1F6B0];
	_ =	sdelay $0x1  }
0x23e: {  	[tilespmem:$0x1FA80] =	vst v4;
	v4 =	vld [tilespmem:$0x1F640]  }
0x23f: {  	v48 =	vadd.f32 v48, v5;
	v5 =	vld [tilespmem:$0x1F790]  }
0x240: {  	v0 =	vadd.f32 v1, v0  }
0x241: {  	v63 =	vadd.f32 v45, v63;
	v45 =	vmul.f32 v18, v9;
	v3 =	vadd.f32 v33, v3  }
0x242: {  	[tilespmem:$0x1FAD0] =	vst v0;
	v0 =	vld [tilespmem:$0x1F680]  }
0x243: {  	v4 =	vadd.f32 v4, v45;
	[tilespmem:$0x1FB10] =	vst v3;
	v3 =	vld [tilespmem:$0x1F6C0]  }
0x244: {  	v9 =	vadd.f32 v46, v5;
	v5 =	vld [tilespmem:$0x1F7A0]  }
0x245: {  	[tilespmem:$0x1FA90] =	vst v4;
	v4 =	vld [tilespmem:$0x1F650]  }
0x246: {  	v1 =	vld [tilespmem:$0x1F690];
	_ =	sdelay $0x1  }
0x247: {  	v26 =	vadd.f32 v35, v3;
	v3 =	vld [tilespmem:$0x1F6E0]  }
0x248: {  	v0 =	vadd.f32 v0, v14;
	v10 =	vadd.f32 v50, v5;
	v5 =	vld [tilespmem:$0x1F7B0];
	_ =	sdelay $0x1  }
0x249: {  	v16 =	vadd.f32 v4, v49;
	v4 =	vld [tilespmem:$0x1F6F0];
	v14 =	vmul.f32 v1, v21;
	[tilespmem:$0x1FAE0] =	vst v0;
	v0 =	vmul.f32 v1, v20  }
0x24a: {  	v29 =	vmul.f32 v1, v23;
	v35 =	vmul.f32 v1, v24;
	v1 =	vld [tilespmem:$0x1F6D0]  }
0x24b: {  	v22 =	vadd.f32 v34, v3;
	v3 =	vld [tilespmem:$0x1F700]  }
0x24c: {  	v11 =	vadd.f32 v52, v5;
	v5 =	vld [tilespmem:$0x1F7C0];
	_ =	sdelay $0x2  }
0x24d: {  	v45 =	vmul.f32 v4, v20;
	v49 =	vmul.f32 v4, v23;
	v1 =	vadd.f32 v37, v1  }
0x24e: {  	v37 =	vmul.f32 v4, v24;
	v3 =	vadd.f32 v30, v3;
	v30 =	vmul.f32 v4, v21;
	v4 =	vld [tilespmem:$0x1F760]  }
0x24f: {  	v25 =	vadd.f32 v53, v5;
	v5 =	vld [tilespmem:$0x1F7D0];
	_ =	sdelay $0x3  }
0x250: {  	v31 =	vadd.f32 v31, v4;
	v4 =	vld [tilespmem:$0x1F770]  }
0x251: {  	v17 =	vadd.f32 v54, v5;
	v5 =	vld [tilespmem:$0x1F7E0];
	_ =	sdelay $0x3  }
0x252: {  	v32 =	vadd.f32 v32, v4;
	v4 =	vld [tilespmem:$0x1F780]  }
0x253: {  	v18 =	vadd.f32 v55, v5;
	v5 =	vld [tilespmem:$0x1F820];
	_ =	sdelay $0x4  }
0x254: {  	v39 =	vmul.f32 v4, v20;
	v46 =	vmul.f32 v4, v21;
	v58 =	vadd.f32 v58, v5;
	v5 =	vld [tilespmem:$0x1F830]  }
0x255: {  	v50 =	vmul.f32 v4, v23;
	v52 =	vmul.f32 v4, v24;
	v4 =	vld [tilespmem:$0x1F7F0];
	_ =	sdelay $0x2  }
0x256: {  	v13 =	vld [tilespmem:$0x1F850]  }
0x257: {  	v59 =	vadd.f32 v60, v5;
	v5 =	vld [tilespmem:$0x1F840]  }
0x258: {  	v4 =	vadd.f32 v56, v4;
	_ =	sdelay $0x1  }
0x259: {  	[tilespmem:$0x1FB20] =	vst v4;
	v4 =	vld [tilespmem:$0x1F800];
	_ =	sdelay $0x1  }
0x25a: {  	v27 =	vadd.f32 v13, v5;
	v5 =	vld [tilespmem:$0x1F860];
	_ =	sdelay $0x2  }
0x25b: {  	v57 =	vadd.f32 v57, v4;
	v4 =	vld [tilespmem:$0x1F810]  }
0x25c: {  	v13 =	vld [tilespmem:$0x1F880]  }
0x25d: {  	v61 =	vadd.f32 v36, v5;
	v5 =	vld [tilespmem:$0x1F870];
	_ =	sdelay $0x3  }
0x25e: {  	v53 =	vmul.f32 v4, v20;
	v54 =	vmul.f32 v4, v21  }
0x25f: {  	v56 =	vmul.f32 v4, v23;
	v36 =	vmul.f32 v4, v24;
	v4 =	vld [tilespmem:$0x1F8B0];
	v5 =	vadd.f32 v13, v5  }
0x260: {  	v13 =	vld [tilespmem:$0x1F8A0]  }
0x261: {  	[tilespmem:$0x1FB30] =	vst v5;
	v5 =	vld [tilespmem:$0x1F890];
	_ =	sdelay $0x3  }
0x262: {  	v4 =	vadd.f32 v38, v4  }
0x263: {  	v5 =	vadd.f32 v13, v5  }
0x264: {  	[tilespmem:$0x1FB50] =	vst v4;
	v4 =	vld [tilespmem:$0x1F8C0]  }
0x265: {  	[tilespmem:$0x1FB40] =	vst v5;
	v5 =	vld [tilespmem:$0x1F8D0];
	_ =	sdelay $0x4  }
0x266: {  	v4 =	vadd.f32 v5, v4;
	v5 =	vld [tilespmem:$0x1F8F0];
	_ =	sdelay $0x4  }
0x267: {  	v5 =	vadd.f32 v41, v5;
	_ =	sdelay $0x1  }
0x268: {  	[tilespmem:$0x1FB70] =	vst v5;
	v5 =	vld [tilespmem:$0x1F900];
	_ =	sdelay $0x4  }
0x269: {  	v42 =	vadd.f32 v43, v5;
	v5 =	vld [tilespmem:$0x1F910]  }
0x26a: {  	v43 =	vld [tilespmem:$0x1F920];
	_ =	sdelay $0x3  }
0x26b: {  	v55 =	vld [tilespmem:$0x1F940]  }
0x26c: {  	v43 =	vadd.f32 v43, v5;
	v5 =	vld [tilespmem:$0x1F930];
	_ =	sdelay $0x4  }
0x26d: {  	v40 =	vadd.f32 v55, v5;
	v5 =	vld [tilespmem:$0x1F950];
	_ =	sdelay $0x4  }
0x26e: {  	v0 =	vadd.f32 v5, v0;
	_ =	sdelay $0x1  }
0x26f: {  	[tilespmem:$0x1FDD0] =	vst v0;
	v0 =	vld [tilespmem:$0x1F960]  }
0x270: {  	[tilespmem:$0x1FB60] =	vst v4;
	v4 =	vld [tilespmem:$0x1F8E0];
	_ =	sdelay $0x3  }
0x271: {  	v0 =	vadd.f32 v0, v14  }
0x272: {  	v13 =	vmul.f32 v4, v20;
	v60 =	vmul.f32 v4, v21  }
0x273: {  	v33 =	vmul.f32 v4, v23;
	[tilespmem:$0x1FDF0] =	vst v0;
	v0 =	vmul.f32 v4, v24;
	v4 =	vld [tilespmem:$0x1F970];
	_ =	sdelay $0x4  }
0x274: {  	v4 =	vadd.f32 v4, v29  }
0x275: {  	v5 =	vld [tilespmem:$0x1F9A0]  }
0x276: {  	[tilespmem:$0x1FE00] =	vst v4;
	v4 =	vld [tilespmem:$0x1F980];
	_ =	sdelay $0x3  }
0x277: {  	v14 =	vadd.f32 v5, v45;
	v5 =	vld [tilespmem:$0x1F9B0]  }
0x278: {  	v4 =	vadd.f32 v4, v35;
	_ =	sdelay $0x1  }
0x279: {  	[tilespmem:$0x1FE10] =	vst v4;
	v4 =	vld [tilespmem:$0x1F990];
	_ =	sdelay $0x1  }
0x27a: {  	v5 =	vadd.f32 v5, v30;
	_ =	sdelay $0x1  }
0x27b: {  	[tilespmem:$0x1FE30] =	vst v5;
	v5 =	vadd.f32 v28, v49  }
0x27c: {  	v34 =	vmul.f32 v4, v20;
	v35 =	vmul.f32 v4, v21  }
0x27d: {  	[tilespmem:$0x1FE40] =	vst v5;
	v5 =	vadd.f32 v44, v37;
	v28 =	vmul.f32 v4, v23;
	v37 =	vmul.f32 v4, v24;
	v4 =	vld [tilespmem:$0x1F9D0];
	_ =	sdelay $0x4  }
0x27e: {  	v45 =	vadd.f32 v4, v50;
	v4 =	vld [tilespmem:$0x1F9E0];
	_ =	sdelay $0x4  }
0x27f: {  	v50 =	vmul.f32 v4, v21;
	_ =	sdelay $0x1  }
0x280: {  	v29 =	vadd.f32 v12, v54;
	v54 =	vadd.f32 v16, v50;
	v16 =	vld [tilespmem:$0x1FAB0];
	_ =	sdelay $0x1  }
0x281: {  	v30 =	vadd.f32 v15, v36;
	v15 =	vadd.f32 v2, v13;
	v2 =	vld [tilespmem:$0x1FA20]  }
0x282: {  	[tilespmem:$0x1FE50] =	vst v5;
	v5 =	vld [tilespmem:$0x1F9C0];
	v36 =	vmul.f32 v4, v23  }
0x283: {  	v55 =	vadd.f32 v62, v39;
	v39 =	vmul.f32 v4, v20;
	v13 =	vmul.f32 v4, v24;
	v4 =	vld [tilespmem:$0x1FA30]  }
0x284: {  	v49 =	vadd.f32 v51, v60;
	v51 =	vadd.f32 v16, v36;
	v16 =	vld [tilespmem:$0x1FAC0];
	_ =	sdelay $0x2  }
0x285: {  	v41 =	vadd.f32 v5, v46  }
0x286: {  	v46 =	vadd.f32 v19, v33;
	v19 =	vadd.f32 v2, v0;
	v0 =	vmul.f32 v4, v20;
	v20 =	vld [tilespmem:$0x1FA50]  }
0x287: {  	v50 =	vadd.f32 v16, v13;
	v13 =	vld [tilespmem:$0x1FAD0];
	_ =	sdelay $0x2  }
0x288: {  	v5 =	vld [tilespmem:$0x1F9F0]  }
0x289: {  	v44 =	vadd.f32 v63, v52  }
0x28a: {  	v52 =	vadd.f32 v20, v35;
	v35 =	vadd.f32 v13, v0;
	v0 =	vld [tilespmem:$0x1FAE0];
	_ =	sdelay $0x1  }
0x28b: {  	v20 =	vld [tilespmem:$0x1FA70]  }
0x28c: {  	v38 =	vadd.f32 v5, v53;
	v5 =	vld [tilespmem:$0x1FA00];
	v63 =	vmul.f32 v4, v21;
	_ =	sdelay $0x1  }
0x28d: {  	v16 =	vadd.f32 v0, v63;
	v0 =	vld [tilespmem:$0x1FAF0];
	_ =	sdelay $0x1  }
0x28e: {  	v53 =	vadd.f32 v20, v28;
	v20 =	vld [tilespmem:$0x1FA80]  }
0x28f: {  	v12 =	vadd.f32 v5, v56;
	v5 =	vld [tilespmem:s31+$0x3000];
	v28 =	vmul.f32 v4, v23;
	_ =	sdelay $0x1  }
0x290: {  	v62 =	vadd.f32 v0, v28;
	v0 =	vld [tilespmem:$0x1FB00];
	_ =	sdelay $0x1  }
0x291: {  	v56 =	vadd.f32 v20, v37;
	v20 =	vmov v4  }
0x292: {  	v2 =	vld [tilespmem:$0x1FA40];
	v13 =	vbroadcast v5, $0xF;
	v37 =	vmul.f32 v20, v24;
	_ =	sdelay $0x1  }
0x293: {  	v1 =	vadd.f32 v1, v13;
	v28 =	vbroadcast v5, $0xE;
	v63 =	vadd.f32 v0, v37;
	v0 =	vld [tilespmem:$0x1FB10];
	_ =	sdelay $0x1  }
0x294: {  	[tilespmem:$0x1FF30] =	vst v1;
	v1 =	vadd.f32 v6, v28  }
0x295: {  	v2 =	vadd.f32 v2, v34  }
0x296: {  	v34 =	vadd.f32 v22, v13;
	v6 =	vbroadcast v5, $0xC;
	[tilespmem:$0x1FF60] =	vst v1;
	v1 =	vadd.f32 v7, v28  }
0x297: {  	v37 =	vadd.f32 v26, v13;
	v0 =	vadd.f32 v0, v13;
	v13 =	vbroadcast v5, $0xD  }
0x298: {  	v22 =	vadd.f32 v3, v28;
	[tilespmem:$0x1FF80] =	vst v1;
	v1 =	vadd.f32 v8, v28;
	v8 =	vbroadcast v5, $0xA  }
0x299: {  	v7 =	vbroadcast v5, $0xB;
	v33 =	vadd.f32 v25, v6;
	v3 =	vadd.f32 v48, v13  }
0x29a: {  	v25 =	vadd.f32 v58, v8;
	v58 =	vadd.f32 v61, v8  }
0x29b: {  	[tilespmem:$0x1FFB0] =	vst v3;
	v3 =	vadd.f32 v31, v13;
	v31 =	vadd.f32 v57, v7  }
0x29c: {  	v57 =	vadd.f32 v59, v8;
	v59 =	vadd.f32 v27, v8;
	v8 =	vld [tilespmem:$0x1FB40];
	_ =	sdelay $0x1  }
0x29d: {  	[tilespmem:$0x1FFC0] =	vst v3;
	v3 =	vadd.f32 v32, v13  }
0x29e: {  	v36 =	vbroadcast v5, $0x9;
	[tilespmem:$0x1FFA0] =	vst v1;
	v1 =	vadd.f32 v47, v13;
	v13 =	vadd.f32 v11, v6  }
0x29f: {  	[tilespmem:$0x1FFD0] =	vst v3;
	v3 =	vadd.f32 v9, v6;
	v9 =	vadd.f32 v10, v6;
	v6 =	vld [tilespmem:$0x1FB20]  }
0x2a0: {  	v61 =	vadd.f32 v8, v36;
	v8 =	vld [tilespmem:$0x1FB50];
	_ =	sdelay $0x1  }
0x2a1: {  	v4 =	vld [tilespmem:$0x1FA90]  }
0x2a2: {  	v20 =	vld [tilespmem:$0x1FB70];
	v23 =	vadd.f32 v17, v7  }
0x2a3: {  	v47 =	vadd.f32 v18, v7;
	v48 =	vadd.f32 v6, v7;
	v7 =	vld [tilespmem:$0x1FB30]  }
0x2a4: {  	p0 =	sne.s32 s30, $0x3FC0;
	v17 =	vadd.f32 v8, v36;
	v8 =	vld [tilespmem:$0x1FB60]  }
.Ltmp0:
0x2a5: {  	v28 =	vbroadcast v5, $0x8;
	(pc) =	sbr.rel @p0 .LBB2_3-.Ltmp0, $4  }
0x2a6: {  	v24 =	vbroadcast v5, $0x1;
	v4 =	vadd.f32 v4, v39;
	v6 =	vbroadcast v5, $0x0  }
0x2a7: {  	v60 =	vld [tilespmem:$0x1FA10];
	v26 =	vbroadcast v5, $0x7;
	v27 =	vadd.f32 v20, v28;
	v11 =	vbroadcast v5, $0x6  }
0x2a8: {  	v21 =	vld [tilespmem:$0x1FA60];
	v10 =	vbroadcast v5, $0x5;
	[tilespmem:$0x1FFE0] =	vst v9;
	v9 =	vbroadcast v5, $0x4;
	v32 =	vadd.f32 v35, v6  }
0x2a9: {  	s30 =	sadd.s32 $0x40, s30;
	v39 =	vld [tilespmem:$0x1FAA0];
	v7 =	vadd.f32 v7, v36;
	v18 =	vadd.f32 v8, v36;
	v8 =	vbroadcast v5, $0x2  }
0x2aa: {  	v36 =	vmov v34;
	v34 =	vadd.f32 v42, v28  }
0x2ab: {  	v35 =	vadd.f32 v43, v28;
	v28 =	vadd.f32 v40, v28;
	v40 =	vld [tilespmem:$0x1FDD0]  }
0x2ac: {  	v42 =	vadd.f32 v55, v10;
	v55 =	vld [tilespmem:$0x1FE00]  }
0x2ad: {  	v4 =	vadd.f32 v4, v24;
	v5 =	vbroadcast v5, $0x3  }
0x2ae: {  	v43 =	vld [tilespmem:$0x1FDF0];
	v2 =	vadd.f32 v2, v8;
	v32 =	vmin.f32 v21, v32  }
0x2af: {  	v38 =	vadd.f32 v38, v9;
	v20 =	vadd.f32 v15, v5;
	v4 =	vmin.f32 v32, v4  }
0x2b0: {  	v14 =	vadd.f32 v14, v11;
	v2 =	vmin.f32 v4, v2;
	v4 =	vadd.f32 v40, v26;
	v40 =	vld [tilespmem:$0x1FE30]  }
0x2b1: {  	v12 =	vadd.f32 v12, v9;
	v32 =	vadd.f32 v55, v26;
	v2 =	vmin.f32 v2, v20  }
0x2b2: {  	v55 =	vadd.f32 v30, v9;
	v30 =	vadd.f32 v46, v5;
	v2 =	vmin.f32 v2, v38  }
0x2b3: {  	v46 =	vadd.f32 v51, v24;
	v20 =	vadd.f32 v43, v26;
	v2 =	vmin.f32 v2, v42  }
0x2b4: {  	v2 =	vmin.f32 v2, v14;
	v14 =	vadd.f32 v41, v10;
	v41 =	vadd.f32 v56, v8  }
0x2b5: {  	v38 =	vld [tilespmem:$0x1FE10];
	v15 =	vadd.f32 v40, v11;
	v2 =	vmin.f32 v2, v4;
	v4 =	vadd.f32 v45, v10  }
0x2b6: {  	v42 =	vld [tilespmem:$0x1FE40];
	v10 =	vadd.f32 v44, v10;
	v40 =	vadd.f32 v53, v8  }
0x2b7: {  	v43 =	vld [tilespmem:$0x1FE50];
	v44 =	vadd.f32 v63, v6;
	v45 =	vadd.f32 v54, v24  }
0x2b8: {  	v51 =	vld [tilespmem:$0x1FFF0];
	v2 =	vmin.f32 v2, v27;
	v27 =	vadd.f32 v29, v9;
	v29 =	vadd.f32 v49, v5  }
0x2b9: {  	v5 =	vadd.f32 v19, v5;
	v49 =	vadd.f32 v50, v24;
	v2 =	vmin.f32 v2, v7  }
0x2ba: {  	v21 =	vadd.f32 v38, v26;
	v38 =	vadd.f32 v52, v8;
	v2 =	vmin.f32 v2, v25  }
0x2bb: {  	v26 =	vadd.f32 v42, v11;
	v42 =	vadd.f32 v16, v6;
	v2 =	vmin.f32 v2, v23  }
0x2bc: {  	v11 =	vadd.f32 v43, v11;
	v43 =	vadd.f32 v62, v6;
	v2 =	vmin.f32 v2, v3  }
0x2bd: {  	v50 =	vmin.f32 v39, v42;
	v3 =	vmin.f32 v51, v44;
	v1 =	vmin.f32 v2, v1  }
0x2be: {  	v2 =	vmin.f32 v60, v43;
	v3 =	vmin.f32 v3, v49;
	v1 =	vmin.f32 v1, v22  }
0x2bf: {  	v3 =	vmin.f32 v3, v41;
	v0 =	vmin.f32 v1, v0;
	v1 =	vmin.f32 v50, v45  }
0x2c0: {  	v2 =	vmin.f32 v2, v46;
	v3 =	vmin.f32 v3, v5;
	v1 =	vmin.f32 v1, v38  }
0x2c1: {  	v2 =	vmin.f32 v2, v40;
	v3 =	vmin.f32 v3, v55;
	v1 =	vmin.f32 v1, v29  }
0x2c2: {  	v56 =	vld [tilespmem:$0x1FF60];
	v2 =	vmin.f32 v2, v30;
	v3 =	vmin.f32 v3, v10;
	v1 =	vmin.f32 v1, v27  }
0x2c3: {  	v53 =	vld [tilespmem:$0x1FFB0];
	v2 =	vmin.f32 v2, v12;
	v3 =	vmin.f32 v3, v11;
	v1 =	vmin.f32 v1, v14  }
0x2c4: {  	v54 =	vld [tilespmem:$0x1FFC0];
	v2 =	vmin.f32 v2, v4;
	v3 =	vmin.f32 v3, v21;
	v1 =	vmin.f32 v1, v15  }
0x2c5: {  	v52 =	vld [tilespmem:$0x1FFE0];
	v2 =	vmin.f32 v2, v26;
	v3 =	vmin.f32 v3, v28;
	v1 =	vmin.f32 v1, v20  }
0x2c6: {  	v55 =	vld [tilespmem:$0x1FFD0];
	v2 =	vmin.f32 v2, v32;
	v3 =	vmin.f32 v3, v18;
	v1 =	vmin.f32 v1, v34  }
0x2c7: {  	v2 =	vmin.f32 v2, v35;
	v3 =	vmin.f32 v3, v58;
	v58 =	vld [tilespmem:$0x1FFA0];
	v1 =	vmin.f32 v1, v61  }
0x2c8: {  	v2 =	vmin.f32 v2, v17;
	v1 =	vmin.f32 v1, v57;
	v57 =	vld [tilespmem:$0x1FF80]  }
0x2c9: {  	v2 =	vmin.f32 v2, v59;
	v59 =	vld [tilespmem:$0x1FF30];
	v1 =	vmin.f32 v1, v47  }
0x2ca: {  	v0 =	vmax.f32 v0, $0.0e+00;
	v2 =	vmin.f32 v2, v48;
	v1 =	vmin.f32 v1, v52  }
0x2cb: {  	s24 =	sadd.s32 $0x1, s24;
	v3 =	vmin.f32 v3, v31;
	v2 =	vmin.f32 v2, v13;
	v1 =	vmin.f32 v1, v53  }
0x2cc: {  	p0 =	sne.s32 s24, $0x8;
	v3 =	vmin.f32 v3, v33;
	v2 =	vmin.f32 v2, v54;
	v1 =	vmin.f32 v1, v56  }
.Ltmp1:
0x2cd: {  	v3 =	vmin.f32 v3, v55;
	v2 =	vmin.f32 v2, v57;
	v1 =	vmin.f32 v1, v37;
	(pc) =	sbr.rel @p0 .LBB2_2-.Ltmp1, $4  }
0x2ce: {  	[tilespmem:s25+$0x5800] =	vst v0;
	v3 =	vmin.f32 v3, v58;
	v2 =	vmin.f32 v2, v59;
	v60 =	vmax.f32 v1, $0.0e+00  }
0x2cf: {  	v61 =	vmin.f32 v3, v36;
	[tilespmem:s28+$0x5800] =	vst v60;
	v62 =	vmax.f32 v2, $0.0e+00  }
0x2d0: {  	v63 =	vmax.f32 v61, $0.0e+00;
	[tilespmem:s29+$0x5800] =	vst v62  }
0x2d1: {  	[tilespmem:s26+$0x5800] =	vst v63  }
0x2d2: {  	s24 =	simm.s32 $0x0;
	s25 =	simm.s32 $0x5800  }
0x2d3: {  	[hbm4b:s12+s24] =	stream.linear.scatter [tilespmem:s25], [sflag:$0x1], $0x200, $0x38;
	[tilespmem:$0x7C00] =	vst v63  }
0x2d4: {  	_ =	swait.ge [sflag:s23], $0x200  }
0x2d5: {  	[sflag:s23] =	ssyncset.done $0x0  }
0x2d6: {  	[sflag:s23] =	ssyncadd.s32 $0xFFFFFE00  }
.LBB2_6:
0x2d7: {  	s26 =	simm.s32 $0x0  }
0x2d8: {  	v12 =	vld [tilespmem:s26+$0x4200]  }
0x2d9: {  	v13 =	vld [tilespmem:s26+$0x4000];
	_ =	sdelay $0x3  }
0x2da: {  	v5 =	vbroadcast v12, $0xF;
	v6 =	vbroadcast v12, $0xE  }
0x2db: {  	v7 =	vbroadcast v12, $0xD;
	v8 =	vbroadcast v13, $0xF  }
0x2dc: {  	v9 =	vbroadcast v12, $0xC;
	v10 =	vbroadcast v13, $0xE  }
0x2dd: {  	v11 =	vbroadcast v12, $0xB;
	v16 =	vbroadcast v13, $0xD  }
0x2de: {  	s25 =	sshll.u32 s24, $0x6;
	v17 =	vbroadcast v12, $0xA;
	v18 =	vbroadcast v13, $0xC  }
0x2df: {  	v52 =	vld [tilespmem:s25+$0x1000];
	v19 =	vbroadcast v12, $0x9;
	v20 =	vbroadcast v13, $0xB  }
0x2e0: {  	v57 =	vld [tilespmem:s25+$0x1010];
	v21 =	vbroadcast v12, $0x8;
	v22 =	vbroadcast v13, $0xA  }
0x2e1: {  	v58 =	vld [tilespmem:s25+$0x1020];
	v1 =	vbroadcast v12, $0x7;
	v23 =	vbroadcast v13, $0x9  }
0x2e2: {  	v59 =	vld [tilespmem:s25+$0x1030];
	v2 =	vbroadcast v12, $0x6;
	v24 =	vbroadcast v13, $0x8  }
0x2e3: {  	v56 =	vbroadcast v12, $0x5;
	v4 =	vbroadcast v13, $0x7  }
0x2e4: {  	v14 =	vbroadcast v12, $0x4;
	v3 =	vbroadcast v13, $0x6  }
0x2e5: {  	v60 =	vld [tilespmem:s25+$0x0];
	v0 =	vbroadcast v13, $0x5;
	v15 =	vbroadcast v13, $0x4  }
0x2e6: {  	v61 =	vld [tilespmem:s25+$0x10];
	v25 =	vmul.f32 v5, v52;
	v26 =	vmul.f32 v5, v57  }
0x2e7: {  	v62 =	vld [tilespmem:s25+$0x20];
	v27 =	vmul.f32 v5, v58;
	v5 =	vmul.f32 v5, v59  }
0x2e8: {  	v63 =	vld [tilespmem:s25+$0x30];
	v28 =	vmul.f32 v6, v52;
	v29 =	vmul.f32 v6, v57  }
0x2e9: {  	v30 =	vmul.f32 v6, v58;
	v6 =	vmul.f32 v6, v59  }
0x2ea: {  	v31 =	vmul.f32 v7, v52;
	v54 =	vmul.f32 v7, v57  }
0x2eb: {  	v33 =	vmul.f32 v7, v58;
	v7 =	vmul.f32 v7, v59  }
0x2ec: {  	v34 =	vmul.f32 v8, v60;
	v35 =	vmul.f32 v8, v61  }
0x2ed: {  	v36 =	vmul.f32 v8, v62;
	v8 =	vmul.f32 v8, v63  }
0x2ee: {  	v51 =	vld [tilespmem:s25+$0x3000];
	v37 =	vmul.f32 v9, v52;
	v38 =	vmul.f32 v9, v57  }
0x2ef: {  	v49 =	vld [tilespmem:s25+$0x3010];
	v39 =	vmul.f32 v9, v58;
	v9 =	vmul.f32 v9, v59  }
0x2f0: {  	v32 =	vld [tilespmem:s25+$0x3020];
	v40 =	vmul.f32 v10, v60;
	v41 =	vmul.f32 v10, v61  }
0x2f1: {  	v55 =	vld [tilespmem:s25+$0x3030];
	v42 =	vmul.f32 v10, v62;
	v10 =	vmul.f32 v10, v63  }
0x2f2: {  	v43 =	vmul.f32 v11, v52;
	v44 =	vmul.f32 v11, v57  }
0x2f3: {  	v45 =	vmul.f32 v11, v58;
	v11 =	vmul.f32 v11, v59  }
0x2f4: {  	v46 =	vmul.f32 v16, v60;
	v47 =	vmul.f32 v16, v61;
	v34 =	vadd.f32 v34, v51  }
0x2f5: {  	v48 =	vmul.f32 v16, v62;
	v35 =	vadd.f32 v35, v49;
	v36 =	vadd.f32 v36, v32  }
0x2f6: {  	v16 =	vmul.f32 v16, v63;
	v8 =	vadd.f32 v8, v55;
	v40 =	vadd.f32 v40, v51  }
0x2f7: {  	v53 =	vmul.f32 v17, v52;
	v10 =	vadd.f32 v10, v55;
	v26 =	vadd.f32 v35, v26  }
0x2f8: {  	v50 =	vmul.f32 v17, v57;
	v16 =	vadd.f32 v16, v55;
	v27 =	vadd.f32 v36, v27  }
0x2f9: {  	v25 =	vadd.f32 v34, v25;
	v5 =	vadd.f32 v8, v5;
	v8 =	vmul.f32 v18, v63;
	[tilespmem:$0x1EE40] =	vst v26  }
0x2fa: {  	v28 =	vadd.f32 v40, v28;
	v7 =	vadd.f32 v16, v7;
	v26 =	vmul.f32 v18, v60;
	[tilespmem:$0x1EE50] =	vst v27  }
0x2fb: {  	v27 =	vmul.f32 v18, v61;
	[tilespmem:$0x1EE60] =	vst v5;
	v5 =	vmul.f32 v18, v62;
	v18 =	vadd.f32 v41, v49  }
0x2fc: {  	[tilespmem:$0x1EE30] =	vst v25;
	v25 =	vmul.f32 v17, v58;
	v41 =	vadd.f32 v42, v32;
	v42 =	vadd.f32 v47, v49  }
0x2fd: {  	v17 =	vmul.f32 v17, v59;
	v8 =	vadd.f32 v8, v55;
	v18 =	vadd.f32 v18, v29  }
0x2fe: {  	[tilespmem:$0x1EE70] =	vst v28;
	v28 =	vmul.f32 v19, v52;
	v29 =	vadd.f32 v41, v30;
	v30 =	vadd.f32 v46, v51  }
0x2ff: {  	[tilespmem:$0x1EED0] =	vst v7;
	v7 =	vmul.f32 v21, v57;
	v46 =	vadd.f32 v10, v6;
	v10 =	vadd.f32 v48, v32  }
0x300: {  	v6 =	vmul.f32 v20, v60;
	v26 =	vadd.f32 v26, v51;
	v16 =	vadd.f32 v27, v49  }
0x301: {  	v5 =	vadd.f32 v5, v32;
	v8 =	vadd.f32 v8, v9;
	[tilespmem:$0x1EE80] =	vst v18;
	v18 =	vmul.f32 v19, v57  }
0x302: {  	[tilespmem:$0x1EE90] =	vst v29;
	v29 =	vmul.f32 v19, v58;
	v30 =	vadd.f32 v30, v31;
	v31 =	vadd.f32 v42, v54  }
0x303: {  	v19 =	vmul.f32 v19, v59;
	v10 =	vadd.f32 v10, v33;
	v26 =	vadd.f32 v26, v37;
	[tilespmem:$0x1EF10] =	vst v8  }
0x304: {  	v16 =	vadd.f32 v16, v38;
	v5 =	vadd.f32 v5, v39;
	v8 =	vmul.f32 v22, v62;
	[tilespmem:$0x1EEA0] =	vst v30  }
0x305: {  	v6 =	vadd.f32 v6, v51;
	v30 =	vmul.f32 v20, v61;
	[tilespmem:$0x1EEB0] =	vst v31;
	v31 =	vmul.f32 v20, v62  }
0x306: {  	v20 =	vmul.f32 v20, v63;
	[tilespmem:$0x1EEC0] =	vst v10;
	v10 =	vmul.f32 v21, v52;
	v8 =	vadd.f32 v8, v32  }
0x307: {  	[tilespmem:$0x1EEF0] =	vst v16;
	v16 =	vmul.f32 v22, v60;
	v9 =	vadd.f32 v30, v49;
	v27 =	vadd.f32 v31, v32  }
0x308: {  	[tilespmem:$0x1EF00] =	vst v5;
	v5 =	vmul.f32 v22, v61;
	v30 =	vadd.f32 v6, v43;
	v20 =	vadd.f32 v20, v55  }
0x309: {  	v22 =	vmul.f32 v22, v63;
	v16 =	vadd.f32 v16, v51;
	v8 =	vadd.f32 v8, v25  }
0x30a: {  	[tilespmem:$0x1EEE0] =	vst v26;
	v26 =	vmul.f32 v21, v58;
	v5 =	vadd.f32 v5, v49;
	v9 =	vadd.f32 v9, v44  }
0x30b: {  	v21 =	vmul.f32 v21, v59;
	v22 =	vadd.f32 v22, v55;
	v27 =	vadd.f32 v27, v45;
	[tilespmem:$0x1EF70] =	vst v8  }
0x30c: {  	v6 =	vmul.f32 v23, v60;
	v11 =	vadd.f32 v20, v11;
	v16 =	vadd.f32 v16, v53;
	[tilespmem:$0x1EF20] =	vst v9  }
0x30d: {  	v5 =	vadd.f32 v5, v50;
	v20 =	vmul.f32 v24, v63;
	v8 =	vmul.f32 v4, v60;
	[tilespmem:$0x1EF30] =	vst v27  }
0x30e: {  	v6 =	vadd.f32 v6, v51;
	v9 =	vmul.f32 v23, v61;
	v27 =	vmul.f32 v23, v62;
	[tilespmem:$0x1EF40] =	vst v11  }
0x30f: {  	v17 =	vadd.f32 v22, v17;
	v23 =	vmul.f32 v23, v63;
	v11 =	vmul.f32 v24, v60;
	[tilespmem:$0x1EF50] =	vst v16  }
0x310: {  	v16 =	vmul.f32 v24, v61;
	[tilespmem:$0x1EF60] =	vst v5;
	v5 =	vmul.f32 v24, v62;
	v6 =	vadd.f32 v6, v28  }
0x311: {  	[tilespmem:$0x1EF80] =	vst v17;
	v17 =	vmul.f32 v4, v61;
	v8 =	vadd.f32 v8, v51;
	v9 =	vadd.f32 v9, v49  }
0x312: {  	[tilespmem:$0x1EF90] =	vst v6;
	v6 =	vmul.f32 v4, v62;
	v23 =	vadd.f32 v23, v55;
	v11 =	vadd.f32 v11, v51  }
0x313: {  	v4 =	vmul.f32 v4, v63;
	v16 =	vadd.f32 v16, v49;
	v5 =	vadd.f32 v5, v32  }
0x314: {  	v9 =	vadd.f32 v9, v18;
	v18 =	vmul.f32 v3, v61;
	v19 =	vadd.f32 v23, v19  }
0x315: {  	v43 =	vadd.f32 v11, v10;
	v10 =	vmul.f32 v0, v60;
	v11 =	vadd.f32 v20, v55  }
0x316: {  	v39 =	vadd.f32 v16, v7;
	v7 =	vmul.f32 v1, v52;
	v37 =	vadd.f32 v5, v26  }
0x317: {  	v5 =	vmul.f32 v0, v61;
	v16 =	vadd.f32 v17, v49;
	[tilespmem:$0x1EFA0] =	vst v9;
	v9 =	vmul.f32 v3, v60  }
0x318: {  	v6 =	vadd.f32 v6, v32;
	[tilespmem:$0x1EFB0] =	vst v19;
	v19 =	vmul.f32 v3, v62;
	v11 =	vadd.f32 v11, v21  }
0x319: {  	v7 =	vadd.f32 v8, v7;
	v8 =	vadd.f32 v9, v51;
	v9 =	vmul.f32 v1, v58  }
0x31a: {  	v4 =	vadd.f32 v4, v55;
	v3 =	vmul.f32 v3, v63;
	[tilespmem:$0x1EFC0] =	vst v11;
	v11 =	vmul.f32 v1, v57  }
0x31b: {  	v1 =	vmul.f32 v1, v59;
	v42 =	vadd.f32 v6, v9;
	v6 =	vmul.f32 v2, v52  }
0x31c: {  	v5 =	vadd.f32 v5, v49;
	[tilespmem:$0x1EFD0] =	vst v7;
	v7 =	vmul.f32 v0, v62;
	v3 =	vadd.f32 v3, v55  }
0x31d: {  	v0 =	vmul.f32 v0, v63;
	v36 =	vadd.f32 v4, v1;
	v4 =	vadd.f32 v8, v6  }
0x31e: {  	v33 =	vadd.f32 v16, v11;
	v11 =	vadd.f32 v18, v49;
	v1 =	vmul.f32 v2, v57  }
0x31f: {  	v16 =	vadd.f32 v19, v32;
	v9 =	vadd.f32 v10, v51;
	[tilespmem:$0x1F010] =	vst v4;
	v4 =	vmul.f32 v2, v58  }
0x320: {  	v6 =	vadd.f32 v7, v32;
	v35 =	vadd.f32 v11, v1;
	v1 =	vmul.f32 v56, v52  }
0x321: {  	v2 =	vmul.f32 v2, v59;
	v38 =	vadd.f32 v16, v4;
	v4 =	vmul.f32 v15, v60  }
0x322: {  	v7 =	vmul.f32 v14, v52;
	v45 =	vadd.f32 v9, v1;
	v1 =	vmul.f32 v56, v58  }
0x323: {  	v41 =	vadd.f32 v3, v2;
	v2 =	vmul.f32 v56, v57;
	v3 =	vadd.f32 v4, v51  }
0x324: {  	v0 =	vadd.f32 v0, v55;
	v44 =	vadd.f32 v6, v1;
	v4 =	vmul.f32 v56, v59  }
0x325: {  	v1 =	vmul.f32 v15, v61;
	v21 =	vadd.f32 v5, v2;
	v2 =	vadd.f32 v3, v7  }
0x326: {  	v50 =	vadd.f32 v0, v4;
	v0 =	vmul.f32 v15, v62  }
0x327: {  	v1 =	vadd.f32 v1, v49;
	v3 =	vmul.f32 v14, v57;
	[tilespmem:$0x1F030] =	vst v2;
	v2 =	vbroadcast v13, $0x3  }
0x328: {  	v5 =	vmul.f32 v14, v58;
	v4 =	vmul.f32 v15, v63;
	v0 =	vadd.f32 v0, v32  }
0x329: {  	v31 =	vadd.f32 v1, v3;
	v1 =	vbroadcast v12, $0x3;
	v3 =	vmul.f32 v2, v60  }
0x32a: {  	v47 =	vadd.f32 v0, v5;
	v0 =	vadd.f32 v4, v55;
	v4 =	vmul.f32 v14, v59  }
0x32b: {  	v5 =	vmul.f32 v2, v61;
	v6 =	vmul.f32 v1, v52  }
0x32c: {  	v7 =	vmul.f32 v1, v57;
	v8 =	vmul.f32 v1, v58  }
0x32d: {  	v3 =	vadd.f32 v3, v51;
	v48 =	vadd.f32 v0, v4;
	v0 =	vbroadcast v13, $0x2  }
0x32e: {  	v4 =	vmul.f32 v2, v62;
	v2 =	vmul.f32 v2, v63  }
0x32f: {  	v1 =	vmul.f32 v1, v59;
	v34 =	vadd.f32 v3, v6;
	v3 =	vadd.f32 v5, v49  }
0x330: {  	v6 =	vbroadcast v12, $0x2;
	v5 =	vmul.f32 v0, v60;
	v2 =	vadd.f32 v2, v55  }
0x331: {  	v4 =	vadd.f32 v4, v32  }
0x332: {  	v5 =	vadd.f32 v5, v51;
	v9 =	vmul.f32 v6, v52;
	v1 =	vadd.f32 v2, v1  }
0x333: {  	v18 =	vadd.f32 v4, v8;
	v4 =	vmul.f32 v0, v61  }
0x334: {  	v17 =	vadd.f32 v3, v7;
	[tilespmem:$0x1F040] =	vst v1;
	v1 =	vadd.f32 v5, v9  }
0x335: {  	v7 =	vbroadcast v13, $0x1;
	v2 =	vadd.f32 v4, v49;
	v4 =	vmul.f32 v6, v57  }
0x336: {  	[tilespmem:$0x1F050] =	vst v1;
	v1 =	vmul.f32 v0, v62  }
0x337: {  	v15 =	vadd.f32 v2, v4;
	v2 =	vbroadcast v12, $0x1;
	v4 =	vmul.f32 v7, v60  }
0x338: {  	v5 =	vmul.f32 v6, v58;
	v0 =	vmul.f32 v0, v63;
	v1 =	vadd.f32 v1, v32  }
0x339: {  	v8 =	vadd.f32 v4, v51;
	v9 =	vmul.f32 v2, v52  }
0x33a: {  	v0 =	vadd.f32 v0, v55;
	v53 =	vadd.f32 v1, v5;
	v1 =	vmul.f32 v6, v59  }
0x33b: {  	v11 =	vmul.f32 v2, v57;
	v6 =	vbroadcast v13, $0x0;
	v54 =	vadd.f32 v8, v9  }
0x33c: {  	v8 =	vbroadcast v12, $0x0;
	v56 =	vadd.f32 v0, v1;
	v0 =	vmul.f32 v7, v61  }
0x33d: {  	v4 =	vld [tilespmem:s26+$0x4400];
	v1 =	vmul.f32 v7, v62;
	v7 =	vmul.f32 v7, v63  }
0x33e: {  	v13 =	vmul.f32 v2, v58;
	v10 =	vmul.f32 v6, v60  }
0x33f: {  	v2 =	vmul.f32 v2, v59;
	v1 =	vadd.f32 v1, v32;
	v7 =	vadd.f32 v7, v55  }
0x340: {  	[tilespmem:$0x1ED70] =	vst v60;
	v60 =	vld [tilespmem:s25+$0x2000];
	v14 =	vmul.f32 v8, v52;
	v9 =	vadd.f32 v0, v49;
	v10 =	vadd.f32 v10, v51  }
0x341: {  	[tilespmem:$0x1ED90] =	vst v52;
	v0 =	vadd.f32 v1, v13;
	v52 =	vadd.f32 v7, v2;
	v2 =	vmul.f32 v6, v62  }
0x342: {  	v3 =	vld [tilespmem:$0x1EE30];
	v19 =	vadd.f32 v9, v11;
	v9 =	vbroadcast v4, $0xF  }
0x343: {  	[tilespmem:$0x1F060] =	vst v0;
	v0 =	vadd.f32 v10, v14;
	v2 =	vadd.f32 v2, v32;
	v10 =	vmul.f32 v8, v58  }
0x344: {  	[tilespmem:$0x1EDC0] =	vst v63;
	v1 =	vmul.f32 v6, v61  }
0x345: {  	[tilespmem:$0x1F0B0] =	vst v0;
	v0 =	vmul.f32 v6, v63;
	v63 =	vadd.f32 v2, v10;
	v2 =	vmul.f32 v9, v60  }
0x346: {  	v14 =	vld [tilespmem:s25+$0x2020]  }
0x347: {  	v20 =	vld [tilespmem:s25+$0x2010];
	v7 =	vmul.f32 v8, v57;
	v1 =	vadd.f32 v1, v49;
	v2 =	vadd.f32 v3, v2  }
0x348: {  	[tilespmem:$0x1EDB0] =	vst v62;
	v3 =	vld [tilespmem:$0x1EE50]  }
0x349: {  	v62 =	vadd.f32 v1, v7;
	v1 =	vadd.f32 v0, v55;
	v0 =	vmul.f32 v8, v59;
	[tilespmem:$0x1F0C0] =	vst v2;
	v2 =	vld [tilespmem:$0x1EE40];
	_ =	sdelay $0x1  }
0x34a: {  	v6 =	vld [tilespmem:s25+$0x2030];
	v16 =	vadd.f32 v1, v0;
	v0 =	vmul.f32 v9, v14  }
0x34b: {  	v7 =	vmul.f32 v9, v20  }
0x34c: {  	v0 =	vadd.f32 v3, v0;
	v3 =	vld [tilespmem:$0x1EE60]  }
0x34d: {  	v2 =	vadd.f32 v2, v7;
	_ =	sdelay $0x1  }
0x34e: {  	[tilespmem:$0x1F0D0] =	vst v2;
	v2 =	vmul.f32 v9, v6;
	_ =	sdelay $0x1  }
0x34f: {  	v2 =	vadd.f32 v3, v2;
	v3 =	vld [tilespmem:$0x1EE70]  }
0x350: {  	v1 =	vbroadcast v4, $0xE;
	_ =	sdelay $0x1  }
0x351: {  	[tilespmem:$0x1F0F0] =	vst v0;
	v0 =	vmul.f32 v1, v60;
	_ =	sdelay $0x1  }
0x352: {  	v24 =	vadd.f32 v3, v0;
	v0 =	vld [tilespmem:$0x1EE80];
	_ =	sdelay $0x2  }
0x353: {  	v7 =	vmul.f32 v1, v20;
	_ =	sdelay $0x1  }
0x354: {  	v0 =	vadd.f32 v0, v7;
	_ =	sdelay $0x1  }
0x355: {  	v8 =	vmul.f32 v1, v14;
	v1 =	vmul.f32 v1, v6;
	[tilespmem:$0x1F120] =	vst v0;
	v0 =	vld [tilespmem:$0x1EE90];
	_ =	sdelay $0x1  }
0x356: {  	v1 =	vadd.f32 v46, v1;
	_ =	sdelay $0x1  }
0x357: {  	[tilespmem:$0x1F160] =	vst v1;
	v1 =	vld [tilespmem:$0x1EEA0]  }
0x358: {  	[tilespmem:$0x1F110] =	vst v2;
	v2 =	vbroadcast v4, $0xD;
	v0 =	vadd.f32 v0, v8;
	_ =	sdelay $0x1  }
0x359: {  	[tilespmem:$0x1F140] =	vst v0;
	v0 =	vmul.f32 v2, v60;
	_ =	sdelay $0x1  }
0x35a: {  	[tilespmem:$0x1EDA0] =	vst v61;
	v61 =	vadd.f32 v1, v0;
	v0 =	vld [tilespmem:$0x1EEB0];
	_ =	sdelay $0x2  }
0x35b: {  	v7 =	vmul.f32 v2, v20  }
0x35c: {  	v1 =	vld [tilespmem:$0x1EED0]  }
0x35d: {  	v0 =	vadd.f32 v0, v7;
	_ =	sdelay $0x1  }
0x35e: {  	v9 =	vmul.f32 v2, v14;
	v2 =	vmul.f32 v2, v6;
	[tilespmem:$0x1F180] =	vst v0;
	v0 =	vld [tilespmem:$0x1EEC0];
	_ =	sdelay $0x1  }
0x35f: {  	[tilespmem:$0x1EE20] =	vst v59;
	v59 =	vadd.f32 v1, v2;
	v1 =	vld [tilespmem:$0x1EEE0]  }
0x360: {  	v8 =	vbroadcast v4, $0xC;
	_ =	sdelay $0x1  }
0x361: {  	[tilespmem:$0x1EE00] =	vst v58;
	v58 =	vadd.f32 v0, v9;
	v0 =	vmul.f32 v8, v60;
	_ =	sdelay $0x1  }
0x362: {  	[tilespmem:$0x1EDE0] =	vst v57;
	v57 =	vadd.f32 v1, v0;
	v0 =	vld [tilespmem:$0x1EEF0];
	_ =	sdelay $0x2  }
0x363: {  	v7 =	vmul.f32 v8, v20;
	_ =	sdelay $0x1  }
0x364: {  	[tilespmem:$0x1EDD0] =	vst v49;
	v49 =	vadd.f32 v0, v7;
	v0 =	vld [tilespmem:$0x1EF00];
	_ =	sdelay $0x2  }
0x365: {  	v10 =	vmul.f32 v8, v14;
	_ =	sdelay $0x1  }
0x366: {  	v13 =	vadd.f32 v0, v10;
	v0 =	vld [tilespmem:$0x1EF10];
	_ =	sdelay $0x2  }
0x367: {  	v7 =	vmul.f32 v8, v6;
	_ =	sdelay $0x1  }
0x368: {  	v46 =	vadd.f32 v0, v7;
	v0 =	vld [tilespmem:$0x1EF20]  }
0x369: {  	v9 =	vbroadcast v4, $0xB;
	_ =	sdelay $0x1  }
0x36a: {  	v10 =	vmul.f32 v9, v20;
	_ =	sdelay $0x1  }
0x36b: {  	v12 =	vadd.f32 v0, v10;
	v0 =	vld [tilespmem:$0x1EF30]  }
0x36c: {  	v5 =	vld [tilespmem:$0x1EF50]  }
0x36d: {  	v11 =	vbroadcast v4, $0xA  }
0x36e: {  	v1 =	vmul.f32 v9, v14  }
0x36f: {  	v3 =	vmul.f32 v11, v60  }
0x370: {  	[tilespmem:$0x1EDF0] =	vst v32;
	v22 =	vadd.f32 v27, v32;
	v32 =	vadd.f32 v0, v1;
	v0 =	vld [tilespmem:$0x1EF40]  }
0x371: {  	v27 =	vadd.f32 v5, v3;
	v3 =	vld [tilespmem:$0x1EF60];
	_ =	sdelay $0x1  }
0x372: {  	v8 =	vmul.f32 v9, v60;
	v9 =	vmul.f32 v9, v6  }
0x373: {  	v2 =	vmul.f32 v11, v20;
	v7 =	vld [tilespmem:$0x1EF90]  }
0x374: {  	v25 =	vadd.f32 v30, v8;
	v30 =	vadd.f32 v0, v9;
	v0 =	vbroadcast v4, $0x9  }
0x375: {  	v28 =	vadd.f32 v3, v2;
	v3 =	vld [tilespmem:$0x1EF70]  }
0x376: {  	v5 =	vmul.f32 v0, v60;
	_ =	sdelay $0x1  }
0x377: {  	v40 =	vadd.f32 v22, v29;
	v1 =	vmul.f32 v11, v14;
	v22 =	vadd.f32 v7, v5;
	v5 =	vld [tilespmem:$0x1EFA0];
	_ =	sdelay $0x1  }
0x378: {  	v29 =	vadd.f32 v3, v1;
	v1 =	vld [tilespmem:$0x1EF80]  }
0x379: {  	v3 =	vmul.f32 v0, v20;
	_ =	sdelay $0x1  }
0x37a: {  	v2 =	vmul.f32 v11, v6;
	v11 =	vadd.f32 v5, v3;
	v5 =	vld [tilespmem:$0x1EFB0];
	_ =	sdelay $0x1  }
0x37b: {  	v26 =	vadd.f32 v1, v2;
	v2 =	vbroadcast v4, $0x8  }
0x37c: {  	v1 =	vmul.f32 v0, v14;
	v0 =	vmul.f32 v0, v6;
	_ =	sdelay $0x1  }
0x37d: {  	v9 =	vadd.f32 v5, v0;
	v5 =	vmul.f32 v2, v14  }
0x37e: {  	v23 =	vadd.f32 v40, v1;
	v7 =	vld [tilespmem:$0x1EFD0]  }
0x37f: {  	v1 =	vmul.f32 v2, v60;
	v0 =	vbroadcast v4, $0x7;
	v40 =	vadd.f32 v37, v5;
	v5 =	vld [tilespmem:$0x1EFC0]  }
0x380: {  	v3 =	vmul.f32 v2, v20  }
0x381: {  	v10 =	vadd.f32 v43, v1;
	v1 =	vmul.f32 v2, v6;
	v2 =	vmul.f32 v0, v60  }
0x382: {  	v43 =	vadd.f32 v39, v3;
	v3 =	vmul.f32 v0, v20  }
0x383: {  	v37 =	vadd.f32 v7, v2  }
0x384: {  	v2 =	vadd.f32 v33, v3;
	v39 =	vadd.f32 v5, v1;
	v5 =	vmul.f32 v0, v14  }
0x385: {  	v7 =	vld [tilespmem:$0x1F010];
	v0 =	vmul.f32 v0, v6  }
0x386: {  	[tilespmem:$0x1EFE0] =	vst v2;
	v1 =	vbroadcast v4, $0x6;
	v2 =	vadd.f32 v42, v5  }
0x387: {  	v0 =	vadd.f32 v36, v0  }
0x388: {  	v5 =	vmul.f32 v1, v14;
	[tilespmem:$0x1EFF0] =	vst v2;
	v2 =	vmul.f32 v1, v60  }
0x389: {  	v3 =	vmul.f32 v1, v20;
	[tilespmem:$0x1F000] =	vst v0;
	v0 =	vbroadcast v4, $0x5  }
0x38a: {  	v42 =	vadd.f32 v7, v2;
	v2 =	vadd.f32 v38, v5  }
0x38b: {  	v36 =	vadd.f32 v35, v3;
	v1 =	vmul.f32 v1, v6;
	v3 =	vmul.f32 v0, v20  }
0x38c: {  	v5 =	vmul.f32 v0, v14;
	v7 =	vld [tilespmem:$0x1F030];
	[tilespmem:$0x1F020] =	vst v2;
	v2 =	vmul.f32 v0, v60  }
0x38d: {  	v38 =	vadd.f32 v41, v1;
	v1 =	vbroadcast v4, $0x4;
	v0 =	vmul.f32 v0, v6  }
0x38e: {  	[tilespmem:$0x1EE10] =	vst v55;
	v55 =	vadd.f32 v45, v2;
	v45 =	vadd.f32 v44, v5  }
0x38f: {  	v2 =	vmul.f32 v1, v60;
	v44 =	vadd.f32 v50, v0;
	v0 =	vbroadcast v4, $0x3;
	_ =	sdelay $0x1  }
0x390: {  	v35 =	vadd.f32 v7, v2;
	v2 =	vmul.f32 v0, v60  }
0x391: {  	v41 =	vadd.f32 v21, v3;
	v3 =	vmul.f32 v1, v20  }
0x392: {  	v5 =	vmul.f32 v1, v14;
	v1 =	vmul.f32 v1, v6;
	v33 =	vadd.f32 v34, v2;
	v2 =	vld [tilespmem:$0x1F040]  }
0x393: {  	v31 =	vadd.f32 v31, v3  }
0x394: {  	v3 =	vmul.f32 v0, v20;
	v48 =	vadd.f32 v48, v1;
	v1 =	vbroadcast v4, $0x2;
	v7 =	vld [tilespmem:$0x1F050]  }
0x395: {  	v47 =	vadd.f32 v47, v5;
	v5 =	vmul.f32 v0, v14;
	v0 =	vmul.f32 v0, v6  }
0x396: {  	v50 =	vadd.f32 v17, v3  }
0x397: {  	v3 =	vmul.f32 v1, v60;
	v17 =	vadd.f32 v2, v0;
	v0 =	vbroadcast v4, $0x1  }
0x398: {  	v34 =	vadd.f32 v18, v5;
	v5 =	vmul.f32 v1, v20;
	v2 =	vmul.f32 v1, v14  }
0x399: {  	v3 =	vadd.f32 v7, v3;
	v1 =	vmul.f32 v1, v6;
	v7 =	vmul.f32 v0, v60;
	_ =	sdelay $0x1  }
0x39a: {  	v56 =	vadd.f32 v56, v1;
	v1 =	vbroadcast v4, $0x0;
	v4 =	vadd.f32 v54, v7;
	v7 =	vld [tilespmem:$0x1F060]  }
0x39b: {  	v8 =	vmul.f32 v0, v20  }
0x39c: {  	v53 =	vadd.f32 v53, v2;
	v2 =	vmul.f32 v0, v14;
	v0 =	vmul.f32 v0, v6;
	_ =	sdelay $0x1  }
0x39d: {  	v54 =	vadd.f32 v19, v8;
	v52 =	vadd.f32 v52, v0  }
0x39e: {  	v0 =	vmul.f32 v1, v14;
	v19 =	vadd.f32 v7, v2;
	v2 =	vmul.f32 v1, v60  }
0x39f: {  	[tilespmem:$0x1F0A0] =	vst v6;
	v7 =	vmul.f32 v1, v20;
	v1 =	vmul.f32 v1, v6;
	v6 =	vld [tilespmem:$0x1F0B0];
	_ =	sdelay $0x2  }
0x3a0: {  	[tilespmem:$0x1ED80] =	vst v51;
	v51 =	vadd.f32 v15, v5;
	v5 =	vld [tilespmem:s26+$0x4600];
	_ =	sdelay $0x1  }
0x3a1: {  	v8 =	vadd.f32 v6, v2;
	v6 =	vld [tilespmem:$0x1F0F0];
	_ =	sdelay $0x2  }
0x3a2: {  	v2 =	vbroadcast v5, $0xF;
	_ =	sdelay $0x1  }
0x3a3: {  	v6 =	vadd.f32 v6, v2;
	_ =	sdelay $0x1  }
0x3a4: {  	[tilespmem:$0x1F100] =	vst v6;
	v6 =	vld [tilespmem:$0x1F110]  }
0x3a5: {  	v16 =	vadd.f32 v16, v1;
	v1 =	vld [tilespmem:$0x1F0D0];
	_ =	sdelay $0x3  }
0x3a6: {  	v15 =	vadd.f32 v6, v2;
	v6 =	vld [tilespmem:$0x1F140]  }
0x3a7: {  	v63 =	vadd.f32 v63, v0;
	v0 =	vld [tilespmem:$0x1F0C0];
	v1 =	vadd.f32 v1, v2;
	_ =	sdelay $0x1  }
0x3a8: {  	[tilespmem:$0x1F0E0] =	vst v1;
	v1 =	vbroadcast v5, $0xE;
	_ =	sdelay $0x1  }
0x3a9: {  	v6 =	vadd.f32 v6, v1  }
0x3aa: {  	v0 =	vadd.f32 v0, v2;
	v2 =	vld [tilespmem:$0x1F120]  }
0x3ab: {  	[tilespmem:$0x1F150] =	vst v6;
	v6 =	vld [tilespmem:$0x1F160];
	_ =	sdelay $0x3  }
0x3ac: {  	v24 =	vadd.f32 v24, v1  }
0x3ad: {  	v2 =	vadd.f32 v2, v1;
	v1 =	vadd.f32 v6, v1;
	v6 =	vld [tilespmem:$0x1F180];
	_ =	sdelay $0x2  }
0x3ae: {  	[tilespmem:$0x1F130] =	vst v2;
	v2 =	vbroadcast v5, $0xD;
	_ =	sdelay $0x1  }
0x3af: {  	v6 =	vadd.f32 v6, v2  }
0x3b0: {  	[tilespmem:$0x1F070] =	vst v60  }
0x3b1: {  	v62 =	vadd.f32 v62, v7;
	v7 =	vadd.f32 v58, v2;
	[tilespmem:$0x1F190] =	vst v6;
	v6 =	vbroadcast v5, $0xC  }
0x3b2: {  	[tilespmem:$0x1F170] =	vst v1;
	v1 =	vadd.f32 v61, v2;
	v2 =	vadd.f32 v59, v2  }
0x3b3: {  	[tilespmem:$0x1F1A0] =	vst v7;
	v7 =	vadd.f32 v49, v6  }
0x3b4: {  	[tilespmem:$0x1F1B0] =	vst v2;
	v2 =	vadd.f32 v57, v6  }
0x3b5: {  	v60 =	vadd.f32 v13, v6;
	v6 =	vadd.f32 v46, v6;
	[tilespmem:$0x1F1C0] =	vst v7;
	v7 =	vbroadcast v5, $0xB  }
0x3b6: {  	[tilespmem:$0x1F090] =	vst v14;
	v14 =	vimm.f32 $+Inf  }
0x3b7: {  	v13 =	vimm.f32 $+Inf;
	[tilespmem:$0x1F1D0] =	vst v6;
	v6 =	vbroadcast v5, $0xA;
	v25 =	vadd.f32 v25, v7  }
0x3b8: {  	[tilespmem:$0x1F1E0] =	vst v13;
	v13 =	vimm.f32 $+Inf;
	v12 =	vadd.f32 v12, v7;
	v49 =	vadd.f32 v32, v7  }
0x3b9: {  	[tilespmem:$0x1F1F0] =	vst v13;
	v13 =	vimm.f32 $+Inf;
	v46 =	vadd.f32 v30, v7;
	v27 =	vadd.f32 v27, v6  }
0x3ba: {  	v57 =	vadd.f32 v28, v6;
	v28 =	vbroadcast v5, $0x9;
	v58 =	vadd.f32 v29, v6  }
0x3bb: {  	v59 =	vadd.f32 v26, v6;
	v26 =	vbroadcast v5, $0x0;
	v30 =	vbroadcast v5, $0x8  }
0x3bc: {  	v6 =	vbroadcast v5, $0x1;
	v7 =	vadd.f32 v22, v28;
	v61 =	vadd.f32 v11, v28  }
0x3bd: {  	v23 =	vadd.f32 v23, v28;
	v22 =	vadd.f32 v9, v28;
	v28 =	vbroadcast v5, $0x7  }
0x3be: {  	s30 =	simm.s32 $0x40;
	[tilespmem:$0x1F080] =	vst v20;
	v11 =	vbroadcast v5, $0x6;
	v29 =	vadd.f32 v10, v30;
	v10 =	vbroadcast v5, $0x5  }
0x3bf: {  	s29 =	sor.u32 $0x20, s25;
	s28 =	sor.u32 $0x30, s25;
	s26 =	sor.u32 $0x10, s25;
	[tilespmem:$0x1F200] =	vst v13;
	v32 =	vadd.f32 v8, v26;
	v9 =	vbroadcast v5, $0x4;
	v8 =	vbroadcast v5, $0x2  }
.LBB2_7:
0x3c0: {  	_ =	sdelay $0x2  }
0x3c1: {  	v5 =	vbroadcast v5, $0x3;
	v4 =	vadd.f32 v4, v6  }
0x3c2: {  	v3 =	vadd.f32 v3, v8;
	v32 =	vmin.f32 v14, v32  }
0x3c3: {  	v20 =	vadd.f32 v33, v5;
	v4 =	vmin.f32 v32, v4  }
0x3c4: {  	v3 =	vmin.f32 v4, v3;
	v4 =	vadd.f32 v35, v9  }
0x3c5: {  	v3 =	vmin.f32 v3, v20;
	v20 =	vadd.f32 v55, v10  }
0x3c6: {  	v3 =	vmin.f32 v3, v4;
	v4 =	vadd.f32 v42, v11  }
0x3c7: {  	v21 =	vadd.f32 v37, v28;
	v3 =	vmin.f32 v3, v20  }
0x3c8: {  	v3 =	vmin.f32 v3, v4  }
0x3c9: {  	v3 =	vmin.f32 v3, v21  }
0x3ca: {  	v3 =	vmin.f32 v3, v29  }
0x3cb: {  	v3 =	vmin.f32 v3, v7  }
0x3cc: {  	v3 =	vmin.f32 v3, v27  }
0x3cd: {  	v3 =	vmin.f32 v3, v25  }
0x3ce: {  	v2 =	vmin.f32 v3, v2  }
0x3cf: {  	v13 =	vld [tilespmem:$0x1EFE0];
	v1 =	vmin.f32 v2, v1  }
0x3d0: {  	v1 =	vmin.f32 v1, v24  }
0x3d1: {  	v43 =	vadd.f32 v43, v30;
	v0 =	vmin.f32 v1, v0;
	v1 =	vld [tilespmem:$0x1F1F0]  }
0x3d2: {  	v40 =	vadd.f32 v40, v30;
	v16 =	vadd.f32 v16, v26;
	[tilespmem:$0x1ED00] =	vst v0;
	v0 =	vld [tilespmem:$0x1F1E0]  }
0x3d3: {  	v45 =	vadd.f32 v45, v10;
	v19 =	vadd.f32 v19, v6  }
0x3d4: {  	v18 =	vadd.f32 v34, v5;
	v32 =	vadd.f32 v13, v28  }
0x3d5: {  	v13 =	vld [tilespmem:$0x1EFF0];
	v3 =	vadd.f32 v62, v26;
	v2 =	vadd.f32 v63, v26  }
0x3d6: {  	v42 =	vadd.f32 v41, v10;
	v25 =	vadd.f32 v54, v6  }
0x3d7: {  	v27 =	vadd.f32 v51, v8;
	v1 =	vmin.f32 v1, v2;
	v2 =	vld [tilespmem:$0x1F200];
	v0 =	vmin.f32 v0, v3  }
0x3d8: {  	v10 =	vadd.f32 v44, v10;
	v7 =	vadd.f32 v50, v5;
	v0 =	vmin.f32 v0, v25  }
0x3d9: {  	v20 =	vadd.f32 v36, v11;
	v21 =	vadd.f32 v31, v9;
	v0 =	vmin.f32 v0, v27  }
0x3da: {  	v55 =	vadd.f32 v13, v28;
	v4 =	vld [tilespmem:$0x1F020];
	v5 =	vadd.f32 v17, v5;
	v0 =	vmin.f32 v0, v7  }
0x3db: {  	v17 =	vadd.f32 v53, v8;
	v6 =	vadd.f32 v52, v6;
	v0 =	vmin.f32 v0, v21  }
0x3dc: {  	v13 =	vld [tilespmem:$0x1F000];
	v8 =	vadd.f32 v56, v8;
	v2 =	vmin.f32 v2, v16;
	v0 =	vmin.f32 v0, v42  }
0x3dd: {  	v29 =	vadd.f32 v47, v9;
	v2 =	vmin.f32 v2, v6;
	v0 =	vmin.f32 v0, v20  }
0x3de: {  	v9 =	vadd.f32 v48, v9;
	v3 =	vld [tilespmem:$0x1F1C0];
	v2 =	vmin.f32 v2, v8;
	v0 =	vmin.f32 v0, v32  }
0x3df: {  	v4 =	vadd.f32 v4, v11;
	v2 =	vmin.f32 v2, v5;
	v0 =	vmin.f32 v0, v43  }
0x3e0: {  	v11 =	vadd.f32 v38, v11;
	v2 =	vmin.f32 v2, v9;
	v0 =	vmin.f32 v0, v61  }
0x3e1: {  	v28 =	vadd.f32 v13, v28;
	v2 =	vmin.f32 v2, v10;
	v0 =	vmin.f32 v0, v57  }
0x3e2: {  	v30 =	vadd.f32 v39, v30;
	v2 =	vmin.f32 v2, v11;
	v0 =	vmin.f32 v0, v12  }
0x3e3: {  	v2 =	vmin.f32 v2, v28;
	v0 =	vmin.f32 v0, v3;
	v3 =	vld [tilespmem:$0x1F1D0]  }
0x3e4: {  	v2 =	vmin.f32 v2, v30  }
0x3e5: {  	v2 =	vmin.f32 v2, v22  }
0x3e6: {  	v1 =	vmin.f32 v1, v19;
	v2 =	vmin.f32 v2, v59  }
0x3e7: {  	v1 =	vmin.f32 v1, v17;
	v2 =	vmin.f32 v2, v46  }
0x3e8: {  	v1 =	vmin.f32 v1, v18;
	v2 =	vmin.f32 v2, v3;
	v3 =	vld [tilespmem:$0x1F190]  }
0x3e9: {  	v1 =	vmin.f32 v1, v29  }
0x3ea: {  	v1 =	vmin.f32 v1, v45  }
0x3eb: {  	v1 =	vmin.f32 v1, v4  }
0x3ec: {  	v1 =	vmin.f32 v1, v55  }
0x3ed: {  	v1 =	vmin.f32 v1, v40;
	v0 =	vmin.f32 v0, v3;
	v3 =	vld [tilespmem:$0x1F1A0]  }
0x3ee: {  	v1 =	vmin.f32 v1, v23  }
0x3ef: {  	v1 =	vmin.f32 v1, v58  }
0x3f0: {  	v1 =	vmin.f32 v1, v49  }
0x3f1: {  	v1 =	vmin.f32 v1, v60  }
0x3f2: {  	v1 =	vmin.f32 v1, v3;
	v3 =	vld [tilespmem:$0x1F1B0];
	_ =	sdelay $0x4  }
0x3f3: {  	v2 =	vmin.f32 v2, v3;
	v3 =	vld [tilespmem:$0x1F130];
	_ =	sdelay $0x4  }
0x3f4: {  	v0 =	vmin.f32 v0, v3;
	v3 =	vld [tilespmem:$0x1F150];
	_ =	sdelay $0x4  }
0x3f5: {  	v1 =	vmin.f32 v1, v3;
	v3 =	vld [tilespmem:$0x1F170];
	_ =	sdelay $0x4  }
0x3f6: {  	v2 =	vmin.f32 v2, v3;
	v3 =	vld [tilespmem:$0x1F0E0];
	_ =	sdelay $0x4  }
0x3f7: {  	v0 =	vmin.f32 v0, v3  }
0x3f8: {  	s31 =	sshra.s32 s30, $0x2;
	[tilespmem:$0x1F1E0] =	vst v0;
	v0 =	vld [tilespmem:$0x1F100]  }
0x3f9: {  	v7 =	vld [tilespmem:s31+$0x4400];
	_ =	sdelay $0x1  }
0x3fa: {  	v8 =	vld [tilespmem:s31+$0x4200];
	_ =	sdelay $0x1  }
0x3fb: {  	v0 =	vmin.f32 v1, v0  }
0x3fc: {  	[tilespmem:$0x1F1F0] =	vst v0;
	v0 =	vmin.f32 v2, v15;
	v2 =	vbroadcast v7, $0x3;
	_ =	sdelay $0x1  }
0x3fd: {  	[tilespmem:$0x1EAD0] =	vst v2;
	v2 =	vbroadcast v8, $0x5;
	_ =	sdelay $0x1  }
0x3fe: {  	[tilespmem:$0x1E520] =	vst v2;
	v2 =	vbroadcast v7, $0x2;
	_ =	sdelay $0x1  }
0x3ff: {  	[tilespmem:$0x1EB70] =	vst v2;
	v2 =	vbroadcast v8, $0x4;
	_ =	sdelay $0x1  }
0x400: {  	[tilespmem:$0x1E5B0] =	vst v2;
	v2 =	vbroadcast v7, $0x1;
	_ =	sdelay $0x1  }
0x401: {  	[tilespmem:$0x1EBD0] =	vst v2;
	v2 =	vbroadcast v8, $0x3;
	_ =	sdelay $0x1  }
0x402: {  	[tilespmem:$0x1E680] =	vst v2;
	v2 =	vbroadcast v7, $0x0;
	_ =	sdelay $0x1  }
0x403: {  	v38 =	vbroadcast v7, $0xD;
	[tilespmem:$0x1EC20] =	vst v2;
	v2 =	vbroadcast v8, $0x2  }
0x404: {  	v18 =	vld [tilespmem:$0x1F070];
	v40 =	vbroadcast v7, $0xC;
	v42 =	vbroadcast v7, $0xB  }
0x405: {  	v44 =	vbroadcast v7, $0xA;
	[tilespmem:$0x1E730] =	vst v2;
	v2 =	vbroadcast v8, $0x1  }
0x406: {  	v20 =	vld [tilespmem:$0x1F080];
	v55 =	vbroadcast v7, $0x9;
	v35 =	vbroadcast v7, $0x8  }
0x407: {  	v11 =	vbroadcast v7, $0xF;
	[tilespmem:$0x1E790] =	vst v2;
	v2 =	vbroadcast v8, $0x0  }
0x408: {  	v21 =	vld [tilespmem:$0x1F090];
	v10 =	vbroadcast v7, $0xE;
	v39 =	vbroadcast v8, $0xF  }
0x409: {  	v41 =	vbroadcast v8, $0xE;
	[tilespmem:$0x1E7F0] =	vst v2;
	v2 =	vmul.f32 v11, v18  }
0x40a: {  	v43 =	vbroadcast v8, $0xD;
	v22 =	vld [tilespmem:$0x1F0A0];
	[tilespmem:$0x1F200] =	vst v0;
	v0 =	vbroadcast v7, $0x7  }
0x40b: {  	v47 =	vbroadcast v8, $0xC;
	[tilespmem:$0x1E8A0] =	vst v2;
	v2 =	vmul.f32 v11, v20  }
0x40c: {  	v9 =	vld [tilespmem:s31+$0x4000];
	v13 =	vbroadcast v8, $0xB;
	[tilespmem:$0x1E880] =	vst v0;
	v0 =	vbroadcast v7, $0x6  }
0x40d: {  	v34 =	vbroadcast v8, $0xA;
	[tilespmem:$0x1E8B0] =	vst v2;
	v2 =	vmul.f32 v11, v21  }
0x40e: {  	v14 =	vbroadcast v8, $0x9;
	[tilespmem:$0x1E8E0] =	vst v0;
	v0 =	vbroadcast v7, $0x5  }
0x40f: {  	v32 =	vbroadcast v8, $0x8;
	[tilespmem:$0x1E8C0] =	vst v2;
	v2 =	vmul.f32 v11, v22  }
0x410: {  	v63 =	vbroadcast v8, $0x7;
	[tilespmem:$0x1E970] =	vst v0;
	v0 =	vbroadcast v7, $0x4  }
0x411: {  	v45 =	vbroadcast v9, $0xF;
	[tilespmem:$0x1E8D0] =	vst v2;
	v2 =	vmul.f32 v10, v18  }
0x412: {  	v52 =	vbroadcast v9, $0xE;
	[tilespmem:$0x1EA00] =	vst v0;
	v0 =	vbroadcast v8, $0x6  }
0x413: {  	v36 =	vbroadcast v9, $0xD;
	[tilespmem:$0x1E8F0] =	vst v2;
	v2 =	vmul.f32 v10, v20  }
0x414: {  	v33 =	vbroadcast v9, $0xC;
	[tilespmem:$0x1E450] =	vst v0;
	v11 =	vmul.f32 v35, v18  }
0x415: {  	v19 =	vbroadcast v9, $0xA;
	[tilespmem:$0x1E900] =	vst v2;
	v2 =	vmul.f32 v10, v21  }
0x416: {  	v25 =	vbroadcast v9, $0x9;
	[tilespmem:$0x1EAE0] =	vst v11;
	v11 =	vmul.f32 v35, v20  }
0x417: {  	v28 =	vbroadcast v9, $0x7;
	[tilespmem:$0x1E910] =	vst v2;
	v2 =	vmul.f32 v10, v22  }
0x418: {  	v48 =	vbroadcast v9, $0x4;
	[tilespmem:$0x1EAF0] =	vst v11;
	v11 =	vmul.f32 v35, v21  }
0x419: {  	v6 =	vld [tilespmem:$0x1ED90];
	v61 =	vbroadcast v9, $0x3;
	[tilespmem:$0x1E920] =	vst v2;
	v2 =	vmul.f32 v38, v18  }
0x41a: {  	v49 =	vbroadcast v9, $0x2;
	[tilespmem:$0x1EB00] =	vst v11;
	v11 =	vmul.f32 v35, v22  }
0x41b: {  	v62 =	vbroadcast v9, $0x0;
	[tilespmem:$0x1E930] =	vst v2;
	v2 =	vmul.f32 v38, v20  }
0x41c: {  	v59 =	vbroadcast v9, $0x1;
	v10 =	vmul.f32 v44, v18;
	[tilespmem:$0x1EB20] =	vst v11  }
0x41d: {  	v46 =	vbroadcast v9, $0x6;
	v8 =	vld [tilespmem:$0x1EDE0];
	[tilespmem:$0x1E940] =	vst v2;
	v2 =	vmul.f32 v38, v21  }
0x41e: {  	v1 =	vbroadcast v9, $0xB;
	v11 =	vmul.f32 v34, v6;
	[tilespmem:$0x1EA10] =	vst v10  }
0x41f: {  	v0 =	vbroadcast v9, $0x8;
	[tilespmem:$0x1E950] =	vst v2;
	v2 =	vmul.f32 v38, v22  }
0x420: {  	v7 =	vbroadcast v9, $0x5;
	v9 =	vld [tilespmem:$0x1EE00];
	v10 =	vmul.f32 v44, v20;
	[tilespmem:$0x1E5C0] =	vst v11  }
0x421: {  	[tilespmem:$0x1E960] =	vst v2;
	v2 =	vmul.f32 v39, v6  }
0x422: {  	v12 =	vld [tilespmem:$0x1EE20];
	v11 =	vmul.f32 v34, v8;
	[tilespmem:$0x1EA20] =	vst v10  }
0x423: {  	[tilespmem:$0x1E3F0] =	vst v2;
	v2 =	vmul.f32 v39, v8  }
0x424: {  	v10 =	vmul.f32 v44, v21;
	[tilespmem:$0x1E5D0] =	vst v11  }
0x425: {  	[tilespmem:$0x1E410] =	vst v2;
	v2 =	vmul.f32 v39, v9  }
0x426: {  	v11 =	vmul.f32 v34, v9;
	[tilespmem:$0x1EA40] =	vst v10  }
0x427: {  	[tilespmem:$0x1E420] =	vst v2;
	v2 =	vmul.f32 v39, v12  }
0x428: {  	v10 =	vmul.f32 v44, v22;
	[tilespmem:$0x1E5F0] =	vst v11  }
0x429: {  	[tilespmem:$0x1E430] =	vst v2;
	v2 =	vmul.f32 v40, v18  }
0x42a: {  	v11 =	vmul.f32 v34, v12;
	[tilespmem:$0x1EA60] =	vst v10  }
0x42b: {  	[tilespmem:$0x1E980] =	vst v2;
	v2 =	vmul.f32 v40, v20  }
0x42c: {  	v10 =	vmul.f32 v47, v6;
	[tilespmem:$0x1E610] =	vst v11  }
0x42d: {  	[tilespmem:$0x1E990] =	vst v2;
	v2 =	vmul.f32 v40, v21  }
0x42e: {  	[tilespmem:$0x1E530] =	vst v10;
	v10 =	vmul.f32 v47, v8  }
0x42f: {  	[tilespmem:$0x1E9A0] =	vst v2;
	v2 =	vmul.f32 v40, v22  }
0x430: {  	[tilespmem:$0x1E540] =	vst v10;
	v10 =	vmul.f32 v47, v9  }
0x431: {  	[tilespmem:$0x1E9B0] =	vst v2;
	v2 =	vmul.f32 v41, v6  }
0x432: {  	[tilespmem:$0x1E550] =	vst v10;
	v10 =	vmul.f32 v47, v12  }
0x433: {  	v4 =	vld [tilespmem:$0x1EDB0];
	[tilespmem:$0x1E460] =	vst v2;
	v2 =	vmul.f32 v41, v8  }
0x434: {  	v5 =	vld [tilespmem:$0x1EDC0];
	[tilespmem:$0x1E560] =	vst v10;
	v10 =	vmul.f32 v55, v18  }
0x435: {  	v15 =	vld [tilespmem:$0x1EDA0];
	[tilespmem:$0x1E470] =	vst v2;
	v2 =	vmul.f32 v41, v9  }
0x436: {  	[tilespmem:$0x1EA70] =	vst v10;
	v10 =	vmul.f32 v55, v20  }
0x437: {  	v17 =	vld [tilespmem:$0x1ED70];
	[tilespmem:$0x1E490] =	vst v2;
	v2 =	vmul.f32 v41, v12  }
0x438: {  	v57 =	vmul.f32 v1, v4;
	[tilespmem:$0x1EA90] =	vst v10;
	v10 =	vmul.f32 v55, v21  }
0x439: {  	v58 =	vmul.f32 v1, v5;
	[tilespmem:$0x1E4A0] =	vst v2;
	v2 =	vmul.f32 v42, v18  }
0x43a: {  	v56 =	vmul.f32 v1, v15;
	[tilespmem:$0x1EAA0] =	vst v10;
	v10 =	vmul.f32 v55, v22  }
0x43b: {  	v27 =	vmul.f32 v0, v15;
	[tilespmem:$0x1E9C0] =	vst v2;
	v2 =	vmul.f32 v42, v20  }
0x43c: {  	v55 =	vmul.f32 v1, v17;
	v1 =	vmul.f32 v32, v6;
	[tilespmem:$0x1EAB0] =	vst v10  }
0x43d: {  	v29 =	vmul.f32 v0, v4;
	[tilespmem:$0x1E9D0] =	vst v2;
	v2 =	vmul.f32 v42, v21  }
0x43e: {  	v30 =	vmul.f32 v0, v5;
	[tilespmem:$0x1E690] =	vst v1;
	v1 =	vmul.f32 v32, v8  }
0x43f: {  	[tilespmem:$0x1E9E0] =	vst v2;
	v2 =	vmul.f32 v42, v22;
	v42 =	vmul.f32 v0, v17;
	v0 =	vld [tilespmem:$0x1ED80]  }
0x440: {  	[tilespmem:$0x1E6A0] =	vst v1;
	v1 =	vmul.f32 v32, v9  }
0x441: {  	[tilespmem:$0x1E9F0] =	vst v2;
	v2 =	vmul.f32 v43, v6  }
0x442: {  	v16 =	vmul.f32 v45, v17;
	[tilespmem:$0x1E6B0] =	vst v1;
	v1 =	vmul.f32 v32, v12  }
0x443: {  	[tilespmem:$0x1E4B0] =	vst v2;
	v2 =	vmul.f32 v43, v8  }
0x444: {  	[tilespmem:$0x1E6D0] =	vst v1;
	v1 =	vadd.f32 v16, v0  }
0x445: {  	v23 =	vmul.f32 v52, v5;
	[tilespmem:$0x1E4D0] =	vst v2;
	v2 =	vmul.f32 v43, v9  }
0x446: {  	v24 =	vmul.f32 v36, v5;
	v10 =	vmul.f32 v13, v6;
	[tilespmem:$0x1E400] =	vst v1;
	v1 =	vld [tilespmem:$0x1EDD0]  }
0x447: {  	v60 =	vmul.f32 v19, v17;
	[tilespmem:$0x1E4F0] =	vst v2;
	v2 =	vmul.f32 v43, v12  }
0x448: {  	v37 =	vmul.f32 v19, v5;
	v11 =	vmul.f32 v14, v6;
	[tilespmem:$0x1E570] =	vst v10  }
0x449: {  	v10 =	vmul.f32 v13, v8;
	[tilespmem:$0x1E500] =	vst v2;
	v2 =	vmul.f32 v45, v15  }
0x44a: {  	v3 =	vmul.f32 v45, v4;
	[tilespmem:$0x1E620] =	vst v11;
	v11 =	vmul.f32 v14, v8  }
0x44b: {  	v26 =	vmul.f32 v7, v17;
	[tilespmem:$0x1E580] =	vst v10;
	v10 =	vmul.f32 v13, v9;
	v35 =	vadd.f32 v2, v1;
	v2 =	vld [tilespmem:$0x1EDF0]  }
0x44c: {  	v44 =	vmul.f32 v52, v15;
	[tilespmem:$0x1E640] =	vst v11;
	v11 =	vmul.f32 v14, v9  }
0x44d: {  	v38 =	vmul.f32 v45, v5;
	[tilespmem:$0x1E590] =	vst v10;
	v10 =	vmul.f32 v13, v12  }
0x44e: {  	v47 =	vmul.f32 v36, v4;
	[tilespmem:$0x1E650] =	vst v11;
	v11 =	vmul.f32 v14, v12  }
0x44f: {  	[tilespmem:$0x1E5A0] =	vst v10;
	v10 =	vmul.f32 v36, v17;
	v43 =	vmul.f32 v52, v17  }
0x450: {  	v45 =	vmul.f32 v52, v4;
	v52 =	vmul.f32 v36, v15;
	v36 =	vadd.f32 v3, v2;
	v3 =	vld [tilespmem:$0x1EE10]  }
0x451: {  	v14 =	vmul.f32 v19, v4;
	v39 =	vmul.f32 v25, v15  }
0x452: {  	[tilespmem:$0x1E660] =	vst v11;
	v11 =	vmul.f32 v25, v5;
	v40 =	vmul.f32 v25, v4;
	v10 =	vadd.f32 v10, v0  }
0x453: {  	v13 =	vmul.f32 v19, v15;
	v41 =	vmul.f32 v25, v17  }
0x454: {  	v25 =	vmul.f32 v7, v15;
	[tilespmem:$0x1E4C0] =	vst v10;
	v34 =	vadd.f32 v43, v0;
	v10 =	vadd.f32 v52, v1  }
0x455: {  	v43 =	vmul.f32 v46, v5;
	v19 =	vadd.f32 v44, v1;
	v16 =	vadd.f32 v38, v3  }
0x456: {  	v44 =	vmul.f32 v46, v15;
	[tilespmem:$0x1E4E0] =	vst v10;
	v38 =	vadd.f32 v23, v3;
	v10 =	vadd.f32 v24, v3  }
0x457: {  	v23 =	vmul.f32 v46, v4;
	[tilespmem:$0x1E440] =	vst v16;
	v16 =	vmul.f32 v46, v17;
	v46 =	vadd.f32 v47, v2  }
0x458: {  	[tilespmem:$0x1E510] =	vst v10;
	v10 =	vmul.f32 v7, v4;
	v47 =	vmul.f32 v7, v5;
	v7 =	vadd.f32 v13, v1;
	_ =	sdelay $0x1  }
0x459: {  	[tilespmem:$0x1E5E0] =	vst v7;
	v7 =	vadd.f32 v14, v2  }
0x45a: {  	v32 =	vmul.f32 v28, v17;
	v25 =	vadd.f32 v25, v1;
	[tilespmem:$0x1E480] =	vst v19  }
0x45b: {  	[tilespmem:$0x1E600] =	vst v7;
	v7 =	vadd.f32 v41, v0  }
0x45c: {  	v50 =	vmul.f32 v33, v17;
	v31 =	vmul.f32 v28, v15;
	[tilespmem:$0x1E770] =	vst v25;
	v14 =	vadd.f32 v32, v0  }
0x45d: {  	v53 =	vmul.f32 v33, v4;
	v54 =	vmul.f32 v33, v5;
	[tilespmem:$0x1E630] =	vst v7;
	v7 =	vadd.f32 v11, v3  }
0x45e: {  	v51 =	vmul.f32 v33, v15;
	v33 =	vmul.f32 v28, v4;
	[tilespmem:$0x1E6F0] =	vst v14;
	v14 =	vadd.f32 v31, v1  }
0x45f: {  	v50 =	vadd.f32 v50, v0;
	[tilespmem:$0x1E670] =	vst v7;
	v7 =	vadd.f32 v29, v2  }
0x460: {  	v55 =	vadd.f32 v55, v0;
	[tilespmem:$0x1E700] =	vst v14;
	v14 =	vadd.f32 v33, v2  }
0x461: {  	v28 =	vmul.f32 v28, v5;
	v60 =	vadd.f32 v60, v0;
	[tilespmem:$0x1E6C0] =	vst v7;
	v7 =	vadd.f32 v30, v3  }
0x462: {  	v42 =	vadd.f32 v42, v0;
	v16 =	vadd.f32 v16, v0;
	[tilespmem:$0x1E710] =	vst v14  }
0x463: {  	v26 =	vadd.f32 v26, v0;
	v14 =	vadd.f32 v28, v3;
	[tilespmem:$0x1E6E0] =	vst v7;
	v7 =	vmul.f32 v61, v4  }
0x464: {  	v51 =	vadd.f32 v51, v1;
	v10 =	vadd.f32 v10, v2;
	[tilespmem:$0x1E740] =	vst v16;
	v11 =	vmul.f32 v61, v15  }
0x465: {  	v19 =	vmul.f32 v48, v17;
	[tilespmem:$0x1E720] =	vst v14;
	v14 =	vmul.f32 v49, v17;
	v7 =	vadd.f32 v7, v2  }
0x466: {  	v52 =	vmul.f32 v48, v15;
	v24 =	vmul.f32 v48, v4;
	[tilespmem:$0x1E780] =	vst v10;
	v11 =	vadd.f32 v11, v1  }
0x467: {  	v19 =	vadd.f32 v19, v0;
	v16 =	vmul.f32 v49, v15;
	[tilespmem:$0x1E7E0] =	vst v7;
	v7 =	vadd.f32 v14, v0  }
0x468: {  	v13 =	vmul.f32 v48, v5;
	v48 =	vmul.f32 v61, v17;
	v24 =	vadd.f32 v24, v2;
	[tilespmem:$0x1E7D0] =	vst v11  }
0x469: {  	v10 =	vmul.f32 v59, v17;
	v11 =	vmul.f32 v62, v17;
	[tilespmem:$0x1E800] =	vst v7;
	v7 =	vadd.f32 v16, v1  }
0x46a: {  	v23 =	vadd.f32 v23, v2;
	[tilespmem:$0x1E7B0] =	vst v24;
	v24 =	vadd.f32 v48, v0  }
0x46b: {  	v10 =	vadd.f32 v10, v0;
	v0 =	vadd.f32 v11, v0;
	[tilespmem:$0x1E810] =	vst v7;
	v7 =	vmul.f32 v62, v15  }
0x46c: {  	v56 =	vadd.f32 v56, v1;
	[tilespmem:$0x1E750] =	vst v23;
	v23 =	vmul.f32 v49, v4;
	v25 =	vadd.f32 v13, v3  }
0x46d: {  	v13 =	vmul.f32 v59, v4;
	v4 =	vmul.f32 v62, v4;
	[tilespmem:$0x1E860] =	vst v0;
	v0 =	vadd.f32 v7, v1  }
0x46e: {  	v39 =	vadd.f32 v39, v1;
	v44 =	vadd.f32 v44, v1;
	[tilespmem:$0x1E7A0] =	vst v19;
	v19 =	vmul.f32 v59, v15  }
0x46f: {  	v52 =	vadd.f32 v52, v1;
	[tilespmem:$0x1E870] =	vst v0;
	v0 =	vadd.f32 v4, v2  }
0x470: {  	v41 =	vadd.f32 v27, v1;
	[tilespmem:$0x1E830] =	vst v10;
	v10 =	vadd.f32 v19, v1;
	v1 =	vld [tilespmem:$0x1E400]  }
0x471: {  	[tilespmem:$0x1E890] =	vst v0;
	v0 =	vld [tilespmem:$0x1E3F0];
	_ =	sdelay $0x4  }
0x472: {  	v32 =	vadd.f32 v1, v0;
	v0 =	vld [tilespmem:$0x1E410];
	_ =	sdelay $0x4  }
0x473: {  	v35 =	vadd.f32 v35, v0;
	v0 =	vld [tilespmem:$0x1E420];
	_ =	sdelay $0x3  }
0x474: {  	v1 =	vld [tilespmem:$0x1E440]  }
0x475: {  	v36 =	vadd.f32 v36, v0;
	v0 =	vld [tilespmem:$0x1E430];
	_ =	sdelay $0x4  }
0x476: {  	v27 =	vadd.f32 v1, v0;
	v1 =	vld [tilespmem:$0x1E460]  }
0x477: {  	v45 =	vadd.f32 v45, v2  }
0x478: {  	[tilespmem:$0x1E760] =	vst v26;
	v26 =	vmul.f32 v49, v5;
	v53 =	vadd.f32 v53, v2;
	v57 =	vadd.f32 v57, v2  }
0x479: {  	v40 =	vadd.f32 v40, v2;
	v59 =	vmul.f32 v59, v5;
	v31 =	vmul.f32 v62, v5  }
0x47a: {  	v61 =	vmul.f32 v61, v5;
	v5 =	vadd.f32 v13, v2;
	v14 =	vadd.f32 v23, v2;
	v2 =	vld [tilespmem:$0x1E480]  }
0x47b: {  	v34 =	vadd.f32 v34, v1;
	v1 =	vld [tilespmem:$0x1E470];
	_ =	sdelay $0x4  }
0x47c: {  	v28 =	vadd.f32 v2, v1;
	v1 =	vld [tilespmem:$0x1E490];
	_ =	sdelay $0x4  }
0x47d: {  	v45 =	vadd.f32 v45, v1;
	v1 =	vld [tilespmem:$0x1E4A0];
	_ =	sdelay $0x2  }
0x47e: {  	v0 =	vld [tilespmem:$0x1E450]  }
0x47f: {  	v2 =	vld [tilespmem:$0x1E4C0]  }
0x480: {  	v38 =	vadd.f32 v38, v1;
	v1 =	vld [tilespmem:$0x1E4B0];
	_ =	sdelay $0x2  }
0x481: {  	[tilespmem:$0x1E840] =	vst v10;
	v16 =	vmul.f32 v0, v6;
	v10 =	vmul.f32 v0, v8  }
0x482: {  	v11 =	vmul.f32 v0, v9;
	v29 =	vmul.f32 v0, v12;
	v0 =	vld [tilespmem:$0x1E4F0]  }
0x483: {  	v33 =	vadd.f32 v2, v1;
	v1 =	vld [tilespmem:$0x1E4D0]  }
0x484: {  	v2 =	vld [tilespmem:$0x1E4E0];
	_ =	sdelay $0x3  }
0x485: {  	v46 =	vadd.f32 v46, v0;
	v0 =	vld [tilespmem:$0x1E500]  }
0x486: {  	v48 =	vadd.f32 v2, v1;
	v1 =	vld [tilespmem:$0x1E510];
	_ =	sdelay $0x4  }
0x487: {  	v49 =	vadd.f32 v1, v0;
	v1 =	vld [tilespmem:$0x1E530];
	_ =	sdelay $0x4  }
0x488: {  	v50 =	vadd.f32 v50, v1;
	v1 =	vld [tilespmem:$0x1E540];
	_ =	sdelay $0x4  }
0x489: {  	v51 =	vadd.f32 v51, v1;
	v1 =	vld [tilespmem:$0x1E550];
	_ =	sdelay $0x4  }
0x48a: {  	v53 =	vadd.f32 v53, v1;
	v1 =	vld [tilespmem:$0x1E560];
	_ =	sdelay $0x2  }
0x48b: {  	v54 =	vadd.f32 v54, v3;
	_ =	sdelay $0x1  }
0x48c: {  	v54 =	vadd.f32 v54, v1;
	v1 =	vld [tilespmem:$0x1E570];
	_ =	sdelay $0x4  }
0x48d: {  	v55 =	vadd.f32 v55, v1;
	v1 =	vld [tilespmem:$0x1E580];
	_ =	sdelay $0x4  }
0x48e: {  	v56 =	vadd.f32 v56, v1;
	v1 =	vld [tilespmem:$0x1E5C0];
	_ =	sdelay $0x2  }
0x48f: {  	v2 =	vld [tilespmem:$0x1E5E0]  }
0x490: {  	v0 =	vld [tilespmem:$0x1E520]  }
0x491: {  	v60 =	vadd.f32 v60, v1;
	v1 =	vld [tilespmem:$0x1E5D0];
	_ =	sdelay $0x3  }
0x492: {  	[tilespmem:$0x1E820] =	vst v14;
	v15 =	vmul.f32 v0, v6;
	v14 =	vmul.f32 v0, v8  }
0x493: {  	v13 =	vmul.f32 v0, v9;
	v62 =	vmul.f32 v0, v12;
	v0 =	vld [tilespmem:$0x1E590];
	v1 =	vadd.f32 v2, v1  }
0x494: {  	v2 =	vld [tilespmem:$0x1E600]  }
0x495: {  	[tilespmem:$0x1EA30] =	vst v1;
	v1 =	vld [tilespmem:$0x1E5F0];
	_ =	sdelay $0x4  }
0x496: {  	v57 =	vadd.f32 v57, v0;
	v0 =	vld [tilespmem:$0x1E5A0];
	v1 =	vadd.f32 v2, v1;
	_ =	sdelay $0x1  }
0x497: {  	[tilespmem:$0x1EA50] =	vst v1;
	v1 =	vld [tilespmem:$0x1E610]  }
0x498: {  	v58 =	vadd.f32 v58, v3;
	_ =	sdelay $0x1  }
0x499: {  	v37 =	vadd.f32 v37, v3;
	v58 =	vadd.f32 v58, v0;
	v0 =	vld [tilespmem:$0x1E5B0]  }
0x49a: {  	v2 =	vld [tilespmem:$0x1E630]  }
0x49b: {  	v37 =	vadd.f32 v37, v1;
	v1 =	vld [tilespmem:$0x1E620]  }
0x49c: {  	v43 =	vadd.f32 v43, v3;
	v26 =	vadd.f32 v26, v3  }
0x49d: {  	v47 =	vadd.f32 v47, v3;
	v59 =	vadd.f32 v59, v3  }
0x49e: {  	v31 =	vadd.f32 v31, v3;
	v17 =	vmul.f32 v63, v9;
	v30 =	vmul.f32 v63, v12  }
0x49f: {  	v61 =	vadd.f32 v61, v3;
	[tilespmem:$0x1E850] =	vst v5;
	v5 =	vmul.f32 v63, v8;
	v23 =	vmul.f32 v63, v6  }
0x4a0: {  	v4 =	vmul.f32 v0, v6;
	v3 =	vmul.f32 v0, v8;
	v1 =	vadd.f32 v2, v1  }
0x4a1: {  	v7 =	vmul.f32 v0, v9;
	v63 =	vmul.f32 v0, v12;
	v0 =	vld [tilespmem:$0x1E650]  }
0x4a2: {  	[tilespmem:$0x1EA80] =	vst v1;
	v1 =	vld [tilespmem:$0x1E640];
	_ =	sdelay $0x3  }
0x4a3: {  	v40 =	vadd.f32 v40, v0;
	v0 =	vld [tilespmem:$0x1E660]  }
0x4a4: {  	v39 =	vadd.f32 v39, v1;
	v1 =	vld [tilespmem:$0x1E670];
	_ =	sdelay $0x4  }
0x4a5: {  	v0 =	vadd.f32 v1, v0;
	_ =	sdelay $0x1  }
0x4a6: {  	[tilespmem:$0x1EAC0] =	vst v0;
	v0 =	vld [tilespmem:$0x1E690];
	_ =	sdelay $0x4  }
0x4a7: {  	v42 =	vadd.f32 v42, v0;
	v0 =	vld [tilespmem:$0x1E6A0];
	_ =	sdelay $0x3  }
0x4a8: {  	v19 =	vld [tilespmem:$0x1E6C0]  }
0x4a9: {  	v41 =	vadd.f32 v41, v0;
	v0 =	vld [tilespmem:$0x1E6B0];
	_ =	sdelay $0x4  }
0x4aa: {  	v0 =	vadd.f32 v19, v0  }
0x4ab: {  	v19 =	vld [tilespmem:$0x1E6E0]  }
0x4ac: {  	[tilespmem:$0x1EB10] =	vst v0;
	v0 =	vld [tilespmem:$0x1E6D0];
	_ =	sdelay $0x4  }
0x4ad: {  	v0 =	vadd.f32 v19, v0;
	v19 =	vld [tilespmem:$0x1E6F0];
	_ =	sdelay $0x4  }
0x4ae: {  	v19 =	vadd.f32 v19, v23;
	_ =	sdelay $0x1  }
0x4af: {  	[tilespmem:$0x1EB40] =	vst v19;
	v19 =	vld [tilespmem:$0x1E700]  }
0x4b0: {  	[tilespmem:$0x1E7C0] =	vst v24;
	v24 =	vld [tilespmem:$0x1E680];
	_ =	sdelay $0x3  }
0x4b1: {  	v5 =	vadd.f32 v19, v5  }
0x4b2: {  	v2 =	vmul.f32 v24, v6;
	v1 =	vmul.f32 v24, v8;
	[tilespmem:$0x1EB30] =	vst v0  }
0x4b3: {  	v0 =	vmul.f32 v24, v9;
	[tilespmem:$0x1EB50] =	vst v5;
	v5 =	vmul.f32 v24, v12;
	v24 =	vld [tilespmem:$0x1E740];
	_ =	sdelay $0x4  }
0x4b4: {  	v24 =	vadd.f32 v24, v16;
	v16 =	vld [tilespmem:$0x1E750];
	_ =	sdelay $0x4  }
0x4b5: {  	v11 =	vadd.f32 v16, v11;
	v16 =	vld [tilespmem:$0x1E760];
	_ =	sdelay $0x4  }
0x4b6: {  	v15 =	vadd.f32 v16, v15;
	_ =	sdelay $0x1  }
0x4b7: {  	[tilespmem:$0x1EBA0] =	vst v15;
	v15 =	vld [tilespmem:$0x1E770]  }
0x4b8: {  	v47 =	vadd.f32 v47, v62;
	v62 =	vadd.f32 v52, v3;
	v3 =	vld [tilespmem:$0x1E7B0];
	_ =	sdelay $0x2  }
0x4b9: {  	v19 =	vld [tilespmem:$0x1E710]  }
0x4ba: {  	v14 =	vadd.f32 v15, v14  }
0x4bb: {  	v3 =	vadd.f32 v3, v7  }
0x4bc: {  	[tilespmem:$0x1EBB0] =	vst v14;
	v14 =	vld [tilespmem:$0x1E780]  }
0x4bd: {  	[tilespmem:$0x1EBF0] =	vst v3;
	v3 =	vld [tilespmem:$0x1E7C0]  }
0x4be: {  	v17 =	vadd.f32 v19, v17;
	_ =	sdelay $0x1  }
0x4bf: {  	[tilespmem:$0x1EB60] =	vst v17;
	v17 =	vld [tilespmem:$0x1E720]  }
0x4c0: {  	v13 =	vadd.f32 v14, v13;
	v14 =	vld [tilespmem:$0x1E7A0]  }
0x4c1: {  	v52 =	vadd.f32 v3, v2;
	v2 =	vld [tilespmem:$0x1E7D0];
	_ =	sdelay $0x3  }
0x4c2: {  	v17 =	vadd.f32 v17, v30;
	v30 =	vld [tilespmem:$0x1E730];
	v4 =	vadd.f32 v14, v4  }
0x4c3: {  	v3 =	vadd.f32 v2, v1;
	v2 =	vld [tilespmem:$0x1E7E0]  }
0x4c4: {  	[tilespmem:$0x1EBE0] =	vst v4;
	v4 =	vld [tilespmem:$0x1E800];
	_ =	sdelay $0x2  }
0x4c5: {  	v23 =	vmul.f32 v30, v6;
	_ =	sdelay $0x1  }
0x4c6: {  	v0 =	vadd.f32 v2, v0;
	v2 =	vld [tilespmem:$0x1E7F0];
	v4 =	vadd.f32 v4, v23  }
0x4c7: {  	[tilespmem:$0x1EBC0] =	vst v13;
	v13 =	vld [tilespmem:$0x1E790]  }
0x4c8: {  	[tilespmem:$0x1EC30] =	vst v4;
	v4 =	vld [tilespmem:$0x1E810];
	_ =	sdelay $0x1  }
0x4c9: {  	[tilespmem:$0x1EC00] =	vst v0;
	v0 =	vadd.f32 v61, v5  }
0x4ca: {  	v44 =	vadd.f32 v44, v10;
	v61 =	vmul.f32 v2, v12;
	v10 =	vmul.f32 v30, v8  }
0x4cb: {  	[tilespmem:$0x1EC10] =	vst v0;
	v0 =	vmul.f32 v2, v6;
	v1 =	vmul.f32 v13, v12  }
0x4cc: {  	v23 =	vmul.f32 v2, v8;
	v4 =	vadd.f32 v4, v10;
	v10 =	vmul.f32 v2, v9;
	v2 =	vld [tilespmem:$0x1E850];
	_ =	sdelay $0x1  }
0x4cd: {  	[tilespmem:$0x1EB80] =	vst v11;
	v1 =	vadd.f32 v59, v1  }
0x4ce: {  	v7 =	vmul.f32 v13, v9;
	[tilespmem:$0x1EC40] =	vst v4;
	v4 =	vld [tilespmem:$0x1E820]  }
0x4cf: {  	v11 =	vadd.f32 v43, v29;
	[tilespmem:$0x1EC90] =	vst v1;
	v1 =	vld [tilespmem:$0x1E860]  }
0x4d0: {  	v2 =	vadd.f32 v2, v7  }
0x4d1: {  	[tilespmem:$0x1EB90] =	vst v11;
	v11 =	vmul.f32 v30, v9  }
0x4d2: {  	[tilespmem:$0x1EC80] =	vst v2;
	v2 =	vld [tilespmem:$0x1E890]  }
0x4d3: {  	v16 =	vmul.f32 v30, v12;
	v4 =	vadd.f32 v4, v11  }
0x4d4: {  	v0 =	vadd.f32 v1, v0  }
0x4d5: {  	v5 =	vld [tilespmem:$0x1E8F0];
	[tilespmem:$0x1EC50] =	vst v4;
	v4 =	vadd.f32 v26, v16  }
0x4d6: {  	[tilespmem:$0x1ECA0] =	vst v0;
	v0 =	vld [tilespmem:$0x1E870]  }
0x4d7: {  	[tilespmem:$0x1EC60] =	vst v4;
	v4 =	vld [tilespmem:$0x1E830];
	v2 =	vadd.f32 v2, v10;
	_ =	sdelay $0x1  }
0x4d8: {  	[tilespmem:$0x1ECC0] =	vst v2;
	v2 =	vadd.f32 v31, v61  }
0x4d9: {  	v30 =	vmul.f32 v13, v6  }
0x4da: {  	v0 =	vadd.f32 v0, v23;
	[tilespmem:$0x1ECD0] =	vst v2;
	v2 =	vld [tilespmem:$0x1E8A0]  }
0x4db: {  	v4 =	vadd.f32 v4, v30;
	v30 =	vadd.f32 v34, v5;
	v5 =	vld [tilespmem:$0x1E900];
	_ =	sdelay $0x1  }
0x4dc: {  	[tilespmem:$0x1ECB0] =	vst v0;
	v0 =	vld [tilespmem:$0x1E880]  }
0x4dd: {  	[tilespmem:$0x1EC70] =	vst v4;
	v4 =	vld [tilespmem:$0x1E840]  }
0x4de: {  	v2 =	vadd.f32 v32, v2  }
0x4df: {  	v28 =	vadd.f32 v28, v5;
	v5 =	vld [tilespmem:$0x1E910]  }
0x4e0: {  	v43 =	vmul.f32 v13, v8;
	[tilespmem:$0x1ECE0] =	vst v2;
	v2 =	vld [tilespmem:$0x1E8B0]  }
0x4e1: {  	v1 =	vmul.f32 v0, v18;
	v10 =	vmul.f32 v0, v21  }
0x4e2: {  	v31 =	vmul.f32 v0, v22;
	v16 =	vadd.f32 v4, v43;
	v4 =	vmul.f32 v0, v20;
	v0 =	vld [tilespmem:$0x1E8C0];
	_ =	sdelay $0x1  }
0x4e3: {  	v6 =	vadd.f32 v45, v5;
	v5 =	vld [tilespmem:$0x1E920]  }
0x4e4: {  	v2 =	vadd.f32 v35, v2;
	_ =	sdelay $0x1  }
0x4e5: {  	[tilespmem:$0x1ECF0] =	vst v2;
	v2 =	vadd.f32 v36, v0;
	v0 =	vld [tilespmem:$0x1E8D0];
	_ =	sdelay $0x1  }
0x4e6: {  	v7 =	vadd.f32 v38, v5;
	v5 =	vld [tilespmem:$0x1E930];
	_ =	sdelay $0x2  }
0x4e7: {  	v27 =	vadd.f32 v27, v0;
	v0 =	vld [tilespmem:$0x1E8E0];
	_ =	sdelay $0x1  }
0x4e8: {  	v8 =	vadd.f32 v33, v5;
	v5 =	vld [tilespmem:$0x1E940];
	_ =	sdelay $0x2  }
0x4e9: {  	v35 =	vmul.f32 v0, v18;
	v36 =	vmul.f32 v0, v20  }
0x4ea: {  	v38 =	vmul.f32 v0, v21;
	v45 =	vmul.f32 v0, v22;
	v0 =	vld [tilespmem:$0x1E950]  }
0x4eb: {  	v9 =	vadd.f32 v48, v5;
	v5 =	vld [tilespmem:$0x1E980];
	_ =	sdelay $0x3  }
0x4ec: {  	v46 =	vadd.f32 v46, v0;
	v0 =	vld [tilespmem:$0x1E960]  }
0x4ed: {  	v11 =	vadd.f32 v50, v5;
	v5 =	vld [tilespmem:$0x1E990];
	_ =	sdelay $0x3  }
0x4ee: {  	v49 =	vadd.f32 v49, v0;
	v0 =	vld [tilespmem:$0x1E970]  }
0x4ef: {  	v12 =	vadd.f32 v51, v5;
	v5 =	vld [tilespmem:$0x1E9A0];
	_ =	sdelay $0x3  }
0x4f0: {  	v63 =	vadd.f32 v25, v63;
	v48 =	vmul.f32 v0, v18;
	v50 =	vmul.f32 v0, v20  }
0x4f1: {  	v51 =	vmul.f32 v0, v21;
	v25 =	vadd.f32 v53, v5;
	v53 =	vmul.f32 v0, v22;
	v0 =	vld [tilespmem:$0x1E9E0];
	_ =	sdelay $0x4  }
0x4f2: {  	v57 =	vadd.f32 v57, v0;
	v0 =	vld [tilespmem:$0x1E9F0];
	_ =	sdelay $0x2  }
0x4f3: {  	v5 =	vld [tilespmem:$0x1E9B0];
	_ =	sdelay $0x1  }
0x4f4: {  	v58 =	vadd.f32 v58, v0;
	v0 =	vld [tilespmem:$0x1EA10];
	_ =	sdelay $0x2  }
0x4f5: {  	v59 =	vadd.f32 v54, v5;
	v5 =	vld [tilespmem:$0x1E9C0];
	_ =	sdelay $0x1  }
0x4f6: {  	v0 =	vadd.f32 v60, v0  }
0x4f7: {  	v13 =	vld [tilespmem:$0x1EA30]  }
0x4f8: {  	[tilespmem:$0x1ED30] =	vst v0;
	v0 =	vld [tilespmem:$0x1EA20]  }
0x4f9: {  	v5 =	vadd.f32 v55, v5;
	_ =	sdelay $0x1  }
0x4fa: {  	[tilespmem:$0x1ED10] =	vst v5;
	v5 =	vld [tilespmem:$0x1E9D0];
	_ =	sdelay $0x1  }
0x4fb: {  	v23 =	vadd.f32 v13, v0;
	v0 =	vld [tilespmem:$0x1EA40]  }
0x4fc: {  	v13 =	vld [tilespmem:$0x1EA50];
	_ =	sdelay $0x1  }
0x4fd: {  	v5 =	vadd.f32 v56, v5;
	_ =	sdelay $0x1  }
0x4fe: {  	[tilespmem:$0x1ED20] =	vst v5;
	v5 =	vld [tilespmem:$0x1EA00]  }
0x4ff: {  	v26 =	vadd.f32 v13, v0;
	v0 =	vld [tilespmem:$0x1EA60]  }
0x500: {  	v19 =	vld [tilespmem:$0x1EB10]  }
0x501: {  	v15 =	vld [tilespmem:$0x1EB00]  }
0x502: {  	v14 =	vld [tilespmem:$0x1EA80]  }
0x503: {  	v54 =	vmul.f32 v5, v18;
	v56 =	vmul.f32 v5, v20;
	v13 =	vld [tilespmem:$0x1EA70]  }
0x504: {  	v33 =	vmul.f32 v5, v22;
	v29 =	vadd.f32 v37, v0;
	v0 =	vmul.f32 v5, v21;
	v5 =	vld [tilespmem:$0x1EAA0];
	_ =	sdelay $0x3  }
0x505: {  	v32 =	vadd.f32 v14, v13;
	v13 =	vld [tilespmem:$0x1EA90]  }
0x506: {  	v5 =	vadd.f32 v40, v5;
	v40 =	vadd.f32 v19, v15;
	v15 =	vld [tilespmem:$0x1EB20]  }
0x507: {  	v19 =	vld [tilespmem:$0x1EB30];
	_ =	sdelay $0x4  }
0x508: {  	v61 =	vadd.f32 v39, v13;
	v39 =	vadd.f32 v19, v15;
	v15 =	vld [tilespmem:$0x1EB40];
	_ =	sdelay $0x4  }
0x509: {  	v37 =	vadd.f32 v15, v1;
	v15 =	vld [tilespmem:$0x1EB80]  }
0x50a: {  	v14 =	vld [tilespmem:$0x1EAE0]  }
0x50b: {  	v13 =	vld [tilespmem:$0x1EAC0]  }
0x50c: {  	[tilespmem:$0x1ED40] =	vst v5;
	v5 =	vld [tilespmem:$0x1EAB0];
	_ =	sdelay $0x1  }
0x50d: {  	v15 =	vadd.f32 v15, v38;
	_ =	sdelay $0x1  }
0x50e: {  	v14 =	vadd.f32 v42, v14;
	[tilespmem:$0x1F020] =	vst v15;
	v15 =	vld [tilespmem:$0x1EB90]  }
0x50f: {  	v5 =	vadd.f32 v13, v5;
	v1 =	vld [tilespmem:$0x1EB50]  }
0x510: {  	[tilespmem:$0x1ED60] =	vst v14;
	v14 =	vld [tilespmem:$0x1EAF0]  }
0x511: {  	[tilespmem:$0x1ED50] =	vst v5;
	v5 =	vld [tilespmem:$0x1EAD0];
	_ =	sdelay $0x1  }
0x512: {  	v38 =	vadd.f32 v15, v45;
	v15 =	vld [tilespmem:$0x1EBA0]  }
0x513: {  	v1 =	vadd.f32 v1, v4;
	v4 =	vld [tilespmem:$0x1EB60];
	_ =	sdelay $0x1  }
0x514: {  	v43 =	vadd.f32 v41, v14;
	v13 =	vmul.f32 v5, v18;
	v14 =	vmul.f32 v5, v20  }
0x515: {  	v19 =	vmul.f32 v5, v21;
	[tilespmem:$0x1EFE0] =	vst v1;
	v1 =	vmul.f32 v5, v22;
	v5 =	vld [tilespmem:$0x1EB70]  }
0x516: {  	v55 =	vadd.f32 v15, v48;
	v15 =	vld [tilespmem:$0x1EBB0]  }
0x517: {  	v4 =	vadd.f32 v4, v10;
	_ =	sdelay $0x1  }
0x518: {  	[tilespmem:$0x1EFF0] =	vst v4;
	v4 =	vadd.f32 v17, v31  }
0x519: {  	v42 =	vadd.f32 v24, v35;
	v10 =	vmul.f32 v5, v20;
	v24 =	vmul.f32 v5, v21;
	v17 =	vld [tilespmem:$0x1EBE0]  }
0x51a: {  	[tilespmem:$0x1F000] =	vst v4;
	v4 =	vmul.f32 v5, v18;
	v41 =	vadd.f32 v15, v50;
	v15 =	vmul.f32 v5, v22;
	v5 =	vld [tilespmem:$0x1EBC0]  }
0x51b: {  	v50 =	vadd.f32 v3, v14;
	v3 =	vld [tilespmem:$0x1EC00];
	_ =	sdelay $0x2  }
0x51c: {  	v35 =	vadd.f32 v17, v54;
	v17 =	vld [tilespmem:$0x1EBF0]  }
0x51d: {  	v45 =	vadd.f32 v5, v51;
	v5 =	vld [tilespmem:$0x1EBD0]  }
0x51e: {  	v34 =	vadd.f32 v3, v19;
	v3 =	vld [tilespmem:$0x1EC10];
	_ =	sdelay $0x2  }
0x51f: {  	v36 =	vadd.f32 v44, v36;
	v44 =	vadd.f32 v47, v53  }
0x520: {  	v48 =	vadd.f32 v63, v33;
	v47 =	vadd.f32 v17, v0;
	v17 =	vmov v5  }
0x521: {  	v33 =	vadd.f32 v52, v13;
	v13 =	vmul.f32 v17, v22;
	v17 =	vadd.f32 v3, v1;
	v3 =	vld [tilespmem:$0x1EC30];
	_ =	sdelay $0x4  }
0x522: {  	v3 =	vadd.f32 v3, v4;
	v4 =	vld [tilespmem:$0x1EC40];
	_ =	sdelay $0x4  }
0x523: {  	v51 =	vadd.f32 v4, v10;
	v4 =	vld [tilespmem:$0x1EC50];
	_ =	sdelay $0x1  }
0x524: {  	v31 =	vadd.f32 v62, v56;
	v62 =	vmul.f32 v5, v20  }
0x525: {  	v19 =	vld [tilespmem:$0x1EC20]  }
0x526: {  	v54 =	vadd.f32 v16, v62;
	v16 =	vld [tilespmem:$0x1EC80]  }
0x527: {  	v53 =	vadd.f32 v4, v24;
	v4 =	vld [tilespmem:$0x1EC60];
	_ =	sdelay $0x2  }
0x528: {  	v0 =	vmul.f32 v5, v21;
	v14 =	vmul.f32 v19, v21  }
0x529: {  	v1 =	vmul.f32 v19, v18;
	v10 =	vmul.f32 v19, v20  }
0x52a: {  	v56 =	vadd.f32 v4, v15;
	v15 =	vmul.f32 v19, v22;
	v19 =	vadd.f32 v16, v0;
	v0 =	vld [tilespmem:$0x1EC90];
	_ =	sdelay $0x4  }
0x52b: {  	v52 =	vadd.f32 v0, v13;
	v0 =	vld [tilespmem:$0x1ECA0];
	_ =	sdelay $0x4  }
0x52c: {  	v13 =	vadd.f32 v0, v1;
	v0 =	vld [tilespmem:$0x1ECB0];
	_ =	sdelay $0x4  }
0x52d: {  	v62 =	vadd.f32 v0, v10;
	v0 =	vld [tilespmem:$0x1ECC0];
	_ =	sdelay $0x4  }
0x52e: {  	v63 =	vadd.f32 v0, v14;
	v0 =	vld [tilespmem:$0x1ECD0]  }
0x52f: {  	v60 =	vmul.f32 v5, v18;
	v5 =	vld [tilespmem:s31+$0x4600];
	_ =	sdelay $0x2  }
0x530: {  	v14 =	vld [tilespmem:$0x1ECF0]  }
0x531: {  	v16 =	vadd.f32 v0, v15;
	v0 =	vld [tilespmem:$0x1ECE0]  }
0x532: {  	v1 =	vbroadcast v5, $0xF;
	_ =	sdelay $0x1  }
0x533: {  	v2 =	vadd.f32 v2, v1;
	v10 =	vbroadcast v5, $0xE  }
0x534: {  	v14 =	vadd.f32 v14, v1;
	v15 =	vadd.f32 v27, v1  }
0x535: {  	v0 =	vadd.f32 v0, v1;
	v1 =	vadd.f32 v28, v10  }
0x536: {  	[tilespmem:$0x1F100] =	vst v2  }
0x537: {  	[tilespmem:$0x1F130] =	vst v1;
	v1 =	vadd.f32 v6, v10  }
0x538: {  	v2 =	vbroadcast v5, $0xD;
	[tilespmem:$0x1F0E0] =	vst v14;
	v14 =	vbroadcast v5, $0xC  }
0x539: {  	[tilespmem:$0x1F150] =	vst v1;
	v1 =	vadd.f32 v7, v10  }
0x53a: {  	v7 =	vadd.f32 v9, v2;
	v9 =	vadd.f32 v12, v14;
	_ =	sdelay $0x1  }
0x53b: {  	[tilespmem:$0x1F1C0] =	vst v9;
	v9 =	vadd.f32 v59, v14  }
0x53c: {  	v4 =	vld [tilespmem:$0x1EC70]  }
0x53d: {  	[tilespmem:$0x1F1D0] =	vst v9;
	v9 =	vld [tilespmem:$0x1ED10];
	_ =	sdelay $0x2  }
0x53e: {  	v6 =	vbroadcast v5, $0xB  }
0x53f: {  	v4 =	vadd.f32 v4, v60  }
0x540: {  	v60 =	vadd.f32 v25, v14;
	v25 =	vadd.f32 v9, v6;
	v9 =	vld [tilespmem:$0x1ED20];
	_ =	sdelay $0x2  }
0x541: {  	[tilespmem:$0x1F170] =	vst v1;
	v1 =	vadd.f32 v8, v2;
	v8 =	vadd.f32 v46, v2  }
0x542: {  	v18 =	vld [tilespmem:$0x1ED40];
	v2 =	vadd.f32 v49, v2;
	v49 =	vadd.f32 v57, v6  }
0x543: {  	v46 =	vadd.f32 v58, v6;
	v12 =	vadd.f32 v9, v6;
	v6 =	vld [tilespmem:$0x1ED30]  }
0x544: {  	[tilespmem:$0x1F190] =	vst v7;
	v7 =	vbroadcast v5, $0xA;
	_ =	sdelay $0x1  }
0x545: {  	[tilespmem:$0x1F1A0] =	vst v8;
	v8 =	vbroadcast v5, $0x9;
	v57 =	vadd.f32 v23, v7  }
0x546: {  	v58 =	vadd.f32 v26, v7;
	v59 =	vadd.f32 v29, v7;
	v26 =	vbroadcast v5, $0x0  }
0x547: {  	v23 =	vadd.f32 v18, v8;
	v18 =	vld [tilespmem:$0x1ED50];
	v27 =	vadd.f32 v6, v7  }
0x548: {  	p0 =	sne.s32 s30, $0x7C0;
	v7 =	vadd.f32 v32, v8;
	v32 =	vadd.f32 v13, v26;
	v13 =	vld [tilespmem:$0x1ED60]  }
.Ltmp2:
0x549: {  	_ = 	snop;
	(pc) =	sbr.rel @p0 .LBB2_7-.Ltmp2, $4  }
0x54a: {  	v24 =	vadd.f32 v30, v10;
	v30 =	vbroadcast v5, $0x8;
	v28 =	vbroadcast v5, $0x7  }
0x54b: {  	v10 =	vbroadcast v5, $0x5;
	[tilespmem:$0x1F1B0] =	vst v2;
	v2 =	vadd.f32 v11, v14;
	v11 =	vbroadcast v5, $0x6  }
0x54c: {  	v61 =	vadd.f32 v61, v8;
	v22 =	vadd.f32 v18, v8;
	v9 =	vbroadcast v5, $0x4  }
0x54d: {  	s30 =	sadd.s32 $0x40, s30;
	v14 =	vld [tilespmem:$0x1ED00];
	v6 =	vbroadcast v5, $0x1;
	v8 =	vbroadcast v5, $0x2;
	v29 =	vadd.f32 v13, v30  }
0x54e: {  	v13 =	vadd.f32 v43, v30  }
0x54f: {  	v43 =	vmov v15;
	v15 =	vadd.f32 v40, v30;
	v40 =	vadd.f32 v35, v9  }
0x550: {  	v21 =	vadd.f32 v37, v28;
	v55 =	vadd.f32 v55, v10;
	v18 =	vld [tilespmem:$0x1EFE0]  }
0x551: {  	v5 =	vbroadcast v5, $0x3;
	v37 =	vadd.f32 v42, v11;
	v42 =	vld [tilespmem:$0x1F020];
	v4 =	vadd.f32 v4, v6  }
0x552: {  	v35 =	vadd.f32 v44, v10;
	v3 =	vadd.f32 v3, v8;
	v14 =	vmin.f32 v14, v32  }
0x553: {  	v20 =	vadd.f32 v33, v5;
	v4 =	vmin.f32 v14, v4;
	v14 =	vadd.f32 v39, v30;
	v39 =	vld [tilespmem:$0x1EFF0]  }
0x554: {  	v16 =	vadd.f32 v16, v26;
	v44 =	vadd.f32 v56, v8;
	v3 =	vmin.f32 v4, v3  }
0x555: {  	v19 =	vadd.f32 v19, v6;
	v30 =	vadd.f32 v18, v28;
	v3 =	vmin.f32 v3, v20  }
0x556: {  	v4 =	vadd.f32 v42, v11;
	v42 =	vadd.f32 v53, v8;
	v3 =	vmin.f32 v3, v40;
	v40 =	vld [tilespmem:$0x1F000]  }
0x557: {  	v3 =	vmin.f32 v3, v55;
	v55 =	vadd.f32 v45, v10;
	v45 =	vadd.f32 v62, v26  }
0x558: {  	v32 =	vadd.f32 v39, v28;
	v3 =	vmin.f32 v3, v37;
	v37 =	vadd.f32 v47, v9  }
0x559: {  	v39 =	vadd.f32 v50, v5;
	v47 =	vadd.f32 v63, v26;
	v3 =	vmin.f32 v3, v21  }
0x55a: {  	v53 =	vld [tilespmem:$0x1F200];
	v50 =	vadd.f32 v52, v6;
	v21 =	vadd.f32 v41, v10;
	v3 =	vmin.f32 v3, v29  }
0x55b: {  	v41 =	vadd.f32 v51, v8;
	v51 =	vld [tilespmem:$0x1F1E0];
	v20 =	vadd.f32 v40, v28;
	v3 =	vmin.f32 v3, v7  }
0x55c: {  	v52 =	vld [tilespmem:$0x1F1F0];
	v28 =	vadd.f32 v36, v11;
	v11 =	vadd.f32 v38, v11;
	v3 =	vmin.f32 v3, v27  }
0x55d: {  	v36 =	vadd.f32 v31, v9;
	v38 =	vadd.f32 v48, v9;
	v3 =	vmin.f32 v3, v25  }
0x55e: {  	v40 =	vadd.f32 v34, v5;
	v5 =	vadd.f32 v17, v5;
	v2 =	vmin.f32 v3, v2  }
0x55f: {  	v48 =	vadd.f32 v54, v6;
	v3 =	vmin.f32 v53, v16;
	v1 =	vmin.f32 v2, v1  }
0x560: {  	v2 =	vmin.f32 v51, v45;
	v3 =	vmin.f32 v3, v50;
	v1 =	vmin.f32 v1, v24  }
0x561: {  	v3 =	vmin.f32 v3, v44;
	v0 =	vmin.f32 v1, v0;
	v1 =	vmin.f32 v52, v47  }
0x562: {  	v2 =	vmin.f32 v2, v48;
	v3 =	vmin.f32 v3, v5;
	v1 =	vmin.f32 v1, v19  }
0x563: {  	v2 =	vmin.f32 v2, v41;
	v3 =	vmin.f32 v3, v38;
	v1 =	vmin.f32 v1, v42  }
0x564: {  	v2 =	vmin.f32 v2, v39;
	v3 =	vmin.f32 v3, v35;
	v1 =	vmin.f32 v1, v40  }
0x565: {  	v56 =	vld [tilespmem:$0x1F1D0];
	v2 =	vmin.f32 v2, v36;
	v3 =	vmin.f32 v3, v11;
	v1 =	vmin.f32 v1, v37  }
0x566: {  	v62 =	vld [tilespmem:$0x1F170];
	v2 =	vmin.f32 v2, v21;
	v3 =	vmin.f32 v3, v20;
	v1 =	vmin.f32 v1, v55  }
0x567: {  	v54 =	vld [tilespmem:$0x1F1C0];
	v2 =	vmin.f32 v2, v28;
	v3 =	vmin.f32 v3, v14;
	v1 =	vmin.f32 v1, v4  }
0x568: {  	v2 =	vmin.f32 v2, v30;
	v55 =	vld [tilespmem:$0x1F190];
	v3 =	vmin.f32 v3, v22;
	v1 =	vmin.f32 v1, v32  }
0x569: {  	v2 =	vmin.f32 v2, v13;
	v3 =	vmin.f32 v3, v59;
	v59 =	vld [tilespmem:$0x1F1B0];
	v1 =	vmin.f32 v1, v15  }
0x56a: {  	v2 =	vmin.f32 v2, v61;
	v61 =	vld [tilespmem:$0x1F0E0];
	v1 =	vmin.f32 v1, v23  }
0x56b: {  	v2 =	vmin.f32 v2, v57;
	v57 =	vld [tilespmem:$0x1F1A0];
	v1 =	vmin.f32 v1, v58  }
0x56c: {  	v58 =	vld [tilespmem:$0x1F130];
	v1 =	vmin.f32 v1, v49  }
0x56d: {  	v1 =	vmin.f32 v1, v60;
	v60 =	vld [tilespmem:$0x1F150]  }
0x56e: {  	v63 =	vld [tilespmem:$0x1F100];
	v2 =	vmin.f32 v2, v12  }
0x56f: {  	s24 =	sadd.s32 $0x1, s24;
	v2 =	vmin.f32 v2, v54  }
0x570: {  	p0 =	sne.s32 s24, $0x40;
	v3 =	vmin.f32 v3, v46;
	v2 =	vmin.f32 v2, v55  }
.Ltmp3:
0x571: {  	v3 =	vmin.f32 v3, v56;
	v1 =	vmin.f32 v1, v57;
	v2 =	vmin.f32 v2, v58;
	(pc) =	sbr.rel @p0 .LBB2_6-.Ltmp3, $4  }
0x572: {  	[tilespmem:s25+$0x4800] =	vst v0;
	v3 =	vmin.f32 v3, v59;
	v2 =	vmin.f32 v2, v61;
	v1 =	vmin.f32 v1, v60  }
0x573: {  	v0 =	vmin.f32 v3, v62;
	[tilespmem:s26+$0x4800] =	vst v2;
	v1 =	vmin.f32 v1, v63  }
0x574: {  	v0 =	vmin.f32 v0, v43;
	[tilespmem:s29+$0x4800] =	vst v1  }
0x575: {  	[tilespmem:s28+$0x4800] =	vst v0  }
0x576: {  	s24 =	simm.s32 $0x4800  }
0x577: {  	[spmem:s13] =	stream.linear.scatter [tilespmem:s24], [sflag:$0x1], $0x1000, $0x38;
	[tilespmem:$0x7C00] =	vst v63  }
0x578: {  	_ =	swait.ge [sflag:s23], $0x1000  }
0x579: {  	[sflag:s23] =	ssyncset.done $0x0  }
0x57a: {  	[sflag:s23] =	ssyncadd.s32 $0xFFFFF000  }
0x57b: {  	s24 =	simm.s32 $0x5A00;
	[bflag:$0x0] =	sbarrier.arrive $0xFFFF  }
0x57c: {  	[tilespmem:s24], [sflag:$0x1] =	stream.linear.gather [spmem:s11], $0x200, $0x38;
	[tilespmem:$0x7C00] =	vst v63  }
0x57d: {  	_ =	swait.ge [sflag:s23], $0x200  }
0x57e: {  	[sflag:s23] =	ssyncset.done $0x0  }
0x57f: {  	s25 =	simm.s32 $0x5C00;
	[sflag:s23] =	ssyncadd.s32 $0xFFFFFE00  }
0x580: {  	[tilespmem:s25], [sflag:$0x1] =	stream.linear.gather [spmem:s14], $0x200, $0x38;
	[tilespmem:$0x7C00] =	vst v63  }
0x581: {  	_ =	swait.ge [sflag:s23], $0x200  }
0x582: {  	[sflag:s23] =	ssyncset.done $0x0  }
0x583: {  	s26 =	simm.s32 $0x5E00;
	[sflag:s23] =	ssyncadd.s32 $0xFFFFFE00  }
0x584: {  	[tilespmem:s26], [sflag:$0x1] =	stream.linear.gather [spmem:s15], $0x200, $0x38;
	[tilespmem:$0x7C00] =	vst v63  }
0x585: {  	_ =	swait.ge [sflag:s23], $0x200  }
0x586: {  	[sflag:s23] =	ssyncset.done $0x0  }
0x587: {  	s29 =	simm.s32 $0x6000;
	[sflag:s23] =	ssyncadd.s32 $0xFFFFFE00  }
0x588: {  	[tilespmem:s29], [sflag:$0x1] =	stream.linear.gather [spmem:s16], $0x200, $0x38;
	[tilespmem:$0x7C00] =	vst v63  }
0x589: {  	_ =	swait.ge [sflag:s23], $0x200  }
0x58a: {  	[sflag:s23] =	ssyncset.done $0x0  }
0x58b: {  	s30 =	simm.s32 $0x6200;
	[sflag:s23] =	ssyncadd.s32 $0xFFFFFE00  }
0x58c: {  	[tilespmem:s30], [sflag:$0x1] =	stream.linear.gather [spmem:s17], $0x200, $0x38;
	[tilespmem:$0x7C00] =	vst v63  }
0x58d: {  	_ =	swait.ge [sflag:s23], $0x200  }
0x58e: {  	[sflag:s23] =	ssyncset.done $0x0  }
0x58f: {  	s31 =	simm.s32 $0x6400;
	[sflag:s23] =	ssyncadd.s32 $0xFFFFFE00  }
0x590: {  	[tilespmem:s31], [sflag:$0x1] =	stream.linear.gather [spmem:s18], $0x200, $0x38;
	[tilespmem:$0x7C00] =	vst v63  }
0x591: {  	_ =	swait.ge [sflag:s23], $0x200  }
0x592: {  	[sflag:s23] =	ssyncset.done $0x0  }
0x593: {  	s26 =	simm.s32 $0x6600;
	[sflag:s23] =	ssyncadd.s32 $0xFFFFFE00  }
0x594: {  	[tilespmem:s26], [sflag:$0x1] =	stream.linear.gather [spmem:s19], $0x200, $0x38;
	[tilespmem:$0x7C00] =	vst v63  }
0x595: {  	_ =	swait.ge [sflag:s23], $0x200  }
0x596: {  	[sflag:s23] =	ssyncset.done $0x0  }
0x597: {  	s29 =	simm.s32 $0x6800;
	[sflag:s23] =	ssyncadd.s32 $0xFFFFFE00  }
0x598: {  	[tilespmem:s29], [sflag:$0x1] =	stream.linear.gather [spmem:s20], $0x200, $0x38;
	[tilespmem:$0x7C00] =	vst v63  }
0x599: {  	_ =	swait.ge [sflag:s23], $0x200  }
0x59a: {  	s30 =	simm.s32 $0x0;
	[sflag:s23] =	ssyncset.done $0x0  }
0x59b: {  	s25 =	sand.u32 $0x1F0, s30;
	[sflag:s23] =	ssyncadd.s32 $0xFFFFFE00  }
0x59c: {  	v0 =	vld [tilespmem:s25+$0x5C00]  }
0x59d: {  	v1 =	vld [tilespmem:s24+$0x0]  }
0x59e: {  	v2 =	vld [tilespmem:s25+$0x5E00]  }
0x59f: {  	v3 =	vld [tilespmem:s25+$0x6000]  }
0x5a0: {  	v4 =	vld [tilespmem:s25+$0x6200]  }
0x5a1: {  	v5 =	vld [tilespmem:s25+$0x6400]  }
0x5a2: {  	v0 =	vmin.f32 v1, v0;
	v1 =	vld [tilespmem:s25+$0x6600]  }
0x5a3: {  	v0 =	vmin.f32 v0, v2;
	v2 =	vld [tilespmem:s25+$0x6800]  }
0x5a4: {  	v0 =	vmin.f32 v0, v3  }
0x5a5: {  	v0 =	vmin.f32 v0, v4  }
0x5a6: {  	v0 =	vmin.f32 v0, v5  }
0x5a7: {  	v0 =	vmin.f32 v0, v1  }
0x5a8: {  	s31 =	simm.s32 $0x10;
	s24 =	simm.s32 $0x6A00;
	v0 =	vclamp.gez.f32 v0, v2  }
0x5a9: {  	s28 =	sand.u32 $0x1F0, s31;
	[tilespmem:s24+$0x0] =	vst v0  }
0x5aa: {  	s26 =	simm.s32 $0x20;
	s25 =	simm.s32 $0x5A10;
	v0 =	vld [tilespmem:s28+$0x5C00]  }
.LBB2_10:
0x5ab: {  	p0 =	sne.s32 s26, $0x1F0;
	v1 =	vld [tilespmem:s25+$0x0]  }
0x5ac: {  	v2 =	vld [tilespmem:s28+$0x5E00]  }
0x5ad: {  	v3 =	vld [tilespmem:s28+$0x6000]  }
0x5ae: {  	v4 =	vld [tilespmem:s28+$0x6200]  }
0x5af: {  	v5 =	vld [tilespmem:s28+$0x6400]  }
0x5b0: {  	v0 =	vmin.f32 v1, v0;
	v1 =	vld [tilespmem:s28+$0x6600]  }
0x5b1: {  	v0 =	vmin.f32 v0, v2;
	v2 =	vld [tilespmem:s28+$0x6800]  }
0x5b2: {  	v0 =	vmin.f32 v0, v3  }
0x5b3: {  	v0 =	vmin.f32 v0, v4  }
.Ltmp4:
0x5b4: {  	v0 =	vmin.f32 v0, v5;
	(pc) =	sbr.rel @p0 .LBB2_10-.Ltmp4, $4  }
0x5b5: {  	v0 =	vmin.f32 v0, v1  }
0x5b6: {  	s24 =	sadd.s32 $0x10, s24;
	v0 =	vclamp.gez.f32 v0, v2  }
0x5b7: {  	s28 =	sand.u32 $0x1F0, s26;
	[tilespmem:s24+$0x0] =	vst v0  }
0x5b8: {  	s25 =	sadd.s32 $0x10, s25;
	s26 =	sadd.s32 $0x10, s26;
	v0 =	vld [tilespmem:s28+$0x5C00]  }
0x5b9: {  	v1 =	vld [tilespmem:s25+$0x0]  }
0x5ba: {  	v2 =	vld [tilespmem:s28+$0x5E00]  }
0x5bb: {  	v3 =	vld [tilespmem:s28+$0x6000]  }
0x5bc: {  	v4 =	vld [tilespmem:s28+$0x6200]  }
0x5bd: {  	v5 =	vld [tilespmem:s28+$0x6400]  }
0x5be: {  	v62 =	vld [tilespmem:s28+$0x6600];
	v0 =	vmin.f32 v1, v0  }
0x5bf: {  	v63 =	vld [tilespmem:s28+$0x6800];
	v0 =	vmin.f32 v0, v2  }
0x5c0: {  	v0 =	vmin.f32 v0, v3  }
0x5c1: {  	v0 =	vmin.f32 v0, v4  }
0x5c2: {  	v0 =	vmin.f32 v0, v5  }
0x5c3: {  	s1 =	sadd.s32 $0x1, s1;
	v0 =	vmin.f32 v0, v62  }
0x5c4: {  	s24 =	sadd.s32 $0x10, s24;
	p0 =	sne.s32 s1, s22;
	v0 =	vclamp.gez.f32 v0, v63  }
.Ltmp5:
0x5c5: {  	[tilespmem:s24+$0x0] =	vst v0;
	(pc) =	sbr.rel @p0 .LBB2_1-.Ltmp5, $4  }
0x5c6: {  	[hbm4b:s21+s2] =	stream.linear.scatter [tilespmem:s0], [sflag:$0x1], $0x200, $0x38;
	[tilespmem:$0x7C00] =	vst v63  }
0x5c7: {  	_ =	swait.ge [sflag:s23], $0x200  }
0x5c8: {  	[sflag:s23] =	ssyncset.done $0x0  }
0x5c9: {  	[sflag:s23] =	ssyncadd.s32 $0xFFFFFE00  }
0x5ca: {  	_ =	sfence.sel $0x180000  }
0x5cb: {  	[bflag:$0x0] =	sbarrier.arrive $0xFFFF  }
0x5cc: {  	_ =	strace $0x90000047  }
0x5cd: {  	s0 =	stileid.u32;
	[bflag:$0x2] =	sbarrier.arrive $0xFFFF  }
0x5ce: {  	p0 =	sne.s32 s0, $0x0;
	s0 =	rddreg [dreg:$0x4]  }
0x5cf: {  	s0 =	sadd.s32 @!p0 $0x100000, s0  }
0x5d0: {  	[sflag:s0] =	ssyncadd.tile.s32 @!p0 $0x1;
	_ =	shalt  }
.Lfunc_end2:
_tile_overlayer_lowered:
.L_overlay_start_2:
0x5d1: {  	(tag) =	ssettag $0x2  }
0x5d2: {  	s0 =	rddreg [dreg:$0x0];
	s2 =	stileid.u32  }
0x5d3: {  	s1 =	rddreg [dreg:$0x1];
	p0 =	sne.s32 s2, $0x0  }
0x5d4: {  	s3 =	rddreg [dreg:$0x2];
	[bflag:$0x3] =	sbarrier.arrive $0xFFFF;
	s2 =	simm.s32 @!p0 $0x1C01  }
0x5d5: {  	[timem:s3], [sflag:s2] =	dma.local @!p0 [hbm:s0], s1  }
0x5d6: {  	s0 =	simm.s32 @!p0 $0x1  }
0x5d7: {  	_ =	swait.ge @!p0 [sflag:s0], s1  }
0x5d8: {  	s1 =	ssub.s32 @!p0 $0x0, s1;
	[sflag:s0] =	ssyncset.done @!p0 $0x0  }
0x5d9: {  	[sflag:s0] =	ssyncadd.s32 @!p0 s1  }
0x5da: {  	[bflag:$0x3] =	sbarrier.arrive $0xFFFF  }
0x5db: {  	_ =	shalt  }

</sc_bundles>
